<compile_context>
chip_gen: v7x
topology: tpu7x:2x2x1
jax: 0.10.2.dev20260603
libtpu: 0.0.44.dev20260713+nightly
codegen_flags: <defaults>
</compile_context>

<pallas_src>
import functools

import jax
import jax.numpy as jnp
from jax import lax
from jax.experimental import pallas as pl
from jax.experimental.pallas import tpu as pltpu
from jax.experimental.pallas import tpu_sc as plsc

B = 4
N = 10000
NPAD = 10240
E = 320000
D = 128
NR = 2
RSZ = NPAD // NR
TRASH = RSZ
ACC_ROWS = RSZ + 8
CHUNK = 128
EPT = E // 16
NCH = (EPT + CHUNK - 1) // CHUNK
EPTP = NCH * CHUNK
RPT = RSZ // 16

NBLK = 5
BLK = N // NBLK

_mesh = plsc.VectorSubcoreMesh(core_axis_name="c", subcore_axis_name="s")


@functools.partial(
    pl.kernel,
    mesh=_mesh,
    out_type=jax.ShapeDtypeStruct((NR, RSZ, D), jnp.float32),
    scratch_types=[
        pltpu.VMEM((CHUNK, D), jnp.float32),
        pltpu.VMEM((NCH, CHUNK), jnp.int32),
        pltpu.VMEM_SHARED((ACC_ROWS, D), jnp.float32),
    ],
)
def _deg_call(zeros_hbm, onehot_hbm, dstp_hbm, out_hbm,
              ones_v, dstbuf, acc):
    c = lax.axis_index("c")
    t = lax.axis_index("s")
    pltpu.sync_copy(onehot_hbm, ones_v)
    for r in range(NR):
        @pl.when(c == r)
        def _():
            pltpu.sync_copy(dstp_hbm.at[r, t], dstbuf)
            pltpu.sync_copy(zeros_hbm.at[pl.ds(t * RPT, RPT)],
                            acc.at[pl.ds(t * RPT, RPT)])
            plsc.subcore_barrier()

            def chunk_body(j, carry):
                pltpu.sync_copy(ones_v, acc.at[dstbuf.at[j]], add=True)
                return carry

            lax.fori_loop(0, NCH, chunk_body, 0)
            plsc.subcore_barrier()
            pltpu.sync_copy(acc.at[pl.ds(t * RPT, RPT)],
                            out_hbm.at[r].at[pl.ds(t * RPT, RPT)])


@functools.partial(
    pl.kernel,
    mesh=_mesh,
    out_type=jax.ShapeDtypeStruct((B, NPAD, D), jnp.float32),
    scratch_types=[
        pltpu.VMEM((CHUNK, D), jnp.float32),
        pltpu.VMEM((NCH, CHUNK), jnp.int32),
        pltpu.VMEM((NCH, CHUNK), jnp.int32),
        pltpu.VMEM((16,), jnp.int32),
        pltpu.VMEM_SHARED((ACC_ROWS, D), jnp.float32),
        pltpu.SemaphoreType.DMA,
    ],
)
def _agg_call(y_hbm, srcp_hbm, dstp_hbm, cnt_hbm, out_hbm,
              rows_v, srcbuf, dstbuf, cnt_v, acc, sem):
    c = lax.axis_index("c")
    t = lax.axis_index("s")

    for r in range(NR):
        @pl.when(c == r)
        def _():
            pltpu.sync_copy(cnt_hbm.at[r, t], cnt_v)
            pltpu.sync_copy(srcp_hbm.at[r, t], srcbuf)
            pltpu.sync_copy(dstp_hbm.at[r, t], dstbuf)
            nch_t = cnt_v[...][0]
            base = r * RSZ
            for b in range(B):
                ytab = y_hbm.at[b]
                pltpu.sync_copy(ytab.at[pl.ds(base + t * RPT, RPT)],
                                acc.at[pl.ds(t * RPT, RPT)])
                plsc.subcore_barrier()

                def chunk_body(j, carry):
                    pltpu.async_copy(ytab.at[srcbuf.at[j]], rows_v, sem).wait()
                    pltpu.sync_copy(rows_v, acc.at[dstbuf.at[j]], add=True)
                    return carry

                lax.fori_loop(0, nch_t, chunk_body, 0)
                plsc.subcore_barrier()

                pltpu.sync_copy(acc.at[pl.ds(t * RPT, RPT)],
                                out_hbm.at[b].at[pl.ds(base + t * RPT, RPT)])
                plsc.subcore_barrier()


def _dinv_from_deg(deg_ref):
    return lax.rsqrt(deg_ref[:, 0:1] + 1.0)


def _mm1_body(degp_ref, x_ref, w_ref, y_ref):
    dinv = _dinv_from_deg(degp_ref)
    w = w_ref[...]
    for b in range(B):
        xw = lax.dot_general(x_ref[b], w, (((1,), (1,)), ((), ())),
                             preferred_element_type=jnp.float32,
                             precision=lax.Precision.HIGHEST)
        y_ref[b] = xw * dinv


_mm1_call = pl.pallas_call(
    _mm1_body,
    grid=(NBLK,),
    in_specs=[
        pl.BlockSpec((BLK, D), lambda i: (i, 0)),
        pl.BlockSpec((B, BLK, D), lambda i: (0, i, 0)),
        pl.BlockSpec((D, D), lambda i: (0, 0)),
    ],
    out_specs=pl.BlockSpec((B, BLK, D), lambda i: (0, i, 0)),
    out_shape=jax.ShapeDtypeStruct((B, NPAD, D), jnp.float32),
)


def _mm2_body(degp_ref, a_ref, b1_ref, w_ref, y_ref):
    dinv = _dinv_from_deg(degp_ref)
    b1 = b1_ref[...]
    w = w_ref[...]
    for b in range(B):
        h = jnp.maximum(a_ref[b] * dinv + b1, 0.0)
        hw = lax.dot_general(h, w, (((1,), (1,)), ((), ())),
                             preferred_element_type=jnp.float32,
                             precision=lax.Precision.HIGHEST)
        y_ref[b] = hw * dinv


_mm2_call = pl.pallas_call(
    _mm2_body,
    grid=(NBLK,),
    in_specs=[
        pl.BlockSpec((BLK, D), lambda i: (i, 0)),
        pl.BlockSpec((B, BLK, D), lambda i: (0, i, 0)),
        pl.BlockSpec((1, D), lambda i: (0, 0)),
        pl.BlockSpec((D, D), lambda i: (0, 0)),
    ],
    out_specs=pl.BlockSpec((B, BLK, D), lambda i: (0, i, 0)),
    out_shape=jax.ShapeDtypeStruct((B, NPAD, D), jnp.float32),
)


def _head_body(degp_ref, a_ref, b2_ref, addf_ref, wmu_ref, bmu_ref, sp_ref,
               mu_ref, sg_ref, acc_ref):
    i = pl.program_id(0)
    dinv = _dinv_from_deg(degp_ref)
    b2 = b2_ref[...]

    @pl.when(i == 0)
    def _():
        acc_ref[...] = jnp.zeros((8, D), jnp.float32)

    for b in range(B):
        h = jnp.maximum(a_ref[b] * dinv + b2, 0.0)
        acc_ref[b, :] = acc_ref[b, :] + jnp.sum(h, axis=0)

    @pl.when(i == NBLK - 1)
    def _():
        pooled = acc_ref[0:B, :] * jnp.float32(1.0 / N)
        wmu = wmu_ref[...]
        mu = lax.dot_general(pooled, wmu[:, 0:D], (((1,), (1,)), ((), ())),
                             preferred_element_type=jnp.float32,
                             precision=lax.Precision.HIGHEST)
        mu = mu + addf_ref[...] * wmu[:, D][None, :] + bmu_ref[...]
        mu_ref[...] = mu
        sg = jnp.exp(sp_ref[...])
        sg_ref[...] = jnp.broadcast_to(sg[:, 0][None, :], (B, 8))


_head_call = pl.pallas_call(
    _head_body,
    grid=(NBLK,),
    in_specs=[
        pl.BlockSpec((BLK, D), lambda i: (i, 0)),
        pl.BlockSpec((B, BLK, D), lambda i: (0, i, 0)),
        pl.BlockSpec((1, D), lambda i: (0, 0)),
        pl.BlockSpec((B, 1), lambda i: (0, 0)),
        pl.BlockSpec((8, D + 1), lambda i: (0, 0)),
        pl.BlockSpec((1, 8), lambda i: (0, 0)),
        pl.BlockSpec((8, 1), lambda i: (0, 0)),
    ],
    out_specs=[
        pl.BlockSpec((B, 8), lambda i: (0, 0)),
        pl.BlockSpec((B, 8), lambda i: (0, 0)),
    ],
    out_shape=[
        jax.ShapeDtypeStruct((B, 8), jnp.float32),
        jax.ShapeDtypeStruct((B, 8), jnp.float32),
    ],
    scratch_shapes=[pltpu.VMEM((8, D), jnp.float32)],
)


def kernel(graph_nodes, edge_index, additional_features,
           W1, b1, W2, b2, Wmu, bmu, sigma_param):
    src = edge_index[0]
    dst = edge_index[1]
    rid = (dst >= RSZ).astype(jnp.int32)
    epad = 16 * NCH * CHUNK
    t_ar = jnp.arange(16, dtype=jnp.int32)
    srcp_l, dstp_l, cnt_l = [], [], []
    for r in range(NR):
        mine = (rid == r)
        er = jnp.sum(mine.astype(jnp.int32))
        pos = jnp.where(mine, jnp.cumsum(mine.astype(jnp.int32)) - 1,
                        er + jnp.cumsum(1 - mine.astype(jnp.int32)) - 1)
        ss = jnp.zeros((epad,), jnp.int32).at[pos].set(src)
        dd = jnp.full((epad,), -1, jnp.int32).at[pos].set(dst)
        inr = (dd >= r * RSZ) & (dd < (r + 1) * RSZ)
        loc = jnp.where(inr, dd - r * RSZ, TRASH).astype(jnp.int32)
        srcp_l.append(ss.reshape(NCH, 16, CHUNK).swapaxes(0, 1))
        dstp_l.append(loc.reshape(NCH, 16, CHUNK).swapaxes(0, 1))
        nch_r = (er + CHUNK - 1) // CHUNK
        kt = (nch_r - t_ar + 15) // 16
        cnt_l.append(jnp.broadcast_to(kt[:, None], (16, 16)))
    srcp = jnp.stack(srcp_l)
    dstp = jnp.stack(dstp_l)
    cnt = jnp.stack(cnt_l).astype(jnp.int32)
    zeros_deg = jnp.zeros((RSZ, D), jnp.float32)
    onehot = jnp.zeros((CHUNK, D), jnp.float32).at[:, 0].set(1.0)
    degp = _deg_call(zeros_deg, onehot, dstp).reshape(NPAD, D)
    y1 = _mm1_call(degp, graph_nodes, W1)
    acc1 = _agg_call(y1, srcp, dstp, cnt)
    y2 = _mm2_call(degp, acc1, b1.reshape(1, D), W2)
    acc2 = _agg_call(y2, srcp, dstp, cnt)
    mu, sg = _head_call(degp, acc2, b2.reshape(1, D), additional_features,
                        Wmu, bmu.reshape(1, 8), sigma_param)
    return (mu, sg)

# --- scband reference (transcript-rebuilt; emitter-appended) ---
"""Pipeline reference for scband-gnnactor-89026082111547 (READ-ONLY COPY).

The authoritative reference and input builder live on the scoring server;
editing this copy changes nothing except your own understanding.
"""

import jax, jax.numpy as jnp
import numpy as np

B = 4
N_NODES = 10000
N_EDGES = 320000
D_IN = 128
HID = 128
OUT = 8


def setup_inputs(seed: int = 0) -> dict:
    key = jax.random.key(seed)
    ks = jax.random.split(key, 12)
    graph_nodes = jax.random.normal(ks[0], (B, N_NODES, D_IN), dtype=jnp.float32)
    edge_index = jax.random.randint(ks[1], (2, N_EDGES), 0, N_NODES, dtype=jnp.int32)
    additional_features = jax.random.normal(ks[2], (B, 1), dtype=jnp.float32)
    s1 = 1.0 / np.sqrt(D_IN)
    s2 = 1.0 / np.sqrt(HID)
    s3 = 1.0 / np.sqrt(HID + 1)
    W1 = jax.random.uniform(ks[3], (HID, D_IN), minval=-s1, maxval=s1, dtype=jnp.float32)
    b1 = jax.random.uniform(ks[4], (HID,), minval=-s1, maxval=s1, dtype=jnp.float32)
    W2 = jax.random.uniform(ks[5], (HID, HID), minval=-s2, maxval=s2, dtype=jnp.float32)
    b2 = jax.random.uniform(ks[6], (HID,), minval=-s2, maxval=s2, dtype=jnp.float32)
    Wmu = jax.random.uniform(ks[7], (OUT, HID + 1), minval=-s3, maxval=s3, dtype=jnp.float32)
    bmu = jax.random.uniform(ks[8], (OUT,), minval=-s3, maxval=s3, dtype=jnp.float32)
    sigma_param = jnp.zeros((OUT, 1), dtype=jnp.float32)
    return {"graph_nodes": graph_nodes, "edge_index": edge_index,
            "additional_features": additional_features,
            "W1": W1, "b1": b1, "W2": W2, "b2": b2,
            "Wmu": Wmu, "bmu": bmu, "sigma_param": sigma_param}


def _gcn_conv(x, src, dst, W, b, n):
    # PyG GCNConv with add_self_loops=True (src/dst already include self loops)
    deg = jnp.zeros((n,), x.dtype).at[dst].add(1.0)
    dinv = jnp.where(deg > 0, jax.lax.rsqrt(deg), 0.0)
    norm = dinv[src] * dinv[dst]
    xw = x @ W.T
    msgs = xw[src] * norm[:, None]
    out = jnp.zeros_like(xw).at[dst].add(msgs)
    return out + b


def reference(graph_nodes, edge_index, additional_features,
              W1, b1, W2, b2, Wmu, bmu, sigma_param):
    Bn, Nn, Dn = graph_nodes.shape
    x = graph_nodes.reshape(Bn * Nn, Dn).astype(jnp.float32)
    E = edge_index.shape[1]
    # Batch.from_data_list: block-diagonal edge_index with per-graph node offsets
    offs = (jnp.arange(Bn) * Nn).astype(edge_index.dtype)
    ei = (edge_index[:, None, :] + offs[None, :, None]).reshape(2, Bn * E)
    n_total = Bn * Nn
    loops = jnp.arange(n_total, dtype=ei.dtype)
    src = jnp.concatenate([ei[0], loops])
    dst = jnp.concatenate([ei[1], loops])
    h = jax.nn.relu(_gcn_conv(x, src, dst, W1, b1, n_total))
    h = jax.nn.relu(_gcn_conv(h, src, dst, W2, b2, n_total))
    batch = jnp.repeat(jnp.arange(Bn), Nn)
    pooled = jax.ops.segment_sum(h, batch, num_segments=Bn) / jnp.float32(Nn)
    feat = jnp.concatenate([pooled, additional_features], axis=1)
    mu = feat @ Wmu.T + bmu
    sigma = jnp.exp(sigma_param.reshape(1, -1) + jnp.zeros_like(mu))
    return (mu, sigma)

if __name__ == "__main__":
    import jax
    _d = setup_inputs()
    print(jax.jit(kernel)(*tuple(_d.values())))

</pallas_src>

<mosaic_0001>
#map = affine_map<(d0, d1) -> (0, 0, 0)>
#map1 = affine_map<(d0, d1) -> (0, 0, 0, 0)>
module attributes {stable_mosaic.version = 14 : i64} {
  func.func @_agg_call(%arg0: i32, %arg1: i32, %arg2: memref<4x10240x128xf32, #tpu.memory_space<hbm>>, %arg3: memref<2x16x157x128xi32, #tpu.memory_space<hbm>>, %arg4: memref<2x16x157x128xi32, #tpu.memory_space<hbm>>, %arg5: memref<2x16x16xi32, #tpu.memory_space<hbm>>, %arg6: memref<4x10240x128xf32, #tpu.memory_space<hbm>>, %arg7: memref<128x128xf32, #tpu.memory_space<vmem>>, %arg8: memref<157x128xi32, #tpu.memory_space<vmem>>, %arg9: memref<157x128xi32, #tpu.memory_space<vmem>>, %arg10: memref<16xi32, #tpu.memory_space<vmem>>, %arg11: memref<5128x128xf32, #tpu.memory_space<vmem_shared>>, %arg12: memref<!tpu.dma_semaphore, #tpu.memory_space<semaphore_mem>>) attributes {dimension_semantics = [#tpu.dimension_semantics<core_parallel>, #tpu.dimension_semantics<subcore_parallel>], iteration_bounds = array<i64: 2, 16>, scalar_prefetch = 0 : i64, scratch_operands = 6 : i64, tpu.core_type = #tpu.core_type<sc_vector_subcore>, window_params = [{transform_indices = #map}, {transform_indices = #map1}, {transform_indices = #map1}, {transform_indices = #map}, {transform_indices = #map}]} {
    %eq3A = arith.constant 0 : i32
    %eq3A_0 = arith.cmpi eq, %arg0, %eq3A : i32
    %convert_element_type3A = arith.extui %eq3A_0 : i1 to i32
    %cond3A = arith.constant 0 : i32
    %cond3A_1 = arith.cmpi ne, %convert_element_type3A, %cond3A : i32
    scf.if %cond3A_1 {
      %run_scoped3A = arith.constant 0 : i32
      "tpu.region"() ({
        %run_scoped3A_119 = tpu.sem_alloc : memref<!tpu.dma_semaphore, #tpu.memory_space<semaphore_mem>>
        %dma_start3A = arith.constant 0 : i32
        %dma_start3A_120 = tpu.memref_slice %arg5[%run_scoped3A, %arg1, %dma_start3A] : memref<2x16x16xi32, #tpu.memory_space<hbm>> -> memref<1x1x16xi32, #tpu.memory_space<hbm>>
        %dma_start3A_121 = tpu.memref_squeeze %dma_start3A_120 : memref<1x1x16xi32, #tpu.memory_space<hbm>> -> memref<16xi32, #tpu.memory_space<hbm>>
        %dma_start3A_122 = arith.constant 0 : i32
        %dma_start3A_123 = tpu.memref_slice %arg5[%run_scoped3A, %arg1, %dma_start3A_122] : memref<2x16x16xi32, #tpu.memory_space<hbm>> -> memref<1x1x16xi32, #tpu.memory_space<hbm>>
        %dma_start3A_124 = tpu.memref_squeeze %dma_start3A_123 : memref<1x1x16xi32, #tpu.memory_space<hbm>> -> memref<16xi32, #tpu.memory_space<hbm>>
        tpu.enqueue_dma source(%dma_start3A_124 : memref<16xi32, #tpu.memory_space<hbm>>) target(%arg10 : memref<16xi32, #tpu.memory_space<vmem>>) target_semaphore(%run_scoped3A_119 : memref<!tpu.dma_semaphore, #tpu.memory_space<semaphore_mem>>)
        %dma_wait3A = arith.constant 0 : i32
        %dma_wait3A_125 = tpu.memref_slice %arg5[%run_scoped3A, %arg1, %dma_wait3A] : memref<2x16x16xi32, #tpu.memory_space<hbm>> -> memref<1x1x16xi32, #tpu.memory_space<hbm>>
        %dma_wait3A_126 = tpu.memref_squeeze %dma_wait3A_125 : memref<1x1x16xi32, #tpu.memory_space<hbm>> -> memref<16xi32, #tpu.memory_space<hbm>>
        %dma_wait3A_127 = arith.constant 0 : i32
        %dma_wait3A_128 = tpu.memref_slice %arg5[%run_scoped3A, %arg1, %dma_wait3A_127] : memref<2x16x16xi32, #tpu.memory_space<hbm>> -> memref<1x1x16xi32, #tpu.memory_space<hbm>>
        %dma_wait3A_129 = tpu.memref_squeeze %dma_wait3A_128 : memref<1x1x16xi32, #tpu.memory_space<hbm>> -> memref<16xi32, #tpu.memory_space<hbm>>
        tpu.wait_dma2 semaphore(%run_scoped3A_119 : memref<!tpu.dma_semaphore, #tpu.memory_space<semaphore_mem>>) src(%dma_wait3A_129 : memref<16xi32, #tpu.memory_space<hbm>>) dst(%arg10 : memref<16xi32, #tpu.memory_space<vmem>>)
        tpu.yield
      }) : () -> ()
      %run_scoped3A_7 = arith.constant 0 : i32
      "tpu.region"() ({
        %run_scoped3A_119 = tpu.sem_alloc : memref<!tpu.dma_semaphore, #tpu.memory_space<semaphore_mem>>
        %dma_start3A = arith.constant 0 : i32
        %dma_start3A_120 = arith.constant 0 : i32
        %dma_start3A_121 = tpu.memref_slice %arg3[%run_scoped3A_7, %arg1, %dma_start3A, %dma_start3A_120] : memref<2x16x157x128xi32, #tpu.memory_space<hbm>> -> memref<1x1x157x128xi32, #tpu.memory_space<hbm>>
        %dma_start3A_122 = tpu.memref_squeeze %dma_start3A_121 : memref<1x1x157x128xi32, #tpu.memory_space<hbm>> -> memref<157x128xi32, #tpu.memory_space<hbm>>
        %dma_start3A_123 = arith.constant 0 : i32
        %dma_start3A_124 = arith.constant 0 : i32
        %dma_start3A_125 = tpu.memref_slice %arg3[%run_scoped3A_7, %arg1, %dma_start3A_123, %dma_start3A_124] : memref<2x16x157x128xi32, #tpu.memory_space<hbm>> -> memref<1x1x157x128xi32, #tpu.memory_space<hbm>>
        %dma_start3A_126 = tpu.memref_squeeze %dma_start3A_125 : memref<1x1x157x128xi32, #tpu.memory_space<hbm>> -> memref<157x128xi32, #tpu.memory_space<hbm>>
        tpu.enqueue_dma source(%dma_start3A_126 : memref<157x128xi32, #tpu.memory_space<hbm>>) target(%arg8 : memref<157x128xi32, #tpu.memory_space<vmem>>) target_semaphore(%run_scoped3A_119 : memref<!tpu.dma_semaphore, #tpu.memory_space<semaphore_mem>>)
        %dma_wait3A = arith.constant 0 : i32
        %dma_wait3A_127 = arith.constant 0 : i32
        %dma_wait3A_128 = tpu.memref_slice %arg3[%run_scoped3A_7, %arg1, %dma_wait3A, %dma_wait3A_127] : memref<2x16x157x128xi32, #tpu.memory_space<hbm>> -> memref<1x1x157x128xi32, #tpu.memory_space<hbm>>
        %dma_wait3A_129 = tpu.memref_squeeze %dma_wait3A_128 : memref<1x1x157x128xi32, #tpu.memory_space<hbm>> -> memref<157x128xi32, #tpu.memory_space<hbm>>
        %dma_wait3A_130 = arith.constant 0 : i32
        %dma_wait3A_131 = arith.constant 0 : i32
        %dma_wait3A_132 = tpu.memref_slice %arg3[%run_scoped3A_7, %arg1, %dma_wait3A_130, %dma_wait3A_131] : memref<2x16x157x128xi32, #tpu.memory_space<hbm>> -> memref<1x1x157x128xi32, #tpu.memory_space<hbm>>
        %dma_wait3A_133 = tpu.memref_squeeze %dma_wait3A_132 : memref<1x1x157x128xi32, #tpu.memory_space<hbm>> -> memref<157x128xi32, #tpu.memory_space<hbm>>
        tpu.wait_dma2 semaphore(%run_scoped3A_119 : memref<!tpu.dma_semaphore, #tpu.memory_space<semaphore_mem>>) src(%dma_wait3A_133 : memref<157x128xi32, #tpu.memory_space<hbm>>) dst(%arg8 : memref<157x128xi32, #tpu.memory_space<vmem>>)
        tpu.yield
      }) : () -> ()
      %run_scoped3A_8 = arith.constant 0 : i32
      "tpu.region"() ({
        %run_scoped3A_119 = tpu.sem_alloc : memref<!tpu.dma_semaphore, #tpu.memory_space<semaphore_mem>>
        %dma_start3A = arith.constant 0 : i32
        %dma_start3A_120 = arith.constant 0 : i32
        %dma_start3A_121 = tpu.memref_slice %arg4[%run_scoped3A_8, %arg1, %dma_start3A, %dma_start3A_120] : memref<2x16x157x128xi32, #tpu.memory_space<hbm>> -> memref<1x1x157x128xi32, #tpu.memory_space<hbm>>
        %dma_start3A_122 = tpu.memref_squeeze %dma_start3A_121 : memref<1x1x157x128xi32, #tpu.memory_space<hbm>> -> memref<157x128xi32, #tpu.memory_space<hbm>>
        %dma_start3A_123 = arith.constant 0 : i32
        %dma_start3A_124 = arith.constant 0 : i32
        %dma_start3A_125 = tpu.memref_slice %arg4[%run_scoped3A_8, %arg1, %dma_start3A_123, %dma_start3A_124] : memref<2x16x157x128xi32, #tpu.memory_space<hbm>> -> memref<1x1x157x128xi32, #tpu.memory_space<hbm>>
        %dma_start3A_126 = tpu.memref_squeeze %dma_start3A_125 : memref<1x1x157x128xi32, #tpu.memory_space<hbm>> -> memref<157x128xi32, #tpu.memory_space<hbm>>
        tpu.enqueue_dma source(%dma_start3A_126 : memref<157x128xi32, #tpu.memory_space<hbm>>) target(%arg9 : memref<157x128xi32, #tpu.memory_space<vmem>>) target_semaphore(%run_scoped3A_119 : memref<!tpu.dma_semaphore, #tpu.memory_space<semaphore_mem>>)
        %dma_wait3A = arith.constant 0 : i32
        %dma_wait3A_127 = arith.constant 0 : i32
        %dma_wait3A_128 = tpu.memref_slice %arg4[%run_scoped3A_8, %arg1, %dma_wait3A, %dma_wait3A_127] : memref<2x16x157x128xi32, #tpu.memory_space<hbm>> -> memref<1x1x157x128xi32, #tpu.memory_space<hbm>>
        %dma_wait3A_129 = tpu.memref_squeeze %dma_wait3A_128 : memref<1x1x157x128xi32, #tpu.memory_space<hbm>> -> memref<157x128xi32, #tpu.memory_space<hbm>>
        %dma_wait3A_130 = arith.constant 0 : i32
        %dma_wait3A_131 = arith.constant 0 : i32
        %dma_wait3A_132 = tpu.memref_slice %arg4[%run_scoped3A_8, %arg1, %dma_wait3A_130, %dma_wait3A_131] : memref<2x16x157x128xi32, #tpu.memory_space<hbm>> -> memref<1x1x157x128xi32, #tpu.memory_space<hbm>>
        %dma_wait3A_133 = tpu.memref_squeeze %dma_wait3A_132 : memref<1x1x157x128xi32, #tpu.memory_space<hbm>> -> memref<157x128xi32, #tpu.memory_space<hbm>>
        tpu.wait_dma2 semaphore(%run_scoped3A_119 : memref<!tpu.dma_semaphore, #tpu.memory_space<semaphore_mem>>) src(%dma_wait3A_133 : memref<157x128xi32, #tpu.memory_space<hbm>>) dst(%arg9 : memref<157x128xi32, #tpu.memory_space<vmem>>)
        tpu.yield
      }) : () -> ()
      %get3A = arith.constant 0 : index
      %get3A_9 = tpu.vector_load %arg10[%get3A] {strides = array<i32>} : memref<16xi32, #tpu.memory_space<vmem>>, vector<16xi32>,
      %get3A_10 = vector.shape_cast %get3A_9 : vector<16xi32> to vector<16xi32>
      %slice3A = vector.extract_strided_slice %get3A_10 {offsets = [0], sizes = [1], strides = [1]} : vector<16xi32> to vector<1xi32>
      %squeeze3A = vector.extract %slice3A[0] : i32 from vector<1xi32>
      %mul3A = arith.constant 320 : i32
      %mul3A_11 = arith.muli %arg1, %mul3A : i32
      %add3A = arith.constant 0 : i32
      %add3A_12 = arith.addi %add3A, %mul3A_11 : i32
      %mul3A_13 = arith.constant 320 : i32
      %mul3A_14 = arith.muli %arg1, %mul3A_13 : i32
      %run_scoped3A_15 = arith.constant 0 : i32
      "tpu.region"() ({
        %run_scoped3A_119 = tpu.sem_alloc : memref<!tpu.dma_semaphore, #tpu.memory_space<semaphore_mem>>
        %dma_start3A = arith.constant 0 : i32
        %dma_start3A_120 = tpu.memref_slice %arg11[%mul3A_14, %dma_start3A] : memref<5128x128xf32, #tpu.memory_space<vmem_shared>> -> memref<320x128xf32, #tpu.memory_space<vmem_shared>>
        %dma_start3A_121 = arith.constant 0 : i32
        %dma_start3A_122 = arith.constant 0 : i32
        %dma_start3A_123 = tpu.memref_slice %arg2[%run_scoped3A_15, %dma_start3A_121, %dma_start3A_122] : memref<4x10240x128xf32, #tpu.memory_space<hbm>> -> memref<1x10240x128xf32, #tpu.memory_space<hbm>>
        %dma_start3A_124 = tpu.memref_squeeze %dma_start3A_123 : memref<1x10240x128xf32, #tpu.memory_space<hbm>> -> memref<10240x128xf32, #tpu.memory_space<hbm>>
        %dma_start3A_125 = arith.constant 0 : i32
        %dma_start3A_126 = tpu.memref_slice %dma_start3A_124[%add3A_12, %dma_start3A_125] : memref<10240x128xf32, #tpu.memory_space<hbm>> -> memref<320x128xf32, #tpu.memory_space<hbm>>
        tpu.enqueue_dma source(%dma_start3A_126 : memref<320x128xf32, #tpu.memory_space<hbm>>) target(%dma_start3A_120 : memref<320x128xf32, #tpu.memory_space<vmem_shared>>) target_semaphore(%run_scoped3A_119 : memref<!tpu.dma_semaphore, #tpu.memory_space<semaphore_mem>>)
        %dma_wait3A = arith.constant 0 : i32
        %dma_wait3A_127 = tpu.memref_slice %arg11[%mul3A_14, %dma_wait3A] : memref<5128x128xf32, #tpu.memory_space<vmem_shared>> -> memref<320x128xf32, #tpu.memory_space<vmem_shared>>
        %dma_wait3A_128 = arith.constant 0 : i32
        %dma_wait3A_129 = arith.constant 0 : i32
        %dma_wait3A_130 = tpu.memref_slice %arg2[%run_scoped3A_15, %dma_wait3A_128, %dma_wait3A_129] : memref<4x10240x128xf32, #tpu.memory_space<hbm>> -> memref<1x10240x128xf32, #tpu.memory_space<hbm>>
        %dma_wait3A_131 = tpu.memref_squeeze %dma_wait3A_130 : memref<1x10240x128xf32, #tpu.memory_space<hbm>> -> memref<10240x128xf32, #tpu.memory_space<hbm>>
        %dma_wait3A_132 = arith.constant 0 : i32
        %dma_wait3A_133 = tpu.memref_slice %dma_wait3A_131[%add3A_12, %dma_wait3A_132] : memref<10240x128xf32, #tpu.memory_space<hbm>> -> memref<320x128xf32, #tpu.memory_space<hbm>>
        tpu.wait_dma2 semaphore(%run_scoped3A_119 : memref<!tpu.dma_semaphore, #tpu.memory_space<semaphore_mem>>) src(%dma_wait3A_133 : memref<320x128xf32, #tpu.memory_space<hbm>>) dst(%dma_wait3A_127 : memref<320x128xf32, #tpu.memory_space<vmem_shared>>)
        tpu.yield
      }) : () -> ()
      %barrier3A = arith.constant 0 : index
      tpu.barrier barrier_id(%barrier3A)
      %while3A = arith.constant 0 : i32
      %while3A_16 = arith.constant 0 : i32
      %while3A_17 = arith.constant 0 : i32
      %while3A_18 = arith.subi %squeeze3A, %while3A_17 : i32
      %while3A_19 = arith.addi %while3A_17, %while3A_18 : i32
      %while3A_20 = arith.constant 1 : i32
      %while3A_21 = arith.divsi %while3A_18, %while3A_20 : i32
      %while3A_22 = arith.muli %while3A_21, %while3A_20 : i32
      %while3A_23 = arith.addi %while3A_17, %while3A_22 : i32
      %while3A_24 = arith.constant 1 : i32
      scf.for %while3A_119 = %while3A_17 to %while3A_23 step %while3A_24  : i32 {
        %dma_start3A = arith.constant 0 : i32
        %dma_start3A_120 = tpu.memref_slice %arg8[%while3A_119, %dma_start3A] : memref<157x128xi32, #tpu.memory_space<vmem>> -> memref<1x128xi32, #tpu.memory_space<vmem>>
        %dma_start3A_121 = tpu.memref_squeeze %dma_start3A_120 : memref<1x128xi32, #tpu.memory_space<vmem>> -> memref<128xi32, #tpu.memory_space<vmem>>
        %dma_start3A_122 = arith.constant 0 : i32
        %dma_start3A_123 = arith.constant 0 : i32
        %dma_start3A_124 = tpu.memref_slice %arg2[%while3A_16, %dma_start3A_122, %dma_start3A_123] : memref<4x10240x128xf32, #tpu.memory_space<hbm>> -> memref<1x10240x128xf32, #tpu.memory_space<hbm>>
        %dma_start3A_125 = tpu.memref_squeeze %dma_start3A_124 : memref<1x10240x128xf32, #tpu.memory_space<hbm>> -> memref<10240x128xf32, #tpu.memory_space<hbm>>
        %dma_start3A_126 = arith.constant 0 : i32
        %dma_start3A_127 = arith.constant 0 : i32
        %dma_start3A_128 = tpu.memref_slice %dma_start3A_125[%dma_start3A_126, %dma_start3A_127] : memref<10240x128xf32, #tpu.memory_space<hbm>> -> memref<10240x128xf32, #tpu.memory_space<hbm>>
        tpu.enqueue_indirect_dma source(%dma_start3A_128 : memref<10240x128xf32, #tpu.memory_space<hbm>>) target(%arg7 : memref<128x128xf32, #tpu.memory_space<vmem>>) offsets(%dma_start3A_121 : memref<128xi32, #tpu.memory_space<vmem>>) semaphore(%arg12 : memref<!tpu.dma_semaphore, #tpu.memory_space<semaphore_mem>>)
        %dma_wait3A = arith.constant 0 : i32
        %dma_wait3A_129 = tpu.memref_slice %arg8[%while3A_119, %dma_wait3A] : memref<157x128xi32, #tpu.memory_space<vmem>> -> memref<1x128xi32, #tpu.memory_space<vmem>>
        %dma_wait3A_130 = tpu.memref_squeeze %dma_wait3A_129 : memref<1x128xi32, #tpu.memory_space<vmem>> -> memref<128xi32, #tpu.memory_space<vmem>>
        %dma_wait3A_131 = arith.constant 0 : i32
        %dma_wait3A_132 = arith.constant 0 : i32
        %dma_wait3A_133 = tpu.memref_slice %arg2[%while3A_16, %dma_wait3A_131, %dma_wait3A_132] : memref<4x10240x128xf32, #tpu.memory_space<hbm>> -> memref<1x10240x128xf32, #tpu.memory_space<hbm>>
        %dma_wait3A_134 = tpu.memref_squeeze %dma_wait3A_133 : memref<1x10240x128xf32, #tpu.memory_space<hbm>> -> memref<10240x128xf32, #tpu.memory_space<hbm>>
        %dma_wait3A_135 = arith.constant 0 : i32
        %dma_wait3A_136 = arith.constant 0 : i32
        %dma_wait3A_137 = tpu.memref_slice %dma_wait3A_134[%dma_wait3A_135, %dma_wait3A_136] : memref<10240x128xf32, #tpu.memory_space<hbm>> -> memref<10240x128xf32, #tpu.memory_space<hbm>>
        tpu.wait_indirect_dma semaphore(%arg12 : memref<!tpu.dma_semaphore, #tpu.memory_space<semaphore_mem>>) src(%dma_wait3A_137 : memref<10240x128xf32, #tpu.memory_space<hbm>>) dst(%arg7 : memref<128x128xf32, #tpu.memory_space<vmem>>)
        "tpu.region"() ({
          %run_scoped3A_138 = tpu.sem_alloc : memref<!tpu.dma_semaphore, #tpu.memory_space<semaphore_mem>>
          %dma_start3A_139 = arith.constant 0 : i32
          %dma_start3A_140 = tpu.memref_slice %arg9[%while3A_119, %dma_start3A_139] : memref<157x128xi32, #tpu.memory_space<vmem>> -> memref<1x128xi32, #tpu.memory_space<vmem>>
          %dma_start3A_141 = tpu.memref_squeeze %dma_start3A_140 : memref<1x128xi32, #tpu.memory_space<vmem>> -> memref<128xi32, #tpu.memory_space<vmem>>
          %dma_start3A_142 = arith.constant 0 : i32
          %dma_start3A_143 = arith.constant 0 : i32
          %dma_start3A_144 = tpu.memref_slice %arg11[%dma_start3A_142, %dma_start3A_143] : memref<5128x128xf32, #tpu.memory_space<vmem_shared>> -> memref<5128x128xf32, #tpu.memory_space<vmem_shared>>
          tpu.enqueue_indirect_dma source(%arg7 : memref<128x128xf32, #tpu.memory_space<vmem>>) target(%dma_start3A_144 : memref<5128x128xf32, #tpu.memory_space<vmem_shared>>) offsets(%dma_start3A_141 : memref<128xi32, #tpu.memory_space<vmem>>) semaphore(%run_scoped3A_138 : memref<!tpu.dma_semaphore, #tpu.memory_space<semaphore_mem>>) {add = true}
          %dma_wait3A_145 = arith.constant 0 : i32
          %dma_wait3A_146 = tpu.memref_slice %arg9[%while3A_119, %dma_wait3A_145] : memref<157x128xi32, #tpu.memory_space<vmem>> -> memref<1x128xi32, #tpu.memory_space<vmem>>
          %dma_wait3A_147 = tpu.memref_squeeze %dma_wait3A_146 : memref<1x128xi32, #tpu.memory_space<vmem>> -> memref<128xi32, #tpu.memory_space<vmem>>
          %dma_wait3A_148 = arith.constant 0 : i32
          %dma_wait3A_149 = arith.constant 0 : i32
          %dma_wait3A_150 = tpu.memref_slice %arg11[%dma_wait3A_148, %dma_wait3A_149] : memref<5128x128xf32, #tpu.memory_space<vmem_shared>> -> memref<5128x128xf32, #tpu.memory_space<vmem_shared>>
          tpu.wait_indirect_dma semaphore(%run_scoped3A_138 : memref<!tpu.dma_semaphore, #tpu.memory_space<semaphore_mem>>) src(%arg7 : memref<128x128xf32, #tpu.memory_space<vmem>>) dst(%dma_wait3A_150 : memref<5128x128xf32, #tpu.memory_space<vmem_shared>>)
          tpu.yield
        }) : () -> ()
      }
      %while3A_25 = arith.constant 1 : i32
      scf.for %while3A_119 = %while3A_23 to %while3A_19 step %while3A_25  : i32 {
        %dma_start3A = arith.constant 0 : i32
        %dma_start3A_120 = tpu.memref_slice %arg8[%while3A_119, %dma_start3A] : memref<157x128xi32, #tpu.memory_space<vmem>> -> memref<1x128xi32, #tpu.memory_space<vmem>>
        %dma_start3A_121 = tpu.memref_squeeze %dma_start3A_120 : memref<1x128xi32, #tpu.memory_space<vmem>> -> memref<128xi32, #tpu.memory_space<vmem>>
        %dma_start3A_122 = arith.constant 0 : i32
        %dma_start3A_123 = arith.constant 0 : i32
        %dma_start3A_124 = tpu.memref_slice %arg2[%while3A_16, %dma_start3A_122, %dma_start3A_123] : memref<4x10240x128xf32, #tpu.memory_space<hbm>> -> memref<1x10240x128xf32, #tpu.memory_space<hbm>>
        %dma_start3A_125 = tpu.memref_squeeze %dma_start3A_124 : memref<1x10240x128xf32, #tpu.memory_space<hbm>> -> memref<10240x128xf32, #tpu.memory_space<hbm>>
        %dma_start3A_126 = arith.constant 0 : i32
        %dma_start3A_127 = arith.constant 0 : i32
        %dma_start3A_128 = tpu.memref_slice %dma_start3A_125[%dma_start3A_126, %dma_start3A_127] : memref<10240x128xf32, #tpu.memory_space<hbm>> -> memref<10240x128xf32, #tpu.memory_space<hbm>>
        tpu.enqueue_indirect_dma source(%dma_start3A_128 : memref<10240x128xf32, #tpu.memory_space<hbm>>) target(%arg7 : memref<128x128xf32, #tpu.memory_space<vmem>>) offsets(%dma_start3A_121 : memref<128xi32, #tpu.memory_space<vmem>>) semaphore(%arg12 : memref<!tpu.dma_semaphore, #tpu.memory_space<semaphore_mem>>)
        %dma_wait3A = arith.constant 0 : i32
        %dma_wait3A_129 = tpu.memref_slice %arg8[%while3A_119, %dma_wait3A] : memref<157x128xi32, #tpu.memory_space<vmem>> -> memref<1x128xi32, #tpu.memory_space<vmem>>
        %dma_wait3A_130 = tpu.memref_squeeze %dma_wait3A_129 : memref<1x128xi32, #tpu.memory_space<vmem>> -> memref<128xi32, #tpu.memory_space<vmem>>
        %dma_wait3A_131 = arith.constant 0 : i32
        %dma_wait3A_132 = arith.constant 0 : i32
        %dma_wait3A_133 = tpu.memref_slice %arg2[%while3A_16, %dma_wait3A_131, %dma_wait3A_132] : memref<4x10240x128xf32, #tpu.memory_space<hbm>> -> memref<1x10240x128xf32, #tpu.memory_space<hbm>>
        %dma_wait3A_134 = tpu.memref_squeeze %dma_wait3A_133 : memref<1x10240x128xf32, #tpu.memory_space<hbm>> -> memref<10240x128xf32, #tpu.memory_space<hbm>>
        %dma_wait3A_135 = arith.constant 0 : i32
        %dma_wait3A_136 = arith.constant 0 : i32
        %dma_wait3A_137 = tpu.memref_slice %dma_wait3A_134[%dma_wait3A_135, %dma_wait3A_136] : memref<10240x128xf32, #tpu.memory_space<hbm>> -> memref<10240x128xf32, #tpu.memory_space<hbm>>
        tpu.wait_indirect_dma semaphore(%arg12 : memref<!tpu.dma_semaphore, #tpu.memory_space<semaphore_mem>>) src(%dma_wait3A_137 : memref<10240x128xf32, #tpu.memory_space<hbm>>) dst(%arg7 : memref<128x128xf32, #tpu.memory_space<vmem>>)
        "tpu.region"() ({
          %run_scoped3A_138 = tpu.sem_alloc : memref<!tpu.dma_semaphore, #tpu.memory_space<semaphore_mem>>
          %dma_start3A_139 = arith.constant 0 : i32
          %dma_start3A_140 = tpu.memref_slice %arg9[%while3A_119, %dma_start3A_139] : memref<157x128xi32, #tpu.memory_space<vmem>> -> memref<1x128xi32, #tpu.memory_space<vmem>>
          %dma_start3A_141 = tpu.memref_squeeze %dma_start3A_140 : memref<1x128xi32, #tpu.memory_space<vmem>> -> memref<128xi32, #tpu.memory_space<vmem>>
          %dma_start3A_142 = arith.constant 0 : i32
          %dma_start3A_143 = arith.constant 0 : i32
          %dma_start3A_144 = tpu.memref_slice %arg11[%dma_start3A_142, %dma_start3A_143] : memref<5128x128xf32, #tpu.memory_space<vmem_shared>> -> memref<5128x128xf32, #tpu.memory_space<vmem_shared>>
          tpu.enqueue_indirect_dma source(%arg7 : memref<128x128xf32, #tpu.memory_space<vmem>>) target(%dma_start3A_144 : memref<5128x128xf32, #tpu.memory_space<vmem_shared>>) offsets(%dma_start3A_141 : memref<128xi32, #tpu.memory_space<vmem>>) semaphore(%run_scoped3A_138 : memref<!tpu.dma_semaphore, #tpu.memory_space<semaphore_mem>>) {add = true}
          %dma_wait3A_145 = arith.constant 0 : i32
          %dma_wait3A_146 = tpu.memref_slice %arg9[%while3A_119, %dma_wait3A_145] : memref<157x128xi32, #tpu.memory_space<vmem>> -> memref<1x128xi32, #tpu.memory_space<vmem>>
          %dma_wait3A_147 = tpu.memref_squeeze %dma_wait3A_146 : memref<1x128xi32, #tpu.memory_space<vmem>> -> memref<128xi32, #tpu.memory_space<vmem>>
          %dma_wait3A_148 = arith.constant 0 : i32
          %dma_wait3A_149 = arith.constant 0 : i32
          %dma_wait3A_150 = tpu.memref_slice %arg11[%dma_wait3A_148, %dma_wait3A_149] : memref<5128x128xf32, #tpu.memory_space<vmem_shared>> -> memref<5128x128xf32, #tpu.memory_space<vmem_shared>>
          tpu.wait_indirect_dma semaphore(%run_scoped3A_138 : memref<!tpu.dma_semaphore, #tpu.memory_space<semaphore_mem>>) src(%arg7 : memref<128x128xf32, #tpu.memory_space<vmem>>) dst(%dma_wait3A_150 : memref<5128x128xf32, #tpu.memory_space<vmem_shared>>)
          tpu.yield
        }) : () -> ()
      }
      %barrier3A_26 = arith.constant 0 : index
      tpu.barrier barrier_id(%barrier3A_26)
      %mul3A_27 = arith.constant 320 : i32
      %mul3A_28 = arith.muli %arg1, %mul3A_27 : i32
      %mul3A_29 = arith.constant 320 : i32
      %mul3A_30 = arith.muli %arg1, %mul3A_29 : i32
      %add3A_31 = arith.constant 0 : i32
      %add3A_32 = arith.addi %add3A_31, %mul3A_30 : i32
      %run_scoped3A_33 = arith.constant 0 : i32
      "tpu.region"() ({
        %run_scoped3A_119 = tpu.sem_alloc : memref<!tpu.dma_semaphore, #tpu.memory_space<semaphore_mem>>
        %dma_start3A = arith.constant 0 : i32
        %dma_start3A_120 = arith.constant 0 : i32
        %dma_start3A_121 = tpu.memref_slice %arg6[%run_scoped3A_33, %dma_start3A, %dma_start3A_120] : memref<4x10240x128xf32, #tpu.memory_space<hbm>> -> memref<1x10240x128xf32, #tpu.memory_space<hbm>>
        %dma_start3A_122 = tpu.memref_squeeze %dma_start3A_121 : memref<1x10240x128xf32, #tpu.memory_space<hbm>> -> memref<10240x128xf32, #tpu.memory_space<hbm>>
        %dma_start3A_123 = arith.constant 0 : i32
        %dma_start3A_124 = tpu.memref_slice %dma_start3A_122[%add3A_32, %dma_start3A_123] : memref<10240x128xf32, #tpu.memory_space<hbm>> -> memref<320x128xf32, #tpu.memory_space<hbm>>
        %dma_start3A_125 = arith.constant 0 : i32
        %dma_start3A_126 = tpu.memref_slice %arg11[%mul3A_28, %dma_start3A_125] : memref<5128x128xf32, #tpu.memory_space<vmem_shared>> -> memref<320x128xf32, #tpu.memory_space<vmem_shared>>
        tpu.enqueue_dma source(%dma_start3A_126 : memref<320x128xf32, #tpu.memory_space<vmem_shared>>) target(%dma_start3A_124 : memref<320x128xf32, #tpu.memory_space<hbm>>) target_semaphore(%run_scoped3A_119 : memref<!tpu.dma_semaphore, #tpu.memory_space<semaphore_mem>>)
        %dma_wait3A = arith.constant 0 : i32
        %dma_wait3A_127 = arith.constant 0 : i32
        %dma_wait3A_128 = tpu.memref_slice %arg6[%run_scoped3A_33, %dma_wait3A, %dma_wait3A_127] : memref<4x10240x128xf32, #tpu.memory_space<hbm>> -> memref<1x10240x128xf32, #tpu.memory_space<hbm>>
        %dma_wait3A_129 = tpu.memref_squeeze %dma_wait3A_128 : memref<1x10240x128xf32, #tpu.memory_space<hbm>> -> memref<10240x128xf32, #tpu.memory_space<hbm>>
        %dma_wait3A_130 = arith.constant 0 : i32
        %dma_wait3A_131 = tpu.memref_slice %dma_wait3A_129[%add3A_32, %dma_wait3A_130] : memref<10240x128xf32, #tpu.memory_space<hbm>> -> memref<320x128xf32, #tpu.memory_space<hbm>>
        %dma_wait3A_132 = arith.constant 0 : i32
        %dma_wait3A_133 = tpu.memref_slice %arg11[%mul3A_28, %dma_wait3A_132] : memref<5128x128xf32, #tpu.memory_space<vmem_shared>> -> memref<320x128xf32, #tpu.memory_space<vmem_shared>>
        tpu.wait_dma2 semaphore(%run_scoped3A_119 : memref<!tpu.dma_semaphore, #tpu.memory_space<semaphore_mem>>) src(%dma_wait3A_133 : memref<320x128xf32, #tpu.memory_space<vmem_shared>>) dst(%dma_wait3A_131 : memref<320x128xf32, #tpu.memory_space<hbm>>)
        tpu.yield
      }) : () -> ()
      %barrier3A_34 = arith.constant 0 : index
      tpu.barrier barrier_id(%barrier3A_34)
      %mul3A_35 = arith.constant 320 : i32
      %mul3A_36 = arith.muli %arg1, %mul3A_35 : i32
      %add3A_37 = arith.constant 0 : i32
      %add3A_38 = arith.addi %add3A_37, %mul3A_36 : i32
      %mul3A_39 = arith.constant 320 : i32
      %mul3A_40 = arith.muli %arg1, %mul3A_39 : i32
      %run_scoped3A_41 = arith.constant 1 : i32
      "tpu.region"() ({
        %run_scoped3A_119 = tpu.sem_alloc : memref<!tpu.dma_semaphore, #tpu.memory_space<semaphore_mem>>
        %dma_start3A = arith.constant 0 : i32
        %dma_start3A_120 = tpu.memref_slice %arg11[%mul3A_40, %dma_start3A] : memref<5128x128xf32, #tpu.memory_space<vmem_shared>> -> memref<320x128xf32, #tpu.memory_space<vmem_shared>>
        %dma_start3A_121 = arith.constant 0 : i32
        %dma_start3A_122 = arith.constant 0 : i32
        %dma_start3A_123 = tpu.memref_slice %arg2[%run_scoped3A_41, %dma_start3A_121, %dma_start3A_122] : memref<4x10240x128xf32, #tpu.memory_space<hbm>> -> memref<1x10240x128xf32, #tpu.memory_space<hbm>>
        %dma_start3A_124 = tpu.memref_squeeze %dma_start3A_123 : memref<1x10240x128xf32, #tpu.memory_space<hbm>> -> memref<10240x128xf32, #tpu.memory_space<hbm>>
        %dma_start3A_125 = arith.constant 0 : i32
        %dma_start3A_126 = tpu.memref_slice %dma_start3A_124[%add3A_38, %dma_start3A_125] : memref<10240x128xf32, #tpu.memory_space<hbm>> -> memref<320x128xf32, #tpu.memory_space<hbm>>
        tpu.enqueue_dma source(%dma_start3A_126 : memref<320x128xf32, #tpu.memory_space<hbm>>) target(%dma_start3A_120 : memref<320x128xf32, #tpu.memory_space<vmem_shared>>) target_semaphore(%run_scoped3A_119 : memref<!tpu.dma_semaphore, #tpu.memory_space<semaphore_mem>>)
        %dma_wait3A = arith.constant 0 : i32
        %dma_wait3A_127 = tpu.memref_slice %arg11[%mul3A_40, %dma_wait3A] : memref<5128x128xf32, #tpu.memory_space<vmem_shared>> -> memref<320x128xf32, #tpu.memory_space<vmem_shared>>
        %dma_wait3A_128 = arith.constant 0 : i32
        %dma_wait3A_129 = arith.constant 0 : i32
        %dma_wait3A_130 = tpu.memref_slice %arg2[%run_scoped3A_41, %dma_wait3A_128, %dma_wait3A_129] : memref<4x10240x128xf32, #tpu.memory_space<hbm>> -> memref<1x10240x128xf32, #tpu.memory_space<hbm>>
        %dma_wait3A_131 = tpu.memref_squeeze %dma_wait3A_130 : memref<1x10240x128xf32, #tpu.memory_space<hbm>> -> memref<10240x128xf32, #tpu.memory_space<hbm>>
        %dma_wait3A_132 = arith.constant 0 : i32
        %dma_wait3A_133 = tpu.memref_slice %dma_wait3A_131[%add3A_38, %dma_wait3A_132] : memref<10240x128xf32, #tpu.memory_space<hbm>> -> memref<320x128xf32, #tpu.memory_space<hbm>>
        tpu.wait_dma2 semaphore(%run_scoped3A_119 : memref<!tpu.dma_semaphore, #tpu.memory_space<semaphore_mem>>) src(%dma_wait3A_133 : memref<320x128xf32, #tpu.memory_space<hbm>>) dst(%dma_wait3A_127 : memref<320x128xf32, #tpu.memory_space<vmem_shared>>)
        tpu.yield
      }) : () -> ()
      %barrier3A_42 = arith.constant 0 : index
      tpu.barrier barrier_id(%barrier3A_42)
      %while3A_43 = arith.constant 0 : i32
      %while3A_44 = arith.constant 1 : i32
      %while3A_45 = arith.constant 0 : i32
      %while3A_46 = arith.subi %squeeze3A, %while3A_45 : i32
      %while3A_47 = arith.addi %while3A_45, %while3A_46 : i32
      %while3A_48 = arith.constant 1 : i32
      %while3A_49 = arith.divsi %while3A_46, %while3A_48 : i32
      %while3A_50 = arith.muli %while3A_49, %while3A_48 : i32
      %while3A_51 = arith.addi %while3A_45, %while3A_50 : i32
      %while3A_52 = arith.constant 1 : i32
      scf.for %while3A_119 = %while3A_45 to %while3A_51 step %while3A_52  : i32 {
        %dma_start3A = arith.constant 0 : i32
        %dma_start3A_120 = tpu.memref_slice %arg8[%while3A_119, %dma_start3A] : memref<157x128xi32, #tpu.memory_space<vmem>> -> memref<1x128xi32, #tpu.memory_space<vmem>>
        %dma_start3A_121 = tpu.memref_squeeze %dma_start3A_120 : memref<1x128xi32, #tpu.memory_space<vmem>> -> memref<128xi32, #tpu.memory_space<vmem>>
        %dma_start3A_122 = arith.constant 0 : i32
        %dma_start3A_123 = arith.constant 0 : i32
        %dma_start3A_124 = tpu.memref_slice %arg2[%while3A_44, %dma_start3A_122, %dma_start3A_123] : memref<4x10240x128xf32, #tpu.memory_space<hbm>> -> memref<1x10240x128xf32, #tpu.memory_space<hbm>>
        %dma_start3A_125 = tpu.memref_squeeze %dma_start3A_124 : memref<1x10240x128xf32, #tpu.memory_space<hbm>> -> memref<10240x128xf32, #tpu.memory_space<hbm>>
        %dma_start3A_126 = arith.constant 0 : i32
        %dma_start3A_127 = arith.constant 0 : i32
        %dma_start3A_128 = tpu.memref_slice %dma_start3A_125[%dma_start3A_126, %dma_start3A_127] : memref<10240x128xf32, #tpu.memory_space<hbm>> -> memref<10240x128xf32, #tpu.memory_space<hbm>>
        tpu.enqueue_indirect_dma source(%dma_start3A_128 : memref<10240x128xf32, #tpu.memory_space<hbm>>) target(%arg7 : memref<128x128xf32, #tpu.memory_space<vmem>>) offsets(%dma_start3A_121 : memref<128xi32, #tpu.memory_space<vmem>>) semaphore(%arg12 : memref<!tpu.dma_semaphore, #tpu.memory_space<semaphore_mem>>)
        %dma_wait3A = arith.constant 0 : i32
        %dma_wait3A_129 = tpu.memref_slice %arg8[%while3A_119, %dma_wait3A] : memref<157x128xi32, #tpu.memory_space<vmem>> -> memref<1x128xi32, #tpu.memory_space<vmem>>
        %dma_wait3A_130 = tpu.memref_squeeze %dma_wait3A_129 : memref<1x128xi32, #tpu.memory_space<vmem>> -> memref<128xi32, #tpu.memory_space<vmem>>
        %dma_wait3A_131 = arith.constant 0 : i32
        %dma_wait3A_132 = arith.constant 0 : i32
        %dma_wait3A_133 = tpu.memref_slice %arg2[%while3A_44, %dma_wait3A_131, %dma_wait3A_132] : memref<4x10240x128xf32, #tpu.memory_space<hbm>> -> memref<1x10240x128xf32, #tpu.memory_space<hbm>>
        %dma_wait3A_134 = tpu.memref_squeeze %dma_wait3A_133 : memref<1x10240x128xf32, #tpu.memory_space<hbm>> -> memref<10240x128xf32, #tpu.memory_space<hbm>>
        %dma_wait3A_135 = arith.constant 0 : i32
        %dma_wait3A_136 = arith.constant 0 : i32
        %dma_wait3A_137 = tpu.memref_slice %dma_wait3A_134[%dma_wait3A_135, %dma_wait3A_136] : memref<10240x128xf32, #tpu.memory_space<hbm>> -> memref<10240x128xf32, #tpu.memory_space<hbm>>
        tpu.wait_indirect_dma semaphore(%arg12 : memref<!tpu.dma_semaphore, #tpu.memory_space<semaphore_mem>>) src(%dma_wait3A_137 : memref<10240x128xf32, #tpu.memory_space<hbm>>) dst(%arg7 : memref<128x128xf32, #tpu.memory_space<vmem>>)
        "tpu.region"() ({
          %run_scoped3A_138 = tpu.sem_alloc : memref<!tpu.dma_semaphore, #tpu.memory_space<semaphore_mem>>
          %dma_start3A_139 = arith.constant 0 : i32
          %dma_start3A_140 = tpu.memref_slice %arg9[%while3A_119, %dma_start3A_139] : memref<157x128xi32, #tpu.memory_space<vmem>> -> memref<1x128xi32, #tpu.memory_space<vmem>>
          %dma_start3A_141 = tpu.memref_squeeze %dma_start3A_140 : memref<1x128xi32, #tpu.memory_space<vmem>> -> memref<128xi32, #tpu.memory_space<vmem>>
          %dma_start3A_142 = arith.constant 0 : i32
          %dma_start3A_143 = arith.constant 0 : i32
          %dma_start3A_144 = tpu.memref_slice %arg11[%dma_start3A_142, %dma_start3A_143] : memref<5128x128xf32, #tpu.memory_space<vmem_shared>> -> memref<5128x128xf32, #tpu.memory_space<vmem_shared>>
          tpu.enqueue_indirect_dma source(%arg7 : memref<128x128xf32, #tpu.memory_space<vmem>>) target(%dma_start3A_144 : memref<5128x128xf32, #tpu.memory_space<vmem_shared>>) offsets(%dma_start3A_141 : memref<128xi32, #tpu.memory_space<vmem>>) semaphore(%run_scoped3A_138 : memref<!tpu.dma_semaphore, #tpu.memory_space<semaphore_mem>>) {add = true}
          %dma_wait3A_145 = arith.constant 0 : i32
          %dma_wait3A_146 = tpu.memref_slice %arg9[%while3A_119, %dma_wait3A_145] : memref<157x128xi32, #tpu.memory_space<vmem>> -> memref<1x128xi32, #tpu.memory_space<vmem>>
          %dma_wait3A_147 = tpu.memref_squeeze %dma_wait3A_146 : memref<1x128xi32, #tpu.memory_space<vmem>> -> memref<128xi32, #tpu.memory_space<vmem>>
          %dma_wait3A_148 = arith.constant 0 : i32
          %dma_wait3A_149 = arith.constant 0 : i32
          %dma_wait3A_150 = tpu.memref_slice %arg11[%dma_wait3A_148, %dma_wait3A_149] : memref<5128x128xf32, #tpu.memory_space<vmem_shared>> -> memref<5128x128xf32, #tpu.memory_space<vmem_shared>>
          tpu.wait_indirect_dma semaphore(%run_scoped3A_138 : memref<!tpu.dma_semaphore, #tpu.memory_space<semaphore_mem>>) src(%arg7 : memref<128x128xf32, #tpu.memory_space<vmem>>) dst(%dma_wait3A_150 : memref<5128x128xf32, #tpu.memory_space<vmem_shared>>)
          tpu.yield
        }) : () -> ()
      }
      %while3A_53 = arith.constant 1 : i32
      scf.for %while3A_119 = %while3A_51 to %while3A_47 step %while3A_53  : i32 {
        %dma_start3A = arith.constant 0 : i32
        %dma_start3A_120 = tpu.memref_slice %arg8[%while3A_119, %dma_start3A] : memref<157x128xi32, #tpu.memory_space<vmem>> -> memref<1x128xi32, #tpu.memory_space<vmem>>
        %dma_start3A_121 = tpu.memref_squeeze %dma_start3A_120 : memref<1x128xi32, #tpu.memory_space<vmem>> -> memref<128xi32, #tpu.memory_space<vmem>>
        %dma_start3A_122 = arith.constant 0 : i32
        %dma_start3A_123 = arith.constant 0 : i32
        %dma_start3A_124 = tpu.memref_slice %arg2[%while3A_44, %dma_start3A_122, %dma_start3A_123] : memref<4x10240x128xf32, #tpu.memory_space<hbm>> -> memref<1x10240x128xf32, #tpu.memory_space<hbm>>
        %dma_start3A_125 = tpu.memref_squeeze %dma_start3A_124 : memref<1x10240x128xf32, #tpu.memory_space<hbm>> -> memref<10240x128xf32, #tpu.memory_space<hbm>>
        %dma_start3A_126 = arith.constant 0 : i32
        %dma_start3A_127 = arith.constant 0 : i32
        %dma_start3A_128 = tpu.memref_slice %dma_start3A_125[%dma_start3A_126, %dma_start3A_127] : memref<10240x128xf32, #tpu.memory_space<hbm>> -> memref<10240x128xf32, #tpu.memory_space<hbm>>
        tpu.enqueue_indirect_dma source(%dma_start3A_128 : memref<10240x128xf32, #tpu.memory_space<hbm>>) target(%arg7 : memref<128x128xf32, #tpu.memory_space<vmem>>) offsets(%dma_start3A_121 : memref<128xi32, #tpu.memory_space<vmem>>) semaphore(%arg12 : memref<!tpu.dma_semaphore, #tpu.memory_space<semaphore_mem>>)
        %dma_wait3A = arith.constant 0 : i32
        %dma_wait3A_129 = tpu.memref_slice %arg8[%while3A_119, %dma_wait3A] : memref<157x128xi32, #tpu.memory_space<vmem>> -> memref<1x128xi32, #tpu.memory_space<vmem>>
        %dma_wait3A_130 = tpu.memref_squeeze %dma_wait3A_129 : memref<1x128xi32, #tpu.memory_space<vmem>> -> memref<128xi32, #tpu.memory_space<vmem>>
        %dma_wait3A_131 = arith.constant 0 : i32
        %dma_wait3A_132 = arith.constant 0 : i32
        %dma_wait3A_133 = tpu.memref_slice %arg2[%while3A_44, %dma_wait3A_131, %dma_wait3A_132] : memref<4x10240x128xf32, #tpu.memory_space<hbm>> -> memref<1x10240x128xf32, #tpu.memory_space<hbm>>
        %dma_wait3A_134 = tpu.memref_squeeze %dma_wait3A_133 : memref<1x10240x128xf32, #tpu.memory_space<hbm>> -> memref<10240x128xf32, #tpu.memory_space<hbm>>
        %dma_wait3A_135 = arith.constant 0 : i32
        %dma_wait3A_136 = arith.constant 0 : i32
        %dma_wait3A_137 = tpu.memref_slice %dma_wait3A_134[%dma_wait3A_135, %dma_wait3A_136] : memref<10240x128xf32, #tpu.memory_space<hbm>> -> memref<10240x128xf32, #tpu.memory_space<hbm>>
        tpu.wait_indirect_dma semaphore(%arg12 : memref<!tpu.dma_semaphore, #tpu.memory_space<semaphore_mem>>) src(%dma_wait3A_137 : memref<10240x128xf32, #tpu.memory_space<hbm>>) dst(%arg7 : memref<128x128xf32, #tpu.memory_space<vmem>>)
        "tpu.region"() ({
          %run_scoped3A_138 = tpu.sem_alloc : memref<!tpu.dma_semaphore, #tpu.memory_space<semaphore_mem>>
          %dma_start3A_139 = arith.constant 0 : i32
          %dma_start3A_140 = tpu.memref_slice %arg9[%while3A_119, %dma_start3A_139] : memref<157x128xi32, #tpu.memory_space<vmem>> -> memref<1x128xi32, #tpu.memory_space<vmem>>
          %dma_start3A_141 = tpu.memref_squeeze %dma_start3A_140 : memref<1x128xi32, #tpu.memory_space<vmem>> -> memref<128xi32, #tpu.memory_space<vmem>>
          %dma_start3A_142 = arith.constant 0 : i32
          %dma_start3A_143 = arith.constant 0 : i32
          %dma_start3A_144 = tpu.memref_slice %arg11[%dma_start3A_142, %dma_start3A_143] : memref<5128x128xf32, #tpu.memory_space<vmem_shared>> -> memref<5128x128xf32, #tpu.memory_space<vmem_shared>>
          tpu.enqueue_indirect_dma source(%arg7 : memref<128x128xf32, #tpu.memory_space<vmem>>) target(%dma_start3A_144 : memref<5128x128xf32, #tpu.memory_space<vmem_shared>>) offsets(%dma_start3A_141 : memref<128xi32, #tpu.memory_space<vmem>>) semaphore(%run_scoped3A_138 : memref<!tpu.dma_semaphore, #tpu.memory_space<semaphore_mem>>) {add = true}
          %dma_wait3A_145 = arith.constant 0 : i32
          %dma_wait3A_146 = tpu.memref_slice %arg9[%while3A_119, %dma_wait3A_145] : memref<157x128xi32, #tpu.memory_space<vmem>> -> memref<1x128xi32, #tpu.memory_space<vmem>>
          %dma_wait3A_147 = tpu.memref_squeeze %dma_wait3A_146 : memref<1x128xi32, #tpu.memory_space<vmem>> -> memref<128xi32, #tpu.memory_space<vmem>>
          %dma_wait3A_148 = arith.constant 0 : i32
          %dma_wait3A_149 = arith.constant 0 : i32
          %dma_wait3A_150 = tpu.memref_slice %arg11[%dma_wait3A_148, %dma_wait3A_149] : memref<5128x128xf32, #tpu.memory_space<vmem_shared>> -> memref<5128x128xf32, #tpu.memory_space<vmem_shared>>
          tpu.wait_indirect_dma semaphore(%run_scoped3A_138 : memref<!tpu.dma_semaphore, #tpu.memory_space<semaphore_mem>>) src(%arg7 : memref<128x128xf32, #tpu.memory_space<vmem>>) dst(%dma_wait3A_150 : memref<5128x128xf32, #tpu.memory_space<vmem_shared>>)
          tpu.yield
        }) : () -> ()
      }
      %barrier3A_54 = arith.constant 0 : index
      tpu.barrier barrier_id(%barrier3A_54)
      %mul3A_55 = arith.constant 320 : i32
      %mul3A_56 = arith.muli %arg1, %mul3A_55 : i32
      %mul3A_57 = arith.constant 320 : i32
      %mul3A_58 = arith.muli %arg1, %mul3A_57 : i32
      %add3A_59 = arith.constant 0 : i32
      %add3A_60 = arith.addi %add3A_59, %mul3A_58 : i32
      %run_scoped3A_61 = arith.constant 1 : i32
      "tpu.region"() ({
        %run_scoped3A_119 = tpu.sem_alloc : memref<!tpu.dma_semaphore, #tpu.memory_space<semaphore_mem>>
        %dma_start3A = arith.constant 0 : i32
        %dma_start3A_120 = arith.constant 0 : i32
        %dma_start3A_121 = tpu.memref_slice %arg6[%run_scoped3A_61, %dma_start3A, %dma_start3A_120] : memref<4x10240x128xf32, #tpu.memory_space<hbm>> -> memref<1x10240x128xf32, #tpu.memory_space<hbm>>
        %dma_start3A_122 = tpu.memref_squeeze %dma_start3A_121 : memref<1x10240x128xf32, #tpu.memory_space<hbm>> -> memref<10240x128xf32, #tpu.memory_space<hbm>>
        %dma_start3A_123 = arith.constant 0 : i32
        %dma_start3A_124 = tpu.memref_slice %dma_start3A_122[%add3A_60, %dma_start3A_123] : memref<10240x128xf32, #tpu.memory_space<hbm>> -> memref<320x128xf32, #tpu.memory_space<hbm>>
        %dma_start3A_125 = arith.constant 0 : i32
        %dma_start3A_126 = tpu.memref_slice %arg11[%mul3A_56, %dma_start3A_125] : memref<5128x128xf32, #tpu.memory_space<vmem_shared>> -> memref<320x128xf32, #tpu.memory_space<vmem_shared>>
        tpu.enqueue_dma source(%dma_start3A_126 : memref<320x128xf32, #tpu.memory_space<vmem_shared>>) target(%dma_start3A_124 : memref<320x128xf32, #tpu.memory_space<hbm>>) target_semaphore(%run_scoped3A_119 : memref<!tpu.dma_semaphore, #tpu.memory_space<semaphore_mem>>)
        %dma_wait3A = arith.constant 0 : i32
        %dma_wait3A_127 = arith.constant 0 : i32
        %dma_wait3A_128 = tpu.memref_slice %arg6[%run_scoped3A_61, %dma_wait3A, %dma_wait3A_127] : memref<4x10240x128xf32, #tpu.memory_space<hbm>> -> memref<1x10240x128xf32, #tpu.memory_space<hbm>>
        %dma_wait3A_129 = tpu.memref_squeeze %dma_wait3A_128 : memref<1x10240x128xf32, #tpu.memory_space<hbm>> -> memref<10240x128xf32, #tpu.memory_space<hbm>>
        %dma_wait3A_130 = arith.constant 0 : i32
        %dma_wait3A_131 = tpu.memref_slice %dma_wait3A_129[%add3A_60, %dma_wait3A_130] : memref<10240x128xf32, #tpu.memory_space<hbm>> -> memref<320x128xf32, #tpu.memory_space<hbm>>
        %dma_wait3A_132 = arith.constant 0 : i32
        %dma_wait3A_133 = tpu.memref_slice %arg11[%mul3A_56, %dma_wait3A_132] : memref<5128x128xf32, #tpu.memory_space<vmem_shared>> -> memref<320x128xf32, #tpu.memory_space<vmem_shared>>
        tpu.wait_dma2 semaphore(%run_scoped3A_119 : memref<!tpu.dma_semaphore, #tpu.memory_space<semaphore_mem>>) src(%dma_wait3A_133 : memref<320x128xf32, #tpu.memory_space<vmem_shared>>) dst(%dma_wait3A_131 : memref<320x128xf32, #tpu.memory_space<hbm>>)
        tpu.yield
      }) : () -> ()
      %barrier3A_62 = arith.constant 0 : index
      tpu.barrier barrier_id(%barrier3A_62)
      %mul3A_63 = arith.constant 320 : i32
      %mul3A_64 = arith.muli %arg1, %mul3A_63 : i32
      %add3A_65 = arith.constant 0 : i32
      %add3A_66 = arith.addi %add3A_65, %mul3A_64 : i32
      %mul3A_67 = arith.constant 320 : i32
      %mul3A_68 = arith.muli %arg1, %mul3A_67 : i32
      %run_scoped3A_69 = arith.constant 2 : i32
      "tpu.region"() ({
        %run_scoped3A_119 = tpu.sem_alloc : memref<!tpu.dma_semaphore, #tpu.memory_space<semaphore_mem>>
        %dma_start3A = arith.constant 0 : i32
        %dma_start3A_120 = tpu.memref_slice %arg11[%mul3A_68, %dma_start3A] : memref<5128x128xf32, #tpu.memory_space<vmem_shared>> -> memref<320x128xf32, #tpu.memory_space<vmem_shared>>
        %dma_start3A_121 = arith.constant 0 : i32
        %dma_start3A_122 = arith.constant 0 : i32
        %dma_start3A_123 = tpu.memref_slice %arg2[%run_scoped3A_69, %dma_start3A_121, %dma_start3A_122] : memref<4x10240x128xf32, #tpu.memory_space<hbm>> -> memref<1x10240x128xf32, #tpu.memory_space<hbm>>
        %dma_start3A_124 = tpu.memref_squeeze %dma_start3A_123 : memref<1x10240x128xf32, #tpu.memory_space<hbm>> -> memref<10240x128xf32, #tpu.memory_space<hbm>>
        %dma_start3A_125 = arith.constant 0 : i32
        %dma_start3A_126 = tpu.memref_slice %dma_start3A_124[%add3A_66, %dma_start3A_125] : memref<10240x128xf32, #tpu.memory_space<hbm>> -> memref<320x128xf32, #tpu.memory_space<hbm>>
        tpu.enqueue_dma source(%dma_start3A_126 : memref<320x128xf32, #tpu.memory_space<hbm>>) target(%dma_start3A_120 : memref<320x128xf32, #tpu.memory_space<vmem_shared>>) target_semaphore(%run_scoped3A_119 : memref<!tpu.dma_semaphore, #tpu.memory_space<semaphore_mem>>)
        %dma_wait3A = arith.constant 0 : i32
        %dma_wait3A_127 = tpu.memref_slice %arg11[%mul3A_68, %dma_wait3A] : memref<5128x128xf32, #tpu.memory_space<vmem_shared>> -> memref<320x128xf32, #tpu.memory_space<vmem_shared>>
        %dma_wait3A_128 = arith.constant 0 : i32
        %dma_wait3A_129 = arith.constant 0 : i32
        %dma_wait3A_130 = tpu.memref_slice %arg2[%run_scoped3A_69, %dma_wait3A_128, %dma_wait3A_129] : memref<4x10240x128xf32, #tpu.memory_space<hbm>> -> memref<1x10240x128xf32, #tpu.memory_space<hbm>>
        %dma_wait3A_131 = tpu.memref_squeeze %dma_wait3A_130 : memref<1x10240x128xf32, #tpu.memory_space<hbm>> -> memref<10240x128xf32, #tpu.memory_space<hbm>>
        %dma_wait3A_132 = arith.constant 0 : i32
        %dma_wait3A_133 = tpu.memref_slice %dma_wait3A_131[%add3A_66, %dma_wait3A_132] : memref<10240x128xf32, #tpu.memory_space<hbm>> -> memref<320x128xf32, #tpu.memory_space<hbm>>
        tpu.wait_dma2 semaphore(%run_scoped3A_119 : memref<!tpu.dma_semaphore, #tpu.memory_space<semaphore_mem>>) src(%dma_wait3A_133 : memref<320x128xf32, #tpu.memory_space<hbm>>) dst(%dma_wait3A_127 : memref<320x128xf32, #tpu.memory_space<vmem_shared>>)
        tpu.yield
      }) : () -> ()
      %barrier3A_70 = arith.constant 0 : index
      tpu.barrier barrier_id(%barrier3A_70)
      %while3A_71 = arith.constant 0 : i32
      %while3A_72 = arith.constant 2 : i32
      %while3A_73 = arith.constant 0 : i32
      %while3A_74 = arith.subi %squeeze3A, %while3A_73 : i32
      %while3A_75 = arith.addi %while3A_73, %while3A_74 : i32
      %while3A_76 = arith.constant 1 : i32
      %while3A_77 = arith.divsi %while3A_74, %while3A_76 : i32
      %while3A_78 = arith.muli %while3A_77, %while3A_76 : i32
      %while3A_79 = arith.addi %while3A_73, %while3A_78 : i32
      %while3A_80 = arith.constant 1 : i32
      scf.for %while3A_119 = %while3A_73 to %while3A_79 step %while3A_80  : i32 {
        %dma_start3A = arith.constant 0 : i32
        %dma_start3A_120 = tpu.memref_slice %arg8[%while3A_119, %dma_start3A] : memref<157x128xi32, #tpu.memory_space<vmem>> -> memref<1x128xi32, #tpu.memory_space<vmem>>
        %dma_start3A_121 = tpu.memref_squeeze %dma_start3A_120 : memref<1x128xi32, #tpu.memory_space<vmem>> -> memref<128xi32, #tpu.memory_space<vmem>>
        %dma_start3A_122 = arith.constant 0 : i32
        %dma_start3A_123 = arith.constant 0 : i32
        %dma_start3A_124 = tpu.memref_slice %arg2[%while3A_72, %dma_start3A_122, %dma_start3A_123] : memref<4x10240x128xf32, #tpu.memory_space<hbm>> -> memref<1x10240x128xf32, #tpu.memory_space<hbm>>
        %dma_start3A_125 = tpu.memref_squeeze %dma_start3A_124 : memref<1x10240x128xf32, #tpu.memory_space<hbm>> -> memref<10240x128xf32, #tpu.memory_space<hbm>>
        %dma_start3A_126 = arith.constant 0 : i32
        %dma_start3A_127 = arith.constant 0 : i32
        %dma_start3A_128 = tpu.memref_slice %dma_start3A_125[%dma_start3A_126, %dma_start3A_127] : memref<10240x128xf32, #tpu.memory_space<hbm>> -> memref<10240x128xf32, #tpu.memory_space<hbm>>
        tpu.enqueue_indirect_dma source(%dma_start3A_128 : memref<10240x128xf32, #tpu.memory_space<hbm>>) target(%arg7 : memref<128x128xf32, #tpu.memory_space<vmem>>) offsets(%dma_start3A_121 : memref<128xi32, #tpu.memory_space<vmem>>) semaphore(%arg12 : memref<!tpu.dma_semaphore, #tpu.memory_space<semaphore_mem>>)
        %dma_wait3A = arith.constant 0 : i32
        %dma_wait3A_129 = tpu.memref_slice %arg8[%while3A_119, %dma_wait3A] : memref<157x128xi32, #tpu.memory_space<vmem>> -> memref<1x128xi32, #tpu.memory_space<vmem>>
        %dma_wait3A_130 = tpu.memref_squeeze %dma_wait3A_129 : memref<1x128xi32, #tpu.memory_space<vmem>> -> memref<128xi32, #tpu.memory_space<vmem>>
        %dma_wait3A_131 = arith.constant 0 : i32
        %dma_wait3A_132 = arith.constant 0 : i32
        %dma_wait3A_133 = tpu.memref_slice %arg2[%while3A_72, %dma_wait3A_131, %dma_wait3A_132] : memref<4x10240x128xf32, #tpu.memory_space<hbm>> -> memref<1x10240x128xf32, #tpu.memory_space<hbm>>
        %dma_wait3A_134 = tpu.memref_squeeze %dma_wait3A_133 : memref<1x10240x128xf32, #tpu.memory_space<hbm>> -> memref<10240x128xf32, #tpu.memory_space<hbm>>
        %dma_wait3A_135 = arith.constant 0 : i32
        %dma_wait3A_136 = arith.constant 0 : i32
        %dma_wait3A_137 = tpu.memref_slice %dma_wait3A_134[%dma_wait3A_135, %dma_wait3A_136] : memref<10240x128xf32, #tpu.memory_space<hbm>> -> memref<10240x128xf32, #tpu.memory_space<hbm>>
        tpu.wait_indirect_dma semaphore(%arg12 : memref<!tpu.dma_semaphore, #tpu.memory_space<semaphore_mem>>) src(%dma_wait3A_137 : memref<10240x128xf32, #tpu.memory_space<hbm>>) dst(%arg7 : memref<128x128xf32, #tpu.memory_space<vmem>>)
        "tpu.region"() ({
          %run_scoped3A_138 = tpu.sem_alloc : memref<!tpu.dma_semaphore, #tpu.memory_space<semaphore_mem>>
          %dma_start3A_139 = arith.constant 0 : i32
          %dma_start3A_140 = tpu.memref_slice %arg9[%while3A_119, %dma_start3A_139] : memref<157x128xi32, #tpu.memory_space<vmem>> -> memref<1x128xi32, #tpu.memory_space<vmem>>
          %dma_start3A_141 = tpu.memref_squeeze %dma_start3A_140 : memref<1x128xi32, #tpu.memory_space<vmem>> -> memref<128xi32, #tpu.memory_space<vmem>>
          %dma_start3A_142 = arith.constant 0 : i32
          %dma_start3A_143 = arith.constant 0 : i32
          %dma_start3A_144 = tpu.memref_slice %arg11[%dma_start3A_142, %dma_start3A_143] : memref<5128x128xf32, #tpu.memory_space<vmem_shared>> -> memref<5128x128xf32, #tpu.memory_space<vmem_shared>>
          tpu.enqueue_indirect_dma source(%arg7 : memref<128x128xf32, #tpu.memory_space<vmem>>) target(%dma_start3A_144 : memref<5128x128xf32, #tpu.memory_space<vmem_shared>>) offsets(%dma_start3A_141 : memref<128xi32, #tpu.memory_space<vmem>>) semaphore(%run_scoped3A_138 : memref<!tpu.dma_semaphore, #tpu.memory_space<semaphore_mem>>) {add = true}
          %dma_wait3A_145 = arith.constant 0 : i32
          %dma_wait3A_146 = tpu.memref_slice %arg9[%while3A_119, %dma_wait3A_145] : memref<157x128xi32, #tpu.memory_space<vmem>> -> memref<1x128xi32, #tpu.memory_space<vmem>>
          %dma_wait3A_147 = tpu.memref_squeeze %dma_wait3A_146 : memref<1x128xi32, #tpu.memory_space<vmem>> -> memref<128xi32, #tpu.memory_space<vmem>>
          %dma_wait3A_148 = arith.constant 0 : i32
          %dma_wait3A_149 = arith.constant 0 : i32
          %dma_wait3A_150 = tpu.memref_slice %arg11[%dma_wait3A_148, %dma_wait3A_149] : memref<5128x128xf32, #tpu.memory_space<vmem_shared>> -> memref<5128x128xf32, #tpu.memory_space<vmem_shared>>
          tpu.wait_indirect_dma semaphore(%run_scoped3A_138 : memref<!tpu.dma_semaphore, #tpu.memory_space<semaphore_mem>>) src(%arg7 : memref<128x128xf32, #tpu.memory_space<vmem>>) dst(%dma_wait3A_150 : memref<5128x128xf32, #tpu.memory_space<vmem_shared>>)
          tpu.yield
        }) : () -> ()
      }
      %while3A_81 = arith.constant 1 : i32
      scf.for %while3A_119 = %while3A_79 to %while3A_75 step %while3A_81  : i32 {
        %dma_start3A = arith.constant 0 : i32
        %dma_start3A_120 = tpu.memref_slice %arg8[%while3A_119, %dma_start3A] : memref<157x128xi32, #tpu.memory_space<vmem>> -> memref<1x128xi32, #tpu.memory_space<vmem>>
        %dma_start3A_121 = tpu.memref_squeeze %dma_start3A_120 : memref<1x128xi32, #tpu.memory_space<vmem>> -> memref<128xi32, #tpu.memory_space<vmem>>
        %dma_start3A_122 = arith.constant 0 : i32
        %dma_start3A_123 = arith.constant 0 : i32
        %dma_start3A_124 = tpu.memref_slice %arg2[%while3A_72, %dma_start3A_122, %dma_start3A_123] : memref<4x10240x128xf32, #tpu.memory_space<hbm>> -> memref<1x10240x128xf32, #tpu.memory_space<hbm>>
        %dma_start3A_125 = tpu.memref_squeeze %dma_start3A_124 : memref<1x10240x128xf32, #tpu.memory_space<hbm>> -> memref<10240x128xf32, #tpu.memory_space<hbm>>
        %dma_start3A_126 = arith.constant 0 : i32
        %dma_start3A_127 = arith.constant 0 : i32
        %dma_start3A_128 = tpu.memref_slice %dma_start3A_125[%dma_start3A_126, %dma_start3A_127] : memref<10240x128xf32, #tpu.memory_space<hbm>> -> memref<10240x128xf32, #tpu.memory_space<hbm>>
        tpu.enqueue_indirect_dma source(%dma_start3A_128 : memref<10240x128xf32, #tpu.memory_space<hbm>>) target(%arg7 : memref<128x128xf32, #tpu.memory_space<vmem>>) offsets(%dma_start3A_121 : memref<128xi32, #tpu.memory_space<vmem>>) semaphore(%arg12 : memref<!tpu.dma_semaphore, #tpu.memory_space<semaphore_mem>>)
        %dma_wait3A = arith.constant 0 : i32
        %dma_wait3A_129 = tpu.memref_slice %arg8[%while3A_119, %dma_wait3A] : memref<157x128xi32, #tpu.memory_space<vmem>> -> memref<1x128xi32, #tpu.memory_space<vmem>>
        %dma_wait3A_130 = tpu.memref_squeeze %dma_wait3A_129 : memref<1x128xi32, #tpu.memory_space<vmem>> -> memref<128xi32, #tpu.memory_space<vmem>>
        %dma_wait3A_131 = arith.constant 0 : i32
        %dma_wait3A_132 = arith.constant 0 : i32
        %dma_wait3A_133 = tpu.memref_slice %arg2[%while3A_72, %dma_wait3A_131, %dma_wait3A_132] : memref<4x10240x128xf32, #tpu.memory_space<hbm>> -> memref<1x10240x128xf32, #tpu.memory_space<hbm>>
        %dma_wait3A_134 = tpu.memref_squeeze %dma_wait3A_133 : memref<1x10240x128xf32, #tpu.memory_space<hbm>> -> memref<10240x128xf32, #tpu.memory_space<hbm>>
        %dma_wait3A_135 = arith.constant 0 : i32
        %dma_wait3A_136 = arith.constant 0 : i32
        %dma_wait3A_137 = tpu.memref_slice %dma_wait3A_134[%dma_wait3A_135, %dma_wait3A_136] : memref<10240x128xf32, #tpu.memory_space<hbm>> -> memref<10240x128xf32, #tpu.memory_space<hbm>>
        tpu.wait_indirect_dma semaphore(%arg12 : memref<!tpu.dma_semaphore, #tpu.memory_space<semaphore_mem>>) src(%dma_wait3A_137 : memref<10240x128xf32, #tpu.memory_space<hbm>>) dst(%arg7 : memref<128x128xf32, #tpu.memory_space<vmem>>)
        "tpu.region"() ({
          %run_scoped3A_138 = tpu.sem_alloc : memref<!tpu.dma_semaphore, #tpu.memory_space<semaphore_mem>>
          %dma_start3A_139 = arith.constant 0 : i32
          %dma_start3A_140 = tpu.memref_slice %arg9[%while3A_119, %dma_start3A_139] : memref<157x128xi32, #tpu.memory_space<vmem>> -> memref<1x128xi32, #tpu.memory_space<vmem>>
          %dma_start3A_141 = tpu.memref_squeeze %dma_start3A_140 : memref<1x128xi32, #tpu.memory_space<vmem>> -> memref<128xi32, #tpu.memory_space<vmem>>
          %dma_start3A_142 = arith.constant 0 : i32
          %dma_start3A_143 = arith.constant 0 : i32
          %dma_start3A_144 = tpu.memref_slice %arg11[%dma_start3A_142, %dma_start3A_143] : memref<5128x128xf32, #tpu.memory_space<vmem_shared>> -> memref<5128x128xf32, #tpu.memory_space<vmem_shared>>
          tpu.enqueue_indirect_dma source(%arg7 : memref<128x128xf32, #tpu.memory_space<vmem>>) target(%dma_start3A_144 : memref<5128x128xf32, #tpu.memory_space<vmem_shared>>) offsets(%dma_start3A_141 : memref<128xi32, #tpu.memory_space<vmem>>) semaphore(%run_scoped3A_138 : memref<!tpu.dma_semaphore, #tpu.memory_space<semaphore_mem>>) {add = true}
          %dma_wait3A_145 = arith.constant 0 : i32
          %dma_wait3A_146 = tpu.memref_slice %arg9[%while3A_119, %dma_wait3A_145] : memref<157x128xi32, #tpu.memory_space<vmem>> -> memref<1x128xi32, #tpu.memory_space<vmem>>
          %dma_wait3A_147 = tpu.memref_squeeze %dma_wait3A_146 : memref<1x128xi32, #tpu.memory_space<vmem>> -> memref<128xi32, #tpu.memory_space<vmem>>
          %dma_wait3A_148 = arith.constant 0 : i32
          %dma_wait3A_149 = arith.constant 0 : i32
          %dma_wait3A_150 = tpu.memref_slice %arg11[%dma_wait3A_148, %dma_wait3A_149] : memref<5128x128xf32, #tpu.memory_space<vmem_shared>> -> memref<5128x128xf32, #tpu.memory_space<vmem_shared>>
          tpu.wait_indirect_dma semaphore(%run_scoped3A_138 : memref<!tpu.dma_semaphore, #tpu.memory_space<semaphore_mem>>) src(%arg7 : memref<128x128xf32, #tpu.memory_space<vmem>>) dst(%dma_wait3A_150 : memref<5128x128xf32, #tpu.memory_space<vmem_shared>>)
          tpu.yield
        }) : () -> ()
      }
      %barrier3A_82 = arith.constant 0 : index
      tpu.barrier barrier_id(%barrier3A_82)
      %mul3A_83 = arith.constant 320 : i32
      %mul3A_84 = arith.muli %arg1, %mul3A_83 : i32
      %mul3A_85 = arith.constant 320 : i32
      %mul3A_86 = arith.muli %arg1, %mul3A_85 : i32
      %add3A_87 = arith.constant 0 : i32
      %add3A_88 = arith.addi %add3A_87, %mul3A_86 : i32
      %run_scoped3A_89 = arith.constant 2 : i32
      "tpu.region"() ({
        %run_scoped3A_119 = tpu.sem_alloc : memref<!tpu.dma_semaphore, #tpu.memory_space<semaphore_mem>>
        %dma_start3A = arith.constant 0 : i32
        %dma_start3A_120 = arith.constant 0 : i32
        %dma_start3A_121 = tpu.memref_slice %arg6[%run_scoped3A_89, %dma_start3A, %dma_start3A_120] : memref<4x10240x128xf32, #tpu.memory_space<hbm>> -> memref<1x10240x128xf32, #tpu.memory_space<hbm>>
        %dma_start3A_122 = tpu.memref_squeeze %dma_start3A_121 : memref<1x10240x128xf32, #tpu.memory_space<hbm>> -> memref<10240x128xf32, #tpu.memory_space<hbm>>
        %dma_start3A_123 = arith.constant 0 : i32
        %dma_start3A_124 = tpu.memref_slice %dma_start3A_122[%add3A_88, %dma_start3A_123] : memref<10240x128xf32, #tpu.memory_space<hbm>> -> memref<320x128xf32, #tpu.memory_space<hbm>>
        %dma_start3A_125 = arith.constant 0 : i32
        %dma_start3A_126 = tpu.memref_slice %arg11[%mul3A_84, %dma_start3A_125] : memref<5128x128xf32, #tpu.memory_space<vmem_shared>> -> memref<320x128xf32, #tpu.memory_space<vmem_shared>>
        tpu.enqueue_dma source(%dma_start3A_126 : memref<320x128xf32, #tpu.memory_space<vmem_shared>>) target(%dma_start3A_124 : memref<320x128xf32, #tpu.memory_space<hbm>>) target_semaphore(%run_scoped3A_119 : memref<!tpu.dma_semaphore, #tpu.memory_space<semaphore_mem>>)
        %dma_wait3A = arith.constant 0 : i32
        %dma_wait3A_127 = arith.constant 0 : i32
        %dma_wait3A_128 = tpu.memref_slice %arg6[%run_scoped3A_89, %dma_wait3A, %dma_wait3A_127] : memref<4x10240x128xf32, #tpu.memory_space<hbm>> -> memref<1x10240x128xf32, #tpu.memory_space<hbm>>
        %dma_wait3A_129 = tpu.memref_squeeze %dma_wait3A_128 : memref<1x10240x128xf32, #tpu.memory_space<hbm>> -> memref<10240x128xf32, #tpu.memory_space<hbm>>
        %dma_wait3A_130 = arith.constant 0 : i32
        %dma_wait3A_131 = tpu.memref_slice %dma_wait3A_129[%add3A_88, %dma_wait3A_130] : memref<10240x128xf32, #tpu.memory_space<hbm>> -> memref<320x128xf32, #tpu.memory_space<hbm>>
        %dma_wait3A_132 = arith.constant 0 : i32
        %dma_wait3A_133 = tpu.memref_slice %arg11[%mul3A_84, %dma_wait3A_132] : memref<5128x128xf32, #tpu.memory_space<vmem_shared>> -> memref<320x128xf32, #tpu.memory_space<vmem_shared>>
        tpu.wait_dma2 semaphore(%run_scoped3A_119 : memref<!tpu.dma_semaphore, #tpu.memory_space<semaphore_mem>>) src(%dma_wait3A_133 : memref<320x128xf32, #tpu.memory_space<vmem_shared>>) dst(%dma_wait3A_131 : memref<320x128xf32, #tpu.memory_space<hbm>>)
        tpu.yield
      }) : () -> ()
      %barrier3A_90 = arith.constant 0 : index
      tpu.barrier barrier_id(%barrier3A_90)
      %mul3A_91 = arith.constant 320 : i32
      %mul3A_92 = arith.muli %arg1, %mul3A_91 : i32
      %add3A_93 = arith.constant 0 : i32
      %add3A_94 = arith.addi %add3A_93, %mul3A_92 : i32
      %mul3A_95 = arith.constant 320 : i32
      %mul3A_96 = arith.muli %arg1, %mul3A_95 : i32
      %run_scoped3A_97 = arith.constant 3 : i32
      "tpu.region"() ({
        %run_scoped3A_119 = tpu.sem_alloc : memref<!tpu.dma_semaphore, #tpu.memory_space<semaphore_mem>>
        %dma_start3A = arith.constant 0 : i32
        %dma_start3A_120 = tpu.memref_slice %arg11[%mul3A_96, %dma_start3A] : memref<5128x128xf32, #tpu.memory_space<vmem_shared>> -> memref<320x128xf32, #tpu.memory_space<vmem_shared>>
        %dma_start3A_121 = arith.constant 0 : i32
        %dma_start3A_122 = arith.constant 0 : i32
        %dma_start3A_123 = tpu.memref_slice %arg2[%run_scoped3A_97, %dma_start3A_121, %dma_start3A_122] : memref<4x10240x128xf32, #tpu.memory_space<hbm>> -> memref<1x10240x128xf32, #tpu.memory_space<hbm>>
        %dma_start3A_124 = tpu.memref_squeeze %dma_start3A_123 : memref<1x10240x128xf32, #tpu.memory_space<hbm>> -> memref<10240x128xf32, #tpu.memory_space<hbm>>
        %dma_start3A_125 = arith.constant 0 : i32
        %dma_start3A_126 = tpu.memref_slice %dma_start3A_124[%add3A_94, %dma_start3A_125] : memref<10240x128xf32, #tpu.memory_space<hbm>> -> memref<320x128xf32, #tpu.memory_space<hbm>>
        tpu.enqueue_dma source(%dma_start3A_126 : memref<320x128xf32, #tpu.memory_space<hbm>>) target(%dma_start3A_120 : memref<320x128xf32, #tpu.memory_space<vmem_shared>>) target_semaphore(%run_scoped3A_119 : memref<!tpu.dma_semaphore, #tpu.memory_space<semaphore_mem>>)
        %dma_wait3A = arith.constant 0 : i32
        %dma_wait3A_127 = tpu.memref_slice %arg11[%mul3A_96, %dma_wait3A] : memref<5128x128xf32, #tpu.memory_space<vmem_shared>> -> memref<320x128xf32, #tpu.memory_space<vmem_shared>>
        %dma_wait3A_128 = arith.constant 0 : i32
        %dma_wait3A_129 = arith.constant 0 : i32
        %dma_wait3A_130 = tpu.memref_slice %arg2[%run_scoped3A_97, %dma_wait3A_128, %dma_wait3A_129] : memref<4x10240x128xf32, #tpu.memory_space<hbm>> -> memref<1x10240x128xf32, #tpu.memory_space<hbm>>
        %dma_wait3A_131 = tpu.memref_squeeze %dma_wait3A_130 : memref<1x10240x128xf32, #tpu.memory_space<hbm>> -> memref<10240x128xf32, #tpu.memory_space<hbm>>
        %dma_wait3A_132 = arith.constant 0 : i32
        %dma_wait3A_133 = tpu.memref_slice %dma_wait3A_131[%add3A_94, %dma_wait3A_132] : memref<10240x128xf32, #tpu.memory_space<hbm>> -> memref<320x128xf32, #tpu.memory_space<hbm>>
        tpu.wait_dma2 semaphore(%run_scoped3A_119 : memref<!tpu.dma_semaphore, #tpu.memory_space<semaphore_mem>>) src(%dma_wait3A_133 : memref<320x128xf32, #tpu.memory_space<hbm>>) dst(%dma_wait3A_127 : memref<320x128xf32, #tpu.memory_space<vmem_shared>>)
        tpu.yield
      }) : () -> ()
      %barrier3A_98 = arith.constant 0 : index
      tpu.barrier barrier_id(%barrier3A_98)
      %while3A_99 = arith.constant 0 : i32
      %while3A_100 = arith.constant 3 : i32
      %while3A_101 = arith.constant 0 : i32
      %while3A_102 = arith.subi %squeeze3A, %while3A_101 : i32
      %while3A_103 = arith.addi %while3A_101, %while3A_102 : i32
      %while3A_104 = arith.constant 1 : i32
      %while3A_105 = arith.divsi %while3A_102, %while3A_104 : i32
      %while3A_106 = arith.muli %while3A_105, %while3A_104 : i32
      %while3A_107 = arith.addi %while3A_101, %while3A_106 : i32
      %while3A_108 = arith.constant 1 : i32
      scf.for %while3A_119 = %while3A_101 to %while3A_107 step %while3A_108  : i32 {
        %dma_start3A = arith.constant 0 : i32
        %dma_start3A_120 = tpu.memref_slice %arg8[%while3A_119, %dma_start3A] : memref<157x128xi32, #tpu.memory_space<vmem>> -> memref<1x128xi32, #tpu.memory_space<vmem>>
        %dma_start3A_121 = tpu.memref_squeeze %dma_start3A_120 : memref<1x128xi32, #tpu.memory_space<vmem>> -> memref<128xi32, #tpu.memory_space<vmem>>
        %dma_start3A_122 = arith.constant 0 : i32
        %dma_start3A_123 = arith.constant 0 : i32
        %dma_start3A_124 = tpu.memref_slice %arg2[%while3A_100, %dma_start3A_122, %dma_start3A_123] : memref<4x10240x128xf32, #tpu.memory_space<hbm>> -> memref<1x10240x128xf32, #tpu.memory_space<hbm>>
        %dma_start3A_125 = tpu.memref_squeeze %dma_start3A_124 : memref<1x10240x128xf32, #tpu.memory_space<hbm>> -> memref<10240x128xf32, #tpu.memory_space<hbm>>
        %dma_start3A_126 = arith.constant 0 : i32
        %dma_start3A_127 = arith.constant 0 : i32
        %dma_start3A_128 = tpu.memref_slice %dma_start3A_125[%dma_start3A_126, %dma_start3A_127] : memref<10240x128xf32, #tpu.memory_space<hbm>> -> memref<10240x128xf32, #tpu.memory_space<hbm>>
        tpu.enqueue_indirect_dma source(%dma_start3A_128 : memref<10240x128xf32, #tpu.memory_space<hbm>>) target(%arg7 : memref<128x128xf32, #tpu.memory_space<vmem>>) offsets(%dma_start3A_121 : memref<128xi32, #tpu.memory_space<vmem>>) semaphore(%arg12 : memref<!tpu.dma_semaphore, #tpu.memory_space<semaphore_mem>>)
        %dma_wait3A = arith.constant 0 : i32
        %dma_wait3A_129 = tpu.memref_slice %arg8[%while3A_119, %dma_wait3A] : memref<157x128xi32, #tpu.memory_space<vmem>> -> memref<1x128xi32, #tpu.memory_space<vmem>>
        %dma_wait3A_130 = tpu.memref_squeeze %dma_wait3A_129 : memref<1x128xi32, #tpu.memory_space<vmem>> -> memref<128xi32, #tpu.memory_space<vmem>>
        %dma_wait3A_131 = arith.constant 0 : i32
        %dma_wait3A_132 = arith.constant 0 : i32
        %dma_wait3A_133 = tpu.memref_slice %arg2[%while3A_100, %dma_wait3A_131, %dma_wait3A_132] : memref<4x10240x128xf32, #tpu.memory_space<hbm>> -> memref<1x10240x128xf32, #tpu.memory_space<hbm>>
        %dma_wait3A_134 = tpu.memref_squeeze %dma_wait3A_133 : memref<1x10240x128xf32, #tpu.memory_space<hbm>> -> memref<10240x128xf32, #tpu.memory_space<hbm>>
        %dma_wait3A_135 = arith.constant 0 : i32
        %dma_wait3A_136 = arith.constant 0 : i32
        %dma_wait3A_137 = tpu.memref_slice %dma_wait3A_134[%dma_wait3A_135, %dma_wait3A_136] : memref<10240x128xf32, #tpu.memory_space<hbm>> -> memref<10240x128xf32, #tpu.memory_space<hbm>>
        tpu.wait_indirect_dma semaphore(%arg12 : memref<!tpu.dma_semaphore, #tpu.memory_space<semaphore_mem>>) src(%dma_wait3A_137 : memref<10240x128xf32, #tpu.memory_space<hbm>>) dst(%arg7 : memref<128x128xf32, #tpu.memory_space<vmem>>)
        "tpu.region"() ({
          %run_scoped3A_138 = tpu.sem_alloc : memref<!tpu.dma_semaphore, #tpu.memory_space<semaphore_mem>>
          %dma_start3A_139 = arith.constant 0 : i32
          %dma_start3A_140 = tpu.memref_slice %arg9[%while3A_119, %dma_start3A_139] : memref<157x128xi32, #tpu.memory_space<vmem>> -> memref<1x128xi32, #tpu.memory_space<vmem>>
          %dma_start3A_141 = tpu.memref_squeeze %dma_start3A_140 : memref<1x128xi32, #tpu.memory_space<vmem>> -> memref<128xi32, #tpu.memory_space<vmem>>
          %dma_start3A_142 = arith.constant 0 : i32
          %dma_start3A_143 = arith.constant 0 : i32
          %dma_start3A_144 = tpu.memref_slice %arg11[%dma_start3A_142, %dma_start3A_143] : memref<5128x128xf32, #tpu.memory_space<vmem_shared>> -> memref<5128x128xf32, #tpu.memory_space<vmem_shared>>
          tpu.enqueue_indirect_dma source(%arg7 : memref<128x128xf32, #tpu.memory_space<vmem>>) target(%dma_start3A_144 : memref<5128x128xf32, #tpu.memory_space<vmem_shared>>) offsets(%dma_start3A_141 : memref<128xi32, #tpu.memory_space<vmem>>) semaphore(%run_scoped3A_138 : memref<!tpu.dma_semaphore, #tpu.memory_space<semaphore_mem>>) {add = true}
          %dma_wait3A_145 = arith.constant 0 : i32
          %dma_wait3A_146 = tpu.memref_slice %arg9[%while3A_119, %dma_wait3A_145] : memref<157x128xi32, #tpu.memory_space<vmem>> -> memref<1x128xi32, #tpu.memory_space<vmem>>
          %dma_wait3A_147 = tpu.memref_squeeze %dma_wait3A_146 : memref<1x128xi32, #tpu.memory_space<vmem>> -> memref<128xi32, #tpu.memory_space<vmem>>
          %dma_wait3A_148 = arith.constant 0 : i32
          %dma_wait3A_149 = arith.constant 0 : i32
          %dma_wait3A_150 = tpu.memref_slice %arg11[%dma_wait3A_148, %dma_wait3A_149] : memref<5128x128xf32, #tpu.memory_space<vmem_shared>> -> memref<5128x128xf32, #tpu.memory_space<vmem_shared>>
          tpu.wait_indirect_dma semaphore(%run_scoped3A_138 : memref<!tpu.dma_semaphore, #tpu.memory_space<semaphore_mem>>) src(%arg7 : memref<128x128xf32, #tpu.memory_space<vmem>>) dst(%dma_wait3A_150 : memref<5128x128xf32, #tpu.memory_space<vmem_shared>>)
          tpu.yield
        }) : () -> ()
      }
      %while3A_109 = arith.constant 1 : i32
      scf.for %while3A_119 = %while3A_107 to %while3A_103 step %while3A_109  : i32 {
        %dma_start3A = arith.constant 0 : i32
        %dma_start3A_120 = tpu.memref_slice %arg8[%while3A_119, %dma_start3A] : memref<157x128xi32, #tpu.memory_space<vmem>> -> memref<1x128xi32, #tpu.memory_space<vmem>>
        %dma_start3A_121 = tpu.memref_squeeze %dma_start3A_120 : memref<1x128xi32, #tpu.memory_space<vmem>> -> memref<128xi32, #tpu.memory_space<vmem>>
        %dma_start3A_122 = arith.constant 0 : i32
        %dma_start3A_123 = arith.constant 0 : i32
        %dma_start3A_124 = tpu.memref_slice %arg2[%while3A_100, %dma_start3A_122, %dma_start3A_123] : memref<4x10240x128xf32, #tpu.memory_space<hbm>> -> memref<1x10240x128xf32, #tpu.memory_space<hbm>>
        %dma_start3A_125 = tpu.memref_squeeze %dma_start3A_124 : memref<1x10240x128xf32, #tpu.memory_space<hbm>> -> memref<10240x128xf32, #tpu.memory_space<hbm>>
        %dma_start3A_126 = arith.constant 0 : i32
        %dma_start3A_127 = arith.constant 0 : i32
        %dma_start3A_128 = tpu.memref_slice %dma_start3A_125[%dma_start3A_126, %dma_start3A_127] : memref<10240x128xf32, #tpu.memory_space<hbm>> -> memref<10240x128xf32, #tpu.memory_space<hbm>>
        tpu.enqueue_indirect_dma source(%dma_start3A_128 : memref<10240x128xf32, #tpu.memory_space<hbm>>) target(%arg7 : memref<128x128xf32, #tpu.memory_space<vmem>>) offsets(%dma_start3A_121 : memref<128xi32, #tpu.memory_space<vmem>>) semaphore(%arg12 : memref<!tpu.dma_semaphore, #tpu.memory_space<semaphore_mem>>)
        %dma_wait3A = arith.constant 0 : i32
        %dma_wait3A_129 = tpu.memref_slice %arg8[%while3A_119, %dma_wait3A] : memref<157x128xi32, #tpu.memory_space<vmem>> -> memref<1x128xi32, #tpu.memory_space<vmem>>
        %dma_wait3A_130 = tpu.memref_squeeze %dma_wait3A_129 : memref<1x128xi32, #tpu.memory_space<vmem>> -> memref<128xi32, #tpu.memory_space<vmem>>
        %dma_wait3A_131 = arith.constant 0 : i32
        %dma_wait3A_132 = arith.constant 0 : i32
        %dma_wait3A_133 = tpu.memref_slice %arg2[%while3A_100, %dma_wait3A_131, %dma_wait3A_132] : memref<4x10240x128xf32, #tpu.memory_space<hbm>> -> memref<1x10240x128xf32, #tpu.memory_space<hbm>>
        %dma_wait3A_134 = tpu.memref_squeeze %dma_wait3A_133 : memref<1x10240x128xf32, #tpu.memory_space<hbm>> -> memref<10240x128xf32, #tpu.memory_space<hbm>>
        %dma_wait3A_135 = arith.constant 0 : i32
        %dma_wait3A_136 = arith.constant 0 : i32
        %dma_wait3A_137 = tpu.memref_slice %dma_wait3A_134[%dma_wait3A_135, %dma_wait3A_136] : memref<10240x128xf32, #tpu.memory_space<hbm>> -> memref<10240x128xf32, #tpu.memory_space<hbm>>
        tpu.wait_indirect_dma semaphore(%arg12 : memref<!tpu.dma_semaphore, #tpu.memory_space<semaphore_mem>>) src(%dma_wait3A_137 : memref<10240x128xf32, #tpu.memory_space<hbm>>) dst(%arg7 : memref<128x128xf32, #tpu.memory_space<vmem>>)
        "tpu.region"() ({
          %run_scoped3A_138 = tpu.sem_alloc : memref<!tpu.dma_semaphore, #tpu.memory_space<semaphore_mem>>
          %dma_start3A_139 = arith.constant 0 : i32
          %dma_start3A_140 = tpu.memref_slice %arg9[%while3A_119, %dma_start3A_139] : memref<157x128xi32, #tpu.memory_space<vmem>> -> memref<1x128xi32, #tpu.memory_space<vmem>>
          %dma_start3A_141 = tpu.memref_squeeze %dma_start3A_140 : memref<1x128xi32, #tpu.memory_space<vmem>> -> memref<128xi32, #tpu.memory_space<vmem>>
          %dma_start3A_142 = arith.constant 0 : i32
          %dma_start3A_143 = arith.constant 0 : i32
          %dma_start3A_144 = tpu.memref_slice %arg11[%dma_start3A_142, %dma_start3A_143] : memref<5128x128xf32, #tpu.memory_space<vmem_shared>> -> memref<5128x128xf32, #tpu.memory_space<vmem_shared>>
          tpu.enqueue_indirect_dma source(%arg7 : memref<128x128xf32, #tpu.memory_space<vmem>>) target(%dma_start3A_144 : memref<5128x128xf32, #tpu.memory_space<vmem_shared>>) offsets(%dma_start3A_141 : memref<128xi32, #tpu.memory_space<vmem>>) semaphore(%run_scoped3A_138 : memref<!tpu.dma_semaphore, #tpu.memory_space<semaphore_mem>>) {add = true}
          %dma_wait3A_145 = arith.constant 0 : i32
          %dma_wait3A_146 = tpu.memref_slice %arg9[%while3A_119, %dma_wait3A_145] : memref<157x128xi32, #tpu.memory_space<vmem>> -> memref<1x128xi32, #tpu.memory_space<vmem>>
          %dma_wait3A_147 = tpu.memref_squeeze %dma_wait3A_146 : memref<1x128xi32, #tpu.memory_space<vmem>> -> memref<128xi32, #tpu.memory_space<vmem>>
          %dma_wait3A_148 = arith.constant 0 : i32
          %dma_wait3A_149 = arith.constant 0 : i32
          %dma_wait3A_150 = tpu.memref_slice %arg11[%dma_wait3A_148, %dma_wait3A_149] : memref<5128x128xf32, #tpu.memory_space<vmem_shared>> -> memref<5128x128xf32, #tpu.memory_space<vmem_shared>>
          tpu.wait_indirect_dma semaphore(%run_scoped3A_138 : memref<!tpu.dma_semaphore, #tpu.memory_space<semaphore_mem>>) src(%arg7 : memref<128x128xf32, #tpu.memory_space<vmem>>) dst(%dma_wait3A_150 : memref<5128x128xf32, #tpu.memory_space<vmem_shared>>)
          tpu.yield
        }) : () -> ()
      }
      %barrier3A_110 = arith.constant 0 : index
      tpu.barrier barrier_id(%barrier3A_110)
      %mul3A_111 = arith.constant 320 : i32
      %mul3A_112 = arith.muli %arg1, %mul3A_111 : i32
      %mul3A_113 = arith.constant 320 : i32
      %mul3A_114 = arith.muli %arg1, %mul3A_113 : i32
      %add3A_115 = arith.constant 0 : i32
      %add3A_116 = arith.addi %add3A_115, %mul3A_114 : i32
      %run_scoped3A_117 = arith.constant 3 : i32
      "tpu.region"() ({
        %run_scoped3A_119 = tpu.sem_alloc : memref<!tpu.dma_semaphore, #tpu.memory_space<semaphore_mem>>
        %dma_start3A = arith.constant 0 : i32
        %dma_start3A_120 = arith.constant 0 : i32
        %dma_start3A_121 = tpu.memref_slice %arg6[%run_scoped3A_117, %dma_start3A, %dma_start3A_120] : memref<4x10240x128xf32, #tpu.memory_space<hbm>> -> memref<1x10240x128xf32, #tpu.memory_space<hbm>>
        %dma_start3A_122 = tpu.memref_squeeze %dma_start3A_121 : memref<1x10240x128xf32, #tpu.memory_space<hbm>> -> memref<10240x128xf32, #tpu.memory_space<hbm>>
        %dma_start3A_123 = arith.constant 0 : i32
        %dma_start3A_124 = tpu.memref_slice %dma_start3A_122[%add3A_116, %dma_start3A_123] : memref<10240x128xf32, #tpu.memory_space<hbm>> -> memref<320x128xf32, #tpu.memory_space<hbm>>
        %dma_start3A_125 = arith.constant 0 : i32
        %dma_start3A_126 = tpu.memref_slice %arg11[%mul3A_112, %dma_start3A_125] : memref<5128x128xf32, #tpu.memory_space<vmem_shared>> -> memref<320x128xf32, #tpu.memory_space<vmem_shared>>
        tpu.enqueue_dma source(%dma_start3A_126 : memref<320x128xf32, #tpu.memory_space<vmem_shared>>) target(%dma_start3A_124 : memref<320x128xf32, #tpu.memory_space<hbm>>) target_semaphore(%run_scoped3A_119 : memref<!tpu.dma_semaphore, #tpu.memory_space<semaphore_mem>>)
        %dma_wait3A = arith.constant 0 : i32
        %dma_wait3A_127 = arith.constant 0 : i32
        %dma_wait3A_128 = tpu.memref_slice %arg6[%run_scoped3A_117, %dma_wait3A, %dma_wait3A_127] : memref<4x10240x128xf32, #tpu.memory_space<hbm>> -> memref<1x10240x128xf32, #tpu.memory_space<hbm>>
        %dma_wait3A_129 = tpu.memref_squeeze %dma_wait3A_128 : memref<1x10240x128xf32, #tpu.memory_space<hbm>> -> memref<10240x128xf32, #tpu.memory_space<hbm>>
        %dma_wait3A_130 = arith.constant 0 : i32
        %dma_wait3A_131 = tpu.memref_slice %dma_wait3A_129[%add3A_116, %dma_wait3A_130] : memref<10240x128xf32, #tpu.memory_space<hbm>> -> memref<320x128xf32, #tpu.memory_space<hbm>>
        %dma_wait3A_132 = arith.constant 0 : i32
        %dma_wait3A_133 = tpu.memref_slice %arg11[%mul3A_112, %dma_wait3A_132] : memref<5128x128xf32, #tpu.memory_space<vmem_shared>> -> memref<320x128xf32, #tpu.memory_space<vmem_shared>>
        tpu.wait_dma2 semaphore(%run_scoped3A_119 : memref<!tpu.dma_semaphore, #tpu.memory_space<semaphore_mem>>) src(%dma_wait3A_133 : memref<320x128xf32, #tpu.memory_space<vmem_shared>>) dst(%dma_wait3A_131 : memref<320x128xf32, #tpu.memory_space<hbm>>)
        tpu.yield
      }) : () -> ()
      %barrier3A_118 = arith.constant 0 : index
      tpu.barrier barrier_id(%barrier3A_118)
    } else {
    }
    %eq3A_2 = arith.constant 1 : i32
    %eq3A_3 = arith.cmpi eq, %arg0, %eq3A_2 : i32
    %convert_element_type3A_4 = arith.extui %eq3A_3 : i1 to i32
    %cond3A_5 = arith.constant 0 : i32
    %cond3A_6 = arith.cmpi ne, %convert_element_type3A_4, %cond3A_5 : i32
    scf.if %cond3A_6 {
      %run_scoped3A = arith.constant 1 : i32
      "tpu.region"() ({
        %run_scoped3A_119 = tpu.sem_alloc : memref<!tpu.dma_semaphore, #tpu.memory_space<semaphore_mem>>
        %dma_start3A = arith.constant 0 : i32
        %dma_start3A_120 = tpu.memref_slice %arg5[%run_scoped3A, %arg1, %dma_start3A] : memref<2x16x16xi32, #tpu.memory_space<hbm>> -> memref<1x1x16xi32, #tpu.memory_space<hbm>>
        %dma_start3A_121 = tpu.memref_squeeze %dma_start3A_120 : memref<1x1x16xi32, #tpu.memory_space<hbm>> -> memref<16xi32, #tpu.memory_space<hbm>>
        %dma_start3A_122 = arith.constant 0 : i32
        %dma_start3A_123 = tpu.memref_slice %arg5[%run_scoped3A, %arg1, %dma_start3A_122] : memref<2x16x16xi32, #tpu.memory_space<hbm>> -> memref<1x1x16xi32, #tpu.memory_space<hbm>>
        %dma_start3A_124 = tpu.memref_squeeze %dma_start3A_123 : memref<1x1x16xi32, #tpu.memory_space<hbm>> -> memref<16xi32, #tpu.memory_space<hbm>>
        tpu.enqueue_dma source(%dma_start3A_124 : memref<16xi32, #tpu.memory_space<hbm>>) target(%arg10 : memref<16xi32, #tpu.memory_space<vmem>>) target_semaphore(%run_scoped3A_119 : memref<!tpu.dma_semaphore, #tpu.memory_space<semaphore_mem>>)
        %dma_wait3A = arith.constant 0 : i32
        %dma_wait3A_125 = tpu.memref_slice %arg5[%run_scoped3A, %arg1, %dma_wait3A] : memref<2x16x16xi32, #tpu.memory_space<hbm>> -> memref<1x1x16xi32, #tpu.memory_space<hbm>>
        %dma_wait3A_126 = tpu.memref_squeeze %dma_wait3A_125 : memref<1x1x16xi32, #tpu.memory_space<hbm>> -> memref<16xi32, #tpu.memory_space<hbm>>
        %dma_wait3A_127 = arith.constant 0 : i32
        %dma_wait3A_128 = tpu.memref_slice %arg5[%run_scoped3A, %arg1, %dma_wait3A_127] : memref<2x16x16xi32, #tpu.memory_space<hbm>> -> memref<1x1x16xi32, #tpu.memory_space<hbm>>
        %dma_wait3A_129 = tpu.memref_squeeze %dma_wait3A_128 : memref<1x1x16xi32, #tpu.memory_space<hbm>> -> memref<16xi32, #tpu.memory_space<hbm>>
        tpu.wait_dma2 semaphore(%run_scoped3A_119 : memref<!tpu.dma_semaphore, #tpu.memory_space<semaphore_mem>>) src(%dma_wait3A_129 : memref<16xi32, #tpu.memory_space<hbm>>) dst(%arg10 : memref<16xi32, #tpu.memory_space<vmem>>)
        tpu.yield
      }) : () -> ()
      %run_scoped3A_7 = arith.constant 1 : i32
      "tpu.region"() ({
        %run_scoped3A_119 = tpu.sem_alloc : memref<!tpu.dma_semaphore, #tpu.memory_space<semaphore_mem>>
        %dma_start3A = arith.constant 0 : i32
        %dma_start3A_120 = arith.constant 0 : i32
        %dma_start3A_121 = tpu.memref_slice %arg3[%run_scoped3A_7, %arg1, %dma_start3A, %dma_start3A_120] : memref<2x16x157x128xi32, #tpu.memory_space<hbm>> -> memref<1x1x157x128xi32, #tpu.memory_space<hbm>>
        %dma_start3A_122 = tpu.memref_squeeze %dma_start3A_121 : memref<1x1x157x128xi32, #tpu.memory_space<hbm>> -> memref<157x128xi32, #tpu.memory_space<hbm>>
        %dma_start3A_123 = arith.constant 0 : i32
        %dma_start3A_124 = arith.constant 0 : i32
        %dma_start3A_125 = tpu.memref_slice %arg3[%run_scoped3A_7, %arg1, %dma_start3A_123, %dma_start3A_124] : memref<2x16x157x128xi32, #tpu.memory_space<hbm>> -> memref<1x1x157x128xi32, #tpu.memory_space<hbm>>
        %dma_start3A_126 = tpu.memref_squeeze %dma_start3A_125 : memref<1x1x157x128xi32, #tpu.memory_space<hbm>> -> memref<157x128xi32, #tpu.memory_space<hbm>>
        tpu.enqueue_dma source(%dma_start3A_126 : memref<157x128xi32, #tpu.memory_space<hbm>>) target(%arg8 : memref<157x128xi32, #tpu.memory_space<vmem>>) target_semaphore(%run_scoped3A_119 : memref<!tpu.dma_semaphore, #tpu.memory_space<semaphore_mem>>)
        %dma_wait3A = arith.constant 0 : i32
        %dma_wait3A_127 = arith.constant 0 : i32
        %dma_wait3A_128 = tpu.memref_slice %arg3[%run_scoped3A_7, %arg1, %dma_wait3A, %dma_wait3A_127] : memref<2x16x157x128xi32, #tpu.memory_space<hbm>> -> memref<1x1x157x128xi32, #tpu.memory_space<hbm>>
        %dma_wait3A_129 = tpu.memref_squeeze %dma_wait3A_128 : memref<1x1x157x128xi32, #tpu.memory_space<hbm>> -> memref<157x128xi32, #tpu.memory_space<hbm>>
        %dma_wait3A_130 = arith.constant 0 : i32
        %dma_wait3A_131 = arith.constant 0 : i32
        %dma_wait3A_132 = tpu.memref_slice %arg3[%run_scoped3A_7, %arg1, %dma_wait3A_130, %dma_wait3A_131] : memref<2x16x157x128xi32, #tpu.memory_space<hbm>> -> memref<1x1x157x128xi32, #tpu.memory_space<hbm>>
        %dma_wait3A_133 = tpu.memref_squeeze %dma_wait3A_132 : memref<1x1x157x128xi32, #tpu.memory_space<hbm>> -> memref<157x128xi32, #tpu.memory_space<hbm>>
        tpu.wait_dma2 semaphore(%run_scoped3A_119 : memref<!tpu.dma_semaphore, #tpu.memory_space<semaphore_mem>>) src(%dma_wait3A_133 : memref<157x128xi32, #tpu.memory_space<hbm>>) dst(%arg8 : memref<157x128xi32, #tpu.memory_space<vmem>>)
        tpu.yield
      }) : () -> ()
      %run_scoped3A_8 = arith.constant 1 : i32
      "tpu.region"() ({
        %run_scoped3A_119 = tpu.sem_alloc : memref<!tpu.dma_semaphore, #tpu.memory_space<semaphore_mem>>
        %dma_start3A = arith.constant 0 : i32
        %dma_start3A_120 = arith.constant 0 : i32
        %dma_start3A_121 = tpu.memref_slice %arg4[%run_scoped3A_8, %arg1, %dma_start3A, %dma_start3A_120] : memref<2x16x157x128xi32, #tpu.memory_space<hbm>> -> memref<1x1x157x128xi32, #tpu.memory_space<hbm>>
        %dma_start3A_122 = tpu.memref_squeeze %dma_start3A_121 : memref<1x1x157x128xi32, #tpu.memory_space<hbm>> -> memref<157x128xi32, #tpu.memory_space<hbm>>
        %dma_start3A_123 = arith.constant 0 : i32
        %dma_start3A_124 = arith.constant 0 : i32
        %dma_start3A_125 = tpu.memref_slice %arg4[%run_scoped3A_8, %arg1, %dma_start3A_123, %dma_start3A_124] : memref<2x16x157x128xi32, #tpu.memory_space<hbm>> -> memref<1x1x157x128xi32, #tpu.memory_space<hbm>>
        %dma_start3A_126 = tpu.memref_squeeze %dma_start3A_125 : memref<1x1x157x128xi32, #tpu.memory_space<hbm>> -> memref<157x128xi32, #tpu.memory_space<hbm>>
        tpu.enqueue_dma source(%dma_start3A_126 : memref<157x128xi32, #tpu.memory_space<hbm>>) target(%arg9 : memref<157x128xi32, #tpu.memory_space<vmem>>) target_semaphore(%run_scoped3A_119 : memref<!tpu.dma_semaphore, #tpu.memory_space<semaphore_mem>>)
        %dma_wait3A = arith.constant 0 : i32
        %dma_wait3A_127 = arith.constant 0 : i32
        %dma_wait3A_128 = tpu.memref_slice %arg4[%run_scoped3A_8, %arg1, %dma_wait3A, %dma_wait3A_127] : memref<2x16x157x128xi32, #tpu.memory_space<hbm>> -> memref<1x1x157x128xi32, #tpu.memory_space<hbm>>
        %dma_wait3A_129 = tpu.memref_squeeze %dma_wait3A_128 : memref<1x1x157x128xi32, #tpu.memory_space<hbm>> -> memref<157x128xi32, #tpu.memory_space<hbm>>
        %dma_wait3A_130 = arith.constant 0 : i32
        %dma_wait3A_131 = arith.constant 0 : i32
        %dma_wait3A_132 = tpu.memref_slice %arg4[%run_scoped3A_8, %arg1, %dma_wait3A_130, %dma_wait3A_131] : memref<2x16x157x128xi32, #tpu.memory_space<hbm>> -> memref<1x1x157x128xi32, #tpu.memory_space<hbm>>
        %dma_wait3A_133 = tpu.memref_squeeze %dma_wait3A_132 : memref<1x1x157x128xi32, #tpu.memory_space<hbm>> -> memref<157x128xi32, #tpu.memory_space<hbm>>
        tpu.wait_dma2 semaphore(%run_scoped3A_119 : memref<!tpu.dma_semaphore, #tpu.memory_space<semaphore_mem>>) src(%dma_wait3A_133 : memref<157x128xi32, #tpu.memory_space<hbm>>) dst(%arg9 : memref<157x128xi32, #tpu.memory_space<vmem>>)
        tpu.yield
      }) : () -> ()
      %get3A = arith.constant 0 : index
      %get3A_9 = tpu.vector_load %arg10[%get3A] {strides = array<i32>} : memref<16xi32, #tpu.memory_space<vmem>>, vector<16xi32>,
      %get3A_10 = vector.shape_cast %get3A_9 : vector<16xi32> to vector<16xi32>
      %slice3A = vector.extract_strided_slice %get3A_10 {offsets = [0], sizes = [1], strides = [1]} : vector<16xi32> to vector<1xi32>
      %squeeze3A = vector.extract %slice3A[0] : i32 from vector<1xi32>
      %mul3A = arith.constant 320 : i32
      %mul3A_11 = arith.muli %arg1, %mul3A : i32
      %add3A = arith.constant 5120 : i32
      %add3A_12 = arith.addi %add3A, %mul3A_11 : i32
      %mul3A_13 = arith.constant 320 : i32
      %mul3A_14 = arith.muli %arg1, %mul3A_13 : i32
      %run_scoped3A_15 = arith.constant 0 : i32
      "tpu.region"() ({
        %run_scoped3A_119 = tpu.sem_alloc : memref<!tpu.dma_semaphore, #tpu.memory_space<semaphore_mem>>
        %dma_start3A = arith.constant 0 : i32
        %dma_start3A_120 = tpu.memref_slice %arg11[%mul3A_14, %dma_start3A] : memref<5128x128xf32, #tpu.memory_space<vmem_shared>> -> memref<320x128xf32, #tpu.memory_space<vmem_shared>>
        %dma_start3A_121 = arith.constant 0 : i32
        %dma_start3A_122 = arith.constant 0 : i32
        %dma_start3A_123 = tpu.memref_slice %arg2[%run_scoped3A_15, %dma_start3A_121, %dma_start3A_122] : memref<4x10240x128xf32, #tpu.memory_space<hbm>> -> memref<1x10240x128xf32, #tpu.memory_space<hbm>>
        %dma_start3A_124 = tpu.memref_squeeze %dma_start3A_123 : memref<1x10240x128xf32, #tpu.memory_space<hbm>> -> memref<10240x128xf32, #tpu.memory_space<hbm>>
        %dma_start3A_125 = arith.constant 0 : i32
        %dma_start3A_126 = tpu.memref_slice %dma_start3A_124[%add3A_12, %dma_start3A_125] : memref<10240x128xf32, #tpu.memory_space<hbm>> -> memref<320x128xf32, #tpu.memory_space<hbm>>
        tpu.enqueue_dma source(%dma_start3A_126 : memref<320x128xf32, #tpu.memory_space<hbm>>) target(%dma_start3A_120 : memref<320x128xf32, #tpu.memory_space<vmem_shared>>) target_semaphore(%run_scoped3A_119 : memref<!tpu.dma_semaphore, #tpu.memory_space<semaphore_mem>>)
        %dma_wait3A = arith.constant 0 : i32
        %dma_wait3A_127 = tpu.memref_slice %arg11[%mul3A_14, %dma_wait3A] : memref<5128x128xf32, #tpu.memory_space<vmem_shared>> -> memref<320x128xf32, #tpu.memory_space<vmem_shared>>
        %dma_wait3A_128 = arith.constant 0 : i32
        %dma_wait3A_129 = arith.constant 0 : i32
        %dma_wait3A_130 = tpu.memref_slice %arg2[%run_scoped3A_15, %dma_wait3A_128, %dma_wait3A_129] : memref<4x10240x128xf32, #tpu.memory_space<hbm>> -> memref<1x10240x128xf32, #tpu.memory_space<hbm>>
        %dma_wait3A_131 = tpu.memref_squeeze %dma_wait3A_130 : memref<1x10240x128xf32, #tpu.memory_space<hbm>> -> memref<10240x128xf32, #tpu.memory_space<hbm>>
        %dma_wait3A_132 = arith.constant 0 : i32
        %dma_wait3A_133 = tpu.memref_slice %dma_wait3A_131[%add3A_12, %dma_wait3A_132] : memref<10240x128xf32, #tpu.memory_space<hbm>> -> memref<320x128xf32, #tpu.memory_space<hbm>>
        tpu.wait_dma2 semaphore(%run_scoped3A_119 : memref<!tpu.dma_semaphore, #tpu.memory_space<semaphore_mem>>) src(%dma_wait3A_133 : memref<320x128xf32, #tpu.memory_space<hbm>>) dst(%dma_wait3A_127 : memref<320x128xf32, #tpu.memory_space<vmem_shared>>)
        tpu.yield
      }) : () -> ()
      %barrier3A = arith.constant 0 : index
      tpu.barrier barrier_id(%barrier3A)
      %while3A = arith.constant 0 : i32
      %while3A_16 = arith.constant 0 : i32
      %while3A_17 = arith.constant 0 : i32
      %while3A_18 = arith.subi %squeeze3A, %while3A_17 : i32
      %while3A_19 = arith.addi %while3A_17, %while3A_18 : i32
      %while3A_20 = arith.constant 1 : i32
      %while3A_21 = arith.divsi %while3A_18, %while3A_20 : i32
      %while3A_22 = arith.muli %while3A_21, %while3A_20 : i32
      %while3A_23 = arith.addi %while3A_17, %while3A_22 : i32
      %while3A_24 = arith.constant 1 : i32
      scf.for %while3A_119 = %while3A_17 to %while3A_23 step %while3A_24  : i32 {
        %dma_start3A = arith.constant 0 : i32
        %dma_start3A_120 = tpu.memref_slice %arg8[%while3A_119, %dma_start3A] : memref<157x128xi32, #tpu.memory_space<vmem>> -> memref<1x128xi32, #tpu.memory_space<vmem>>
        %dma_start3A_121 = tpu.memref_squeeze %dma_start3A_120 : memref<1x128xi32, #tpu.memory_space<vmem>> -> memref<128xi32, #tpu.memory_space<vmem>>
        %dma_start3A_122 = arith.constant 0 : i32
        %dma_start3A_123 = arith.constant 0 : i32
        %dma_start3A_124 = tpu.memref_slice %arg2[%while3A_16, %dma_start3A_122, %dma_start3A_123] : memref<4x10240x128xf32, #tpu.memory_space<hbm>> -> memref<1x10240x128xf32, #tpu.memory_space<hbm>>
        %dma_start3A_125 = tpu.memref_squeeze %dma_start3A_124 : memref<1x10240x128xf32, #tpu.memory_space<hbm>> -> memref<10240x128xf32, #tpu.memory_space<hbm>>
        %dma_start3A_126 = arith.constant 0 : i32
        %dma_start3A_127 = arith.constant 0 : i32
        %dma_start3A_128 = tpu.memref_slice %dma_start3A_125[%dma_start3A_126, %dma_start3A_127] : memref<10240x128xf32, #tpu.memory_space<hbm>> -> memref<10240x128xf32, #tpu.memory_space<hbm>>
        tpu.enqueue_indirect_dma source(%dma_start3A_128 : memref<10240x128xf32, #tpu.memory_space<hbm>>) target(%arg7 : memref<128x128xf32, #tpu.memory_space<vmem>>) offsets(%dma_start3A_121 : memref<128xi32, #tpu.memory_space<vmem>>) semaphore(%arg12 : memref<!tpu.dma_semaphore, #tpu.memory_space<semaphore_mem>>)
        %dma_wait3A = arith.constant 0 : i32
        %dma_wait3A_129 = tpu.memref_slice %arg8[%while3A_119, %dma_wait3A] : memref<157x128xi32, #tpu.memory_space<vmem>> -> memref<1x128xi32, #tpu.memory_space<vmem>>
        %dma_wait3A_130 = tpu.memref_squeeze %dma_wait3A_129 : memref<1x128xi32, #tpu.memory_space<vmem>> -> memref<128xi32, #tpu.memory_space<vmem>>
        %dma_wait3A_131 = arith.constant 0 : i32
        %dma_wait3A_132 = arith.constant 0 : i32
        %dma_wait3A_133 = tpu.memref_slice %arg2[%while3A_16, %dma_wait3A_131, %dma_wait3A_132] : memref<4x10240x128xf32, #tpu.memory_space<hbm>> -> memref<1x10240x128xf32, #tpu.memory_space<hbm>>
        %dma_wait3A_134 = tpu.memref_squeeze %dma_wait3A_133 : memref<1x10240x128xf32, #tpu.memory_space<hbm>> -> memref<10240x128xf32, #tpu.memory_space<hbm>>
        %dma_wait3A_135 = arith.constant 0 : i32
        %dma_wait3A_136 = arith.constant 0 : i32
        %dma_wait3A_137 = tpu.memref_slice %dma_wait3A_134[%dma_wait3A_135, %dma_wait3A_136] : memref<10240x128xf32, #tpu.memory_space<hbm>> -> memref<10240x128xf32, #tpu.memory_space<hbm>>
        tpu.wait_indirect_dma semaphore(%arg12 : memref<!tpu.dma_semaphore, #tpu.memory_space<semaphore_mem>>) src(%dma_wait3A_137 : memref<10240x128xf32, #tpu.memory_space<hbm>>) dst(%arg7 : memref<128x128xf32, #tpu.memory_space<vmem>>)
        "tpu.region"() ({
          %run_scoped3A_138 = tpu.sem_alloc : memref<!tpu.dma_semaphore, #tpu.memory_space<semaphore_mem>>
          %dma_start3A_139 = arith.constant 0 : i32
          %dma_start3A_140 = tpu.memref_slice %arg9[%while3A_119, %dma_start3A_139] : memref<157x128xi32, #tpu.memory_space<vmem>> -> memref<1x128xi32, #tpu.memory_space<vmem>>
          %dma_start3A_141 = tpu.memref_squeeze %dma_start3A_140 : memref<1x128xi32, #tpu.memory_space<vmem>> -> memref<128xi32, #tpu.memory_space<vmem>>
          %dma_start3A_142 = arith.constant 0 : i32
          %dma_start3A_143 = arith.constant 0 : i32
          %dma_start3A_144 = tpu.memref_slice %arg11[%dma_start3A_142, %dma_start3A_143] : memref<5128x128xf32, #tpu.memory_space<vmem_shared>> -> memref<5128x128xf32, #tpu.memory_space<vmem_shared>>
          tpu.enqueue_indirect_dma source(%arg7 : memref<128x128xf32, #tpu.memory_space<vmem>>) target(%dma_start3A_144 : memref<5128x128xf32, #tpu.memory_space<vmem_shared>>) offsets(%dma_start3A_141 : memref<128xi32, #tpu.memory_space<vmem>>) semaphore(%run_scoped3A_138 : memref<!tpu.dma_semaphore, #tpu.memory_space<semaphore_mem>>) {add = true}
          %dma_wait3A_145 = arith.constant 0 : i32
          %dma_wait3A_146 = tpu.memref_slice %arg9[%while3A_119, %dma_wait3A_145] : memref<157x128xi32, #tpu.memory_space<vmem>> -> memref<1x128xi32, #tpu.memory_space<vmem>>
          %dma_wait3A_147 = tpu.memref_squeeze %dma_wait3A_146 : memref<1x128xi32, #tpu.memory_space<vmem>> -> memref<128xi32, #tpu.memory_space<vmem>>
          %dma_wait3A_148 = arith.constant 0 : i32
          %dma_wait3A_149 = arith.constant 0 : i32
          %dma_wait3A_150 = tpu.memref_slice %arg11[%dma_wait3A_148, %dma_wait3A_149] : memref<5128x128xf32, #tpu.memory_space<vmem_shared>> -> memref<5128x128xf32, #tpu.memory_space<vmem_shared>>
          tpu.wait_indirect_dma semaphore(%run_scoped3A_138 : memref<!tpu.dma_semaphore, #tpu.memory_space<semaphore_mem>>) src(%arg7 : memref<128x128xf32, #tpu.memory_space<vmem>>) dst(%dma_wait3A_150 : memref<5128x128xf32, #tpu.memory_space<vmem_shared>>)
          tpu.yield
        }) : () -> ()
      }
      %while3A_25 = arith.constant 1 : i32
      scf.for %while3A_119 = %while3A_23 to %while3A_19 step %while3A_25  : i32 {
        %dma_start3A = arith.constant 0 : i32
        %dma_start3A_120 = tpu.memref_slice %arg8[%while3A_119, %dma_start3A] : memref<157x128xi32, #tpu.memory_space<vmem>> -> memref<1x128xi32, #tpu.memory_space<vmem>>
        %dma_start3A_121 = tpu.memref_squeeze %dma_start3A_120 : memref<1x128xi32, #tpu.memory_space<vmem>> -> memref<128xi32, #tpu.memory_space<vmem>>
        %dma_start3A_122 = arith.constant 0 : i32
        %dma_start3A_123 = arith.constant 0 : i32
        %dma_start3A_124 = tpu.memref_slice %arg2[%while3A_16, %dma_start3A_122, %dma_start3A_123] : memref<4x10240x128xf32, #tpu.memory_space<hbm>> -> memref<1x10240x128xf32, #tpu.memory_space<hbm>>
        %dma_start3A_125 = tpu.memref_squeeze %dma_start3A_124 : memref<1x10240x128xf32, #tpu.memory_space<hbm>> -> memref<10240x128xf32, #tpu.memory_space<hbm>>
        %dma_start3A_126 = arith.constant 0 : i32
        %dma_start3A_127 = arith.constant 0 : i32
        %dma_start3A_128 = tpu.memref_slice %dma_start3A_125[%dma_start3A_126, %dma_start3A_127] : memref<10240x128xf32, #tpu.memory_space<hbm>> -> memref<10240x128xf32, #tpu.memory_space<hbm>>
        tpu.enqueue_indirect_dma source(%dma_start3A_128 : memref<10240x128xf32, #tpu.memory_space<hbm>>) target(%arg7 : memref<128x128xf32, #tpu.memory_space<vmem>>) offsets(%dma_start3A_121 : memref<128xi32, #tpu.memory_space<vmem>>) semaphore(%arg12 : memref<!tpu.dma_semaphore, #tpu.memory_space<semaphore_mem>>)
        %dma_wait3A = arith.constant 0 : i32
        %dma_wait3A_129 = tpu.memref_slice %arg8[%while3A_119, %dma_wait3A] : memref<157x128xi32, #tpu.memory_space<vmem>> -> memref<1x128xi32, #tpu.memory_space<vmem>>
        %dma_wait3A_130 = tpu.memref_squeeze %dma_wait3A_129 : memref<1x128xi32, #tpu.memory_space<vmem>> -> memref<128xi32, #tpu.memory_space<vmem>>
        %dma_wait3A_131 = arith.constant 0 : i32
        %dma_wait3A_132 = arith.constant 0 : i32
        %dma_wait3A_133 = tpu.memref_slice %arg2[%while3A_16, %dma_wait3A_131, %dma_wait3A_132] : memref<4x10240x128xf32, #tpu.memory_space<hbm>> -> memref<1x10240x128xf32, #tpu.memory_space<hbm>>
        %dma_wait3A_134 = tpu.memref_squeeze %dma_wait3A_133 : memref<1x10240x128xf32, #tpu.memory_space<hbm>> -> memref<10240x128xf32, #tpu.memory_space<hbm>>
        %dma_wait3A_135 = arith.constant 0 : i32
        %dma_wait3A_136 = arith.constant 0 : i32
        %dma_wait3A_137 = tpu.memref_slice %dma_wait3A_134[%dma_wait3A_135, %dma_wait3A_136] : memref<10240x128xf32, #tpu.memory_space<hbm>> -> memref<10240x128xf32, #tpu.memory_space<hbm>>
        tpu.wait_indirect_dma semaphore(%arg12 : memref<!tpu.dma_semaphore, #tpu.memory_space<semaphore_mem>>) src(%dma_wait3A_137 : memref<10240x128xf32, #tpu.memory_space<hbm>>) dst(%arg7 : memref<128x128xf32, #tpu.memory_space<vmem>>)
        "tpu.region"() ({
          %run_scoped3A_138 = tpu.sem_alloc : memref<!tpu.dma_semaphore, #tpu.memory_space<semaphore_mem>>
          %dma_start3A_139 = arith.constant 0 : i32
          %dma_start3A_140 = tpu.memref_slice %arg9[%while3A_119, %dma_start3A_139] : memref<157x128xi32, #tpu.memory_space<vmem>> -> memref<1x128xi32, #tpu.memory_space<vmem>>
          %dma_start3A_141 = tpu.memref_squeeze %dma_start3A_140 : memref<1x128xi32, #tpu.memory_space<vmem>> -> memref<128xi32, #tpu.memory_space<vmem>>
          %dma_start3A_142 = arith.constant 0 : i32
          %dma_start3A_143 = arith.constant 0 : i32
          %dma_start3A_144 = tpu.memref_slice %arg11[%dma_start3A_142, %dma_start3A_143] : memref<5128x128xf32, #tpu.memory_space<vmem_shared>> -> memref<5128x128xf32, #tpu.memory_space<vmem_shared>>
          tpu.enqueue_indirect_dma source(%arg7 : memref<128x128xf32, #tpu.memory_space<vmem>>) target(%dma_start3A_144 : memref<5128x128xf32, #tpu.memory_space<vmem_shared>>) offsets(%dma_start3A_141 : memref<128xi32, #tpu.memory_space<vmem>>) semaphore(%run_scoped3A_138 : memref<!tpu.dma_semaphore, #tpu.memory_space<semaphore_mem>>) {add = true}
          %dma_wait3A_145 = arith.constant 0 : i32
          %dma_wait3A_146 = tpu.memref_slice %arg9[%while3A_119, %dma_wait3A_145] : memref<157x128xi32, #tpu.memory_space<vmem>> -> memref<1x128xi32, #tpu.memory_space<vmem>>
          %dma_wait3A_147 = tpu.memref_squeeze %dma_wait3A_146 : memref<1x128xi32, #tpu.memory_space<vmem>> -> memref<128xi32, #tpu.memory_space<vmem>>
          %dma_wait3A_148 = arith.constant 0 : i32
          %dma_wait3A_149 = arith.constant 0 : i32
          %dma_wait3A_150 = tpu.memref_slice %arg11[%dma_wait3A_148, %dma_wait3A_149] : memref<5128x128xf32, #tpu.memory_space<vmem_shared>> -> memref<5128x128xf32, #tpu.memory_space<vmem_shared>>
          tpu.wait_indirect_dma semaphore(%run_scoped3A_138 : memref<!tpu.dma_semaphore, #tpu.memory_space<semaphore_mem>>) src(%arg7 : memref<128x128xf32, #tpu.memory_space<vmem>>) dst(%dma_wait3A_150 : memref<5128x128xf32, #tpu.memory_space<vmem_shared>>)
          tpu.yield
        }) : () -> ()
      }
      %barrier3A_26 = arith.constant 0 : index
      tpu.barrier barrier_id(%barrier3A_26)
      %mul3A_27 = arith.constant 320 : i32
      %mul3A_28 = arith.muli %arg1, %mul3A_27 : i32
      %mul3A_29 = arith.constant 320 : i32
      %mul3A_30 = arith.muli %arg1, %mul3A_29 : i32
      %add3A_31 = arith.constant 5120 : i32
      %add3A_32 = arith.addi %add3A_31, %mul3A_30 : i32
      %run_scoped3A_33 = arith.constant 0 : i32
      "tpu.region"() ({
        %run_scoped3A_119 = tpu.sem_alloc : memref<!tpu.dma_semaphore, #tpu.memory_space<semaphore_mem>>
        %dma_start3A = arith.constant 0 : i32
        %dma_start3A_120 = arith.constant 0 : i32
        %dma_start3A_121 = tpu.memref_slice %arg6[%run_scoped3A_33, %dma_start3A, %dma_start3A_120] : memref<4x10240x128xf32, #tpu.memory_space<hbm>> -> memref<1x10240x128xf32, #tpu.memory_space<hbm>>
        %dma_start3A_122 = tpu.memref_squeeze %dma_start3A_121 : memref<1x10240x128xf32, #tpu.memory_space<hbm>> -> memref<10240x128xf32, #tpu.memory_space<hbm>>
        %dma_start3A_123 = arith.constant 0 : i32
        %dma_start3A_124 = tpu.memref_slice %dma_start3A_122[%add3A_32, %dma_start3A_123] : memref<10240x128xf32, #tpu.memory_space<hbm>> -> memref<320x128xf32, #tpu.memory_space<hbm>>
        %dma_start3A_125 = arith.constant 0 : i32
        %dma_start3A_126 = tpu.memref_slice %arg11[%mul3A_28, %dma_start3A_125] : memref<5128x128xf32, #tpu.memory_space<vmem_shared>> -> memref<320x128xf32, #tpu.memory_space<vmem_shared>>
        tpu.enqueue_dma source(%dma_start3A_126 : memref<320x128xf32, #tpu.memory_space<vmem_shared>>) target(%dma_start3A_124 : memref<320x128xf32, #tpu.memory_space<hbm>>) target_semaphore(%run_scoped3A_119 : memref<!tpu.dma_semaphore, #tpu.memory_space<semaphore_mem>>)
        %dma_wait3A = arith.constant 0 : i32
        %dma_wait3A_127 = arith.constant 0 : i32
        %dma_wait3A_128 = tpu.memref_slice %arg6[%run_scoped3A_33, %dma_wait3A, %dma_wait3A_127] : memref<4x10240x128xf32, #tpu.memory_space<hbm>> -> memref<1x10240x128xf32, #tpu.memory_space<hbm>>
        %dma_wait3A_129 = tpu.memref_squeeze %dma_wait3A_128 : memref<1x10240x128xf32, #tpu.memory_space<hbm>> -> memref<10240x128xf32, #tpu.memory_space<hbm>>
        %dma_wait3A_130 = arith.constant 0 : i32
        %dma_wait3A_131 = tpu.memref_slice %dma_wait3A_129[%add3A_32, %dma_wait3A_130] : memref<10240x128xf32, #tpu.memory_space<hbm>> -> memref<320x128xf32, #tpu.memory_space<hbm>>
        %dma_wait3A_132 = arith.constant 0 : i32
        %dma_wait3A_133 = tpu.memref_slice %arg11[%mul3A_28, %dma_wait3A_132] : memref<5128x128xf32, #tpu.memory_space<vmem_shared>> -> memref<320x128xf32, #tpu.memory_space<vmem_shared>>
        tpu.wait_dma2 semaphore(%run_scoped3A_119 : memref<!tpu.dma_semaphore, #tpu.memory_space<semaphore_mem>>) src(%dma_wait3A_133 : memref<320x128xf32, #tpu.memory_space<vmem_shared>>) dst(%dma_wait3A_131 : memref<320x128xf32, #tpu.memory_space<hbm>>)
        tpu.yield
      }) : () -> ()
      %barrier3A_34 = arith.constant 0 : index
      tpu.barrier barrier_id(%barrier3A_34)
      %mul3A_35 = arith.constant 320 : i32
      %mul3A_36 = arith.muli %arg1, %mul3A_35 : i32
      %add3A_37 = arith.constant 5120 : i32
      %add3A_38 = arith.addi %add3A_37, %mul3A_36 : i32
      %mul3A_39 = arith.constant 320 : i32
      %mul3A_40 = arith.muli %arg1, %mul3A_39 : i32
      %run_scoped3A_41 = arith.constant 1 : i32
      "tpu.region"() ({
        %run_scoped3A_119 = tpu.sem_alloc : memref<!tpu.dma_semaphore, #tpu.memory_space<semaphore_mem>>
        %dma_start3A = arith.constant 0 : i32
        %dma_start3A_120 = tpu.memref_slice %arg11[%mul3A_40, %dma_start3A] : memref<5128x128xf32, #tpu.memory_space<vmem_shared>> -> memref<320x128xf32, #tpu.memory_space<vmem_shared>>
        %dma_start3A_121 = arith.constant 0 : i32
        %dma_start3A_122 = arith.constant 0 : i32
        %dma_start3A_123 = tpu.memref_slice %arg2[%run_scoped3A_41, %dma_start3A_121, %dma_start3A_122] : memref<4x10240x128xf32, #tpu.memory_space<hbm>> -> memref<1x10240x128xf32, #tpu.memory_space<hbm>>
        %dma_start3A_124 = tpu.memref_squeeze %dma_start3A_123 : memref<1x10240x128xf32, #tpu.memory_space<hbm>> -> memref<10240x128xf32, #tpu.memory_space<hbm>>
        %dma_start3A_125 = arith.constant 0 : i32
        %dma_start3A_126 = tpu.memref_slice %dma_start3A_124[%add3A_38, %dma_start3A_125] : memref<10240x128xf32, #tpu.memory_space<hbm>> -> memref<320x128xf32, #tpu.memory_space<hbm>>
        tpu.enqueue_dma source(%dma_start3A_126 : memref<320x128xf32, #tpu.memory_space<hbm>>) target(%dma_start3A_120 : memref<320x128xf32, #tpu.memory_space<vmem_shared>>) target_semaphore(%run_scoped3A_119 : memref<!tpu.dma_semaphore, #tpu.memory_space<semaphore_mem>>)
        %dma_wait3A = arith.constant 0 : i32
        %dma_wait3A_127 = tpu.memref_slice %arg11[%mul3A_40, %dma_wait3A] : memref<5128x128xf32, #tpu.memory_space<vmem_shared>> -> memref<320x128xf32, #tpu.memory_space<vmem_shared>>
        %dma_wait3A_128 = arith.constant 0 : i32
        %dma_wait3A_129 = arith.constant 0 : i32
        %dma_wait3A_130 = tpu.memref_slice %arg2[%run_scoped3A_41, %dma_wait3A_128, %dma_wait3A_129] : memref<4x10240x128xf32, #tpu.memory_space<hbm>> -> memref<1x10240x128xf32, #tpu.memory_space<hbm>>
        %dma_wait3A_131 = tpu.memref_squeeze %dma_wait3A_130 : memref<1x10240x128xf32, #tpu.memory_space<hbm>> -> memref<10240x128xf32, #tpu.memory_space<hbm>>
        %dma_wait3A_132 = arith.constant 0 : i32
        %dma_wait3A_133 = tpu.memref_slice %dma_wait3A_131[%add3A_38, %dma_wait3A_132] : memref<10240x128xf32, #tpu.memory_space<hbm>> -> memref<320x128xf32, #tpu.memory_space<hbm>>
        tpu.wait_dma2 semaphore(%run_scoped3A_119 : memref<!tpu.dma_semaphore, #tpu.memory_space<semaphore_mem>>) src(%dma_wait3A_133 : memref<320x128xf32, #tpu.memory_space<hbm>>) dst(%dma_wait3A_127 : memref<320x128xf32, #tpu.memory_space<vmem_shared>>)
        tpu.yield
      }) : () -> ()
      %barrier3A_42 = arith.constant 0 : index
      tpu.barrier barrier_id(%barrier3A_42)
      %while3A_43 = arith.constant 0 : i32
      %while3A_44 = arith.constant 1 : i32
      %while3A_45 = arith.constant 0 : i32
      %while3A_46 = arith.subi %squeeze3A, %while3A_45 : i32
      %while3A_47 = arith.addi %while3A_45, %while3A_46 : i32
      %while3A_48 = arith.constant 1 : i32
      %while3A_49 = arith.divsi %while3A_46, %while3A_48 : i32
      %while3A_50 = arith.muli %while3A_49, %while3A_48 : i32
      %while3A_51 = arith.addi %while3A_45, %while3A_50 : i32
      %while3A_52 = arith.constant 1 : i32
      scf.for %while3A_119 = %while3A_45 to %while3A_51 step %while3A_52  : i32 {
        %dma_start3A = arith.constant 0 : i32
        %dma_start3A_120 = tpu.memref_slice %arg8[%while3A_119, %dma_start3A] : memref<157x128xi32, #tpu.memory_space<vmem>> -> memref<1x128xi32, #tpu.memory_space<vmem>>
        %dma_start3A_121 = tpu.memref_squeeze %dma_start3A_120 : memref<1x128xi32, #tpu.memory_space<vmem>> -> memref<128xi32, #tpu.memory_space<vmem>>
        %dma_start3A_122 = arith.constant 0 : i32
        %dma_start3A_123 = arith.constant 0 : i32
        %dma_start3A_124 = tpu.memref_slice %arg2[%while3A_44, %dma_start3A_122, %dma_start3A_123] : memref<4x10240x128xf32, #tpu.memory_space<hbm>> -> memref<1x10240x128xf32, #tpu.memory_space<hbm>>
        %dma_start3A_125 = tpu.memref_squeeze %dma_start3A_124 : memref<1x10240x128xf32, #tpu.memory_space<hbm>> -> memref<10240x128xf32, #tpu.memory_space<hbm>>
        %dma_start3A_126 = arith.constant 0 : i32
        %dma_start3A_127 = arith.constant 0 : i32
        %dma_start3A_128 = tpu.memref_slice %dma_start3A_125[%dma_start3A_126, %dma_start3A_127] : memref<10240x128xf32, #tpu.memory_space<hbm>> -> memref<10240x128xf32, #tpu.memory_space<hbm>>
        tpu.enqueue_indirect_dma source(%dma_start3A_128 : memref<10240x128xf32, #tpu.memory_space<hbm>>) target(%arg7 : memref<128x128xf32, #tpu.memory_space<vmem>>) offsets(%dma_start3A_121 : memref<128xi32, #tpu.memory_space<vmem>>) semaphore(%arg12 : memref<!tpu.dma_semaphore, #tpu.memory_space<semaphore_mem>>)
        %dma_wait3A = arith.constant 0 : i32
        %dma_wait3A_129 = tpu.memref_slice %arg8[%while3A_119, %dma_wait3A] : memref<157x128xi32, #tpu.memory_space<vmem>> -> memref<1x128xi32, #tpu.memory_space<vmem>>
        %dma_wait3A_130 = tpu.memref_squeeze %dma_wait3A_129 : memref<1x128xi32, #tpu.memory_space<vmem>> -> memref<128xi32, #tpu.memory_space<vmem>>
        %dma_wait3A_131 = arith.constant 0 : i32
        %dma_wait3A_132 = arith.constant 0 : i32
        %dma_wait3A_133 = tpu.memref_slice %arg2[%while3A_44, %dma_wait3A_131, %dma_wait3A_132] : memref<4x10240x128xf32, #tpu.memory_space<hbm>> -> memref<1x10240x128xf32, #tpu.memory_space<hbm>>
        %dma_wait3A_134 = tpu.memref_squeeze %dma_wait3A_133 : memref<1x10240x128xf32, #tpu.memory_space<hbm>> -> memref<10240x128xf32, #tpu.memory_space<hbm>>
        %dma_wait3A_135 = arith.constant 0 : i32
        %dma_wait3A_136 = arith.constant 0 : i32
        %dma_wait3A_137 = tpu.memref_slice %dma_wait3A_134[%dma_wait3A_135, %dma_wait3A_136] : memref<10240x128xf32, #tpu.memory_space<hbm>> -> memref<10240x128xf32, #tpu.memory_space<hbm>>
        tpu.wait_indirect_dma semaphore(%arg12 : memref<!tpu.dma_semaphore, #tpu.memory_space<semaphore_mem>>) src(%dma_wait3A_137 : memref<10240x128xf32, #tpu.memory_space<hbm>>) dst(%arg7 : memref<128x128xf32, #tpu.memory_space<vmem>>)
        "tpu.region"() ({
          %run_scoped3A_138 = tpu.sem_alloc : memref<!tpu.dma_semaphore, #tpu.memory_space<semaphore_mem>>
          %dma_start3A_139 = arith.constant 0 : i32
          %dma_start3A_140 = tpu.memref_slice %arg9[%while3A_119, %dma_start3A_139] : memref<157x128xi32, #tpu.memory_space<vmem>> -> memref<1x128xi32, #tpu.memory_space<vmem>>
          %dma_start3A_141 = tpu.memref_squeeze %dma_start3A_140 : memref<1x128xi32, #tpu.memory_space<vmem>> -> memref<128xi32, #tpu.memory_space<vmem>>
          %dma_start3A_142 = arith.constant 0 : i32
          %dma_start3A_143 = arith.constant 0 : i32
          %dma_start3A_144 = tpu.memref_slice %arg11[%dma_start3A_142, %dma_start3A_143] : memref<5128x128xf32, #tpu.memory_space<vmem_shared>> -> memref<5128x128xf32, #tpu.memory_space<vmem_shared>>
          tpu.enqueue_indirect_dma source(%arg7 : memref<128x128xf32, #tpu.memory_space<vmem>>) target(%dma_start3A_144 : memref<5128x128xf32, #tpu.memory_space<vmem_shared>>) offsets(%dma_start3A_141 : memref<128xi32, #tpu.memory_space<vmem>>) semaphore(%run_scoped3A_138 : memref<!tpu.dma_semaphore, #tpu.memory_space<semaphore_mem>>) {add = true}
          %dma_wait3A_145 = arith.constant 0 : i32
          %dma_wait3A_146 = tpu.memref_slice %arg9[%while3A_119, %dma_wait3A_145] : memref<157x128xi32, #tpu.memory_space<vmem>> -> memref<1x128xi32, #tpu.memory_space<vmem>>
          %dma_wait3A_147 = tpu.memref_squeeze %dma_wait3A_146 : memref<1x128xi32, #tpu.memory_space<vmem>> -> memref<128xi32, #tpu.memory_space<vmem>>
          %dma_wait3A_148 = arith.constant 0 : i32
          %dma_wait3A_149 = arith.constant 0 : i32
          %dma_wait3A_150 = tpu.memref_slice %arg11[%dma_wait3A_148, %dma_wait3A_149] : memref<5128x128xf32, #tpu.memory_space<vmem_shared>> -> memref<5128x128xf32, #tpu.memory_space<vmem_shared>>
          tpu.wait_indirect_dma semaphore(%run_scoped3A_138 : memref<!tpu.dma_semaphore, #tpu.memory_space<semaphore_mem>>) src(%arg7 : memref<128x128xf32, #tpu.memory_space<vmem>>) dst(%dma_wait3A_150 : memref<5128x128xf32, #tpu.memory_space<vmem_shared>>)
          tpu.yield
        }) : () -> ()
      }
      %while3A_53 = arith.constant 1 : i32
      scf.for %while3A_119 = %while3A_51 to %while3A_47 step %while3A_53  : i32 {
        %dma_start3A = arith.constant 0 : i32
        %dma_start3A_120 = tpu.memref_slice %arg8[%while3A_119, %dma_start3A] : memref<157x128xi32, #tpu.memory_space<vmem>> -> memref<1x128xi32, #tpu.memory_space<vmem>>
        %dma_start3A_121 = tpu.memref_squeeze %dma_start3A_120 : memref<1x128xi32, #tpu.memory_space<vmem>> -> memref<128xi32, #tpu.memory_space<vmem>>
        %dma_start3A_122 = arith.constant 0 : i32
        %dma_start3A_123 = arith.constant 0 : i32
        %dma_start3A_124 = tpu.memref_slice %arg2[%while3A_44, %dma_start3A_122, %dma_start3A_123] : memref<4x10240x128xf32, #tpu.memory_space<hbm>> -> memref<1x10240x128xf32, #tpu.memory_space<hbm>>
        %dma_start3A_125 = tpu.memref_squeeze %dma_start3A_124 : memref<1x10240x128xf32, #tpu.memory_space<hbm>> -> memref<10240x128xf32, #tpu.memory_space<hbm>>
        %dma_start3A_126 = arith.constant 0 : i32
        %dma_start3A_127 = arith.constant 0 : i32
        %dma_start3A_128 = tpu.memref_slice %dma_start3A_125[%dma_start3A_126, %dma_start3A_127] : memref<10240x128xf32, #tpu.memory_space<hbm>> -> memref<10240x128xf32, #tpu.memory_space<hbm>>
        tpu.enqueue_indirect_dma source(%dma_start3A_128 : memref<10240x128xf32, #tpu.memory_space<hbm>>) target(%arg7 : memref<128x128xf32, #tpu.memory_space<vmem>>) offsets(%dma_start3A_121 : memref<128xi32, #tpu.memory_space<vmem>>) semaphore(%arg12 : memref<!tpu.dma_semaphore, #tpu.memory_space<semaphore_mem>>)
        %dma_wait3A = arith.constant 0 : i32
        %dma_wait3A_129 = tpu.memref_slice %arg8[%while3A_119, %dma_wait3A] : memref<157x128xi32, #tpu.memory_space<vmem>> -> memref<1x128xi32, #tpu.memory_space<vmem>>
        %dma_wait3A_130 = tpu.memref_squeeze %dma_wait3A_129 : memref<1x128xi32, #tpu.memory_space<vmem>> -> memref<128xi32, #tpu.memory_space<vmem>>
        %dma_wait3A_131 = arith.constant 0 : i32
        %dma_wait3A_132 = arith.constant 0 : i32
        %dma_wait3A_133 = tpu.memref_slice %arg2[%while3A_44, %dma_wait3A_131, %dma_wait3A_132] : memref<4x10240x128xf32, #tpu.memory_space<hbm>> -> memref<1x10240x128xf32, #tpu.memory_space<hbm>>
        %dma_wait3A_134 = tpu.memref_squeeze %dma_wait3A_133 : memref<1x10240x128xf32, #tpu.memory_space<hbm>> -> memref<10240x128xf32, #tpu.memory_space<hbm>>
        %dma_wait3A_135 = arith.constant 0 : i32
        %dma_wait3A_136 = arith.constant 0 : i32
        %dma_wait3A_137 = tpu.memref_slice %dma_wait3A_134[%dma_wait3A_135, %dma_wait3A_136] : memref<10240x128xf32, #tpu.memory_space<hbm>> -> memref<10240x128xf32, #tpu.memory_space<hbm>>
        tpu.wait_indirect_dma semaphore(%arg12 : memref<!tpu.dma_semaphore, #tpu.memory_space<semaphore_mem>>) src(%dma_wait3A_137 : memref<10240x128xf32, #tpu.memory_space<hbm>>) dst(%arg7 : memref<128x128xf32, #tpu.memory_space<vmem>>)
        "tpu.region"() ({
          %run_scoped3A_138 = tpu.sem_alloc : memref<!tpu.dma_semaphore, #tpu.memory_space<semaphore_mem>>
          %dma_start3A_139 = arith.constant 0 : i32
          %dma_start3A_140 = tpu.memref_slice %arg9[%while3A_119, %dma_start3A_139] : memref<157x128xi32, #tpu.memory_space<vmem>> -> memref<1x128xi32, #tpu.memory_space<vmem>>
          %dma_start3A_141 = tpu.memref_squeeze %dma_start3A_140 : memref<1x128xi32, #tpu.memory_space<vmem>> -> memref<128xi32, #tpu.memory_space<vmem>>
          %dma_start3A_142 = arith.constant 0 : i32
          %dma_start3A_143 = arith.constant 0 : i32
          %dma_start3A_144 = tpu.memref_slice %arg11[%dma_start3A_142, %dma_start3A_143] : memref<5128x128xf32, #tpu.memory_space<vmem_shared>> -> memref<5128x128xf32, #tpu.memory_space<vmem_shared>>
          tpu.enqueue_indirect_dma source(%arg7 : memref<128x128xf32, #tpu.memory_space<vmem>>) target(%dma_start3A_144 : memref<5128x128xf32, #tpu.memory_space<vmem_shared>>) offsets(%dma_start3A_141 : memref<128xi32, #tpu.memory_space<vmem>>) semaphore(%run_scoped3A_138 : memref<!tpu.dma_semaphore, #tpu.memory_space<semaphore_mem>>) {add = true}
          %dma_wait3A_145 = arith.constant 0 : i32
          %dma_wait3A_146 = tpu.memref_slice %arg9[%while3A_119, %dma_wait3A_145] : memref<157x128xi32, #tpu.memory_space<vmem>> -> memref<1x128xi32, #tpu.memory_space<vmem>>
          %dma_wait3A_147 = tpu.memref_squeeze %dma_wait3A_146 : memref<1x128xi32, #tpu.memory_space<vmem>> -> memref<128xi32, #tpu.memory_space<vmem>>
          %dma_wait3A_148 = arith.constant 0 : i32
          %dma_wait3A_149 = arith.constant 0 : i32
          %dma_wait3A_150 = tpu.memref_slice %arg11[%dma_wait3A_148, %dma_wait3A_149] : memref<5128x128xf32, #tpu.memory_space<vmem_shared>> -> memref<5128x128xf32, #tpu.memory_space<vmem_shared>>
          tpu.wait_indirect_dma semaphore(%run_scoped3A_138 : memref<!tpu.dma_semaphore, #tpu.memory_space<semaphore_mem>>) src(%arg7 : memref<128x128xf32, #tpu.memory_space<vmem>>) dst(%dma_wait3A_150 : memref<5128x128xf32, #tpu.memory_space<vmem_shared>>)
          tpu.yield
        }) : () -> ()
      }
      %barrier3A_54 = arith.constant 0 : index
      tpu.barrier barrier_id(%barrier3A_54)
      %mul3A_55 = arith.constant 320 : i32
      %mul3A_56 = arith.muli %arg1, %mul3A_55 : i32
      %mul3A_57 = arith.constant 320 : i32
      %mul3A_58 = arith.muli %arg1, %mul3A_57 : i32
      %add3A_59 = arith.constant 5120 : i32
      %add3A_60 = arith.addi %add3A_59, %mul3A_58 : i32
      %run_scoped3A_61 = arith.constant 1 : i32
      "tpu.region"() ({
        %run_scoped3A_119 = tpu.sem_alloc : memref<!tpu.dma_semaphore, #tpu.memory_space<semaphore_mem>>
        %dma_start3A = arith.constant 0 : i32
        %dma_start3A_120 = arith.constant 0 : i32
        %dma_start3A_121 = tpu.memref_slice %arg6[%run_scoped3A_61, %dma_start3A, %dma_start3A_120] : memref<4x10240x128xf32, #tpu.memory_space<hbm>> -> memref<1x10240x128xf32, #tpu.memory_space<hbm>>
        %dma_start3A_122 = tpu.memref_squeeze %dma_start3A_121 : memref<1x10240x128xf32, #tpu.memory_space<hbm>> -> memref<10240x128xf32, #tpu.memory_space<hbm>>
        %dma_start3A_123 = arith.constant 0 : i32
        %dma_start3A_124 = tpu.memref_slice %dma_start3A_122[%add3A_60, %dma_start3A_123] : memref<10240x128xf32, #tpu.memory_space<hbm>> -> memref<320x128xf32, #tpu.memory_space<hbm>>
        %dma_start3A_125 = arith.constant 0 : i32
        %dma_start3A_126 = tpu.memref_slice %arg11[%mul3A_56, %dma_start3A_125] : memref<5128x128xf32, #tpu.memory_space<vmem_shared>> -> memref<320x128xf32, #tpu.memory_space<vmem_shared>>
        tpu.enqueue_dma source(%dma_start3A_126 : memref<320x128xf32, #tpu.memory_space<vmem_shared>>) target(%dma_start3A_124 : memref<320x128xf32, #tpu.memory_space<hbm>>) target_semaphore(%run_scoped3A_119 : memref<!tpu.dma_semaphore, #tpu.memory_space<semaphore_mem>>)
        %dma_wait3A = arith.constant 0 : i32
        %dma_wait3A_127 = arith.constant 0 : i32
        %dma_wait3A_128 = tpu.memref_slice %arg6[%run_scoped3A_61, %dma_wait3A, %dma_wait3A_127] : memref<4x10240x128xf32, #tpu.memory_space<hbm>> -> memref<1x10240x128xf32, #tpu.memory_space<hbm>>
        %dma_wait3A_129 = tpu.memref_squeeze %dma_wait3A_128 : memref<1x10240x128xf32, #tpu.memory_space<hbm>> -> memref<10240x128xf32, #tpu.memory_space<hbm>>
        %dma_wait3A_130 = arith.constant 0 : i32
        %dma_wait3A_131 = tpu.memref_slice %dma_wait3A_129[%add3A_60, %dma_wait3A_130] : memref<10240x128xf32, #tpu.memory_space<hbm>> -> memref<320x128xf32, #tpu.memory_space<hbm>>
        %dma_wait3A_132 = arith.constant 0 : i32
        %dma_wait3A_133 = tpu.memref_slice %arg11[%mul3A_56, %dma_wait3A_132] : memref<5128x128xf32, #tpu.memory_space<vmem_shared>> -> memref<320x128xf32, #tpu.memory_space<vmem_shared>>
        tpu.wait_dma2 semaphore(%run_scoped3A_119 : memref<!tpu.dma_semaphore, #tpu.memory_space<semaphore_mem>>) src(%dma_wait3A_133 : memref<320x128xf32, #tpu.memory_space<vmem_shared>>) dst(%dma_wait3A_131 : memref<320x128xf32, #tpu.memory_space<hbm>>)
        tpu.yield
      }) : () -> ()
      %barrier3A_62 = arith.constant 0 : index
      tpu.barrier barrier_id(%barrier3A_62)
      %mul3A_63 = arith.constant 320 : i32
      %mul3A_64 = arith.muli %arg1, %mul3A_63 : i32
      %add3A_65 = arith.constant 5120 : i32
      %add3A_66 = arith.addi %add3A_65, %mul3A_64 : i32
      %mul3A_67 = arith.constant 320 : i32
      %mul3A_68 = arith.muli %arg1, %mul3A_67 : i32
      %run_scoped3A_69 = arith.constant 2 : i32
      "tpu.region"() ({
        %run_scoped3A_119 = tpu.sem_alloc : memref<!tpu.dma_semaphore, #tpu.memory_space<semaphore_mem>>
        %dma_start3A = arith.constant 0 : i32
        %dma_start3A_120 = tpu.memref_slice %arg11[%mul3A_68, %dma_start3A] : memref<5128x128xf32, #tpu.memory_space<vmem_shared>> -> memref<320x128xf32, #tpu.memory_space<vmem_shared>>
        %dma_start3A_121 = arith.constant 0 : i32
        %dma_start3A_122 = arith.constant 0 : i32
        %dma_start3A_123 = tpu.memref_slice %arg2[%run_scoped3A_69, %dma_start3A_121, %dma_start3A_122] : memref<4x10240x128xf32, #tpu.memory_space<hbm>> -> memref<1x10240x128xf32, #tpu.memory_space<hbm>>
        %dma_start3A_124 = tpu.memref_squeeze %dma_start3A_123 : memref<1x10240x128xf32, #tpu.memory_space<hbm>> -> memref<10240x128xf32, #tpu.memory_space<hbm>>
        %dma_start3A_125 = arith.constant 0 : i32
        %dma_start3A_126 = tpu.memref_slice %dma_start3A_124[%add3A_66, %dma_start3A_125] : memref<10240x128xf32, #tpu.memory_space<hbm>> -> memref<320x128xf32, #tpu.memory_space<hbm>>
        tpu.enqueue_dma source(%dma_start3A_126 : memref<320x128xf32, #tpu.memory_space<hbm>>) target(%dma_start3A_120 : memref<320x128xf32, #tpu.memory_space<vmem_shared>>) target_semaphore(%run_scoped3A_119 : memref<!tpu.dma_semaphore, #tpu.memory_space<semaphore_mem>>)
        %dma_wait3A = arith.constant 0 : i32
        %dma_wait3A_127 = tpu.memref_slice %arg11[%mul3A_68, %dma_wait3A] : memref<5128x128xf32, #tpu.memory_space<vmem_shared>> -> memref<320x128xf32, #tpu.memory_space<vmem_shared>>
        %dma_wait3A_128 = arith.constant 0 : i32
        %dma_wait3A_129 = arith.constant 0 : i32
        %dma_wait3A_130 = tpu.memref_slice %arg2[%run_scoped3A_69, %dma_wait3A_128, %dma_wait3A_129] : memref<4x10240x128xf32, #tpu.memory_space<hbm>> -> memref<1x10240x128xf32, #tpu.memory_space<hbm>>
        %dma_wait3A_131 = tpu.memref_squeeze %dma_wait3A_130 : memref<1x10240x128xf32, #tpu.memory_space<hbm>> -> memref<10240x128xf32, #tpu.memory_space<hbm>>
        %dma_wait3A_132 = arith.constant 0 : i32
        %dma_wait3A_133 = tpu.memref_slice %dma_wait3A_131[%add3A_66, %dma_wait3A_132] : memref<10240x128xf32, #tpu.memory_space<hbm>> -> memref<320x128xf32, #tpu.memory_space<hbm>>
        tpu.wait_dma2 semaphore(%run_scoped3A_119 : memref<!tpu.dma_semaphore, #tpu.memory_space<semaphore_mem>>) src(%dma_wait3A_133 : memref<320x128xf32, #tpu.memory_space<hbm>>) dst(%dma_wait3A_127 : memref<320x128xf32, #tpu.memory_space<vmem_shared>>)
        tpu.yield
      }) : () -> ()
      %barrier3A_70 = arith.constant 0 : index
      tpu.barrier barrier_id(%barrier3A_70)
      %while3A_71 = arith.constant 0 : i32
      %while3A_72 = arith.constant 2 : i32
      %while3A_73 = arith.constant 0 : i32
      %while3A_74 = arith.subi %squeeze3A, %while3A_73 : i32
      %while3A_75 = arith.addi %while3A_73, %while3A_74 : i32
      %while3A_76 = arith.constant 1 : i32
      %while3A_77 = arith.divsi %while3A_74, %while3A_76 : i32
      %while3A_78 = arith.muli %while3A_77, %while3A_76 : i32
      %while3A_79 = arith.addi %while3A_73, %while3A_78 : i32
      %while3A_80 = arith.constant 1 : i32
      scf.for %while3A_119 = %while3A_73 to %while3A_79 step %while3A_80  : i32 {
        %dma_start3A = arith.constant 0 : i32
        %dma_start3A_120 = tpu.memref_slice %arg8[%while3A_119, %dma_start3A] : memref<157x128xi32, #tpu.memory_space<vmem>> -> memref<1x128xi32, #tpu.memory_space<vmem>>
        %dma_start3A_121 = tpu.memref_squeeze %dma_start3A_120 : memref<1x128xi32, #tpu.memory_space<vmem>> -> memref<128xi32, #tpu.memory_space<vmem>>
        %dma_start3A_122 = arith.constant 0 : i32
        %dma_start3A_123 = arith.constant 0 : i32
        %dma_start3A_124 = tpu.memref_slice %arg2[%while3A_72, %dma_start3A_122, %dma_start3A_123] : memref<4x10240x128xf32, #tpu.memory_space<hbm>> -> memref<1x10240x128xf32, #tpu.memory_space<hbm>>
        %dma_start3A_125 = tpu.memref_squeeze %dma_start3A_124 : memref<1x10240x128xf32, #tpu.memory_space<hbm>> -> memref<10240x128xf32, #tpu.memory_space<hbm>>
        %dma_start3A_126 = arith.constant 0 : i32
        %dma_start3A_127 = arith.constant 0 : i32
        %dma_start3A_128 = tpu.memref_slice %dma_start3A_125[%dma_start3A_126, %dma_start3A_127] : memref<10240x128xf32, #tpu.memory_space<hbm>> -> memref<10240x128xf32, #tpu.memory_space<hbm>>
        tpu.enqueue_indirect_dma source(%dma_start3A_128 : memref<10240x128xf32, #tpu.memory_space<hbm>>) target(%arg7 : memref<128x128xf32, #tpu.memory_space<vmem>>) offsets(%dma_start3A_121 : memref<128xi32, #tpu.memory_space<vmem>>) semaphore(%arg12 : memref<!tpu.dma_semaphore, #tpu.memory_space<semaphore_mem>>)
        %dma_wait3A = arith.constant 0 : i32
        %dma_wait3A_129 = tpu.memref_slice %arg8[%while3A_119, %dma_wait3A] : memref<157x128xi32, #tpu.memory_space<vmem>> -> memref<1x128xi32, #tpu.memory_space<vmem>>
        %dma_wait3A_130 = tpu.memref_squeeze %dma_wait3A_129 : memref<1x128xi32, #tpu.memory_space<vmem>> -> memref<128xi32, #tpu.memory_space<vmem>>
        %dma_wait3A_131 = arith.constant 0 : i32
        %dma_wait3A_132 = arith.constant 0 : i32
        %dma_wait3A_133 = tpu.memref_slice %arg2[%while3A_72, %dma_wait3A_131, %dma_wait3A_132] : memref<4x10240x128xf32, #tpu.memory_space<hbm>> -> memref<1x10240x128xf32, #tpu.memory_space<hbm>>
        %dma_wait3A_134 = tpu.memref_squeeze %dma_wait3A_133 : memref<1x10240x128xf32, #tpu.memory_space<hbm>> -> memref<10240x128xf32, #tpu.memory_space<hbm>>
        %dma_wait3A_135 = arith.constant 0 : i32
        %dma_wait3A_136 = arith.constant 0 : i32
        %dma_wait3A_137 = tpu.memref_slice %dma_wait3A_134[%dma_wait3A_135, %dma_wait3A_136] : memref<10240x128xf32, #tpu.memory_space<hbm>> -> memref<10240x128xf32, #tpu.memory_space<hbm>>
        tpu.wait_indirect_dma semaphore(%arg12 : memref<!tpu.dma_semaphore, #tpu.memory_space<semaphore_mem>>) src(%dma_wait3A_137 : memref<10240x128xf32, #tpu.memory_space<hbm>>) dst(%arg7 : memref<128x128xf32, #tpu.memory_space<vmem>>)
        "tpu.region"() ({
          %run_scoped3A_138 = tpu.sem_alloc : memref<!tpu.dma_semaphore, #tpu.memory_space<semaphore_mem>>
          %dma_start3A_139 = arith.constant 0 : i32
          %dma_start3A_140 = tpu.memref_slice %arg9[%while3A_119, %dma_start3A_139] : memref<157x128xi32, #tpu.memory_space<vmem>> -> memref<1x128xi32, #tpu.memory_space<vmem>>
          %dma_start3A_141 = tpu.memref_squeeze %dma_start3A_140 : memref<1x128xi32, #tpu.memory_space<vmem>> -> memref<128xi32, #tpu.memory_space<vmem>>
          %dma_start3A_142 = arith.constant 0 : i32
          %dma_start3A_143 = arith.constant 0 : i32
          %dma_start3A_144 = tpu.memref_slice %arg11[%dma_start3A_142, %dma_start3A_143] : memref<5128x128xf32, #tpu.memory_space<vmem_shared>> -> memref<5128x128xf32, #tpu.memory_space<vmem_shared>>
          tpu.enqueue_indirect_dma source(%arg7 : memref<128x128xf32, #tpu.memory_space<vmem>>) target(%dma_start3A_144 : memref<5128x128xf32, #tpu.memory_space<vmem_shared>>) offsets(%dma_start3A_141 : memref<128xi32, #tpu.memory_space<vmem>>) semaphore(%run_scoped3A_138 : memref<!tpu.dma_semaphore, #tpu.memory_space<semaphore_mem>>) {add = true}
          %dma_wait3A_145 = arith.constant 0 : i32
          %dma_wait3A_146 = tpu.memref_slice %arg9[%while3A_119, %dma_wait3A_145] : memref<157x128xi32, #tpu.memory_space<vmem>> -> memref<1x128xi32, #tpu.memory_space<vmem>>
          %dma_wait3A_147 = tpu.memref_squeeze %dma_wait3A_146 : memref<1x128xi32, #tpu.memory_space<vmem>> -> memref<128xi32, #tpu.memory_space<vmem>>
          %dma_wait3A_148 = arith.constant 0 : i32
          %dma_wait3A_149 = arith.constant 0 : i32
          %dma_wait3A_150 = tpu.memref_slice %arg11[%dma_wait3A_148, %dma_wait3A_149] : memref<5128x128xf32, #tpu.memory_space<vmem_shared>> -> memref<5128x128xf32, #tpu.memory_space<vmem_shared>>
          tpu.wait_indirect_dma semaphore(%run_scoped3A_138 : memref<!tpu.dma_semaphore, #tpu.memory_space<semaphore_mem>>) src(%arg7 : memref<128x128xf32, #tpu.memory_space<vmem>>) dst(%dma_wait3A_150 : memref<5128x128xf32, #tpu.memory_space<vmem_shared>>)
          tpu.yield
        }) : () -> ()
      }
      %while3A_81 = arith.constant 1 : i32
      scf.for %while3A_119 = %while3A_79 to %while3A_75 step %while3A_81  : i32 {
        %dma_start3A = arith.constant 0 : i32
        %dma_start3A_120 = tpu.memref_slice %arg8[%while3A_119, %dma_start3A] : memref<157x128xi32, #tpu.memory_space<vmem>> -> memref<1x128xi32, #tpu.memory_space<vmem>>
        %dma_start3A_121 = tpu.memref_squeeze %dma_start3A_120 : memref<1x128xi32, #tpu.memory_space<vmem>> -> memref<128xi32, #tpu.memory_space<vmem>>
        %dma_start3A_122 = arith.constant 0 : i32
        %dma_start3A_123 = arith.constant 0 : i32
        %dma_start3A_124 = tpu.memref_slice %arg2[%while3A_72, %dma_start3A_122, %dma_start3A_123] : memref<4x10240x128xf32, #tpu.memory_space<hbm>> -> memref<1x10240x128xf32, #tpu.memory_space<hbm>>
        %dma_start3A_125 = tpu.memref_squeeze %dma_start3A_124 : memref<1x10240x128xf32, #tpu.memory_space<hbm>> -> memref<10240x128xf32, #tpu.memory_space<hbm>>
        %dma_start3A_126 = arith.constant 0 : i32
        %dma_start3A_127 = arith.constant 0 : i32
        %dma_start3A_128 = tpu.memref_slice %dma_start3A_125[%dma_start3A_126, %dma_start3A_127] : memref<10240x128xf32, #tpu.memory_space<hbm>> -> memref<10240x128xf32, #tpu.memory_space<hbm>>
        tpu.enqueue_indirect_dma source(%dma_start3A_128 : memref<10240x128xf32, #tpu.memory_space<hbm>>) target(%arg7 : memref<128x128xf32, #tpu.memory_space<vmem>>) offsets(%dma_start3A_121 : memref<128xi32, #tpu.memory_space<vmem>>) semaphore(%arg12 : memref<!tpu.dma_semaphore, #tpu.memory_space<semaphore_mem>>)
        %dma_wait3A = arith.constant 0 : i32
        %dma_wait3A_129 = tpu.memref_slice %arg8[%while3A_119, %dma_wait3A] : memref<157x128xi32, #tpu.memory_space<vmem>> -> memref<1x128xi32, #tpu.memory_space<vmem>>
        %dma_wait3A_130 = tpu.memref_squeeze %dma_wait3A_129 : memref<1x128xi32, #tpu.memory_space<vmem>> -> memref<128xi32, #tpu.memory_space<vmem>>
        %dma_wait3A_131 = arith.constant 0 : i32
        %dma_wait3A_132 = arith.constant 0 : i32
        %dma_wait3A_133 = tpu.memref_slice %arg2[%while3A_72, %dma_wait3A_131, %dma_wait3A_132] : memref<4x10240x128xf32, #tpu.memory_space<hbm>> -> memref<1x10240x128xf32, #tpu.memory_space<hbm>>
        %dma_wait3A_134 = tpu.memref_squeeze %dma_wait3A_133 : memref<1x10240x128xf32, #tpu.memory_space<hbm>> -> memref<10240x128xf32, #tpu.memory_space<hbm>>
        %dma_wait3A_135 = arith.constant 0 : i32
        %dma_wait3A_136 = arith.constant 0 : i32
        %dma_wait3A_137 = tpu.memref_slice %dma_wait3A_134[%dma_wait3A_135, %dma_wait3A_136] : memref<10240x128xf32, #tpu.memory_space<hbm>> -> memref<10240x128xf32, #tpu.memory_space<hbm>>
        tpu.wait_indirect_dma semaphore(%arg12 : memref<!tpu.dma_semaphore, #tpu.memory_space<semaphore_mem>>) src(%dma_wait3A_137 : memref<10240x128xf32, #tpu.memory_space<hbm>>) dst(%arg7 : memref<128x128xf32, #tpu.memory_space<vmem>>)
        "tpu.region"() ({
          %run_scoped3A_138 = tpu.sem_alloc : memref<!tpu.dma_semaphore, #tpu.memory_space<semaphore_mem>>
          %dma_start3A_139 = arith.constant 0 : i32
          %dma_start3A_140 = tpu.memref_slice %arg9[%while3A_119, %dma_start3A_139] : memref<157x128xi32, #tpu.memory_space<vmem>> -> memref<1x128xi32, #tpu.memory_space<vmem>>
          %dma_start3A_141 = tpu.memref_squeeze %dma_start3A_140 : memref<1x128xi32, #tpu.memory_space<vmem>> -> memref<128xi32, #tpu.memory_space<vmem>>
          %dma_start3A_142 = arith.constant 0 : i32
          %dma_start3A_143 = arith.constant 0 : i32
          %dma_start3A_144 = tpu.memref_slice %arg11[%dma_start3A_142, %dma_start3A_143] : memref<5128x128xf32, #tpu.memory_space<vmem_shared>> -> memref<5128x128xf32, #tpu.memory_space<vmem_shared>>
          tpu.enqueue_indirect_dma source(%arg7 : memref<128x128xf32, #tpu.memory_space<vmem>>) target(%dma_start3A_144 : memref<5128x128xf32, #tpu.memory_space<vmem_shared>>) offsets(%dma_start3A_141 : memref<128xi32, #tpu.memory_space<vmem>>) semaphore(%run_scoped3A_138 : memref<!tpu.dma_semaphore, #tpu.memory_space<semaphore_mem>>) {add = true}
          %dma_wait3A_145 = arith.constant 0 : i32
          %dma_wait3A_146 = tpu.memref_slice %arg9[%while3A_119, %dma_wait3A_145] : memref<157x128xi32, #tpu.memory_space<vmem>> -> memref<1x128xi32, #tpu.memory_space<vmem>>
          %dma_wait3A_147 = tpu.memref_squeeze %dma_wait3A_146 : memref<1x128xi32, #tpu.memory_space<vmem>> -> memref<128xi32, #tpu.memory_space<vmem>>
          %dma_wait3A_148 = arith.constant 0 : i32
          %dma_wait3A_149 = arith.constant 0 : i32
          %dma_wait3A_150 = tpu.memref_slice %arg11[%dma_wait3A_148, %dma_wait3A_149] : memref<5128x128xf32, #tpu.memory_space<vmem_shared>> -> memref<5128x128xf32, #tpu.memory_space<vmem_shared>>
          tpu.wait_indirect_dma semaphore(%run_scoped3A_138 : memref<!tpu.dma_semaphore, #tpu.memory_space<semaphore_mem>>) src(%arg7 : memref<128x128xf32, #tpu.memory_space<vmem>>) dst(%dma_wait3A_150 : memref<5128x128xf32, #tpu.memory_space<vmem_shared>>)
          tpu.yield
        }) : () -> ()
      }
      %barrier3A_82 = arith.constant 0 : index
      tpu.barrier barrier_id(%barrier3A_82)
      %mul3A_83 = arith.constant 320 : i32
      %mul3A_84 = arith.muli %arg1, %mul3A_83 : i32
      %mul3A_85 = arith.constant 320 : i32
      %mul3A_86 = arith.muli %arg1, %mul3A_85 : i32
      %add3A_87 = arith.constant 5120 : i32
      %add3A_88 = arith.addi %add3A_87, %mul3A_86 : i32
      %run_scoped3A_89 = arith.constant 2 : i32
      "tpu.region"() ({
        %run_scoped3A_119 = tpu.sem_alloc : memref<!tpu.dma_semaphore, #tpu.memory_space<semaphore_mem>>
        %dma_start3A = arith.constant 0 : i32
        %dma_start3A_120 = arith.constant 0 : i32
        %dma_start3A_121 = tpu.memref_slice %arg6[%run_scoped3A_89, %dma_start3A, %dma_start3A_120] : memref<4x10240x128xf32, #tpu.memory_space<hbm>> -> memref<1x10240x128xf32, #tpu.memory_space<hbm>>
        %dma_start3A_122 = tpu.memref_squeeze %dma_start3A_121 : memref<1x10240x128xf32, #tpu.memory_space<hbm>> -> memref<10240x128xf32, #tpu.memory_space<hbm>>
        %dma_start3A_123 = arith.constant 0 : i32
        %dma_start3A_124 = tpu.memref_slice %dma_start3A_122[%add3A_88, %dma_start3A_123] : memref<10240x128xf32, #tpu.memory_space<hbm>> -> memref<320x128xf32, #tpu.memory_space<hbm>>
        %dma_start3A_125 = arith.constant 0 : i32
        %dma_start3A_126 = tpu.memref_slice %arg11[%mul3A_84, %dma_start3A_125] : memref<5128x128xf32, #tpu.memory_space<vmem_shared>> -> memref<320x128xf32, #tpu.memory_space<vmem_shared>>
        tpu.enqueue_dma source(%dma_start3A_126 : memref<320x128xf32, #tpu.memory_space<vmem_shared>>) target(%dma_start3A_124 : memref<320x128xf32, #tpu.memory_space<hbm>>) target_semaphore(%run_scoped3A_119 : memref<!tpu.dma_semaphore, #tpu.memory_space<semaphore_mem>>)
        %dma_wait3A = arith.constant 0 : i32
        %dma_wait3A_127 = arith.constant 0 : i32
        %dma_wait3A_128 = tpu.memref_slice %arg6[%run_scoped3A_89, %dma_wait3A, %dma_wait3A_127] : memref<4x10240x128xf32, #tpu.memory_space<hbm>> -> memref<1x10240x128xf32, #tpu.memory_space<hbm>>
        %dma_wait3A_129 = tpu.memref_squeeze %dma_wait3A_128 : memref<1x10240x128xf32, #tpu.memory_space<hbm>> -> memref<10240x128xf32, #tpu.memory_space<hbm>>
        %dma_wait3A_130 = arith.constant 0 : i32
        %dma_wait3A_131 = tpu.memref_slice %dma_wait3A_129[%add3A_88, %dma_wait3A_130] : memref<10240x128xf32, #tpu.memory_space<hbm>> -> memref<320x128xf32, #tpu.memory_space<hbm>>
        %dma_wait3A_132 = arith.constant 0 : i32
        %dma_wait3A_133 = tpu.memref_slice %arg11[%mul3A_84, %dma_wait3A_132] : memref<5128x128xf32, #tpu.memory_space<vmem_shared>> -> memref<320x128xf32, #tpu.memory_space<vmem_shared>>
        tpu.wait_dma2 semaphore(%run_scoped3A_119 : memref<!tpu.dma_semaphore, #tpu.memory_space<semaphore_mem>>) src(%dma_wait3A_133 : memref<320x128xf32, #tpu.memory_space<vmem_shared>>) dst(%dma_wait3A_131 : memref<320x128xf32, #tpu.memory_space<hbm>>)
        tpu.yield
      }) : () -> ()
      %barrier3A_90 = arith.constant 0 : index
      tpu.barrier barrier_id(%barrier3A_90)
      %mul3A_91 = arith.constant 320 : i32
      %mul3A_92 = arith.muli %arg1, %mul3A_91 : i32
      %add3A_93 = arith.constant 5120 : i32
      %add3A_94 = arith.addi %add3A_93, %mul3A_92 : i32
      %mul3A_95 = arith.constant 320 : i32
      %mul3A_96 = arith.muli %arg1, %mul3A_95 : i32
      %run_scoped3A_97 = arith.constant 3 : i32
      "tpu.region"() ({
        %run_scoped3A_119 = tpu.sem_alloc : memref<!tpu.dma_semaphore, #tpu.memory_space<semaphore_mem>>
        %dma_start3A = arith.constant 0 : i32
        %dma_start3A_120 = tpu.memref_slice %arg11[%mul3A_96, %dma_start3A] : memref<5128x128xf32, #tpu.memory_space<vmem_shared>> -> memref<320x128xf32, #tpu.memory_space<vmem_shared>>
        %dma_start3A_121 = arith.constant 0 : i32
        %dma_start3A_122 = arith.constant 0 : i32
        %dma_start3A_123 = tpu.memref_slice %arg2[%run_scoped3A_97, %dma_start3A_121, %dma_start3A_122] : memref<4x10240x128xf32, #tpu.memory_space<hbm>> -> memref<1x10240x128xf32, #tpu.memory_space<hbm>>
        %dma_start3A_124 = tpu.memref_squeeze %dma_start3A_123 : memref<1x10240x128xf32, #tpu.memory_space<hbm>> -> memref<10240x128xf32, #tpu.memory_space<hbm>>
        %dma_start3A_125 = arith.constant 0 : i32
        %dma_start3A_126 = tpu.memref_slice %dma_start3A_124[%add3A_94, %dma_start3A_125] : memref<10240x128xf32, #tpu.memory_space<hbm>> -> memref<320x128xf32, #tpu.memory_space<hbm>>
        tpu.enqueue_dma source(%dma_start3A_126 : memref<320x128xf32, #tpu.memory_space<hbm>>) target(%dma_start3A_120 : memref<320x128xf32, #tpu.memory_space<vmem_shared>>) target_semaphore(%run_scoped3A_119 : memref<!tpu.dma_semaphore, #tpu.memory_space<semaphore_mem>>)
        %dma_wait3A = arith.constant 0 : i32
        %dma_wait3A_127 = tpu.memref_slice %arg11[%mul3A_96, %dma_wait3A] : memref<5128x128xf32, #tpu.memory_space<vmem_shared>> -> memref<320x128xf32, #tpu.memory_space<vmem_shared>>
        %dma_wait3A_128 = arith.constant 0 : i32
        %dma_wait3A_129 = arith.constant 0 : i32
        %dma_wait3A_130 = tpu.memref_slice %arg2[%run_scoped3A_97, %dma_wait3A_128, %dma_wait3A_129] : memref<4x10240x128xf32, #tpu.memory_space<hbm>> -> memref<1x10240x128xf32, #tpu.memory_space<hbm>>
        %dma_wait3A_131 = tpu.memref_squeeze %dma_wait3A_130 : memref<1x10240x128xf32, #tpu.memory_space<hbm>> -> memref<10240x128xf32, #tpu.memory_space<hbm>>
        %dma_wait3A_132 = arith.constant 0 : i32
        %dma_wait3A_133 = tpu.memref_slice %dma_wait3A_131[%add3A_94, %dma_wait3A_132] : memref<10240x128xf32, #tpu.memory_space<hbm>> -> memref<320x128xf32, #tpu.memory_space<hbm>>
        tpu.wait_dma2 semaphore(%run_scoped3A_119 : memref<!tpu.dma_semaphore, #tpu.memory_space<semaphore_mem>>) src(%dma_wait3A_133 : memref<320x128xf32, #tpu.memory_space<hbm>>) dst(%dma_wait3A_127 : memref<320x128xf32, #tpu.memory_space<vmem_shared>>)
        tpu.yield
      }) : () -> ()
      %barrier3A_98 = arith.constant 0 : index
      tpu.barrier barrier_id(%barrier3A_98)
      %while3A_99 = arith.constant 0 : i32
      %while3A_100 = arith.constant 3 : i32
      %while3A_101 = arith.constant 0 : i32
      %while3A_102 = arith.subi %squeeze3A, %while3A_101 : i32
      %while3A_103 = arith.addi %while3A_101, %while3A_102 : i32
      %while3A_104 = arith.constant 1 : i32
      %while3A_105 = arith.divsi %while3A_102, %while3A_104 : i32
      %while3A_106 = arith.muli %while3A_105, %while3A_104 : i32
      %while3A_107 = arith.addi %while3A_101, %while3A_106 : i32
      %while3A_108 = arith.constant 1 : i32
      scf.for %while3A_119 = %while3A_101 to %while3A_107 step %while3A_108  : i32 {
        %dma_start3A = arith.constant 0 : i32
        %dma_start3A_120 = tpu.memref_slice %arg8[%while3A_119, %dma_start3A] : memref<157x128xi32, #tpu.memory_space<vmem>> -> memref<1x128xi32, #tpu.memory_space<vmem>>
        %dma_start3A_121 = tpu.memref_squeeze %dma_start3A_120 : memref<1x128xi32, #tpu.memory_space<vmem>> -> memref<128xi32, #tpu.memory_space<vmem>>
        %dma_start3A_122 = arith.constant 0 : i32
        %dma_start3A_123 = arith.constant 0 : i32
        %dma_start3A_124 = tpu.memref_slice %arg2[%while3A_100, %dma_start3A_122, %dma_start3A_123] : memref<4x10240x128xf32, #tpu.memory_space<hbm>> -> memref<1x10240x128xf32, #tpu.memory_space<hbm>>
        %dma_start3A_125 = tpu.memref_squeeze %dma_start3A_124 : memref<1x10240x128xf32, #tpu.memory_space<hbm>> -> memref<10240x128xf32, #tpu.memory_space<hbm>>
        %dma_start3A_126 = arith.constant 0 : i32
        %dma_start3A_127 = arith.constant 0 : i32
        %dma_start3A_128 = tpu.memref_slice %dma_start3A_125[%dma_start3A_126, %dma_start3A_127] : memref<10240x128xf32, #tpu.memory_space<hbm>> -> memref<10240x128xf32, #tpu.memory_space<hbm>>
        tpu.enqueue_indirect_dma source(%dma_start3A_128 : memref<10240x128xf32, #tpu.memory_space<hbm>>) target(%arg7 : memref<128x128xf32, #tpu.memory_space<vmem>>) offsets(%dma_start3A_121 : memref<128xi32, #tpu.memory_space<vmem>>) semaphore(%arg12 : memref<!tpu.dma_semaphore, #tpu.memory_space<semaphore_mem>>)
        %dma_wait3A = arith.constant 0 : i32
        %dma_wait3A_129 = tpu.memref_slice %arg8[%while3A_119, %dma_wait3A] : memref<157x128xi32, #tpu.memory_space<vmem>> -> memref<1x128xi32, #tpu.memory_space<vmem>>
        %dma_wait3A_130 = tpu.memref_squeeze %dma_wait3A_129 : memref<1x128xi32, #tpu.memory_space<vmem>> -> memref<128xi32, #tpu.memory_space<vmem>>
        %dma_wait3A_131 = arith.constant 0 : i32
        %dma_wait3A_132 = arith.constant 0 : i32
        %dma_wait3A_133 = tpu.memref_slice %arg2[%while3A_100, %dma_wait3A_131, %dma_wait3A_132] : memref<4x10240x128xf32, #tpu.memory_space<hbm>> -> memref<1x10240x128xf32, #tpu.memory_space<hbm>>
        %dma_wait3A_134 = tpu.memref_squeeze %dma_wait3A_133 : memref<1x10240x128xf32, #tpu.memory_space<hbm>> -> memref<10240x128xf32, #tpu.memory_space<hbm>>
        %dma_wait3A_135 = arith.constant 0 : i32
        %dma_wait3A_136 = arith.constant 0 : i32
        %dma_wait3A_137 = tpu.memref_slice %dma_wait3A_134[%dma_wait3A_135, %dma_wait3A_136] : memref<10240x128xf32, #tpu.memory_space<hbm>> -> memref<10240x128xf32, #tpu.memory_space<hbm>>
        tpu.wait_indirect_dma semaphore(%arg12 : memref<!tpu.dma_semaphore, #tpu.memory_space<semaphore_mem>>) src(%dma_wait3A_137 : memref<10240x128xf32, #tpu.memory_space<hbm>>) dst(%arg7 : memref<128x128xf32, #tpu.memory_space<vmem>>)
        "tpu.region"() ({
          %run_scoped3A_138 = tpu.sem_alloc : memref<!tpu.dma_semaphore, #tpu.memory_space<semaphore_mem>>
          %dma_start3A_139 = arith.constant 0 : i32
          %dma_start3A_140 = tpu.memref_slice %arg9[%while3A_119, %dma_start3A_139] : memref<157x128xi32, #tpu.memory_space<vmem>> -> memref<1x128xi32, #tpu.memory_space<vmem>>
          %dma_start3A_141 = tpu.memref_squeeze %dma_start3A_140 : memref<1x128xi32, #tpu.memory_space<vmem>> -> memref<128xi32, #tpu.memory_space<vmem>>
          %dma_start3A_142 = arith.constant 0 : i32
          %dma_start3A_143 = arith.constant 0 : i32
          %dma_start3A_144 = tpu.memref_slice %arg11[%dma_start3A_142, %dma_start3A_143] : memref<5128x128xf32, #tpu.memory_space<vmem_shared>> -> memref<5128x128xf32, #tpu.memory_space<vmem_shared>>
          tpu.enqueue_indirect_dma source(%arg7 : memref<128x128xf32, #tpu.memory_space<vmem>>) target(%dma_start3A_144 : memref<5128x128xf32, #tpu.memory_space<vmem_shared>>) offsets(%dma_start3A_141 : memref<128xi32, #tpu.memory_space<vmem>>) semaphore(%run_scoped3A_138 : memref<!tpu.dma_semaphore, #tpu.memory_space<semaphore_mem>>) {add = true}
          %dma_wait3A_145 = arith.constant 0 : i32
          %dma_wait3A_146 = tpu.memref_slice %arg9[%while3A_119, %dma_wait3A_145] : memref<157x128xi32, #tpu.memory_space<vmem>> -> memref<1x128xi32, #tpu.memory_space<vmem>>
          %dma_wait3A_147 = tpu.memref_squeeze %dma_wait3A_146 : memref<1x128xi32, #tpu.memory_space<vmem>> -> memref<128xi32, #tpu.memory_space<vmem>>
          %dma_wait3A_148 = arith.constant 0 : i32
          %dma_wait3A_149 = arith.constant 0 : i32
          %dma_wait3A_150 = tpu.memref_slice %arg11[%dma_wait3A_148, %dma_wait3A_149] : memref<5128x128xf32, #tpu.memory_space<vmem_shared>> -> memref<5128x128xf32, #tpu.memory_space<vmem_shared>>
          tpu.wait_indirect_dma semaphore(%run_scoped3A_138 : memref<!tpu.dma_semaphore, #tpu.memory_space<semaphore_mem>>) src(%arg7 : memref<128x128xf32, #tpu.memory_space<vmem>>) dst(%dma_wait3A_150 : memref<5128x128xf32, #tpu.memory_space<vmem_shared>>)
          tpu.yield
        }) : () -> ()
      }
      %while3A_109 = arith.constant 1 : i32
      scf.for %while3A_119 = %while3A_107 to %while3A_103 step %while3A_109  : i32 {
        %dma_start3A = arith.constant 0 : i32
        %dma_start3A_120 = tpu.memref_slice %arg8[%while3A_119, %dma_start3A] : memref<157x128xi32, #tpu.memory_space<vmem>> -> memref<1x128xi32, #tpu.memory_space<vmem>>
        %dma_start3A_121 = tpu.memref_squeeze %dma_start3A_120 : memref<1x128xi32, #tpu.memory_space<vmem>> -> memref<128xi32, #tpu.memory_space<vmem>>
        %dma_start3A_122 = arith.constant 0 : i32
        %dma_start3A_123 = arith.constant 0 : i32
        %dma_start3A_124 = tpu.memref_slice %arg2[%while3A_100, %dma_start3A_122, %dma_start3A_123] : memref<4x10240x128xf32, #tpu.memory_space<hbm>> -> memref<1x10240x128xf32, #tpu.memory_space<hbm>>
        %dma_start3A_125 = tpu.memref_squeeze %dma_start3A_124 : memref<1x10240x128xf32, #tpu.memory_space<hbm>> -> memref<10240x128xf32, #tpu.memory_space<hbm>>
        %dma_start3A_126 = arith.constant 0 : i32
        %dma_start3A_127 = arith.constant 0 : i32
        %dma_start3A_128 = tpu.memref_slice %dma_start3A_125[%dma_start3A_126, %dma_start3A_127] : memref<10240x128xf32, #tpu.memory_space<hbm>> -> memref<10240x128xf32, #tpu.memory_space<hbm>>
        tpu.enqueue_indirect_dma source(%dma_start3A_128 : memref<10240x128xf32, #tpu.memory_space<hbm>>) target(%arg7 : memref<128x128xf32, #tpu.memory_space<vmem>>) offsets(%dma_start3A_121 : memref<128xi32, #tpu.memory_space<vmem>>) semaphore(%arg12 : memref<!tpu.dma_semaphore, #tpu.memory_space<semaphore_mem>>)
        %dma_wait3A = arith.constant 0 : i32
        %dma_wait3A_129 = tpu.memref_slice %arg8[%while3A_119, %dma_wait3A] : memref<157x128xi32, #tpu.memory_space<vmem>> -> memref<1x128xi32, #tpu.memory_space<vmem>>
        %dma_wait3A_130 = tpu.memref_squeeze %dma_wait3A_129 : memref<1x128xi32, #tpu.memory_space<vmem>> -> memref<128xi32, #tpu.memory_space<vmem>>
        %dma_wait3A_131 = arith.constant 0 : i32
        %dma_wait3A_132 = arith.constant 0 : i32
        %dma_wait3A_133 = tpu.memref_slice %arg2[%while3A_100, %dma_wait3A_131, %dma_wait3A_132] : memref<4x10240x128xf32, #tpu.memory_space<hbm>> -> memref<1x10240x128xf32, #tpu.memory_space<hbm>>
        %dma_wait3A_134 = tpu.memref_squeeze %dma_wait3A_133 : memref<1x10240x128xf32, #tpu.memory_space<hbm>> -> memref<10240x128xf32, #tpu.memory_space<hbm>>
        %dma_wait3A_135 = arith.constant 0 : i32
        %dma_wait3A_136 = arith.constant 0 : i32
        %dma_wait3A_137 = tpu.memref_slice %dma_wait3A_134[%dma_wait3A_135, %dma_wait3A_136] : memref<10240x128xf32, #tpu.memory_space<hbm>> -> memref<10240x128xf32, #tpu.memory_space<hbm>>
        tpu.wait_indirect_dma semaphore(%arg12 : memref<!tpu.dma_semaphore, #tpu.memory_space<semaphore_mem>>) src(%dma_wait3A_137 : memref<10240x128xf32, #tpu.memory_space<hbm>>) dst(%arg7 : memref<128x128xf32, #tpu.memory_space<vmem>>)
        "tpu.region"() ({
          %run_scoped3A_138 = tpu.sem_alloc : memref<!tpu.dma_semaphore, #tpu.memory_space<semaphore_mem>>
          %dma_start3A_139 = arith.constant 0 : i32
          %dma_start3A_140 = tpu.memref_slice %arg9[%while3A_119, %dma_start3A_139] : memref<157x128xi32, #tpu.memory_space<vmem>> -> memref<1x128xi32, #tpu.memory_space<vmem>>
          %dma_start3A_141 = tpu.memref_squeeze %dma_start3A_140 : memref<1x128xi32, #tpu.memory_space<vmem>> -> memref<128xi32, #tpu.memory_space<vmem>>
          %dma_start3A_142 = arith.constant 0 : i32
          %dma_start3A_143 = arith.constant 0 : i32
          %dma_start3A_144 = tpu.memref_slice %arg11[%dma_start3A_142, %dma_start3A_143] : memref<5128x128xf32, #tpu.memory_space<vmem_shared>> -> memref<5128x128xf32, #tpu.memory_space<vmem_shared>>
          tpu.enqueue_indirect_dma source(%arg7 : memref<128x128xf32, #tpu.memory_space<vmem>>) target(%dma_start3A_144 : memref<5128x128xf32, #tpu.memory_space<vmem_shared>>) offsets(%dma_start3A_141 : memref<128xi32, #tpu.memory_space<vmem>>) semaphore(%run_scoped3A_138 : memref<!tpu.dma_semaphore, #tpu.memory_space<semaphore_mem>>) {add = true}
          %dma_wait3A_145 = arith.constant 0 : i32
          %dma_wait3A_146 = tpu.memref_slice %arg9[%while3A_119, %dma_wait3A_145] : memref<157x128xi32, #tpu.memory_space<vmem>> -> memref<1x128xi32, #tpu.memory_space<vmem>>
          %dma_wait3A_147 = tpu.memref_squeeze %dma_wait3A_146 : memref<1x128xi32, #tpu.memory_space<vmem>> -> memref<128xi32, #tpu.memory_space<vmem>>
          %dma_wait3A_148 = arith.constant 0 : i32
          %dma_wait3A_149 = arith.constant 0 : i32
          %dma_wait3A_150 = tpu.memref_slice %arg11[%dma_wait3A_148, %dma_wait3A_149] : memref<5128x128xf32, #tpu.memory_space<vmem_shared>> -> memref<5128x128xf32, #tpu.memory_space<vmem_shared>>
          tpu.wait_indirect_dma semaphore(%run_scoped3A_138 : memref<!tpu.dma_semaphore, #tpu.memory_space<semaphore_mem>>) src(%arg7 : memref<128x128xf32, #tpu.memory_space<vmem>>) dst(%dma_wait3A_150 : memref<5128x128xf32, #tpu.memory_space<vmem_shared>>)
          tpu.yield
        }) : () -> ()
      }
      %barrier3A_110 = arith.constant 0 : index
      tpu.barrier barrier_id(%barrier3A_110)
      %mul3A_111 = arith.constant 320 : i32
      %mul3A_112 = arith.muli %arg1, %mul3A_111 : i32
      %mul3A_113 = arith.constant 320 : i32
      %mul3A_114 = arith.muli %arg1, %mul3A_113 : i32
      %add3A_115 = arith.constant 5120 : i32
      %add3A_116 = arith.addi %add3A_115, %mul3A_114 : i32
      %run_scoped3A_117 = arith.constant 3 : i32
      "tpu.region"() ({
        %run_scoped3A_119 = tpu.sem_alloc : memref<!tpu.dma_semaphore, #tpu.memory_space<semaphore_mem>>
        %dma_start3A = arith.constant 0 : i32
        %dma_start3A_120 = arith.constant 0 : i32
        %dma_start3A_121 = tpu.memref_slice %arg6[%run_scoped3A_117, %dma_start3A, %dma_start3A_120] : memref<4x10240x128xf32, #tpu.memory_space<hbm>> -> memref<1x10240x128xf32, #tpu.memory_space<hbm>>
        %dma_start3A_122 = tpu.memref_squeeze %dma_start3A_121 : memref<1x10240x128xf32, #tpu.memory_space<hbm>> -> memref<10240x128xf32, #tpu.memory_space<hbm>>
        %dma_start3A_123 = arith.constant 0 : i32
        %dma_start3A_124 = tpu.memref_slice %dma_start3A_122[%add3A_116, %dma_start3A_123] : memref<10240x128xf32, #tpu.memory_space<hbm>> -> memref<320x128xf32, #tpu.memory_space<hbm>>
        %dma_start3A_125 = arith.constant 0 : i32
        %dma_start3A_126 = tpu.memref_slice %arg11[%mul3A_112, %dma_start3A_125] : memref<5128x128xf32, #tpu.memory_space<vmem_shared>> -> memref<320x128xf32, #tpu.memory_space<vmem_shared>>
        tpu.enqueue_dma source(%dma_start3A_126 : memref<320x128xf32, #tpu.memory_space<vmem_shared>>) target(%dma_start3A_124 : memref<320x128xf32, #tpu.memory_space<hbm>>) target_semaphore(%run_scoped3A_119 : memref<!tpu.dma_semaphore, #tpu.memory_space<semaphore_mem>>)
        %dma_wait3A = arith.constant 0 : i32
        %dma_wait3A_127 = arith.constant 0 : i32
        %dma_wait3A_128 = tpu.memref_slice %arg6[%run_scoped3A_117, %dma_wait3A, %dma_wait3A_127] : memref<4x10240x128xf32, #tpu.memory_space<hbm>> -> memref<1x10240x128xf32, #tpu.memory_space<hbm>>
        %dma_wait3A_129 = tpu.memref_squeeze %dma_wait3A_128 : memref<1x10240x128xf32, #tpu.memory_space<hbm>> -> memref<10240x128xf32, #tpu.memory_space<hbm>>
        %dma_wait3A_130 = arith.constant 0 : i32
        %dma_wait3A_131 = tpu.memref_slice %dma_wait3A_129[%add3A_116, %dma_wait3A_130] : memref<10240x128xf32, #tpu.memory_space<hbm>> -> memref<320x128xf32, #tpu.memory_space<hbm>>
        %dma_wait3A_132 = arith.constant 0 : i32
        %dma_wait3A_133 = tpu.memref_slice %arg11[%mul3A_112, %dma_wait3A_132] : memref<5128x128xf32, #tpu.memory_space<vmem_shared>> -> memref<320x128xf32, #tpu.memory_space<vmem_shared>>
        tpu.wait_dma2 semaphore(%run_scoped3A_119 : memref<!tpu.dma_semaphore, #tpu.memory_space<semaphore_mem>>) src(%dma_wait3A_133 : memref<320x128xf32, #tpu.memory_space<vmem_shared>>) dst(%dma_wait3A_131 : memref<320x128xf32, #tpu.memory_space<hbm>>)
        tpu.yield
      }) : () -> ()
      %barrier3A_118 = arith.constant 0 : index
      tpu.barrier barrier_id(%barrier3A_118)
    } else {
    }
    return
  }
}

#map = affine_map<(d0, d1) -> (0, 0)>
#map1 = affine_map<(d0, d1) -> (0, 0, 0, 0)>
#map2 = affine_map<(d0, d1) -> (0, 0, 0)>
module attributes {stable_mosaic.version = 14 : i64} {
  func.func @_deg_call(%arg0: i32, %arg1: i32, %arg2: memref<5120x128xf32, #tpu.memory_space<hbm>>, %arg3: memref<128x128xf32, #tpu.memory_space<hbm>>, %arg4: memref<2x16x157x128xi32, #tpu.memory_space<hbm>>, %arg5: memref<2x5120x128xf32, #tpu.memory_space<hbm>>, %arg6: memref<128x128xf32, #tpu.memory_space<vmem>>, %arg7: memref<157x128xi32, #tpu.memory_space<vmem>>, %arg8: memref<5128x128xf32, #tpu.memory_space<vmem_shared>>) attributes {dimension_semantics = [#tpu.dimension_semantics<core_parallel>, #tpu.dimension_semantics<subcore_parallel>], iteration_bounds = array<i64: 2, 16>, scalar_prefetch = 0 : i64, scratch_operands = 3 : i64, tpu.core_type = #tpu.core_type<sc_vector_subcore>, window_params = [{transform_indices = #map}, {transform_indices = #map}, {transform_indices = #map1}, {transform_indices = #map2}]} {
    "tpu.region"() ({
      %run_scoped3A = tpu.sem_alloc : memref<!tpu.dma_semaphore, #tpu.memory_space<semaphore_mem>>
      tpu.enqueue_dma source(%arg3 : memref<128x128xf32, #tpu.memory_space<hbm>>) target(%arg6 : memref<128x128xf32, #tpu.memory_space<vmem>>) target_semaphore(%run_scoped3A : memref<!tpu.dma_semaphore, #tpu.memory_space<semaphore_mem>>)
      tpu.wait_dma2 semaphore(%run_scoped3A : memref<!tpu.dma_semaphore, #tpu.memory_space<semaphore_mem>>) src(%arg3 : memref<128x128xf32, #tpu.memory_space<hbm>>) dst(%arg6 : memref<128x128xf32, #tpu.memory_space<vmem>>)
      tpu.yield
    }) : () -> ()
    %eq3A = arith.constant 0 : i32
    %eq3A_0 = arith.cmpi eq, %arg0, %eq3A : i32
    %convert_element_type3A = arith.extui %eq3A_0 : i1 to i32
    %cond3A = arith.constant 0 : i32
    %cond3A_1 = arith.cmpi ne, %convert_element_type3A, %cond3A : i32
    scf.if %cond3A_1 {
      %run_scoped3A = arith.constant 0 : i32
      "tpu.region"() ({
        %run_scoped3A_21 = tpu.sem_alloc : memref<!tpu.dma_semaphore, #tpu.memory_space<semaphore_mem>>
        %dma_start3A = arith.constant 0 : i32
        %dma_start3A_22 = arith.constant 0 : i32
        %dma_start3A_23 = tpu.memref_slice %arg4[%run_scoped3A, %arg1, %dma_start3A, %dma_start3A_22] : memref<2x16x157x128xi32, #tpu.memory_space<hbm>> -> memref<1x1x157x128xi32, #tpu.memory_space<hbm>>
        %dma_start3A_24 = tpu.memref_squeeze %dma_start3A_23 : memref<1x1x157x128xi32, #tpu.memory_space<hbm>> -> memref<157x128xi32, #tpu.memory_space<hbm>>
        %dma_start3A_25 = arith.constant 0 : i32
        %dma_start3A_26 = arith.constant 0 : i32
        %dma_start3A_27 = tpu.memref_slice %arg4[%run_scoped3A, %arg1, %dma_start3A_25, %dma_start3A_26] : memref<2x16x157x128xi32, #tpu.memory_space<hbm>> -> memref<1x1x157x128xi32, #tpu.memory_space<hbm>>
        %dma_start3A_28 = tpu.memref_squeeze %dma_start3A_27 : memref<1x1x157x128xi32, #tpu.memory_space<hbm>> -> memref<157x128xi32, #tpu.memory_space<hbm>>
        tpu.enqueue_dma source(%dma_start3A_28 : memref<157x128xi32, #tpu.memory_space<hbm>>) target(%arg7 : memref<157x128xi32, #tpu.memory_space<vmem>>) target_semaphore(%run_scoped3A_21 : memref<!tpu.dma_semaphore, #tpu.memory_space<semaphore_mem>>)
        %dma_wait3A = arith.constant 0 : i32
        %dma_wait3A_29 = arith.constant 0 : i32
        %dma_wait3A_30 = tpu.memref_slice %arg4[%run_scoped3A, %arg1, %dma_wait3A, %dma_wait3A_29] : memref<2x16x157x128xi32, #tpu.memory_space<hbm>> -> memref<1x1x157x128xi32, #tpu.memory_space<hbm>>
        %dma_wait3A_31 = tpu.memref_squeeze %dma_wait3A_30 : memref<1x1x157x128xi32, #tpu.memory_space<hbm>> -> memref<157x128xi32, #tpu.memory_space<hbm>>
        %dma_wait3A_32 = arith.constant 0 : i32
        %dma_wait3A_33 = arith.constant 0 : i32
        %dma_wait3A_34 = tpu.memref_slice %arg4[%run_scoped3A, %arg1, %dma_wait3A_32, %dma_wait3A_33] : memref<2x16x157x128xi32, #tpu.memory_space<hbm>> -> memref<1x1x157x128xi32, #tpu.memory_space<hbm>>
        %dma_wait3A_35 = tpu.memref_squeeze %dma_wait3A_34 : memref<1x1x157x128xi32, #tpu.memory_space<hbm>> -> memref<157x128xi32, #tpu.memory_space<hbm>>
        tpu.wait_dma2 semaphore(%run_scoped3A_21 : memref<!tpu.dma_semaphore, #tpu.memory_space<semaphore_mem>>) src(%dma_wait3A_35 : memref<157x128xi32, #tpu.memory_space<hbm>>) dst(%arg7 : memref<157x128xi32, #tpu.memory_space<vmem>>)
        tpu.yield
      }) : () -> ()
      %mul3A = arith.constant 320 : i32
      %mul3A_7 = arith.muli %arg1, %mul3A : i32
      %mul3A_8 = arith.constant 320 : i32
      %mul3A_9 = arith.muli %arg1, %mul3A_8 : i32
      "tpu.region"() ({
        %run_scoped3A_21 = tpu.sem_alloc : memref<!tpu.dma_semaphore, #tpu.memory_space<semaphore_mem>>
        %dma_start3A = arith.constant 0 : i32
        %dma_start3A_22 = tpu.memref_slice %arg8[%mul3A_9, %dma_start3A] : memref<5128x128xf32, #tpu.memory_space<vmem_shared>> -> memref<320x128xf32, #tpu.memory_space<vmem_shared>>
        %dma_start3A_23 = arith.constant 0 : i32
        %dma_start3A_24 = tpu.memref_slice %arg2[%mul3A_7, %dma_start3A_23] : memref<5120x128xf32, #tpu.memory_space<hbm>> -> memref<320x128xf32, #tpu.memory_space<hbm>>
        tpu.enqueue_dma source(%dma_start3A_24 : memref<320x128xf32, #tpu.memory_space<hbm>>) target(%dma_start3A_22 : memref<320x128xf32, #tpu.memory_space<vmem_shared>>) target_semaphore(%run_scoped3A_21 : memref<!tpu.dma_semaphore, #tpu.memory_space<semaphore_mem>>)
        %dma_wait3A = arith.constant 0 : i32
        %dma_wait3A_25 = tpu.memref_slice %arg8[%mul3A_9, %dma_wait3A] : memref<5128x128xf32, #tpu.memory_space<vmem_shared>> -> memref<320x128xf32, #tpu.memory_space<vmem_shared>>
        %dma_wait3A_26 = arith.constant 0 : i32
        %dma_wait3A_27 = tpu.memref_slice %arg2[%mul3A_7, %dma_wait3A_26] : memref<5120x128xf32, #tpu.memory_space<hbm>> -> memref<320x128xf32, #tpu.memory_space<hbm>>
        tpu.wait_dma2 semaphore(%run_scoped3A_21 : memref<!tpu.dma_semaphore, #tpu.memory_space<semaphore_mem>>) src(%dma_wait3A_27 : memref<320x128xf32, #tpu.memory_space<hbm>>) dst(%dma_wait3A_25 : memref<320x128xf32, #tpu.memory_space<vmem_shared>>)
        tpu.yield
      }) : () -> ()
      %barrier3A = arith.constant 0 : index
      tpu.barrier barrier_id(%barrier3A)
      %scan3A = arith.constant 0 : i32
      %scan3A_10 = arith.constant 0 : i32
      %scan3A_11 = arith.constant 157 : i32
      %scan3A_12 = arith.addi %scan3A_10, %scan3A_11 : i32
      %scan3A_13 = arith.constant 1 : i32
      scf.for %scan3A_21 = %scan3A_10 to %scan3A_12 step %scan3A_13  : i32 {
        "tpu.region"() ({
          %run_scoped3A_22 = tpu.sem_alloc : memref<!tpu.dma_semaphore, #tpu.memory_space<semaphore_mem>>
          %dma_start3A = arith.constant 0 : i32
          %dma_start3A_23 = tpu.memref_slice %arg7[%scan3A_21, %dma_start3A] : memref<157x128xi32, #tpu.memory_space<vmem>> -> memref<1x128xi32, #tpu.memory_space<vmem>>
          %dma_start3A_24 = tpu.memref_squeeze %dma_start3A_23 : memref<1x128xi32, #tpu.memory_space<vmem>> -> memref<128xi32, #tpu.memory_space<vmem>>
          %dma_start3A_25 = arith.constant 0 : i32
          %dma_start3A_26 = arith.constant 0 : i32
          %dma_start3A_27 = tpu.memref_slice %arg8[%dma_start3A_25, %dma_start3A_26] : memref<5128x128xf32, #tpu.memory_space<vmem_shared>> -> memref<5128x128xf32, #tpu.memory_space<vmem_shared>>
          tpu.enqueue_indirect_dma source(%arg6 : memref<128x128xf32, #tpu.memory_space<vmem>>) target(%dma_start3A_27 : memref<5128x128xf32, #tpu.memory_space<vmem_shared>>) offsets(%dma_start3A_24 : memref<128xi32, #tpu.memory_space<vmem>>) semaphore(%run_scoped3A_22 : memref<!tpu.dma_semaphore, #tpu.memory_space<semaphore_mem>>) {add = true}
          %dma_wait3A = arith.constant 0 : i32
          %dma_wait3A_28 = tpu.memref_slice %arg7[%scan3A_21, %dma_wait3A] : memref<157x128xi32, #tpu.memory_space<vmem>> -> memref<1x128xi32, #tpu.memory_space<vmem>>
          %dma_wait3A_29 = tpu.memref_squeeze %dma_wait3A_28 : memref<1x128xi32, #tpu.memory_space<vmem>> -> memref<128xi32, #tpu.memory_space<vmem>>
          %dma_wait3A_30 = arith.constant 0 : i32
          %dma_wait3A_31 = arith.constant 0 : i32
          %dma_wait3A_32 = tpu.memref_slice %arg8[%dma_wait3A_30, %dma_wait3A_31] : memref<5128x128xf32, #tpu.memory_space<vmem_shared>> -> memref<5128x128xf32, #tpu.memory_space<vmem_shared>>
          tpu.wait_indirect_dma semaphore(%run_scoped3A_22 : memref<!tpu.dma_semaphore, #tpu.memory_space<semaphore_mem>>) src(%arg6 : memref<128x128xf32, #tpu.memory_space<vmem>>) dst(%dma_wait3A_32 : memref<5128x128xf32, #tpu.memory_space<vmem_shared>>)
          tpu.yield
        }) : () -> ()
      }
      %scan3A_14 = arith.constant 157 : i32
      %barrier3A_15 = arith.constant 0 : index
      tpu.barrier barrier_id(%barrier3A_15)
      %mul3A_16 = arith.constant 320 : i32
      %mul3A_17 = arith.muli %arg1, %mul3A_16 : i32
      %mul3A_18 = arith.constant 320 : i32
      %mul3A_19 = arith.muli %arg1, %mul3A_18 : i32
      %run_scoped3A_20 = arith.constant 0 : i32
      "tpu.region"() ({
        %run_scoped3A_21 = tpu.sem_alloc : memref<!tpu.dma_semaphore, #tpu.memory_space<semaphore_mem>>
        %dma_start3A = arith.constant 0 : i32
        %dma_start3A_22 = arith.constant 0 : i32
        %dma_start3A_23 = tpu.memref_slice %arg5[%run_scoped3A_20, %dma_start3A, %dma_start3A_22] : memref<2x5120x128xf32, #tpu.memory_space<hbm>> -> memref<1x5120x128xf32, #tpu.memory_space<hbm>>
        %dma_start3A_24 = tpu.memref_squeeze %dma_start3A_23 : memref<1x5120x128xf32, #tpu.memory_space<hbm>> -> memref<5120x128xf32, #tpu.memory_space<hbm>>
        %dma_start3A_25 = arith.constant 0 : i32
        %dma_start3A_26 = tpu.memref_slice %dma_start3A_24[%mul3A_19, %dma_start3A_25] : memref<5120x128xf32, #tpu.memory_space<hbm>> -> memref<320x128xf32, #tpu.memory_space<hbm>>
        %dma_start3A_27 = arith.constant 0 : i32
        %dma_start3A_28 = tpu.memref_slice %arg8[%mul3A_17, %dma_start3A_27] : memref<5128x128xf32, #tpu.memory_space<vmem_shared>> -> memref<320x128xf32, #tpu.memory_space<vmem_shared>>
        tpu.enqueue_dma source(%dma_start3A_28 : memref<320x128xf32, #tpu.memory_space<vmem_shared>>) target(%dma_start3A_26 : memref<320x128xf32, #tpu.memory_space<hbm>>) target_semaphore(%run_scoped3A_21 : memref<!tpu.dma_semaphore, #tpu.memory_space<semaphore_mem>>)
        %dma_wait3A = arith.constant 0 : i32
        %dma_wait3A_29 = arith.constant 0 : i32
        %dma_wait3A_30 = tpu.memref_slice %arg5[%run_scoped3A_20, %dma_wait3A, %dma_wait3A_29] : memref<2x5120x128xf32, #tpu.memory_space<hbm>> -> memref<1x5120x128xf32, #tpu.memory_space<hbm>>
        %dma_wait3A_31 = tpu.memref_squeeze %dma_wait3A_30 : memref<1x5120x128xf32, #tpu.memory_space<hbm>> -> memref<5120x128xf32, #tpu.memory_space<hbm>>
        %dma_wait3A_32 = arith.constant 0 : i32
        %dma_wait3A_33 = tpu.memref_slice %dma_wait3A_31[%mul3A_19, %dma_wait3A_32] : memref<5120x128xf32, #tpu.memory_space<hbm>> -> memref<320x128xf32, #tpu.memory_space<hbm>>
        %dma_wait3A_34 = arith.constant 0 : i32
        %dma_wait3A_35 = tpu.memref_slice %arg8[%mul3A_17, %dma_wait3A_34] : memref<5128x128xf32, #tpu.memory_space<vmem_shared>> -> memref<320x128xf32, #tpu.memory_space<vmem_shared>>
        tpu.wait_dma2 semaphore(%run_scoped3A_21 : memref<!tpu.dma_semaphore, #tpu.memory_space<semaphore_mem>>) src(%dma_wait3A_35 : memref<320x128xf32, #tpu.memory_space<vmem_shared>>) dst(%dma_wait3A_33 : memref<320x128xf32, #tpu.memory_space<hbm>>)
        tpu.yield
      }) : () -> ()
    } else {
    }
    %eq3A_2 = arith.constant 1 : i32
    %eq3A_3 = arith.cmpi eq, %arg0, %eq3A_2 : i32
    %convert_element_type3A_4 = arith.extui %eq3A_3 : i1 to i32
    %cond3A_5 = arith.constant 0 : i32
    %cond3A_6 = arith.cmpi ne, %convert_element_type3A_4, %cond3A_5 : i32
    scf.if %cond3A_6 {
      %run_scoped3A = arith.constant 1 : i32
      "tpu.region"() ({
        %run_scoped3A_21 = tpu.sem_alloc : memref<!tpu.dma_semaphore, #tpu.memory_space<semaphore_mem>>
        %dma_start3A = arith.constant 0 : i32
        %dma_start3A_22 = arith.constant 0 : i32
        %dma_start3A_23 = tpu.memref_slice %arg4[%run_scoped3A, %arg1, %dma_start3A, %dma_start3A_22] : memref<2x16x157x128xi32, #tpu.memory_space<hbm>> -> memref<1x1x157x128xi32, #tpu.memory_space<hbm>>
        %dma_start3A_24 = tpu.memref_squeeze %dma_start3A_23 : memref<1x1x157x128xi32, #tpu.memory_space<hbm>> -> memref<157x128xi32, #tpu.memory_space<hbm>>
        %dma_start3A_25 = arith.constant 0 : i32
        %dma_start3A_26 = arith.constant 0 : i32
        %dma_start3A_27 = tpu.memref_slice %arg4[%run_scoped3A, %arg1, %dma_start3A_25, %dma_start3A_26] : memref<2x16x157x128xi32, #tpu.memory_space<hbm>> -> memref<1x1x157x128xi32, #tpu.memory_space<hbm>>
        %dma_start3A_28 = tpu.memref_squeeze %dma_start3A_27 : memref<1x1x157x128xi32, #tpu.memory_space<hbm>> -> memref<157x128xi32, #tpu.memory_space<hbm>>
        tpu.enqueue_dma source(%dma_start3A_28 : memref<157x128xi32, #tpu.memory_space<hbm>>) target(%arg7 : memref<157x128xi32, #tpu.memory_space<vmem>>) target_semaphore(%run_scoped3A_21 : memref<!tpu.dma_semaphore, #tpu.memory_space<semaphore_mem>>)
        %dma_wait3A = arith.constant 0 : i32
        %dma_wait3A_29 = arith.constant 0 : i32
        %dma_wait3A_30 = tpu.memref_slice %arg4[%run_scoped3A, %arg1, %dma_wait3A, %dma_wait3A_29] : memref<2x16x157x128xi32, #tpu.memory_space<hbm>> -> memref<1x1x157x128xi32, #tpu.memory_space<hbm>>
        %dma_wait3A_31 = tpu.memref_squeeze %dma_wait3A_30 : memref<1x1x157x128xi32, #tpu.memory_space<hbm>> -> memref<157x128xi32, #tpu.memory_space<hbm>>
        %dma_wait3A_32 = arith.constant 0 : i32
        %dma_wait3A_33 = arith.constant 0 : i32
        %dma_wait3A_34 = tpu.memref_slice %arg4[%run_scoped3A, %arg1, %dma_wait3A_32, %dma_wait3A_33] : memref<2x16x157x128xi32, #tpu.memory_space<hbm>> -> memref<1x1x157x128xi32, #tpu.memory_space<hbm>>
        %dma_wait3A_35 = tpu.memref_squeeze %dma_wait3A_34 : memref<1x1x157x128xi32, #tpu.memory_space<hbm>> -> memref<157x128xi32, #tpu.memory_space<hbm>>
        tpu.wait_dma2 semaphore(%run_scoped3A_21 : memref<!tpu.dma_semaphore, #tpu.memory_space<semaphore_mem>>) src(%dma_wait3A_35 : memref<157x128xi32, #tpu.memory_space<hbm>>) dst(%arg7 : memref<157x128xi32, #tpu.memory_space<vmem>>)
        tpu.yield
      }) : () -> ()
      %mul3A = arith.constant 320 : i32
      %mul3A_7 = arith.muli %arg1, %mul3A : i32
      %mul3A_8 = arith.constant 320 : i32
      %mul3A_9 = arith.muli %arg1, %mul3A_8 : i32
      "tpu.region"() ({
        %run_scoped3A_21 = tpu.sem_alloc : memref<!tpu.dma_semaphore, #tpu.memory_space<semaphore_mem>>
        %dma_start3A = arith.constant 0 : i32
        %dma_start3A_22 = tpu.memref_slice %arg8[%mul3A_9, %dma_start3A] : memref<5128x128xf32, #tpu.memory_space<vmem_shared>> -> memref<320x128xf32, #tpu.memory_space<vmem_shared>>
        %dma_start3A_23 = arith.constant 0 : i32
        %dma_start3A_24 = tpu.memref_slice %arg2[%mul3A_7, %dma_start3A_23] : memref<5120x128xf32, #tpu.memory_space<hbm>> -> memref<320x128xf32, #tpu.memory_space<hbm>>
        tpu.enqueue_dma source(%dma_start3A_24 : memref<320x128xf32, #tpu.memory_space<hbm>>) target(%dma_start3A_22 : memref<320x128xf32, #tpu.memory_space<vmem_shared>>) target_semaphore(%run_scoped3A_21 : memref<!tpu.dma_semaphore, #tpu.memory_space<semaphore_mem>>)
        %dma_wait3A = arith.constant 0 : i32
        %dma_wait3A_25 = tpu.memref_slice %arg8[%mul3A_9, %dma_wait3A] : memref<5128x128xf32, #tpu.memory_space<vmem_shared>> -> memref<320x128xf32, #tpu.memory_space<vmem_shared>>
        %dma_wait3A_26 = arith.constant 0 : i32
        %dma_wait3A_27 = tpu.memref_slice %arg2[%mul3A_7, %dma_wait3A_26] : memref<5120x128xf32, #tpu.memory_space<hbm>> -> memref<320x128xf32, #tpu.memory_space<hbm>>
        tpu.wait_dma2 semaphore(%run_scoped3A_21 : memref<!tpu.dma_semaphore, #tpu.memory_space<semaphore_mem>>) src(%dma_wait3A_27 : memref<320x128xf32, #tpu.memory_space<hbm>>) dst(%dma_wait3A_25 : memref<320x128xf32, #tpu.memory_space<vmem_shared>>)
        tpu.yield
      }) : () -> ()
      %barrier3A = arith.constant 0 : index
      tpu.barrier barrier_id(%barrier3A)
      %scan3A = arith.constant 0 : i32
      %scan3A_10 = arith.constant 0 : i32
      %scan3A_11 = arith.constant 157 : i32
      %scan3A_12 = arith.addi %scan3A_10, %scan3A_11 : i32
      %scan3A_13 = arith.constant 1 : i32
      scf.for %scan3A_21 = %scan3A_10 to %scan3A_12 step %scan3A_13  : i32 {
        "tpu.region"() ({
          %run_scoped3A_22 = tpu.sem_alloc : memref<!tpu.dma_semaphore, #tpu.memory_space<semaphore_mem>>
          %dma_start3A = arith.constant 0 : i32
          %dma_start3A_23 = tpu.memref_slice %arg7[%scan3A_21, %dma_start3A] : memref<157x128xi32, #tpu.memory_space<vmem>> -> memref<1x128xi32, #tpu.memory_space<vmem>>
          %dma_start3A_24 = tpu.memref_squeeze %dma_start3A_23 : memref<1x128xi32, #tpu.memory_space<vmem>> -> memref<128xi32, #tpu.memory_space<vmem>>
          %dma_start3A_25 = arith.constant 0 : i32
          %dma_start3A_26 = arith.constant 0 : i32
          %dma_start3A_27 = tpu.memref_slice %arg8[%dma_start3A_25, %dma_start3A_26] : memref<5128x128xf32, #tpu.memory_space<vmem_shared>> -> memref<5128x128xf32, #tpu.memory_space<vmem_shared>>
          tpu.enqueue_indirect_dma source(%arg6 : memref<128x128xf32, #tpu.memory_space<vmem>>) target(%dma_start3A_27 : memref<5128x128xf32, #tpu.memory_space<vmem_shared>>) offsets(%dma_start3A_24 : memref<128xi32, #tpu.memory_space<vmem>>) semaphore(%run_scoped3A_22 : memref<!tpu.dma_semaphore, #tpu.memory_space<semaphore_mem>>) {add = true}
          %dma_wait3A = arith.constant 0 : i32
          %dma_wait3A_28 = tpu.memref_slice %arg7[%scan3A_21, %dma_wait3A] : memref<157x128xi32, #tpu.memory_space<vmem>> -> memref<1x128xi32, #tpu.memory_space<vmem>>
          %dma_wait3A_29 = tpu.memref_squeeze %dma_wait3A_28 : memref<1x128xi32, #tpu.memory_space<vmem>> -> memref<128xi32, #tpu.memory_space<vmem>>
          %dma_wait3A_30 = arith.constant 0 : i32
          %dma_wait3A_31 = arith.constant 0 : i32
          %dma_wait3A_32 = tpu.memref_slice %arg8[%dma_wait3A_30, %dma_wait3A_31] : memref<5128x128xf32, #tpu.memory_space<vmem_shared>> -> memref<5128x128xf32, #tpu.memory_space<vmem_shared>>
          tpu.wait_indirect_dma semaphore(%run_scoped3A_22 : memref<!tpu.dma_semaphore, #tpu.memory_space<semaphore_mem>>) src(%arg6 : memref<128x128xf32, #tpu.memory_space<vmem>>) dst(%dma_wait3A_32 : memref<5128x128xf32, #tpu.memory_space<vmem_shared>>)
          tpu.yield
        }) : () -> ()
      }
      %scan3A_14 = arith.constant 157 : i32
      %barrier3A_15 = arith.constant 0 : index
      tpu.barrier barrier_id(%barrier3A_15)
      %mul3A_16 = arith.constant 320 : i32
      %mul3A_17 = arith.muli %arg1, %mul3A_16 : i32
      %mul3A_18 = arith.constant 320 : i32
      %mul3A_19 = arith.muli %arg1, %mul3A_18 : i32
      %run_scoped3A_20 = arith.constant 1 : i32
      "tpu.region"() ({
        %run_scoped3A_21 = tpu.sem_alloc : memref<!tpu.dma_semaphore, #tpu.memory_space<semaphore_mem>>
        %dma_start3A = arith.constant 0 : i32
        %dma_start3A_22 = arith.constant 0 : i32
        %dma_start3A_23 = tpu.memref_slice %arg5[%run_scoped3A_20, %dma_start3A, %dma_start3A_22] : memref<2x5120x128xf32, #tpu.memory_space<hbm>> -> memref<1x5120x128xf32, #tpu.memory_space<hbm>>
        %dma_start3A_24 = tpu.memref_squeeze %dma_start3A_23 : memref<1x5120x128xf32, #tpu.memory_space<hbm>> -> memref<5120x128xf32, #tpu.memory_space<hbm>>
        %dma_start3A_25 = arith.constant 0 : i32
        %dma_start3A_26 = tpu.memref_slice %dma_start3A_24[%mul3A_19, %dma_start3A_25] : memref<5120x128xf32, #tpu.memory_space<hbm>> -> memref<320x128xf32, #tpu.memory_space<hbm>>
        %dma_start3A_27 = arith.constant 0 : i32
        %dma_start3A_28 = tpu.memref_slice %arg8[%mul3A_17, %dma_start3A_27] : memref<5128x128xf32, #tpu.memory_space<vmem_shared>> -> memref<320x128xf32, #tpu.memory_space<vmem_shared>>
        tpu.enqueue_dma source(%dma_start3A_28 : memref<320x128xf32, #tpu.memory_space<vmem_shared>>) target(%dma_start3A_26 : memref<320x128xf32, #tpu.memory_space<hbm>>) target_semaphore(%run_scoped3A_21 : memref<!tpu.dma_semaphore, #tpu.memory_space<semaphore_mem>>)
        %dma_wait3A = arith.constant 0 : i32
        %dma_wait3A_29 = arith.constant 0 : i32
        %dma_wait3A_30 = tpu.memref_slice %arg5[%run_scoped3A_20, %dma_wait3A, %dma_wait3A_29] : memref<2x5120x128xf32, #tpu.memory_space<hbm>> -> memref<1x5120x128xf32, #tpu.memory_space<hbm>>
        %dma_wait3A_31 = tpu.memref_squeeze %dma_wait3A_30 : memref<1x5120x128xf32, #tpu.memory_space<hbm>> -> memref<5120x128xf32, #tpu.memory_space<hbm>>
        %dma_wait3A_32 = arith.constant 0 : i32
        %dma_wait3A_33 = tpu.memref_slice %dma_wait3A_31[%mul3A_19, %dma_wait3A_32] : memref<5120x128xf32, #tpu.memory_space<hbm>> -> memref<320x128xf32, #tpu.memory_space<hbm>>
        %dma_wait3A_34 = arith.constant 0 : i32
        %dma_wait3A_35 = tpu.memref_slice %arg8[%mul3A_17, %dma_wait3A_34] : memref<5128x128xf32, #tpu.memory_space<vmem_shared>> -> memref<320x128xf32, #tpu.memory_space<vmem_shared>>
        tpu.wait_dma2 semaphore(%run_scoped3A_21 : memref<!tpu.dma_semaphore, #tpu.memory_space<semaphore_mem>>) src(%dma_wait3A_35 : memref<320x128xf32, #tpu.memory_space<vmem_shared>>) dst(%dma_wait3A_33 : memref<320x128xf32, #tpu.memory_space<hbm>>)
        tpu.yield
      }) : () -> ()
    } else {
    }
    return
  }
}

#map = affine_map<(d0, d1) -> (0, 0, 0)>
#map1 = affine_map<(d0, d1) -> (0, 0, 0, 0)>
module attributes {stable_mosaic.version = 14 : i64} {
  func.func @_agg_call(%arg0: i32, %arg1: i32, %arg2: memref<4x10240x128xf32, #tpu.memory_space<hbm>>, %arg3: memref<2x16x157x128xi32, #tpu.memory_space<hbm>>, %arg4: memref<2x16x157x128xi32, #tpu.memory_space<hbm>>, %arg5: memref<2x16x16xi32, #tpu.memory_space<hbm>>, %arg6: memref<4x10240x128xf32, #tpu.memory_space<hbm>>, %arg7: memref<128x128xf32, #tpu.memory_space<vmem>>, %arg8: memref<157x128xi32, #tpu.memory_space<vmem>>, %arg9: memref<157x128xi32, #tpu.memory_space<vmem>>, %arg10: memref<16xi32, #tpu.memory_space<vmem>>, %arg11: memref<5128x128xf32, #tpu.memory_space<vmem_shared>>, %arg12: memref<!tpu.dma_semaphore, #tpu.memory_space<semaphore_mem>>) attributes {dimension_semantics = [#tpu.dimension_semantics<core_parallel>, #tpu.dimension_semantics<subcore_parallel>], iteration_bounds = array<i64: 2, 16>, scalar_prefetch = 0 : i64, scratch_operands = 6 : i64, tpu.core_type = #tpu.core_type<sc_vector_subcore>, window_params = [{transform_indices = #map}, {transform_indices = #map1}, {transform_indices = #map1}, {transform_indices = #map}, {transform_indices = #map}]} {
    %eq3A = arith.constant 0 : i32
    %eq3A_0 = arith.cmpi eq, %arg0, %eq3A : i32
    %convert_element_type3A = arith.extui %eq3A_0 : i1 to i32
    %cond3A = arith.constant 0 : i32
    %cond3A_1 = arith.cmpi ne, %convert_element_type3A, %cond3A : i32
    scf.if %cond3A_1 {
      %run_scoped3A = arith.constant 0 : i32
      "tpu.region"() ({
        %run_scoped3A_119 = tpu.sem_alloc : memref<!tpu.dma_semaphore, #tpu.memory_space<semaphore_mem>>
        %dma_start3A = arith.constant 0 : i32
        %dma_start3A_120 = tpu.memref_slice %arg5[%run_scoped3A, %arg1, %dma_start3A] : memref<2x16x16xi32, #tpu.memory_space<hbm>> -> memref<1x1x16xi32, #tpu.memory_space<hbm>>
        %dma_start3A_121 = tpu.memref_squeeze %dma_start3A_120 : memref<1x1x16xi32, #tpu.memory_space<hbm>> -> memref<16xi32, #tpu.memory_space<hbm>>
        %dma_start3A_122 = arith.constant 0 : i32
        %dma_start3A_123 = tpu.memref_slice %arg5[%run_scoped3A, %arg1, %dma_start3A_122] : memref<2x16x16xi32, #tpu.memory_space<hbm>> -> memref<1x1x16xi32, #tpu.memory_space<hbm>>
        %dma_start3A_124 = tpu.memref_squeeze %dma_start3A_123 : memref<1x1x16xi32, #tpu.memory_space<hbm>> -> memref<16xi32, #tpu.memory_space<hbm>>
        tpu.enqueue_dma source(%dma_start3A_124 : memref<16xi32, #tpu.memory_space<hbm>>) target(%arg10 : memref<16xi32, #tpu.memory_space<vmem>>) target_semaphore(%run_scoped3A_119 : memref<!tpu.dma_semaphore, #tpu.memory_space<semaphore_mem>>)
        %dma_wait3A = arith.constant 0 : i32
        %dma_wait3A_125 = tpu.memref_slice %arg5[%run_scoped3A, %arg1, %dma_wait3A] : memref<2x16x16xi32, #tpu.memory_space<hbm>> -> memref<1x1x16xi32, #tpu.memory_space<hbm>>
        %dma_wait3A_126 = tpu.memref_squeeze %dma_wait3A_125 : memref<1x1x16xi32, #tpu.memory_space<hbm>> -> memref<16xi32, #tpu.memory_space<hbm>>
        %dma_wait3A_127 = arith.constant 0 : i32
        %dma_wait3A_128 = tpu.memref_slice %arg5[%run_scoped3A, %arg1, %dma_wait3A_127] : memref<2x16x16xi32, #tpu.memory_space<hbm>> -> memref<1x1x16xi32, #tpu.memory_space<hbm>>
        %dma_wait3A_129 = tpu.memref_squeeze %dma_wait3A_128 : memref<1x1x16xi32, #tpu.memory_space<hbm>> -> memref<16xi32, #tpu.memory_space<hbm>>
        tpu.wait_dma2 semaphore(%run_scoped3A_119 : memref<!tpu.dma_semaphore, #tpu.memory_space<semaphore_mem>>) src(%dma_wait3A_129 : memref<16xi32, #tpu.memory_space<hbm>>) dst(%arg10 : memref<16xi32, #tpu.memory_space<vmem>>)
        tpu.yield
      }) : () -> ()
      %run_scoped3A_7 = arith.constant 0 : i32
      "tpu.region"() ({
        %run_scoped3A_119 = tpu.sem_alloc : memref<!tpu.dma_semaphore, #tpu.memory_space<semaphore_mem>>
        %dma_start3A = arith.constant 0 : i32
        %dma_start3A_120 = arith.constant 0 : i32
        %dma_start3A_121 = tpu.memref_slice %arg3[%run_scoped3A_7, %arg1, %dma_start3A, %dma_start3A_120] : memref<2x16x157x128xi32, #tpu.memory_space<hbm>> -> memref<1x1x157x128xi32, #tpu.memory_space<hbm>>
        %dma_start3A_122 = tpu.memref_squeeze %dma_start3A_121 : memref<1x1x157x128xi32, #tpu.memory_space<hbm>> -> memref<157x128xi32, #tpu.memory_space<hbm>>
        %dma_start3A_123 = arith.constant 0 : i32
        %dma_start3A_124 = arith.constant 0 : i32
        %dma_start3A_125 = tpu.memref_slice %arg3[%run_scoped3A_7, %arg1, %dma_start3A_123, %dma_start3A_124] : memref<2x16x157x128xi32, #tpu.memory_space<hbm>> -> memref<1x1x157x128xi32, #tpu.memory_space<hbm>>
        %dma_start3A_126 = tpu.memref_squeeze %dma_start3A_125 : memref<1x1x157x128xi32, #tpu.memory_space<hbm>> -> memref<157x128xi32, #tpu.memory_space<hbm>>
        tpu.enqueue_dma source(%dma_start3A_126 : memref<157x128xi32, #tpu.memory_space<hbm>>) target(%arg8 : memref<157x128xi32, #tpu.memory_space<vmem>>) target_semaphore(%run_scoped3A_119 : memref<!tpu.dma_semaphore, #tpu.memory_space<semaphore_mem>>)
        %dma_wait3A = arith.constant 0 : i32
        %dma_wait3A_127 = arith.constant 0 : i32
        %dma_wait3A_128 = tpu.memref_slice %arg3[%run_scoped3A_7, %arg1, %dma_wait3A, %dma_wait3A_127] : memref<2x16x157x128xi32, #tpu.memory_space<hbm>> -> memref<1x1x157x128xi32, #tpu.memory_space<hbm>>
        %dma_wait3A_129 = tpu.memref_squeeze %dma_wait3A_128 : memref<1x1x157x128xi32, #tpu.memory_space<hbm>> -> memref<157x128xi32, #tpu.memory_space<hbm>>
        %dma_wait3A_130 = arith.constant 0 : i32
        %dma_wait3A_131 = arith.constant 0 : i32
        %dma_wait3A_132 = tpu.memref_slice %arg3[%run_scoped3A_7, %arg1, %dma_wait3A_130, %dma_wait3A_131] : memref<2x16x157x128xi32, #tpu.memory_space<hbm>> -> memref<1x1x157x128xi32, #tpu.memory_space<hbm>>
        %dma_wait3A_133 = tpu.memref_squeeze %dma_wait3A_132 : memref<1x1x157x128xi32, #tpu.memory_space<hbm>> -> memref<157x128xi32, #tpu.memory_space<hbm>>
        tpu.wait_dma2 semaphore(%run_scoped3A_119 : memref<!tpu.dma_semaphore, #tpu.memory_space<semaphore_mem>>) src(%dma_wait3A_133 : memref<157x128xi32, #tpu.memory_space<hbm>>) dst(%arg8 : memref<157x128xi32, #tpu.memory_space<vmem>>)
        tpu.yield
      }) : () -> ()
      %run_scoped3A_8 = arith.constant 0 : i32
      "tpu.region"() ({
        %run_scoped3A_119 = tpu.sem_alloc : memref<!tpu.dma_semaphore, #tpu.memory_space<semaphore_mem>>
        %dma_start3A = arith.constant 0 : i32
        %dma_start3A_120 = arith.constant 0 : i32
        %dma_start3A_121 = tpu.memref_slice %arg4[%run_scoped3A_8, %arg1, %dma_start3A, %dma_start3A_120] : memref<2x16x157x128xi32, #tpu.memory_space<hbm>> -> memref<1x1x157x128xi32, #tpu.memory_space<hbm>>
        %dma_start3A_122 = tpu.memref_squeeze %dma_start3A_121 : memref<1x1x157x128xi32, #tpu.memory_space<hbm>> -> memref<157x128xi32, #tpu.memory_space<hbm>>
        %dma_start3A_123 = arith.constant 0 : i32
        %dma_start3A_124 = arith.constant 0 : i32
        %dma_start3A_125 = tpu.memref_slice %arg4[%run_scoped3A_8, %arg1, %dma_start3A_123, %dma_start3A_124] : memref<2x16x157x128xi32, #tpu.memory_space<hbm>> -> memref<1x1x157x128xi32, #tpu.memory_space<hbm>>
        %dma_start3A_126 = tpu.memref_squeeze %dma_start3A_125 : memref<1x1x157x128xi32, #tpu.memory_space<hbm>> -> memref<157x128xi32, #tpu.memory_space<hbm>>
        tpu.enqueue_dma source(%dma_start3A_126 : memref<157x128xi32, #tpu.memory_space<hbm>>) target(%arg9 : memref<157x128xi32, #tpu.memory_space<vmem>>) target_semaphore(%run_scoped3A_119 : memref<!tpu.dma_semaphore, #tpu.memory_space<semaphore_mem>>)
        %dma_wait3A = arith.constant 0 : i32
        %dma_wait3A_127 = arith.constant 0 : i32
        %dma_wait3A_128 = tpu.memref_slice %arg4[%run_scoped3A_8, %arg1, %dma_wait3A, %dma_wait3A_127] : memref<2x16x157x128xi32, #tpu.memory_space<hbm>> -> memref<1x1x157x128xi32, #tpu.memory_space<hbm>>
        %dma_wait3A_129 = tpu.memref_squeeze %dma_wait3A_128 : memref<1x1x157x128xi32, #tpu.memory_space<hbm>> -> memref<157x128xi32, #tpu.memory_space<hbm>>
        %dma_wait3A_130 = arith.constant 0 : i32
        %dma_wait3A_131 = arith.constant 0 : i32
        %dma_wait3A_132 = tpu.memref_slice %arg4[%run_scoped3A_8, %arg1, %dma_wait3A_130, %dma_wait3A_131] : memref<2x16x157x128xi32, #tpu.memory_space<hbm>> -> memref<1x1x157x128xi32, #tpu.memory_space<hbm>>
        %dma_wait3A_133 = tpu.memref_squeeze %dma_wait3A_132 : memref<1x1x157x128xi32, #tpu.memory_space<hbm>> -> memref<157x128xi32, #tpu.memory_space<hbm>>
        tpu.wait_dma2 semaphore(%run_scoped3A_119 : memref<!tpu.dma_semaphore, #tpu.memory_space<semaphore_mem>>) src(%dma_wait3A_133 : memref<157x128xi32, #tpu.memory_space<hbm>>) dst(%arg9 : memref<157x128xi32, #tpu.memory_space<vmem>>)
        tpu.yield
      }) : () -> ()
      %get3A = arith.constant 0 : index
      %get3A_9 = tpu.vector_load %arg10[%get3A] {strides = array<i32>} : memref<16xi32, #tpu.memory_space<vmem>>, vector<16xi32>,
      %get3A_10 = vector.shape_cast %get3A_9 : vector<16xi32> to vector<16xi32>
      %slice3A = vector.extract_strided_slice %get3A_10 {offsets = [0], sizes = [1], strides = [1]} : vector<16xi32> to vector<1xi32>
      %squeeze3A = vector.extract %slice3A[0] : i32 from vector<1xi32>
      %mul3A = arith.constant 320 : i32
      %mul3A_11 = arith.muli %arg1, %mul3A : i32
      %add3A = arith.constant 0 : i32
      %add3A_12 = arith.addi %add3A, %mul3A_11 : i32
      %mul3A_13 = arith.constant 320 : i32
      %mul3A_14 = arith.muli %arg1, %mul3A_13 : i32
      %run_scoped3A_15 = arith.constant 0 : i32
      "tpu.region"() ({
        %run_scoped3A_119 = tpu.sem_alloc : memref<!tpu.dma_semaphore, #tpu.memory_space<semaphore_mem>>
        %dma_start3A = arith.constant 0 : i32
        %dma_start3A_120 = tpu.memref_slice %arg11[%mul3A_14, %dma_start3A] : memref<5128x128xf32, #tpu.memory_space<vmem_shared>> -> memref<320x128xf32, #tpu.memory_space<vmem_shared>>
        %dma_start3A_121 = arith.constant 0 : i32
        %dma_start3A_122 = arith.constant 0 : i32
        %dma_start3A_123 = tpu.memref_slice %arg2[%run_scoped3A_15, %dma_start3A_121, %dma_start3A_122] : memref<4x10240x128xf32, #tpu.memory_space<hbm>> -> memref<1x10240x128xf32, #tpu.memory_space<hbm>>
        %dma_start3A_124 = tpu.memref_squeeze %dma_start3A_123 : memref<1x10240x128xf32, #tpu.memory_space<hbm>> -> memref<10240x128xf32, #tpu.memory_space<hbm>>
        %dma_start3A_125 = arith.constant 0 : i32
        %dma_start3A_126 = tpu.memref_slice %dma_start3A_124[%add3A_12, %dma_start3A_125] : memref<10240x128xf32, #tpu.memory_space<hbm>> -> memref<320x128xf32, #tpu.memory_space<hbm>>
        tpu.enqueue_dma source(%dma_start3A_126 : memref<320x128xf32, #tpu.memory_space<hbm>>) target(%dma_start3A_120 : memref<320x128xf32, #tpu.memory_space<vmem_shared>>) target_semaphore(%run_scoped3A_119 : memref<!tpu.dma_semaphore, #tpu.memory_space<semaphore_mem>>)
        %dma_wait3A = arith.constant 0 : i32
        %dma_wait3A_127 = tpu.memref_slice %arg11[%mul3A_14, %dma_wait3A] : memref<5128x128xf32, #tpu.memory_space<vmem_shared>> -> memref<320x128xf32, #tpu.memory_space<vmem_shared>>
        %dma_wait3A_128 = arith.constant 0 : i32
        %dma_wait3A_129 = arith.constant 0 : i32
        %dma_wait3A_130 = tpu.memref_slice %arg2[%run_scoped3A_15, %dma_wait3A_128, %dma_wait3A_129] : memref<4x10240x128xf32, #tpu.memory_space<hbm>> -> memref<1x10240x128xf32, #tpu.memory_space<hbm>>
        %dma_wait3A_131 = tpu.memref_squeeze %dma_wait3A_130 : memref<1x10240x128xf32, #tpu.memory_space<hbm>> -> memref<10240x128xf32, #tpu.memory_space<hbm>>
        %dma_wait3A_132 = arith.constant 0 : i32
        %dma_wait3A_133 = tpu.memref_slice %dma_wait3A_131[%add3A_12, %dma_wait3A_132] : memref<10240x128xf32, #tpu.memory_space<hbm>> -> memref<320x128xf32, #tpu.memory_space<hbm>>
        tpu.wait_dma2 semaphore(%run_scoped3A_119 : memref<!tpu.dma_semaphore, #tpu.memory_space<semaphore_mem>>) src(%dma_wait3A_133 : memref<320x128xf32, #tpu.memory_space<hbm>>) dst(%dma_wait3A_127 : memref<320x128xf32, #tpu.memory_space<vmem_shared>>)
        tpu.yield
      }) : () -> ()
      %barrier3A = arith.constant 0 : index
      tpu.barrier barrier_id(%barrier3A)
      %while3A = arith.constant 0 : i32
      %while3A_16 = arith.constant 0 : i32
      %while3A_17 = arith.constant 0 : i32
      %while3A_18 = arith.subi %squeeze3A, %while3A_17 : i32
      %while3A_19 = arith.addi %while3A_17, %while3A_18 : i32
      %while3A_20 = arith.constant 1 : i32
      %while3A_21 = arith.divsi %while3A_18, %while3A_20 : i32
      %while3A_22 = arith.muli %while3A_21, %while3A_20 : i32
      %while3A_23 = arith.addi %while3A_17, %while3A_22 : i32
      %while3A_24 = arith.constant 1 : i32
      scf.for %while3A_119 = %while3A_17 to %while3A_23 step %while3A_24  : i32 {
        %dma_start3A = arith.constant 0 : i32
        %dma_start3A_120 = tpu.memref_slice %arg8[%while3A_119, %dma_start3A] : memref<157x128xi32, #tpu.memory_space<vmem>> -> memref<1x128xi32, #tpu.memory_space<vmem>>
        %dma_start3A_121 = tpu.memref_squeeze %dma_start3A_120 : memref<1x128xi32, #tpu.memory_space<vmem>> -> memref<128xi32, #tpu.memory_space<vmem>>
        %dma_start3A_122 = arith.constant 0 : i32
        %dma_start3A_123 = arith.constant 0 : i32
        %dma_start3A_124 = tpu.memref_slice %arg2[%while3A_16, %dma_start3A_122, %dma_start3A_123] : memref<4x10240x128xf32, #tpu.memory_space<hbm>> -> memref<1x10240x128xf32, #tpu.memory_space<hbm>>
        %dma_start3A_125 = tpu.memref_squeeze %dma_start3A_124 : memref<1x10240x128xf32, #tpu.memory_space<hbm>> -> memref<10240x128xf32, #tpu.memory_space<hbm>>
        %dma_start3A_126 = arith.constant 0 : i32
        %dma_start3A_127 = arith.constant 0 : i32
        %dma_start3A_128 = tpu.memref_slice %dma_start3A_125[%dma_start3A_126, %dma_start3A_127] : memref<10240x128xf32, #tpu.memory_space<hbm>> -> memref<10240x128xf32, #tpu.memory_space<hbm>>
        tpu.enqueue_indirect_dma source(%dma_start3A_128 : memref<10240x128xf32, #tpu.memory_space<hbm>>) target(%arg7 : memref<128x128xf32, #tpu.memory_space<vmem>>) offsets(%dma_start3A_121 : memref<128xi32, #tpu.memory_space<vmem>>) semaphore(%arg12 : memref<!tpu.dma_semaphore, #tpu.memory_space<semaphore_mem>>)
        %dma_wait3A = arith.constant 0 : i32
        %dma_wait3A_129 = tpu.memref_slice %arg8[%while3A_119, %dma_wait3A] : memref<157x128xi32, #tpu.memory_space<vmem>> -> memref<1x128xi32, #tpu.memory_space<vmem>>
        %dma_wait3A_130 = tpu.memref_squeeze %dma_wait3A_129 : memref<1x128xi32, #tpu.memory_space<vmem>> -> memref<128xi32, #tpu.memory_space<vmem>>
        %dma_wait3A_131 = arith.constant 0 : i32
        %dma_wait3A_132 = arith.constant 0 : i32
        %dma_wait3A_133 = tpu.memref_slice %arg2[%while3A_16, %dma_wait3A_131, %dma_wait3A_132] : memref<4x10240x128xf32, #tpu.memory_space<hbm>> -> memref<1x10240x128xf32, #tpu.memory_space<hbm>>
        %dma_wait3A_134 = tpu.memref_squeeze %dma_wait3A_133 : memref<1x10240x128xf32, #tpu.memory_space<hbm>> -> memref<10240x128xf32, #tpu.memory_space<hbm>>
        %dma_wait3A_135 = arith.constant 0 : i32
        %dma_wait3A_136 = arith.constant 0 : i32
        %dma_wait3A_137 = tpu.memref_slice %dma_wait3A_134[%dma_wait3A_135, %dma_wait3A_136] : memref<10240x128xf32, #tpu.memory_space<hbm>> -> memref<10240x128xf32, #tpu.memory_space<hbm>>
        tpu.wait_indirect_dma semaphore(%arg12 : memref<!tpu.dma_semaphore, #tpu.memory_space<semaphore_mem>>) src(%dma_wait3A_137 : memref<10240x128xf32, #tpu.memory_space<hbm>>) dst(%arg7 : memref<128x128xf32, #tpu.memory_space<vmem>>)
        "tpu.region"() ({
          %run_scoped3A_138 = tpu.sem_alloc : memref<!tpu.dma_semaphore, #tpu.memory_space<semaphore_mem>>
          %dma_start3A_139 = arith.constant 0 : i32
          %dma_start3A_140 = tpu.memref_slice %arg9[%while3A_119, %dma_start3A_139] : memref<157x128xi32, #tpu.memory_space<vmem>> -> memref<1x128xi32, #tpu.memory_space<vmem>>
          %dma_start3A_141 = tpu.memref_squeeze %dma_start3A_140 : memref<1x128xi32, #tpu.memory_space<vmem>> -> memref<128xi32, #tpu.memory_space<vmem>>
          %dma_start3A_142 = arith.constant 0 : i32
          %dma_start3A_143 = arith.constant 0 : i32
          %dma_start3A_144 = tpu.memref_slice %arg11[%dma_start3A_142, %dma_start3A_143] : memref<5128x128xf32, #tpu.memory_space<vmem_shared>> -> memref<5128x128xf32, #tpu.memory_space<vmem_shared>>
          tpu.enqueue_indirect_dma source(%arg7 : memref<128x128xf32, #tpu.memory_space<vmem>>) target(%dma_start3A_144 : memref<5128x128xf32, #tpu.memory_space<vmem_shared>>) offsets(%dma_start3A_141 : memref<128xi32, #tpu.memory_space<vmem>>) semaphore(%run_scoped3A_138 : memref<!tpu.dma_semaphore, #tpu.memory_space<semaphore_mem>>) {add = true}
          %dma_wait3A_145 = arith.constant 0 : i32
          %dma_wait3A_146 = tpu.memref_slice %arg9[%while3A_119, %dma_wait3A_145] : memref<157x128xi32, #tpu.memory_space<vmem>> -> memref<1x128xi32, #tpu.memory_space<vmem>>
          %dma_wait3A_147 = tpu.memref_squeeze %dma_wait3A_146 : memref<1x128xi32, #tpu.memory_space<vmem>> -> memref<128xi32, #tpu.memory_space<vmem>>
          %dma_wait3A_148 = arith.constant 0 : i32
          %dma_wait3A_149 = arith.constant 0 : i32
          %dma_wait3A_150 = tpu.memref_slice %arg11[%dma_wait3A_148, %dma_wait3A_149] : memref<5128x128xf32, #tpu.memory_space<vmem_shared>> -> memref<5128x128xf32, #tpu.memory_space<vmem_shared>>
          tpu.wait_indirect_dma semaphore(%run_scoped3A_138 : memref<!tpu.dma_semaphore, #tpu.memory_space<semaphore_mem>>) src(%arg7 : memref<128x128xf32, #tpu.memory_space<vmem>>) dst(%dma_wait3A_150 : memref<5128x128xf32, #tpu.memory_space<vmem_shared>>)
          tpu.yield
        }) : () -> ()
      }
      %while3A_25 = arith.constant 1 : i32
      scf.for %while3A_119 = %while3A_23 to %while3A_19 step %while3A_25  : i32 {
        %dma_start3A = arith.constant 0 : i32
        %dma_start3A_120 = tpu.memref_slice %arg8[%while3A_119, %dma_start3A] : memref<157x128xi32, #tpu.memory_space<vmem>> -> memref<1x128xi32, #tpu.memory_space<vmem>>
        %dma_start3A_121 = tpu.memref_squeeze %dma_start3A_120 : memref<1x128xi32, #tpu.memory_space<vmem>> -> memref<128xi32, #tpu.memory_space<vmem>>
        %dma_start3A_122 = arith.constant 0 : i32
        %dma_start3A_123 = arith.constant 0 : i32
        %dma_start3A_124 = tpu.memref_slice %arg2[%while3A_16, %dma_start3A_122, %dma_start3A_123] : memref<4x10240x128xf32, #tpu.memory_space<hbm>> -> memref<1x10240x128xf32, #tpu.memory_space<hbm>>
        %dma_start3A_125 = tpu.memref_squeeze %dma_start3A_124 : memref<1x10240x128xf32, #tpu.memory_space<hbm>> -> memref<10240x128xf32, #tpu.memory_space<hbm>>
        %dma_start3A_126 = arith.constant 0 : i32
        %dma_start3A_127 = arith.constant 0 : i32
        %dma_start3A_128 = tpu.memref_slice %dma_start3A_125[%dma_start3A_126, %dma_start3A_127] : memref<10240x128xf32, #tpu.memory_space<hbm>> -> memref<10240x128xf32, #tpu.memory_space<hbm>>
        tpu.enqueue_indirect_dma source(%dma_start3A_128 : memref<10240x128xf32, #tpu.memory_space<hbm>>) target(%arg7 : memref<128x128xf32, #tpu.memory_space<vmem>>) offsets(%dma_start3A_121 : memref<128xi32, #tpu.memory_space<vmem>>) semaphore(%arg12 : memref<!tpu.dma_semaphore, #tpu.memory_space<semaphore_mem>>)
        %dma_wait3A = arith.constant 0 : i32
        %dma_wait3A_129 = tpu.memref_slice %arg8[%while3A_119, %dma_wait3A] : memref<157x128xi32, #tpu.memory_space<vmem>> -> memref<1x128xi32, #tpu.memory_space<vmem>>
        %dma_wait3A_130 = tpu.memref_squeeze %dma_wait3A_129 : memref<1x128xi32, #tpu.memory_space<vmem>> -> memref<128xi32, #tpu.memory_space<vmem>>
        %dma_wait3A_131 = arith.constant 0 : i32
        %dma_wait3A_132 = arith.constant 0 : i32
        %dma_wait3A_133 = tpu.memref_slice %arg2[%while3A_16, %dma_wait3A_131, %dma_wait3A_132] : memref<4x10240x128xf32, #tpu.memory_space<hbm>> -> memref<1x10240x128xf32, #tpu.memory_space<hbm>>
        %dma_wait3A_134 = tpu.memref_squeeze %dma_wait3A_133 : memref<1x10240x128xf32, #tpu.memory_space<hbm>> -> memref<10240x128xf32, #tpu.memory_space<hbm>>
        %dma_wait3A_135 = arith.constant 0 : i32
        %dma_wait3A_136 = arith.constant 0 : i32
        %dma_wait3A_137 = tpu.memref_slice %dma_wait3A_134[%dma_wait3A_135, %dma_wait3A_136] : memref<10240x128xf32, #tpu.memory_space<hbm>> -> memref<10240x128xf32, #tpu.memory_space<hbm>>
        tpu.wait_indirect_dma semaphore(%arg12 : memref<!tpu.dma_semaphore, #tpu.memory_space<semaphore_mem>>) src(%dma_wait3A_137 : memref<10240x128xf32, #tpu.memory_space<hbm>>) dst(%arg7 : memref<128x128xf32, #tpu.memory_space<vmem>>)
        "tpu.region"() ({
          %run_scoped3A_138 = tpu.sem_alloc : memref<!tpu.dma_semaphore, #tpu.memory_space<semaphore_mem>>
          %dma_start3A_139 = arith.constant 0 : i32
          %dma_start3A_140 = tpu.memref_slice %arg9[%while3A_119, %dma_start3A_139] : memref<157x128xi32, #tpu.memory_space<vmem>> -> memref<1x128xi32, #tpu.memory_space<vmem>>
          %dma_start3A_141 = tpu.memref_squeeze %dma_start3A_140 : memref<1x128xi32, #tpu.memory_space<vmem>> -> memref<128xi32, #tpu.memory_space<vmem>>
          %dma_start3A_142 = arith.constant 0 : i32
          %dma_start3A_143 = arith.constant 0 : i32
          %dma_start3A_144 = tpu.memref_slice %arg11[%dma_start3A_142, %dma_start3A_143] : memref<5128x128xf32, #tpu.memory_space<vmem_shared>> -> memref<5128x128xf32, #tpu.memory_space<vmem_shared>>
          tpu.enqueue_indirect_dma source(%arg7 : memref<128x128xf32, #tpu.memory_space<vmem>>) target(%dma_start3A_144 : memref<5128x128xf32, #tpu.memory_space<vmem_shared>>) offsets(%dma_start3A_141 : memref<128xi32, #tpu.memory_space<vmem>>) semaphore(%run_scoped3A_138 : memref<!tpu.dma_semaphore, #tpu.memory_space<semaphore_mem>>) {add = true}
          %dma_wait3A_145 = arith.constant 0 : i32
          %dma_wait3A_146 = tpu.memref_slice %arg9[%while3A_119, %dma_wait3A_145] : memref<157x128xi32, #tpu.memory_space<vmem>> -> memref<1x128xi32, #tpu.memory_space<vmem>>
          %dma_wait3A_147 = tpu.memref_squeeze %dma_wait3A_146 : memref<1x128xi32, #tpu.memory_space<vmem>> -> memref<128xi32, #tpu.memory_space<vmem>>
          %dma_wait3A_148 = arith.constant 0 : i32
          %dma_wait3A_149 = arith.constant 0 : i32
          %dma_wait3A_150 = tpu.memref_slice %arg11[%dma_wait3A_148, %dma_wait3A_149] : memref<5128x128xf32, #tpu.memory_space<vmem_shared>> -> memref<5128x128xf32, #tpu.memory_space<vmem_shared>>
          tpu.wait_indirect_dma semaphore(%run_scoped3A_138 : memref<!tpu.dma_semaphore, #tpu.memory_space<semaphore_mem>>) src(%arg7 : memref<128x128xf32, #tpu.memory_space<vmem>>) dst(%dma_wait3A_150 : memref<5128x128xf32, #tpu.memory_space<vmem_shared>>)
          tpu.yield
        }) : () -> ()
      }
      %barrier3A_26 = arith.constant 0 : index
      tpu.barrier barrier_id(%barrier3A_26)
      %mul3A_27 = arith.constant 320 : i32
      %mul3A_28 = arith.muli %arg1, %mul3A_27 : i32
      %mul3A_29 = arith.constant 320 : i32
      %mul3A_30 = arith.muli %arg1, %mul3A_29 : i32
      %add3A_31 = arith.constant 0 : i32
      %add3A_32 = arith.addi %add3A_31, %mul3A_30 : i32
      %run_scoped3A_33 = arith.constant 0 : i32
      "tpu.region"() ({
        %run_scoped3A_119 = tpu.sem_alloc : memref<!tpu.dma_semaphore, #tpu.memory_space<semaphore_mem>>
        %dma_start3A = arith.constant 0 : i32
        %dma_start3A_120 = arith.constant 0 : i32
        %dma_start3A_121 = tpu.memref_slice %arg6[%run_scoped3A_33, %dma_start3A, %dma_start3A_120] : memref<4x10240x128xf32, #tpu.memory_space<hbm>> -> memref<1x10240x128xf32, #tpu.memory_space<hbm>>
        %dma_start3A_122 = tpu.memref_squeeze %dma_start3A_121 : memref<1x10240x128xf32, #tpu.memory_space<hbm>> -> memref<10240x128xf32, #tpu.memory_space<hbm>>
        %dma_start3A_123 = arith.constant 0 : i32
        %dma_start3A_124 = tpu.memref_slice %dma_start3A_122[%add3A_32, %dma_start3A_123] : memref<10240x128xf32, #tpu.memory_space<hbm>> -> memref<320x128xf32, #tpu.memory_space<hbm>>
        %dma_start3A_125 = arith.constant 0 : i32
        %dma_start3A_126 = tpu.memref_slice %arg11[%mul3A_28, %dma_start3A_125] : memref<5128x128xf32, #tpu.memory_space<vmem_shared>> -> memref<320x128xf32, #tpu.memory_space<vmem_shared>>
        tpu.enqueue_dma source(%dma_start3A_126 : memref<320x128xf32, #tpu.memory_space<vmem_shared>>) target(%dma_start3A_124 : memref<320x128xf32, #tpu.memory_space<hbm>>) target_semaphore(%run_scoped3A_119 : memref<!tpu.dma_semaphore, #tpu.memory_space<semaphore_mem>>)
        %dma_wait3A = arith.constant 0 : i32
        %dma_wait3A_127 = arith.constant 0 : i32
        %dma_wait3A_128 = tpu.memref_slice %arg6[%run_scoped3A_33, %dma_wait3A, %dma_wait3A_127] : memref<4x10240x128xf32, #tpu.memory_space<hbm>> -> memref<1x10240x128xf32, #tpu.memory_space<hbm>>
        %dma_wait3A_129 = tpu.memref_squeeze %dma_wait3A_128 : memref<1x10240x128xf32, #tpu.memory_space<hbm>> -> memref<10240x128xf32, #tpu.memory_space<hbm>>
        %dma_wait3A_130 = arith.constant 0 : i32
        %dma_wait3A_131 = tpu.memref_slice %dma_wait3A_129[%add3A_32, %dma_wait3A_130] : memref<10240x128xf32, #tpu.memory_space<hbm>> -> memref<320x128xf32, #tpu.memory_space<hbm>>
        %dma_wait3A_132 = arith.constant 0 : i32
        %dma_wait3A_133 = tpu.memref_slice %arg11[%mul3A_28, %dma_wait3A_132] : memref<5128x128xf32, #tpu.memory_space<vmem_shared>> -> memref<320x128xf32, #tpu.memory_space<vmem_shared>>
        tpu.wait_dma2 semaphore(%run_scoped3A_119 : memref<!tpu.dma_semaphore, #tpu.memory_space<semaphore_mem>>) src(%dma_wait3A_133 : memref<320x128xf32, #tpu.memory_space<vmem_shared>>) dst(%dma_wait3A_131 : memref<320x128xf32, #tpu.memory_space<hbm>>)
        tpu.yield
      }) : () -> ()
      %barrier3A_34 = arith.constant 0 : index
      tpu.barrier barrier_id(%barrier3A_34)
      %mul3A_35 = arith.constant 320 : i32
      %mul3A_36 = arith.muli %arg1, %mul3A_35 : i32
      %add3A_37 = arith.constant 0 : i32
      %add3A_38 = arith.addi %add3A_37, %mul3A_36 : i32
      %mul3A_39 = arith.constant 320 : i32
      %mul3A_40 = arith.muli %arg1, %mul3A_39 : i32
      %run_scoped3A_41 = arith.constant 1 : i32
      "tpu.region"() ({
        %run_scoped3A_119 = tpu.sem_alloc : memref<!tpu.dma_semaphore, #tpu.memory_space<semaphore_mem>>
        %dma_start3A = arith.constant 0 : i32
        %dma_start3A_120 = tpu.memref_slice %arg11[%mul3A_40, %dma_start3A] : memref<5128x128xf32, #tpu.memory_space<vmem_shared>> -> memref<320x128xf32, #tpu.memory_space<vmem_shared>>
        %dma_start3A_121 = arith.constant 0 : i32
        %dma_start3A_122 = arith.constant 0 : i32
        %dma_start3A_123 = tpu.memref_slice %arg2[%run_scoped3A_41, %dma_start3A_121, %dma_start3A_122] : memref<4x10240x128xf32, #tpu.memory_space<hbm>> -> memref<1x10240x128xf32, #tpu.memory_space<hbm>>
        %dma_start3A_124 = tpu.memref_squeeze %dma_start3A_123 : memref<1x10240x128xf32, #tpu.memory_space<hbm>> -> memref<10240x128xf32, #tpu.memory_space<hbm>>
        %dma_start3A_125 = arith.constant 0 : i32
        %dma_start3A_126 = tpu.memref_slice %dma_start3A_124[%add3A_38, %dma_start3A_125] : memref<10240x128xf32, #tpu.memory_space<hbm>> -> memref<320x128xf32, #tpu.memory_space<hbm>>
        tpu.enqueue_dma source(%dma_start3A_126 : memref<320x128xf32, #tpu.memory_space<hbm>>) target(%dma_start3A_120 : memref<320x128xf32, #tpu.memory_space<vmem_shared>>) target_semaphore(%run_scoped3A_119 : memref<!tpu.dma_semaphore, #tpu.memory_space<semaphore_mem>>)
        %dma_wait3A = arith.constant 0 : i32
        %dma_wait3A_127 = tpu.memref_slice %arg11[%mul3A_40, %dma_wait3A] : memref<5128x128xf32, #tpu.memory_space<vmem_shared>> -> memref<320x128xf32, #tpu.memory_space<vmem_shared>>
        %dma_wait3A_128 = arith.constant 0 : i32
        %dma_wait3A_129 = arith.constant 0 : i32
        %dma_wait3A_130 = tpu.memref_slice %arg2[%run_scoped3A_41, %dma_wait3A_128, %dma_wait3A_129] : memref<4x10240x128xf32, #tpu.memory_space<hbm>> -> memref<1x10240x128xf32, #tpu.memory_space<hbm>>
        %dma_wait3A_131 = tpu.memref_squeeze %dma_wait3A_130 : memref<1x10240x128xf32, #tpu.memory_space<hbm>> -> memref<10240x128xf32, #tpu.memory_space<hbm>>
        %dma_wait3A_132 = arith.constant 0 : i32
        %dma_wait3A_133 = tpu.memref_slice %dma_wait3A_131[%add3A_38, %dma_wait3A_132] : memref<10240x128xf32, #tpu.memory_space<hbm>> -> memref<320x128xf32, #tpu.memory_space<hbm>>
        tpu.wait_dma2 semaphore(%run_scoped3A_119 : memref<!tpu.dma_semaphore, #tpu.memory_space<semaphore_mem>>) src(%dma_wait3A_133 : memref<320x128xf32, #tpu.memory_space<hbm>>) dst(%dma_wait3A_127 : memref<320x128xf32, #tpu.memory_space<vmem_shared>>)
        tpu.yield
      }) : () -> ()
      %barrier3A_42 = arith.constant 0 : index
      tpu.barrier barrier_id(%barrier3A_42)
      %while3A_43 = arith.constant 0 : i32
      %while3A_44 = arith.constant 1 : i32
      %while3A_45 = arith.constant 0 : i32
      %while3A_46 = arith.subi %squeeze3A, %while3A_45 : i32
      %while3A_47 = arith.addi %while3A_45, %while3A_46 : i32
      %while3A_48 = arith.constant 1 : i32
      %while3A_49 = arith.divsi %while3A_46, %while3A_48 : i32
      %while3A_50 = arith.muli %while3A_49, %while3A_48 : i32
      %while3A_51 = arith.addi %while3A_45, %while3A_50 : i32
      %while3A_52 = arith.constant 1 : i32
      scf.for %while3A_119 = %while3A_45 to %while3A_51 step %while3A_52  : i32 {
        %dma_start3A = arith.constant 0 : i32
        %dma_start3A_120 = tpu.memref_slice %arg8[%while3A_119, %dma_start3A] : memref<157x128xi32, #tpu.memory_space<vmem>> -> memref<1x128xi32, #tpu.memory_space<vmem>>
        %dma_start3A_121 = tpu.memref_squeeze %dma_start3A_120 : memref<1x128xi32, #tpu.memory_space<vmem>> -> memref<128xi32, #tpu.memory_space<vmem>>
        %dma_start3A_122 = arith.constant 0 : i32
        %dma_start3A_123 = arith.constant 0 : i32
        %dma_start3A_124 = tpu.memref_slice %arg2[%while3A_44, %dma_start3A_122, %dma_start3A_123] : memref<4x10240x128xf32, #tpu.memory_space<hbm>> -> memref<1x10240x128xf32, #tpu.memory_space<hbm>>
        %dma_start3A_125 = tpu.memref_squeeze %dma_start3A_124 : memref<1x10240x128xf32, #tpu.memory_space<hbm>> -> memref<10240x128xf32, #tpu.memory_space<hbm>>
        %dma_start3A_126 = arith.constant 0 : i32
        %dma_start3A_127 = arith.constant 0 : i32
        %dma_start3A_128 = tpu.memref_slice %dma_start3A_125[%dma_start3A_126, %dma_start3A_127] : memref<10240x128xf32, #tpu.memory_space<hbm>> -> memref<10240x128xf32, #tpu.memory_space<hbm>>
        tpu.enqueue_indirect_dma source(%dma_start3A_128 : memref<10240x128xf32, #tpu.memory_space<hbm>>) target(%arg7 : memref<128x128xf32, #tpu.memory_space<vmem>>) offsets(%dma_start3A_121 : memref<128xi32, #tpu.memory_space<vmem>>) semaphore(%arg12 : memref<!tpu.dma_semaphore, #tpu.memory_space<semaphore_mem>>)
        %dma_wait3A = arith.constant 0 : i32
        %dma_wait3A_129 = tpu.memref_slice %arg8[%while3A_119, %dma_wait3A] : memref<157x128xi32, #tpu.memory_space<vmem>> -> memref<1x128xi32, #tpu.memory_space<vmem>>
        %dma_wait3A_130 = tpu.memref_squeeze %dma_wait3A_129 : memref<1x128xi32, #tpu.memory_space<vmem>> -> memref<128xi32, #tpu.memory_space<vmem>>
        %dma_wait3A_131 = arith.constant 0 : i32
        %dma_wait3A_132 = arith.constant 0 : i32
        %dma_wait3A_133 = tpu.memref_slice %arg2[%while3A_44, %dma_wait3A_131, %dma_wait3A_132] : memref<4x10240x128xf32, #tpu.memory_space<hbm>> -> memref<1x10240x128xf32, #tpu.memory_space<hbm>>
        %dma_wait3A_134 = tpu.memref_squeeze %dma_wait3A_133 : memref<1x10240x128xf32, #tpu.memory_space<hbm>> -> memref<10240x128xf32, #tpu.memory_space<hbm>>
        %dma_wait3A_135 = arith.constant 0 : i32
        %dma_wait3A_136 = arith.constant 0 : i32
        %dma_wait3A_137 = tpu.memref_slice %dma_wait3A_134[%dma_wait3A_135, %dma_wait3A_136] : memref<10240x128xf32, #tpu.memory_space<hbm>> -> memref<10240x128xf32, #tpu.memory_space<hbm>>
        tpu.wait_indirect_dma semaphore(%arg12 : memref<!tpu.dma_semaphore, #tpu.memory_space<semaphore_mem>>) src(%dma_wait3A_137 : memref<10240x128xf32, #tpu.memory_space<hbm>>) dst(%arg7 : memref<128x128xf32, #tpu.memory_space<vmem>>)
        "tpu.region"() ({
          %run_scoped3A_138 = tpu.sem_alloc : memref<!tpu.dma_semaphore, #tpu.memory_space<semaphore_mem>>
          %dma_start3A_139 = arith.constant 0 : i32
          %dma_start3A_140 = tpu.memref_slice %arg9[%while3A_119, %dma_start3A_139] : memref<157x128xi32, #tpu.memory_space<vmem>> -> memref<1x128xi32, #tpu.memory_space<vmem>>
          %dma_start3A_141 = tpu.memref_squeeze %dma_start3A_140 : memref<1x128xi32, #tpu.memory_space<vmem>> -> memref<128xi32, #tpu.memory_space<vmem>>
          %dma_start3A_142 = arith.constant 0 : i32
          %dma_start3A_143 = arith.constant 0 : i32
          %dma_start3A_144 = tpu.memref_slice %arg11[%dma_start3A_142, %dma_start3A_143] : memref<5128x128xf32, #tpu.memory_space<vmem_shared>> -> memref<5128x128xf32, #tpu.memory_space<vmem_shared>>
          tpu.enqueue_indirect_dma source(%arg7 : memref<128x128xf32, #tpu.memory_space<vmem>>) target(%dma_start3A_144 : memref<5128x128xf32, #tpu.memory_space<vmem_shared>>) offsets(%dma_start3A_141 : memref<128xi32, #tpu.memory_space<vmem>>) semaphore(%run_scoped3A_138 : memref<!tpu.dma_semaphore, #tpu.memory_space<semaphore_mem>>) {add = true}
          %dma_wait3A_145 = arith.constant 0 : i32
          %dma_wait3A_146 = tpu.memref_slice %arg9[%while3A_119, %dma_wait3A_145] : memref<157x128xi32, #tpu.memory_space<vmem>> -> memref<1x128xi32, #tpu.memory_space<vmem>>
          %dma_wait3A_147 = tpu.memref_squeeze %dma_wait3A_146 : memref<1x128xi32, #tpu.memory_space<vmem>> -> memref<128xi32, #tpu.memory_space<vmem>>
          %dma_wait3A_148 = arith.constant 0 : i32
          %dma_wait3A_149 = arith.constant 0 : i32
          %dma_wait3A_150 = tpu.memref_slice %arg11[%dma_wait3A_148, %dma_wait3A_149] : memref<5128x128xf32, #tpu.memory_space<vmem_shared>> -> memref<5128x128xf32, #tpu.memory_space<vmem_shared>>
          tpu.wait_indirect_dma semaphore(%run_scoped3A_138 : memref<!tpu.dma_semaphore, #tpu.memory_space<semaphore_mem>>) src(%arg7 : memref<128x128xf32, #tpu.memory_space<vmem>>) dst(%dma_wait3A_150 : memref<5128x128xf32, #tpu.memory_space<vmem_shared>>)
          tpu.yield
        }) : () -> ()
      }
      %while3A_53 = arith.constant 1 : i32
      scf.for %while3A_119 = %while3A_51 to %while3A_47 step %while3A_53  : i32 {
        %dma_start3A = arith.constant 0 : i32
        %dma_start3A_120 = tpu.memref_slice %arg8[%while3A_119, %dma_start3A] : memref<157x128xi32, #tpu.memory_space<vmem>> -> memref<1x128xi32, #tpu.memory_space<vmem>>
        %dma_start3A_121 = tpu.memref_squeeze %dma_start3A_120 : memref<1x128xi32, #tpu.memory_space<vmem>> -> memref<128xi32, #tpu.memory_space<vmem>>
        %dma_start3A_122 = arith.constant 0 : i32
        %dma_start3A_123 = arith.constant 0 : i32
        %dma_start3A_124 = tpu.memref_slice %arg2[%while3A_44, %dma_start3A_122, %dma_start3A_123] : memref<4x10240x128xf32, #tpu.memory_space<hbm>> -> memref<1x10240x128xf32, #tpu.memory_space<hbm>>
        %dma_start3A_125 = tpu.memref_squeeze %dma_start3A_124 : memref<1x10240x128xf32, #tpu.memory_space<hbm>> -> memref<10240x128xf32, #tpu.memory_space<hbm>>
        %dma_start3A_126 = arith.constant 0 : i32
        %dma_start3A_127 = arith.constant 0 : i32
        %dma_start3A_128 = tpu.memref_slice %dma_start3A_125[%dma_start3A_126, %dma_start3A_127] : memref<10240x128xf32, #tpu.memory_space<hbm>> -> memref<10240x128xf32, #tpu.memory_space<hbm>>
        tpu.enqueue_indirect_dma source(%dma_start3A_128 : memref<10240x128xf32, #tpu.memory_space<hbm>>) target(%arg7 : memref<128x128xf32, #tpu.memory_space<vmem>>) offsets(%dma_start3A_121 : memref<128xi32, #tpu.memory_space<vmem>>) semaphore(%arg12 : memref<!tpu.dma_semaphore, #tpu.memory_space<semaphore_mem>>)
        %dma_wait3A = arith.constant 0 : i32
        %dma_wait3A_129 = tpu.memref_slice %arg8[%while3A_119, %dma_wait3A] : memref<157x128xi32, #tpu.memory_space<vmem>> -> memref<1x128xi32, #tpu.memory_space<vmem>>
        %dma_wait3A_130 = tpu.memref_squeeze %dma_wait3A_129 : memref<1x128xi32, #tpu.memory_space<vmem>> -> memref<128xi32, #tpu.memory_space<vmem>>
        %dma_wait3A_131 = arith.constant 0 : i32
        %dma_wait3A_132 = arith.constant 0 : i32
        %dma_wait3A_133 = tpu.memref_slice %arg2[%while3A_44, %dma_wait3A_131, %dma_wait3A_132] : memref<4x10240x128xf32, #tpu.memory_space<hbm>> -> memref<1x10240x128xf32, #tpu.memory_space<hbm>>
        %dma_wait3A_134 = tpu.memref_squeeze %dma_wait3A_133 : memref<1x10240x128xf32, #tpu.memory_space<hbm>> -> memref<10240x128xf32, #tpu.memory_space<hbm>>
        %dma_wait3A_135 = arith.constant 0 : i32
        %dma_wait3A_136 = arith.constant 0 : i32
        %dma_wait3A_137 = tpu.memref_slice %dma_wait3A_134[%dma_wait3A_135, %dma_wait3A_136] : memref<10240x128xf32, #tpu.memory_space<hbm>> -> memref<10240x128xf32, #tpu.memory_space<hbm>>
        tpu.wait_indirect_dma semaphore(%arg12 : memref<!tpu.dma_semaphore, #tpu.memory_space<semaphore_mem>>) src(%dma_wait3A_137 : memref<10240x128xf32, #tpu.memory_space<hbm>>) dst(%arg7 : memref<128x128xf32, #tpu.memory_space<vmem>>)
        "tpu.region"() ({
          %run_scoped3A_138 = tpu.sem_alloc : memref<!tpu.dma_semaphore, #tpu.memory_space<semaphore_mem>>
          %dma_start3A_139 = arith.constant 0 : i32
          %dma_start3A_140 = tpu.memref_slice %arg9[%while3A_119, %dma_start3A_139] : memref<157x128xi32, #tpu.memory_space<vmem>> -> memref<1x128xi32, #tpu.memory_space<vmem>>
          %dma_start3A_141 = tpu.memref_squeeze %dma_start3A_140 : memref<1x128xi32, #tpu.memory_space<vmem>> -> memref<128xi32, #tpu.memory_space<vmem>>
          %dma_start3A_142 = arith.constant 0 : i32
          %dma_start3A_143 = arith.constant 0 : i32
          %dma_start3A_144 = tpu.memref_slice %arg11[%dma_start3A_142, %dma_start3A_143] : memref<5128x128xf32, #tpu.memory_space<vmem_shared>> -> memref<5128x128xf32, #tpu.memory_space<vmem_shared>>
          tpu.enqueue_indirect_dma source(%arg7 : memref<128x128xf32, #tpu.memory_space<vmem>>) target(%dma_start3A_144 : memref<5128x128xf32, #tpu.memory_space<vmem_shared>>) offsets(%dma_start3A_141 : memref<128xi32, #tpu.memory_space<vmem>>) semaphore(%run_scoped3A_138 : memref<!tpu.dma_semaphore, #tpu.memory_space<semaphore_mem>>) {add = true}
          %dma_wait3A_145 = arith.constant 0 : i32
          %dma_wait3A_146 = tpu.memref_slice %arg9[%while3A_119, %dma_wait3A_145] : memref<157x128xi32, #tpu.memory_space<vmem>> -> memref<1x128xi32, #tpu.memory_space<vmem>>
          %dma_wait3A_147 = tpu.memref_squeeze %dma_wait3A_146 : memref<1x128xi32, #tpu.memory_space<vmem>> -> memref<128xi32, #tpu.memory_space<vmem>>
          %dma_wait3A_148 = arith.constant 0 : i32
          %dma_wait3A_149 = arith.constant 0 : i32
          %dma_wait3A_150 = tpu.memref_slice %arg11[%dma_wait3A_148, %dma_wait3A_149] : memref<5128x128xf32, #tpu.memory_space<vmem_shared>> -> memref<5128x128xf32, #tpu.memory_space<vmem_shared>>
          tpu.wait_indirect_dma semaphore(%run_scoped3A_138 : memref<!tpu.dma_semaphore, #tpu.memory_space<semaphore_mem>>) src(%arg7 : memref<128x128xf32, #tpu.memory_space<vmem>>) dst(%dma_wait3A_150 : memref<5128x128xf32, #tpu.memory_space<vmem_shared>>)
          tpu.yield
        }) : () -> ()
      }
      %barrier3A_54 = arith.constant 0 : index
      tpu.barrier barrier_id(%barrier3A_54)
      %mul3A_55 = arith.constant 320 : i32
      %mul3A_56 = arith.muli %arg1, %mul3A_55 : i32
      %mul3A_57 = arith.constant 320 : i32
      %mul3A_58 = arith.muli %arg1, %mul3A_57 : i32
      %add3A_59 = arith.constant 0 : i32
      %add3A_60 = arith.addi %add3A_59, %mul3A_58 : i32
      %run_scoped3A_61 = arith.constant 1 : i32
      "tpu.region"() ({
        %run_scoped3A_119 = tpu.sem_alloc : memref<!tpu.dma_semaphore, #tpu.memory_space<semaphore_mem>>
        %dma_start3A = arith.constant 0 : i32
        %dma_start3A_120 = arith.constant 0 : i32
        %dma_start3A_121 = tpu.memref_slice %arg6[%run_scoped3A_61, %dma_start3A, %dma_start3A_120] : memref<4x10240x128xf32, #tpu.memory_space<hbm>> -> memref<1x10240x128xf32, #tpu.memory_space<hbm>>
        %dma_start3A_122 = tpu.memref_squeeze %dma_start3A_121 : memref<1x10240x128xf32, #tpu.memory_space<hbm>> -> memref<10240x128xf32, #tpu.memory_space<hbm>>
        %dma_start3A_123 = arith.constant 0 : i32
        %dma_start3A_124 = tpu.memref_slice %dma_start3A_122[%add3A_60, %dma_start3A_123] : memref<10240x128xf32, #tpu.memory_space<hbm>> -> memref<320x128xf32, #tpu.memory_space<hbm>>
        %dma_start3A_125 = arith.constant 0 : i32
        %dma_start3A_126 = tpu.memref_slice %arg11[%mul3A_56, %dma_start3A_125] : memref<5128x128xf32, #tpu.memory_space<vmem_shared>> -> memref<320x128xf32, #tpu.memory_space<vmem_shared>>
        tpu.enqueue_dma source(%dma_start3A_126 : memref<320x128xf32, #tpu.memory_space<vmem_shared>>) target(%dma_start3A_124 : memref<320x128xf32, #tpu.memory_space<hbm>>) target_semaphore(%run_scoped3A_119 : memref<!tpu.dma_semaphore, #tpu.memory_space<semaphore_mem>>)
        %dma_wait3A = arith.constant 0 : i32
        %dma_wait3A_127 = arith.constant 0 : i32
        %dma_wait3A_128 = tpu.memref_slice %arg6[%run_scoped3A_61, %dma_wait3A, %dma_wait3A_127] : memref<4x10240x128xf32, #tpu.memory_space<hbm>> -> memref<1x10240x128xf32, #tpu.memory_space<hbm>>
        %dma_wait3A_129 = tpu.memref_squeeze %dma_wait3A_128 : memref<1x10240x128xf32, #tpu.memory_space<hbm>> -> memref<10240x128xf32, #tpu.memory_space<hbm>>
        %dma_wait3A_130 = arith.constant 0 : i32
        %dma_wait3A_131 = tpu.memref_slice %dma_wait3A_129[%add3A_60, %dma_wait3A_130] : memref<10240x128xf32, #tpu.memory_space<hbm>> -> memref<320x128xf32, #tpu.memory_space<hbm>>
        %dma_wait3A_132 = arith.constant 0 : i32
        %dma_wait3A_133 = tpu.memref_slice %arg11[%mul3A_56, %dma_wait3A_132] : memref<5128x128xf32, #tpu.memory_space<vmem_shared>> -> memref<320x128xf32, #tpu.memory_space<vmem_shared>>
        tpu.wait_dma2 semaphore(%run_scoped3A_119 : memref<!tpu.dma_semaphore, #tpu.memory_space<semaphore_mem>>) src(%dma_wait3A_133 : memref<320x128xf32, #tpu.memory_space<vmem_shared>>) dst(%dma_wait3A_131 : memref<320x128xf32, #tpu.memory_space<hbm>>)
        tpu.yield
      }) : () -> ()
      %barrier3A_62 = arith.constant 0 : index
      tpu.barrier barrier_id(%barrier3A_62)
      %mul3A_63 = arith.constant 320 : i32
      %mul3A_64 = arith.muli %arg1, %mul3A_63 : i32
      %add3A_65 = arith.constant 0 : i32
      %add3A_66 = arith.addi %add3A_65, %mul3A_64 : i32
      %mul3A_67 = arith.constant 320 : i32
      %mul3A_68 = arith.muli %arg1, %mul3A_67 : i32
      %run_scoped3A_69 = arith.constant 2 : i32
      "tpu.region"() ({
        %run_scoped3A_119 = tpu.sem_alloc : memref<!tpu.dma_semaphore, #tpu.memory_space<semaphore_mem>>
        %dma_start3A = arith.constant 0 : i32
        %dma_start3A_120 = tpu.memref_slice %arg11[%mul3A_68, %dma_start3A] : memref<5128x128xf32, #tpu.memory_space<vmem_shared>> -> memref<320x128xf32, #tpu.memory_space<vmem_shared>>
        %dma_start3A_121 = arith.constant 0 : i32
        %dma_start3A_122 = arith.constant 0 : i32
        %dma_start3A_123 = tpu.memref_slice %arg2[%run_scoped3A_69, %dma_start3A_121, %dma_start3A_122] : memref<4x10240x128xf32, #tpu.memory_space<hbm>> -> memref<1x10240x128xf32, #tpu.memory_space<hbm>>
        %dma_start3A_124 = tpu.memref_squeeze %dma_start3A_123 : memref<1x10240x128xf32, #tpu.memory_space<hbm>> -> memref<10240x128xf32, #tpu.memory_space<hbm>>
        %dma_start3A_125 = arith.constant 0 : i32
        %dma_start3A_126 = tpu.memref_slice %dma_start3A_124[%add3A_66, %dma_start3A_125] : memref<10240x128xf32, #tpu.memory_space<hbm>> -> memref<320x128xf32, #tpu.memory_space<hbm>>
        tpu.enqueue_dma source(%dma_start3A_126 : memref<320x128xf32, #tpu.memory_space<hbm>>) target(%dma_start3A_120 : memref<320x128xf32, #tpu.memory_space<vmem_shared>>) target_semaphore(%run_scoped3A_119 : memref<!tpu.dma_semaphore, #tpu.memory_space<semaphore_mem>>)
        %dma_wait3A = arith.constant 0 : i32
        %dma_wait3A_127 = tpu.memref_slice %arg11[%mul3A_68, %dma_wait3A] : memref<5128x128xf32, #tpu.memory_space<vmem_shared>> -> memref<320x128xf32, #tpu.memory_space<vmem_shared>>
        %dma_wait3A_128 = arith.constant 0 : i32
        %dma_wait3A_129 = arith.constant 0 : i32
        %dma_wait3A_130 = tpu.memref_slice %arg2[%run_scoped3A_69, %dma_wait3A_128, %dma_wait3A_129] : memref<4x10240x128xf32, #tpu.memory_space<hbm>> -> memref<1x10240x128xf32, #tpu.memory_space<hbm>>
        %dma_wait3A_131 = tpu.memref_squeeze %dma_wait3A_130 : memref<1x10240x128xf32, #tpu.memory_space<hbm>> -> memref<10240x128xf32, #tpu.memory_space<hbm>>
        %dma_wait3A_132 = arith.constant 0 : i32
        %dma_wait3A_133 = tpu.memref_slice %dma_wait3A_131[%add3A_66, %dma_wait3A_132] : memref<10240x128xf32, #tpu.memory_space<hbm>> -> memref<320x128xf32, #tpu.memory_space<hbm>>
        tpu.wait_dma2 semaphore(%run_scoped3A_119 : memref<!tpu.dma_semaphore, #tpu.memory_space<semaphore_mem>>) src(%dma_wait3A_133 : memref<320x128xf32, #tpu.memory_space<hbm>>) dst(%dma_wait3A_127 : memref<320x128xf32, #tpu.memory_space<vmem_shared>>)
        tpu.yield
      }) : () -> ()
      %barrier3A_70 = arith.constant 0 : index
      tpu.barrier barrier_id(%barrier3A_70)
      %while3A_71 = arith.constant 0 : i32
      %while3A_72 = arith.constant 2 : i32
      %while3A_73 = arith.constant 0 : i32
      %while3A_74 = arith.subi %squeeze3A, %while3A_73 : i32
      %while3A_75 = arith.addi %while3A_73, %while3A_74 : i32
      %while3A_76 = arith.constant 1 : i32
      %while3A_77 = arith.divsi %while3A_74, %while3A_76 : i32
      %while3A_78 = arith.muli %while3A_77, %while3A_76 : i32
      %while3A_79 = arith.addi %while3A_73, %while3A_78 : i32
      %while3A_80 = arith.constant 1 : i32
      scf.for %while3A_119 = %while3A_73 to %while3A_79 step %while3A_80  : i32 {
        %dma_start3A = arith.constant 0 : i32
        %dma_start3A_120 = tpu.memref_slice %arg8[%while3A_119, %dma_start3A] : memref<157x128xi32, #tpu.memory_space<vmem>> -> memref<1x128xi32, #tpu.memory_space<vmem>>
        %dma_start3A_121 = tpu.memref_squeeze %dma_start3A_120 : memref<1x128xi32, #tpu.memory_space<vmem>> -> memref<128xi32, #tpu.memory_space<vmem>>
        %dma_start3A_122 = arith.constant 0 : i32
        %dma_start3A_123 = arith.constant 0 : i32
        %dma_start3A_124 = tpu.memref_slice %arg2[%while3A_72, %dma_start3A_122, %dma_start3A_123] : memref<4x10240x128xf32, #tpu.memory_space<hbm>> -> memref<1x10240x128xf32, #tpu.memory_space<hbm>>
        %dma_start3A_125 = tpu.memref_squeeze %dma_start3A_124 : memref<1x10240x128xf32, #tpu.memory_space<hbm>> -> memref<10240x128xf32, #tpu.memory_space<hbm>>
        %dma_start3A_126 = arith.constant 0 : i32
        %dma_start3A_127 = arith.constant 0 : i32
        %dma_start3A_128 = tpu.memref_slice %dma_start3A_125[%dma_start3A_126, %dma_start3A_127] : memref<10240x128xf32, #tpu.memory_space<hbm>> -> memref<10240x128xf32, #tpu.memory_space<hbm>>
        tpu.enqueue_indirect_dma source(%dma_start3A_128 : memref<10240x128xf32, #tpu.memory_space<hbm>>) target(%arg7 : memref<128x128xf32, #tpu.memory_space<vmem>>) offsets(%dma_start3A_121 : memref<128xi32, #tpu.memory_space<vmem>>) semaphore(%arg12 : memref<!tpu.dma_semaphore, #tpu.memory_space<semaphore_mem>>)
        %dma_wait3A = arith.constant 0 : i32
        %dma_wait3A_129 = tpu.memref_slice %arg8[%while3A_119, %dma_wait3A] : memref<157x128xi32, #tpu.memory_space<vmem>> -> memref<1x128xi32, #tpu.memory_space<vmem>>
        %dma_wait3A_130 = tpu.memref_squeeze %dma_wait3A_129 : memref<1x128xi32, #tpu.memory_space<vmem>> -> memref<128xi32, #tpu.memory_space<vmem>>
        %dma_wait3A_131 = arith.constant 0 : i32
        %dma_wait3A_132 = arith.constant 0 : i32
        %dma_wait3A_133 = tpu.memref_slice %arg2[%while3A_72, %dma_wait3A_131, %dma_wait3A_132] : memref<4x10240x128xf32, #tpu.memory_space<hbm>> -> memref<1x10240x128xf32, #tpu.memory_space<hbm>>
        %dma_wait3A_134 = tpu.memref_squeeze %dma_wait3A_133 : memref<1x10240x128xf32, #tpu.memory_space<hbm>> -> memref<10240x128xf32, #tpu.memory_space<hbm>>
        %dma_wait3A_135 = arith.constant 0 : i32
        %dma_wait3A_136 = arith.constant 0 : i32
        %dma_wait3A_137 = tpu.memref_slice %dma_wait3A_134[%dma_wait3A_135, %dma_wait3A_136] : memref<10240x128xf32, #tpu.memory_space<hbm>> -> memref<10240x128xf32, #tpu.memory_space<hbm>>
        tpu.wait_indirect_dma semaphore(%arg12 : memref<!tpu.dma_semaphore, #tpu.memory_space<semaphore_mem>>) src(%dma_wait3A_137 : memref<10240x128xf32, #tpu.memory_space<hbm>>) dst(%arg7 : memref<128x128xf32, #tpu.memory_space<vmem>>)
        "tpu.region"() ({
          %run_scoped3A_138 = tpu.sem_alloc : memref<!tpu.dma_semaphore, #tpu.memory_space<semaphore_mem>>
          %dma_start3A_139 = arith.constant 0 : i32
          %dma_start3A_140 = tpu.memref_slice %arg9[%while3A_119, %dma_start3A_139] : memref<157x128xi32, #tpu.memory_space<vmem>> -> memref<1x128xi32, #tpu.memory_space<vmem>>
          %dma_start3A_141 = tpu.memref_squeeze %dma_start3A_140 : memref<1x128xi32, #tpu.memory_space<vmem>> -> memref<128xi32, #tpu.memory_space<vmem>>
          %dma_start3A_142 = arith.constant 0 : i32
          %dma_start3A_143 = arith.constant 0 : i32
          %dma_start3A_144 = tpu.memref_slice %arg11[%dma_start3A_142, %dma_start3A_143] : memref<5128x128xf32, #tpu.memory_space<vmem_shared>> -> memref<5128x128xf32, #tpu.memory_space<vmem_shared>>
          tpu.enqueue_indirect_dma source(%arg7 : memref<128x128xf32, #tpu.memory_space<vmem>>) target(%dma_start3A_144 : memref<5128x128xf32, #tpu.memory_space<vmem_shared>>) offsets(%dma_start3A_141 : memref<128xi32, #tpu.memory_space<vmem>>) semaphore(%run_scoped3A_138 : memref<!tpu.dma_semaphore, #tpu.memory_space<semaphore_mem>>) {add = true}
          %dma_wait3A_145 = arith.constant 0 : i32
          %dma_wait3A_146 = tpu.memref_slice %arg9[%while3A_119, %dma_wait3A_145] : memref<157x128xi32, #tpu.memory_space<vmem>> -> memref<1x128xi32, #tpu.memory_space<vmem>>
          %dma_wait3A_147 = tpu.memref_squeeze %dma_wait3A_146 : memref<1x128xi32, #tpu.memory_space<vmem>> -> memref<128xi32, #tpu.memory_space<vmem>>
          %dma_wait3A_148 = arith.constant 0 : i32
          %dma_wait3A_149 = arith.constant 0 : i32
          %dma_wait3A_150 = tpu.memref_slice %arg11[%dma_wait3A_148, %dma_wait3A_149] : memref<5128x128xf32, #tpu.memory_space<vmem_shared>> -> memref<5128x128xf32, #tpu.memory_space<vmem_shared>>
          tpu.wait_indirect_dma semaphore(%run_scoped3A_138 : memref<!tpu.dma_semaphore, #tpu.memory_space<semaphore_mem>>) src(%arg7 : memref<128x128xf32, #tpu.memory_space<vmem>>) dst(%dma_wait3A_150 : memref<5128x128xf32, #tpu.memory_space<vmem_shared>>)
          tpu.yield
        }) : () -> ()
      }
      %while3A_81 = arith.constant 1 : i32
      scf.for %while3A_119 = %while3A_79 to %while3A_75 step %while3A_81  : i32 {
        %dma_start3A = arith.constant 0 : i32
        %dma_start3A_120 = tpu.memref_slice %arg8[%while3A_119, %dma_start3A] : memref<157x128xi32, #tpu.memory_space<vmem>> -> memref<1x128xi32, #tpu.memory_space<vmem>>
        %dma_start3A_121 = tpu.memref_squeeze %dma_start3A_120 : memref<1x128xi32, #tpu.memory_space<vmem>> -> memref<128xi32, #tpu.memory_space<vmem>>
        %dma_start3A_122 = arith.constant 0 : i32
        %dma_start3A_123 = arith.constant 0 : i32
        %dma_start3A_124 = tpu.memref_slice %arg2[%while3A_72, %dma_start3A_122, %dma_start3A_123] : memref<4x10240x128xf32, #tpu.memory_space<hbm>> -> memref<1x10240x128xf32, #tpu.memory_space<hbm>>
        %dma_start3A_125 = tpu.memref_squeeze %dma_start3A_124 : memref<1x10240x128xf32, #tpu.memory_space<hbm>> -> memref<10240x128xf32, #tpu.memory_space<hbm>>
        %dma_start3A_126 = arith.constant 0 : i32
        %dma_start3A_127 = arith.constant 0 : i32
        %dma_start3A_128 = tpu.memref_slice %dma_start3A_125[%dma_start3A_126, %dma_start3A_127] : memref<10240x128xf32, #tpu.memory_space<hbm>> -> memref<10240x128xf32, #tpu.memory_space<hbm>>
        tpu.enqueue_indirect_dma source(%dma_start3A_128 : memref<10240x128xf32, #tpu.memory_space<hbm>>) target(%arg7 : memref<128x128xf32, #tpu.memory_space<vmem>>) offsets(%dma_start3A_121 : memref<128xi32, #tpu.memory_space<vmem>>) semaphore(%arg12 : memref<!tpu.dma_semaphore, #tpu.memory_space<semaphore_mem>>)
        %dma_wait3A = arith.constant 0 : i32
        %dma_wait3A_129 = tpu.memref_slice %arg8[%while3A_119, %dma_wait3A] : memref<157x128xi32, #tpu.memory_space<vmem>> -> memref<1x128xi32, #tpu.memory_space<vmem>>
        %dma_wait3A_130 = tpu.memref_squeeze %dma_wait3A_129 : memref<1x128xi32, #tpu.memory_space<vmem>> -> memref<128xi32, #tpu.memory_space<vmem>>
        %dma_wait3A_131 = arith.constant 0 : i32
        %dma_wait3A_132 = arith.constant 0 : i32
        %dma_wait3A_133 = tpu.memref_slice %arg2[%while3A_72, %dma_wait3A_131, %dma_wait3A_132] : memref<4x10240x128xf32, #tpu.memory_space<hbm>> -> memref<1x10240x128xf32, #tpu.memory_space<hbm>>
        %dma_wait3A_134 = tpu.memref_squeeze %dma_wait3A_133 : memref<1x10240x128xf32, #tpu.memory_space<hbm>> -> memref<10240x128xf32, #tpu.memory_space<hbm>>
        %dma_wait3A_135 = arith.constant 0 : i32
        %dma_wait3A_136 = arith.constant 0 : i32
        %dma_wait3A_137 = tpu.memref_slice %dma_wait3A_134[%dma_wait3A_135, %dma_wait3A_136] : memref<10240x128xf32, #tpu.memory_space<hbm>> -> memref<10240x128xf32, #tpu.memory_space<hbm>>
        tpu.wait_indirect_dma semaphore(%arg12 : memref<!tpu.dma_semaphore, #tpu.memory_space<semaphore_mem>>) src(%dma_wait3A_137 : memref<10240x128xf32, #tpu.memory_space<hbm>>) dst(%arg7 : memref<128x128xf32, #tpu.memory_space<vmem>>)
        "tpu.region"() ({
          %run_scoped3A_138 = tpu.sem_alloc : memref<!tpu.dma_semaphore, #tpu.memory_space<semaphore_mem>>
          %dma_start3A_139 = arith.constant 0 : i32
          %dma_start3A_140 = tpu.memref_slice %arg9[%while3A_119, %dma_start3A_139] : memref<157x128xi32, #tpu.memory_space<vmem>> -> memref<1x128xi32, #tpu.memory_space<vmem>>
          %dma_start3A_141 = tpu.memref_squeeze %dma_start3A_140 : memref<1x128xi32, #tpu.memory_space<vmem>> -> memref<128xi32, #tpu.memory_space<vmem>>
          %dma_start3A_142 = arith.constant 0 : i32
          %dma_start3A_143 = arith.constant 0 : i32
          %dma_start3A_144 = tpu.memref_slice %arg11[%dma_start3A_142, %dma_start3A_143] : memref<5128x128xf32, #tpu.memory_space<vmem_shared>> -> memref<5128x128xf32, #tpu.memory_space<vmem_shared>>
          tpu.enqueue_indirect_dma source(%arg7 : memref<128x128xf32, #tpu.memory_space<vmem>>) target(%dma_start3A_144 : memref<5128x128xf32, #tpu.memory_space<vmem_shared>>) offsets(%dma_start3A_141 : memref<128xi32, #tpu.memory_space<vmem>>) semaphore(%run_scoped3A_138 : memref<!tpu.dma_semaphore, #tpu.memory_space<semaphore_mem>>) {add = true}
          %dma_wait3A_145 = arith.constant 0 : i32
          %dma_wait3A_146 = tpu.memref_slice %arg9[%while3A_119, %dma_wait3A_145] : memref<157x128xi32, #tpu.memory_space<vmem>> -> memref<1x128xi32, #tpu.memory_space<vmem>>
          %dma_wait3A_147 = tpu.memref_squeeze %dma_wait3A_146 : memref<1x128xi32, #tpu.memory_space<vmem>> -> memref<128xi32, #tpu.memory_space<vmem>>
          %dma_wait3A_148 = arith.constant 0 : i32
          %dma_wait3A_149 = arith.constant 0 : i32
          %dma_wait3A_150 = tpu.memref_slice %arg11[%dma_wait3A_148, %dma_wait3A_149] : memref<5128x128xf32, #tpu.memory_space<vmem_shared>> -> memref<5128x128xf32, #tpu.memory_space<vmem_shared>>
          tpu.wait_indirect_dma semaphore(%run_scoped3A_138 : memref<!tpu.dma_semaphore, #tpu.memory_space<semaphore_mem>>) src(%arg7 : memref<128x128xf32, #tpu.memory_space<vmem>>) dst(%dma_wait3A_150 : memref<5128x128xf32, #tpu.memory_space<vmem_shared>>)
          tpu.yield
        }) : () -> ()
      }
      %barrier3A_82 = arith.constant 0 : index
      tpu.barrier barrier_id(%barrier3A_82)
      %mul3A_83 = arith.constant 320 : i32
      %mul3A_84 = arith.muli %arg1, %mul3A_83 : i32
      %mul3A_85 = arith.constant 320 : i32
      %mul3A_86 = arith.muli %arg1, %mul3A_85 : i32
      %add3A_87 = arith.constant 0 : i32
      %add3A_88 = arith.addi %add3A_87, %mul3A_86 : i32
      %run_scoped3A_89 = arith.constant 2 : i32
      "tpu.region"() ({
        %run_scoped3A_119 = tpu.sem_alloc : memref<!tpu.dma_semaphore, #tpu.memory_space<semaphore_mem>>
        %dma_start3A = arith.constant 0 : i32
        %dma_start3A_120 = arith.constant 0 : i32
        %dma_start3A_121 = tpu.memref_slice %arg6[%run_scoped3A_89, %dma_start3A, %dma_start3A_120] : memref<4x10240x128xf32, #tpu.memory_space<hbm>> -> memref<1x10240x128xf32, #tpu.memory_space<hbm>>
        %dma_start3A_122 = tpu.memref_squeeze %dma_start3A_121 : memref<1x10240x128xf32, #tpu.memory_space<hbm>> -> memref<10240x128xf32, #tpu.memory_space<hbm>>
        %dma_start3A_123 = arith.constant 0 : i32
        %dma_start3A_124 = tpu.memref_slice %dma_start3A_122[%add3A_88, %dma_start3A_123] : memref<10240x128xf32, #tpu.memory_space<hbm>> -> memref<320x128xf32, #tpu.memory_space<hbm>>
        %dma_start3A_125 = arith.constant 0 : i32
        %dma_start3A_126 = tpu.memref_slice %arg11[%mul3A_84, %dma_start3A_125] : memref<5128x128xf32, #tpu.memory_space<vmem_shared>> -> memref<320x128xf32, #tpu.memory_space<vmem_shared>>
        tpu.enqueue_dma source(%dma_start3A_126 : memref<320x128xf32, #tpu.memory_space<vmem_shared>>) target(%dma_start3A_124 : memref<320x128xf32, #tpu.memory_space<hbm>>) target_semaphore(%run_scoped3A_119 : memref<!tpu.dma_semaphore, #tpu.memory_space<semaphore_mem>>)
        %dma_wait3A = arith.constant 0 : i32
        %dma_wait3A_127 = arith.constant 0 : i32
        %dma_wait3A_128 = tpu.memref_slice %arg6[%run_scoped3A_89, %dma_wait3A, %dma_wait3A_127] : memref<4x10240x128xf32, #tpu.memory_space<hbm>> -> memref<1x10240x128xf32, #tpu.memory_space<hbm>>
        %dma_wait3A_129 = tpu.memref_squeeze %dma_wait3A_128 : memref<1x10240x128xf32, #tpu.memory_space<hbm>> -> memref<10240x128xf32, #tpu.memory_space<hbm>>
        %dma_wait3A_130 = arith.constant 0 : i32
        %dma_wait3A_131 = tpu.memref_slice %dma_wait3A_129[%add3A_88, %dma_wait3A_130] : memref<10240x128xf32, #tpu.memory_space<hbm>> -> memref<320x128xf32, #tpu.memory_space<hbm>>
        %dma_wait3A_132 = arith.constant 0 : i32
        %dma_wait3A_133 = tpu.memref_slice %arg11[%mul3A_84, %dma_wait3A_132] : memref<5128x128xf32, #tpu.memory_space<vmem_shared>> -> memref<320x128xf32, #tpu.memory_space<vmem_shared>>
        tpu.wait_dma2 semaphore(%run_scoped3A_119 : memref<!tpu.dma_semaphore, #tpu.memory_space<semaphore_mem>>) src(%dma_wait3A_133 : memref<320x128xf32, #tpu.memory_space<vmem_shared>>) dst(%dma_wait3A_131 : memref<320x128xf32, #tpu.memory_space<hbm>>)
        tpu.yield
      }) : () -> ()
      %barrier3A_90 = arith.constant 0 : index
      tpu.barrier barrier_id(%barrier3A_90)
      %mul3A_91 = arith.constant 320 : i32
      %mul3A_92 = arith.muli %arg1, %mul3A_91 : i32
      %add3A_93 = arith.constant 0 : i32
      %add3A_94 = arith.addi %add3A_93, %mul3A_92 : i32
      %mul3A_95 = arith.constant 320 : i32
      %mul3A_96 = arith.muli %arg1, %mul3A_95 : i32
      %run_scoped3A_97 = arith.constant 3 : i32
      "tpu.region"() ({
        %run_scoped3A_119 = tpu.sem_alloc : memref<!tpu.dma_semaphore, #tpu.memory_space<semaphore_mem>>
        %dma_start3A = arith.constant 0 : i32
        %dma_start3A_120 = tpu.memref_slice %arg11[%mul3A_96, %dma_start3A] : memref<5128x128xf32, #tpu.memory_space<vmem_shared>> -> memref<320x128xf32, #tpu.memory_space<vmem_shared>>
        %dma_start3A_121 = arith.constant 0 : i32
        %dma_start3A_122 = arith.constant 0 : i32
        %dma_start3A_123 = tpu.memref_slice %arg2[%run_scoped3A_97, %dma_start3A_121, %dma_start3A_122] : memref<4x10240x128xf32, #tpu.memory_space<hbm>> -> memref<1x10240x128xf32, #tpu.memory_space<hbm>>
        %dma_start3A_124 = tpu.memref_squeeze %dma_start3A_123 : memref<1x10240x128xf32, #tpu.memory_space<hbm>> -> memref<10240x128xf32, #tpu.memory_space<hbm>>
        %dma_start3A_125 = arith.constant 0 : i32
        %dma_start3A_126 = tpu.memref_slice %dma_start3A_124[%add3A_94, %dma_start3A_125] : memref<10240x128xf32, #tpu.memory_space<hbm>> -> memref<320x128xf32, #tpu.memory_space<hbm>>
        tpu.enqueue_dma source(%dma_start3A_126 : memref<320x128xf32, #tpu.memory_space<hbm>>) target(%dma_start3A_120 : memref<320x128xf32, #tpu.memory_space<vmem_shared>>) target_semaphore(%run_scoped3A_119 : memref<!tpu.dma_semaphore, #tpu.memory_space<semaphore_mem>>)
        %dma_wait3A = arith.constant 0 : i32
        %dma_wait3A_127 = tpu.memref_slice %arg11[%mul3A_96, %dma_wait3A] : memref<5128x128xf32, #tpu.memory_space<vmem_shared>> -> memref<320x128xf32, #tpu.memory_space<vmem_shared>>
        %dma_wait3A_128 = arith.constant 0 : i32
        %dma_wait3A_129 = arith.constant 0 : i32
        %dma_wait3A_130 = tpu.memref_slice %arg2[%run_scoped3A_97, %dma_wait3A_128, %dma_wait3A_129] : memref<4x10240x128xf32, #tpu.memory_space<hbm>> -> memref<1x10240x128xf32, #tpu.memory_space<hbm>>
        %dma_wait3A_131 = tpu.memref_squeeze %dma_wait3A_130 : memref<1x10240x128xf32, #tpu.memory_space<hbm>> -> memref<10240x128xf32, #tpu.memory_space<hbm>>
        %dma_wait3A_132 = arith.constant 0 : i32
        %dma_wait3A_133 = tpu.memref_slice %dma_wait3A_131[%add3A_94, %dma_wait3A_132] : memref<10240x128xf32, #tpu.memory_space<hbm>> -> memref<320x128xf32, #tpu.memory_space<hbm>>
        tpu.wait_dma2 semaphore(%run_scoped3A_119 : memref<!tpu.dma_semaphore, #tpu.memory_space<semaphore_mem>>) src(%dma_wait3A_133 : memref<320x128xf32, #tpu.memory_space<hbm>>) dst(%dma_wait3A_127 : memref<320x128xf32, #tpu.memory_space<vmem_shared>>)
        tpu.yield
      }) : () -> ()
      %barrier3A_98 = arith.constant 0 : index
      tpu.barrier barrier_id(%barrier3A_98)
      %while3A_99 = arith.constant 0 : i32
      %while3A_100 = arith.constant 3 : i32
      %while3A_101 = arith.constant 0 : i32
      %while3A_102 = arith.subi %squeeze3A, %while3A_101 : i32
      %while3A_103 = arith.addi %while3A_101, %while3A_102 : i32
      %while3A_104 = arith.constant 1 : i32
      %while3A_105 = arith.divsi %while3A_102, %while3A_104 : i32
      %while3A_106 = arith.muli %while3A_105, %while3A_104 : i32
      %while3A_107 = arith.addi %while3A_101, %while3A_106 : i32
      %while3A_108 = arith.constant 1 : i32
      scf.for %while3A_119 = %while3A_101 to %while3A_107 step %while3A_108  : i32 {
        %dma_start3A = arith.constant 0 : i32
        %dma_start3A_120 = tpu.memref_slice %arg8[%while3A_119, %dma_start3A] : memref<157x128xi32, #tpu.memory_space<vmem>> -> memref<1x128xi32, #tpu.memory_space<vmem>>
        %dma_start3A_121 = tpu.memref_squeeze %dma_start3A_120 : memref<1x128xi32, #tpu.memory_space<vmem>> -> memref<128xi32, #tpu.memory_space<vmem>>
        %dma_start3A_122 = arith.constant 0 : i32
        %dma_start3A_123 = arith.constant 0 : i32
        %dma_start3A_124 = tpu.memref_slice %arg2[%while3A_100, %dma_start3A_122, %dma_start3A_123] : memref<4x10240x128xf32, #tpu.memory_space<hbm>> -> memref<1x10240x128xf32, #tpu.memory_space<hbm>>
        %dma_start3A_125 = tpu.memref_squeeze %dma_start3A_124 : memref<1x10240x128xf32, #tpu.memory_space<hbm>> -> memref<10240x128xf32, #tpu.memory_space<hbm>>
        %dma_start3A_126 = arith.constant 0 : i32
        %dma_start3A_127 = arith.constant 0 : i32
        %dma_start3A_128 = tpu.memref_slice %dma_start3A_125[%dma_start3A_126, %dma_start3A_127] : memref<10240x128xf32, #tpu.memory_space<hbm>> -> memref<10240x128xf32, #tpu.memory_space<hbm>>
        tpu.enqueue_indirect_dma source(%dma_start3A_128 : memref<10240x128xf32, #tpu.memory_space<hbm>>) target(%arg7 : memref<128x128xf32, #tpu.memory_space<vmem>>) offsets(%dma_start3A_121 : memref<128xi32, #tpu.memory_space<vmem>>) semaphore(%arg12 : memref<!tpu.dma_semaphore, #tpu.memory_space<semaphore_mem>>)
        %dma_wait3A = arith.constant 0 : i32
        %dma_wait3A_129 = tpu.memref_slice %arg8[%while3A_119, %dma_wait3A] : memref<157x128xi32, #tpu.memory_space<vmem>> -> memref<1x128xi32, #tpu.memory_space<vmem>>
        %dma_wait3A_130 = tpu.memref_squeeze %dma_wait3A_129 : memref<1x128xi32, #tpu.memory_space<vmem>> -> memref<128xi32, #tpu.memory_space<vmem>>
        %dma_wait3A_131 = arith.constant 0 : i32
        %dma_wait3A_132 = arith.constant 0 : i32
        %dma_wait3A_133 = tpu.memref_slice %arg2[%while3A_100, %dma_wait3A_131, %dma_wait3A_132] : memref<4x10240x128xf32, #tpu.memory_space<hbm>> -> memref<1x10240x128xf32, #tpu.memory_space<hbm>>
        %dma_wait3A_134 = tpu.memref_squeeze %dma_wait3A_133 : memref<1x10240x128xf32, #tpu.memory_space<hbm>> -> memref<10240x128xf32, #tpu.memory_space<hbm>>
        %dma_wait3A_135 = arith.constant 0 : i32
        %dma_wait3A_136 = arith.constant 0 : i32
        %dma_wait3A_137 = tpu.memref_slice %dma_wait3A_134[%dma_wait3A_135, %dma_wait3A_136] : memref<10240x128xf32, #tpu.memory_space<hbm>> -> memref<10240x128xf32, #tpu.memory_space<hbm>>
        tpu.wait_indirect_dma semaphore(%arg12 : memref<!tpu.dma_semaphore, #tpu.memory_space<semaphore_mem>>) src(%dma_wait3A_137 : memref<10240x128xf32, #tpu.memory_space<hbm>>) dst(%arg7 : memref<128x128xf32, #tpu.memory_space<vmem>>)
        "tpu.region"() ({
          %run_scoped3A_138 = tpu.sem_alloc : memref<!tpu.dma_semaphore, #tpu.memory_space<semaphore_mem>>
          %dma_start3A_139 = arith.constant 0 : i32
          %dma_start3A_140 = tpu.memref_slice %arg9[%while3A_119, %dma_start3A_139] : memref<157x128xi32, #tpu.memory_space<vmem>> -> memref<1x128xi32, #tpu.memory_space<vmem>>
          %dma_start3A_141 = tpu.memref_squeeze %dma_start3A_140 : memref<1x128xi32, #tpu.memory_space<vmem>> -> memref<128xi32, #tpu.memory_space<vmem>>
          %dma_start3A_142 = arith.constant 0 : i32
          %dma_start3A_143 = arith.constant 0 : i32
          %dma_start3A_144 = tpu.memref_slice %arg11[%dma_start3A_142, %dma_start3A_143] : memref<5128x128xf32, #tpu.memory_space<vmem_shared>> -> memref<5128x128xf32, #tpu.memory_space<vmem_shared>>
          tpu.enqueue_indirect_dma source(%arg7 : memref<128x128xf32, #tpu.memory_space<vmem>>) target(%dma_start3A_144 : memref<5128x128xf32, #tpu.memory_space<vmem_shared>>) offsets(%dma_start3A_141 : memref<128xi32, #tpu.memory_space<vmem>>) semaphore(%run_scoped3A_138 : memref<!tpu.dma_semaphore, #tpu.memory_space<semaphore_mem>>) {add = true}
          %dma_wait3A_145 = arith.constant 0 : i32
          %dma_wait3A_146 = tpu.memref_slice %arg9[%while3A_119, %dma_wait3A_145] : memref<157x128xi32, #tpu.memory_space<vmem>> -> memref<1x128xi32, #tpu.memory_space<vmem>>
          %dma_wait3A_147 = tpu.memref_squeeze %dma_wait3A_146 : memref<1x128xi32, #tpu.memory_space<vmem>> -> memref<128xi32, #tpu.memory_space<vmem>>
          %dma_wait3A_148 = arith.constant 0 : i32
          %dma_wait3A_149 = arith.constant 0 : i32
          %dma_wait3A_150 = tpu.memref_slice %arg11[%dma_wait3A_148, %dma_wait3A_149] : memref<5128x128xf32, #tpu.memory_space<vmem_shared>> -> memref<5128x128xf32, #tpu.memory_space<vmem_shared>>
          tpu.wait_indirect_dma semaphore(%run_scoped3A_138 : memref<!tpu.dma_semaphore, #tpu.memory_space<semaphore_mem>>) src(%arg7 : memref<128x128xf32, #tpu.memory_space<vmem>>) dst(%dma_wait3A_150 : memref<5128x128xf32, #tpu.memory_space<vmem_shared>>)
          tpu.yield
        }) : () -> ()
      }
      %while3A_109 = arith.constant 1 : i32
      scf.for %while3A_119 = %while3A_107 to %while3A_103 step %while3A_109  : i32 {
        %dma_start3A = arith.constant 0 : i32
        %dma_start3A_120 = tpu.memref_slice %arg8[%while3A_119, %dma_start3A] : memref<157x128xi32, #tpu.memory_space<vmem>> -> memref<1x128xi32, #tpu.memory_space<vmem>>
        %dma_start3A_121 = tpu.memref_squeeze %dma_start3A_120 : memref<1x128xi32, #tpu.memory_space<vmem>> -> memref<128xi32, #tpu.memory_space<vmem>>
        %dma_start3A_122 = arith.constant 0 : i32
        %dma_start3A_123 = arith.constant 0 : i32
        %dma_start3A_124 = tpu.memref_slice %arg2[%while3A_100, %dma_start3A_122, %dma_start3A_123] : memref<4x10240x128xf32, #tpu.memory_space<hbm>> -> memref<1x10240x128xf32, #tpu.memory_space<hbm>>
        %dma_start3A_125 = tpu.memref_squeeze %dma_start3A_124 : memref<1x10240x128xf32, #tpu.memory_space<hbm>> -> memref<10240x128xf32, #tpu.memory_space<hbm>>
        %dma_start3A_126 = arith.constant 0 : i32
        %dma_start3A_127 = arith.constant 0 : i32
        %dma_start3A_128 = tpu.memref_slice %dma_start3A_125[%dma_start3A_126, %dma_start3A_127] : memref<10240x128xf32, #tpu.memory_space<hbm>> -> memref<10240x128xf32, #tpu.memory_space<hbm>>
        tpu.enqueue_indirect_dma source(%dma_start3A_128 : memref<10240x128xf32, #tpu.memory_space<hbm>>) target(%arg7 : memref<128x128xf32, #tpu.memory_space<vmem>>) offsets(%dma_start3A_121 : memref<128xi32, #tpu.memory_space<vmem>>) semaphore(%arg12 : memref<!tpu.dma_semaphore, #tpu.memory_space<semaphore_mem>>)
        %dma_wait3A = arith.constant 0 : i32
        %dma_wait3A_129 = tpu.memref_slice %arg8[%while3A_119, %dma_wait3A] : memref<157x128xi32, #tpu.memory_space<vmem>> -> memref<1x128xi32, #tpu.memory_space<vmem>>
        %dma_wait3A_130 = tpu.memref_squeeze %dma_wait3A_129 : memref<1x128xi32, #tpu.memory_space<vmem>> -> memref<128xi32, #tpu.memory_space<vmem>>
        %dma_wait3A_131 = arith.constant 0 : i32
        %dma_wait3A_132 = arith.constant 0 : i32
        %dma_wait3A_133 = tpu.memref_slice %arg2[%while3A_100, %dma_wait3A_131, %dma_wait3A_132] : memref<4x10240x128xf32, #tpu.memory_space<hbm>> -> memref<1x10240x128xf32, #tpu.memory_space<hbm>>
        %dma_wait3A_134 = tpu.memref_squeeze %dma_wait3A_133 : memref<1x10240x128xf32, #tpu.memory_space<hbm>> -> memref<10240x128xf32, #tpu.memory_space<hbm>>
        %dma_wait3A_135 = arith.constant 0 : i32
        %dma_wait3A_136 = arith.constant 0 : i32
        %dma_wait3A_137 = tpu.memref_slice %dma_wait3A_134[%dma_wait3A_135, %dma_wait3A_136] : memref<10240x128xf32, #tpu.memory_space<hbm>> -> memref<10240x128xf32, #tpu.memory_space<hbm>>
        tpu.wait_indirect_dma semaphore(%arg12 : memref<!tpu.dma_semaphore, #tpu.memory_space<semaphore_mem>>) src(%dma_wait3A_137 : memref<10240x128xf32, #tpu.memory_space<hbm>>) dst(%arg7 : memref<128x128xf32, #tpu.memory_space<vmem>>)
        "tpu.region"() ({
          %run_scoped3A_138 = tpu.sem_alloc : memref<!tpu.dma_semaphore, #tpu.memory_space<semaphore_mem>>
          %dma_start3A_139 = arith.constant 0 : i32
          %dma_start3A_140 = tpu.memref_slice %arg9[%while3A_119, %dma_start3A_139] : memref<157x128xi32, #tpu.memory_space<vmem>> -> memref<1x128xi32, #tpu.memory_space<vmem>>
          %dma_start3A_141 = tpu.memref_squeeze %dma_start3A_140 : memref<1x128xi32, #tpu.memory_space<vmem>> -> memref<128xi32, #tpu.memory_space<vmem>>
          %dma_start3A_142 = arith.constant 0 : i32
          %dma_start3A_143 = arith.constant 0 : i32
          %dma_start3A_144 = tpu.memref_slice %arg11[%dma_start3A_142, %dma_start3A_143] : memref<5128x128xf32, #tpu.memory_space<vmem_shared>> -> memref<5128x128xf32, #tpu.memory_space<vmem_shared>>
          tpu.enqueue_indirect_dma source(%arg7 : memref<128x128xf32, #tpu.memory_space<vmem>>) target(%dma_start3A_144 : memref<5128x128xf32, #tpu.memory_space<vmem_shared>>) offsets(%dma_start3A_141 : memref<128xi32, #tpu.memory_space<vmem>>) semaphore(%run_scoped3A_138 : memref<!tpu.dma_semaphore, #tpu.memory_space<semaphore_mem>>) {add = true}
          %dma_wait3A_145 = arith.constant 0 : i32
          %dma_wait3A_146 = tpu.memref_slice %arg9[%while3A_119, %dma_wait3A_145] : memref<157x128xi32, #tpu.memory_space<vmem>> -> memref<1x128xi32, #tpu.memory_space<vmem>>
          %dma_wait3A_147 = tpu.memref_squeeze %dma_wait3A_146 : memref<1x128xi32, #tpu.memory_space<vmem>> -> memref<128xi32, #tpu.memory_space<vmem>>
          %dma_wait3A_148 = arith.constant 0 : i32
          %dma_wait3A_149 = arith.constant 0 : i32
          %dma_wait3A_150 = tpu.memref_slice %arg11[%dma_wait3A_148, %dma_wait3A_149] : memref<5128x128xf32, #tpu.memory_space<vmem_shared>> -> memref<5128x128xf32, #tpu.memory_space<vmem_shared>>
          tpu.wait_indirect_dma semaphore(%run_scoped3A_138 : memref<!tpu.dma_semaphore, #tpu.memory_space<semaphore_mem>>) src(%arg7 : memref<128x128xf32, #tpu.memory_space<vmem>>) dst(%dma_wait3A_150 : memref<5128x128xf32, #tpu.memory_space<vmem_shared>>)
          tpu.yield
        }) : () -> ()
      }
      %barrier3A_110 = arith.constant 0 : index
      tpu.barrier barrier_id(%barrier3A_110)
      %mul3A_111 = arith.constant 320 : i32
      %mul3A_112 = arith.muli %arg1, %mul3A_111 : i32
      %mul3A_113 = arith.constant 320 : i32
      %mul3A_114 = arith.muli %arg1, %mul3A_113 : i32
      %add3A_115 = arith.constant 0 : i32
      %add3A_116 = arith.addi %add3A_115, %mul3A_114 : i32
      %run_scoped3A_117 = arith.constant 3 : i32
      "tpu.region"() ({
        %run_scoped3A_119 = tpu.sem_alloc : memref<!tpu.dma_semaphore, #tpu.memory_space<semaphore_mem>>
        %dma_start3A = arith.constant 0 : i32
        %dma_start3A_120 = arith.constant 0 : i32
        %dma_start3A_121 = tpu.memref_slice %arg6[%run_scoped3A_117, %dma_start3A, %dma_start3A_120] : memref<4x10240x128xf32, #tpu.memory_space<hbm>> -> memref<1x10240x128xf32, #tpu.memory_space<hbm>>
        %dma_start3A_122 = tpu.memref_squeeze %dma_start3A_121 : memref<1x10240x128xf32, #tpu.memory_space<hbm>> -> memref<10240x128xf32, #tpu.memory_space<hbm>>
        %dma_start3A_123 = arith.constant 0 : i32
        %dma_start3A_124 = tpu.memref_slice %dma_start3A_122[%add3A_116, %dma_start3A_123] : memref<10240x128xf32, #tpu.memory_space<hbm>> -> memref<320x128xf32, #tpu.memory_space<hbm>>
        %dma_start3A_125 = arith.constant 0 : i32
        %dma_start3A_126 = tpu.memref_slice %arg11[%mul3A_112, %dma_start3A_125] : memref<5128x128xf32, #tpu.memory_space<vmem_shared>> -> memref<320x128xf32, #tpu.memory_space<vmem_shared>>
        tpu.enqueue_dma source(%dma_start3A_126 : memref<320x128xf32, #tpu.memory_space<vmem_shared>>) target(%dma_start3A_124 : memref<320x128xf32, #tpu.memory_space<hbm>>) target_semaphore(%run_scoped3A_119 : memref<!tpu.dma_semaphore, #tpu.memory_space<semaphore_mem>>)
        %dma_wait3A = arith.constant 0 : i32
        %dma_wait3A_127 = arith.constant 0 : i32
        %dma_wait3A_128 = tpu.memref_slice %arg6[%run_scoped3A_117, %dma_wait3A, %dma_wait3A_127] : memref<4x10240x128xf32, #tpu.memory_space<hbm>> -> memref<1x10240x128xf32, #tpu.memory_space<hbm>>
        %dma_wait3A_129 = tpu.memref_squeeze %dma_wait3A_128 : memref<1x10240x128xf32, #tpu.memory_space<hbm>> -> memref<10240x128xf32, #tpu.memory_space<hbm>>
        %dma_wait3A_130 = arith.constant 0 : i32
        %dma_wait3A_131 = tpu.memref_slice %dma_wait3A_129[%add3A_116, %dma_wait3A_130] : memref<10240x128xf32, #tpu.memory_space<hbm>> -> memref<320x128xf32, #tpu.memory_space<hbm>>
        %dma_wait3A_132 = arith.constant 0 : i32
        %dma_wait3A_133 = tpu.memref_slice %arg11[%mul3A_112, %dma_wait3A_132] : memref<5128x128xf32, #tpu.memory_space<vmem_shared>> -> memref<320x128xf32, #tpu.memory_space<vmem_shared>>
        tpu.wait_dma2 semaphore(%run_scoped3A_119 : memref<!tpu.dma_semaphore, #tpu.memory_space<semaphore_mem>>) src(%dma_wait3A_133 : memref<320x128xf32, #tpu.memory_space<vmem_shared>>) dst(%dma_wait3A_131 : memref<320x128xf32, #tpu.memory_space<hbm>>)
        tpu.yield
      }) : () -> ()
      %barrier3A_118 = arith.constant 0 : index
      tpu.barrier barrier_id(%barrier3A_118)
    } else {
    }
    %eq3A_2 = arith.constant 1 : i32
    %eq3A_3 = arith.cmpi eq, %arg0, %eq3A_2 : i32
    %convert_element_type3A_4 = arith.extui %eq3A_3 : i1 to i32
    %cond3A_5 = arith.constant 0 : i32
    %cond3A_6 = arith.cmpi ne, %convert_element_type3A_4, %cond3A_5 : i32
    scf.if %cond3A_6 {
      %run_scoped3A = arith.constant 1 : i32
      "tpu.region"() ({
        %run_scoped3A_119 = tpu.sem_alloc : memref<!tpu.dma_semaphore, #tpu.memory_space<semaphore_mem>>
        %dma_start3A = arith.constant 0 : i32
        %dma_start3A_120 = tpu.memref_slice %arg5[%run_scoped3A, %arg1, %dma_start3A] : memref<2x16x16xi32, #tpu.memory_space<hbm>> -> memref<1x1x16xi32, #tpu.memory_space<hbm>>
        %dma_start3A_121 = tpu.memref_squeeze %dma_start3A_120 : memref<1x1x16xi32, #tpu.memory_space<hbm>> -> memref<16xi32, #tpu.memory_space<hbm>>
        %dma_start3A_122 = arith.constant 0 : i32
        %dma_start3A_123 = tpu.memref_slice %arg5[%run_scoped3A, %arg1, %dma_start3A_122] : memref<2x16x16xi32, #tpu.memory_space<hbm>> -> memref<1x1x16xi32, #tpu.memory_space<hbm>>
        %dma_start3A_124 = tpu.memref_squeeze %dma_start3A_123 : memref<1x1x16xi32, #tpu.memory_space<hbm>> -> memref<16xi32, #tpu.memory_space<hbm>>
        tpu.enqueue_dma source(%dma_start3A_124 : memref<16xi32, #tpu.memory_space<hbm>>) target(%arg10 : memref<16xi32, #tpu.memory_space<vmem>>) target_semaphore(%run_scoped3A_119 : memref<!tpu.dma_semaphore, #tpu.memory_space<semaphore_mem>>)
        %dma_wait3A = arith.constant 0 : i32
        %dma_wait3A_125 = tpu.memref_slice %arg5[%run_scoped3A, %arg1, %dma_wait3A] : memref<2x16x16xi32, #tpu.memory_space<hbm>> -> memref<1x1x16xi32, #tpu.memory_space<hbm>>
        %dma_wait3A_126 = tpu.memref_squeeze %dma_wait3A_125 : memref<1x1x16xi32, #tpu.memory_space<hbm>> -> memref<16xi32, #tpu.memory_space<hbm>>
        %dma_wait3A_127 = arith.constant 0 : i32
        %dma_wait3A_128 = tpu.memref_slice %arg5[%run_scoped3A, %arg1, %dma_wait3A_127] : memref<2x16x16xi32, #tpu.memory_space<hbm>> -> memref<1x1x16xi32, #tpu.memory_space<hbm>>
        %dma_wait3A_129 = tpu.memref_squeeze %dma_wait3A_128 : memref<1x1x16xi32, #tpu.memory_space<hbm>> -> memref<16xi32, #tpu.memory_space<hbm>>
        tpu.wait_dma2 semaphore(%run_scoped3A_119 : memref<!tpu.dma_semaphore, #tpu.memory_space<semaphore_mem>>) src(%dma_wait3A_129 : memref<16xi32, #tpu.memory_space<hbm>>) dst(%arg10 : memref<16xi32, #tpu.memory_space<vmem>>)
        tpu.yield
      }) : () -> ()
      %run_scoped3A_7 = arith.constant 1 : i32
      "tpu.region"() ({
        %run_scoped3A_119 = tpu.sem_alloc : memref<!tpu.dma_semaphore, #tpu.memory_space<semaphore_mem>>
        %dma_start3A = arith.constant 0 : i32
        %dma_start3A_120 = arith.constant 0 : i32
        %dma_start3A_121 = tpu.memref_slice %arg3[%run_scoped3A_7, %arg1, %dma_start3A, %dma_start3A_120] : memref<2x16x157x128xi32, #tpu.memory_space<hbm>> -> memref<1x1x157x128xi32, #tpu.memory_space<hbm>>
        %dma_start3A_122 = tpu.memref_squeeze %dma_start3A_121 : memref<1x1x157x128xi32, #tpu.memory_space<hbm>> -> memref<157x128xi32, #tpu.memory_space<hbm>>
        %dma_start3A_123 = arith.constant 0 : i32
        %dma_start3A_124 = arith.constant 0 : i32
        %dma_start3A_125 = tpu.memref_slice %arg3[%run_scoped3A_7, %arg1, %dma_start3A_123, %dma_start3A_124] : memref<2x16x157x128xi32, #tpu.memory_space<hbm>> -> memref<1x1x157x128xi32, #tpu.memory_space<hbm>>
        %dma_start3A_126 = tpu.memref_squeeze %dma_start3A_125 : memref<1x1x157x128xi32, #tpu.memory_space<hbm>> -> memref<157x128xi32, #tpu.memory_space<hbm>>
        tpu.enqueue_dma source(%dma_start3A_126 : memref<157x128xi32, #tpu.memory_space<hbm>>) target(%arg8 : memref<157x128xi32, #tpu.memory_space<vmem>>) target_semaphore(%run_scoped3A_119 : memref<!tpu.dma_semaphore, #tpu.memory_space<semaphore_mem>>)
        %dma_wait3A = arith.constant 0 : i32
        %dma_wait3A_127 = arith.constant 0 : i32
        %dma_wait3A_128 = tpu.memref_slice %arg3[%run_scoped3A_7, %arg1, %dma_wait3A, %dma_wait3A_127] : memref<2x16x157x128xi32, #tpu.memory_space<hbm>> -> memref<1x1x157x128xi32, #tpu.memory_space<hbm>>
        %dma_wait3A_129 = tpu.memref_squeeze %dma_wait3A_128 : memref<1x1x157x128xi32, #tpu.memory_space<hbm>> -> memref<157x128xi32, #tpu.memory_space<hbm>>
        %dma_wait3A_130 = arith.constant 0 : i32
        %dma_wait3A_131 = arith.constant 0 : i32
        %dma_wait3A_132 = tpu.memref_slice %arg3[%run_scoped3A_7, %arg1, %dma_wait3A_130, %dma_wait3A_131] : memref<2x16x157x128xi32, #tpu.memory_space<hbm>> -> memref<1x1x157x128xi32, #tpu.memory_space<hbm>>
        %dma_wait3A_133 = tpu.memref_squeeze %dma_wait3A_132 : memref<1x1x157x128xi32, #tpu.memory_space<hbm>> -> memref<157x128xi32, #tpu.memory_space<hbm>>
        tpu.wait_dma2 semaphore(%run_scoped3A_119 : memref<!tpu.dma_semaphore, #tpu.memory_space<semaphore_mem>>) src(%dma_wait3A_133 : memref<157x128xi32, #tpu.memory_space<hbm>>) dst(%arg8 : memref<157x128xi32, #tpu.memory_space<vmem>>)
        tpu.yield
      }) : () -> ()
      %run_scoped3A_8 = arith.constant 1 : i32
      "tpu.region"() ({
        %run_scoped3A_119 = tpu.sem_alloc : memref<!tpu.dma_semaphore, #tpu.memory_space<semaphore_mem>>
        %dma_start3A = arith.constant 0 : i32
        %dma_start3A_120 = arith.constant 0 : i32
        %dma_start3A_121 = tpu.memref_slice %arg4[%run_scoped3A_8, %arg1, %dma_start3A, %dma_start3A_120] : memref<2x16x157x128xi32, #tpu.memory_space<hbm>> -> memref<1x1x157x128xi32, #tpu.memory_space<hbm>>
        %dma_start3A_122 = tpu.memref_squeeze %dma_start3A_121 : memref<1x1x157x128xi32, #tpu.memory_space<hbm>> -> memref<157x128xi32, #tpu.memory_space<hbm>>
        %dma_start3A_123 = arith.constant 0 : i32
        %dma_start3A_124 = arith.constant 0 : i32
        %dma_start3A_125 = tpu.memref_slice %arg4[%run_scoped3A_8, %arg1, %dma_start3A_123, %dma_start3A_124] : memref<2x16x157x128xi32, #tpu.memory_space<hbm>> -> memref<1x1x157x128xi32, #tpu.memory_space<hbm>>
        %dma_start3A_126 = tpu.memref_squeeze %dma_start3A_125 : memref<1x1x157x128xi32, #tpu.memory_space<hbm>> -> memref<157x128xi32, #tpu.memory_space<hbm>>
        tpu.enqueue_dma source(%dma_start3A_126 : memref<157x128xi32, #tpu.memory_space<hbm>>) target(%arg9 : memref<157x128xi32, #tpu.memory_space<vmem>>) target_semaphore(%run_scoped3A_119 : memref<!tpu.dma_semaphore, #tpu.memory_space<semaphore_mem>>)
        %dma_wait3A = arith.constant 0 : i32
        %dma_wait3A_127 = arith.constant 0 : i32
        %dma_wait3A_128 = tpu.memref_slice %arg4[%run_scoped3A_8, %arg1, %dma_wait3A, %dma_wait3A_127] : memref<2x16x157x128xi32, #tpu.memory_space<hbm>> -> memref<1x1x157x128xi32, #tpu.memory_space<hbm>>
        %dma_wait3A_129 = tpu.memref_squeeze %dma_wait3A_128 : memref<1x1x157x128xi32, #tpu.memory_space<hbm>> -> memref<157x128xi32, #tpu.memory_space<hbm>>
        %dma_wait3A_130 = arith.constant 0 : i32
        %dma_wait3A_131 = arith.constant 0 : i32
        %dma_wait3A_132 = tpu.memref_slice %arg4[%run_scoped3A_8, %arg1, %dma_wait3A_130, %dma_wait3A_131] : memref<2x16x157x128xi32, #tpu.memory_space<hbm>> -> memref<1x1x157x128xi32, #tpu.memory_space<hbm>>
        %dma_wait3A_133 = tpu.memref_squeeze %dma_wait3A_132 : memref<1x1x157x128xi32, #tpu.memory_space<hbm>> -> memref<157x128xi32, #tpu.memory_space<hbm>>
        tpu.wait_dma2 semaphore(%run_scoped3A_119 : memref<!tpu.dma_semaphore, #tpu.memory_space<semaphore_mem>>) src(%dma_wait3A_133 : memref<157x128xi32, #tpu.memory_space<hbm>>) dst(%arg9 : memref<157x128xi32, #tpu.memory_space<vmem>>)
        tpu.yield
      }) : () -> ()
      %get3A = arith.constant 0 : index
      %get3A_9 = tpu.vector_load %arg10[%get3A] {strides = array<i32>} : memref<16xi32, #tpu.memory_space<vmem>>, vector<16xi32>,
      %get3A_10 = vector.shape_cast %get3A_9 : vector<16xi32> to vector<16xi32>
      %slice3A = vector.extract_strided_slice %get3A_10 {offsets = [0], sizes = [1], strides = [1]} : vector<16xi32> to vector<1xi32>
      %squeeze3A = vector.extract %slice3A[0] : i32 from vector<1xi32>
      %mul3A = arith.constant 320 : i32
      %mul3A_11 = arith.muli %arg1, %mul3A : i32
      %add3A = arith.constant 5120 : i32
      %add3A_12 = arith.addi %add3A, %mul3A_11 : i32
      %mul3A_13 = arith.constant 320 : i32
      %mul3A_14 = arith.muli %arg1, %mul3A_13 : i32
      %run_scoped3A_15 = arith.constant 0 : i32
      "tpu.region"() ({
        %run_scoped3A_119 = tpu.sem_alloc : memref<!tpu.dma_semaphore, #tpu.memory_space<semaphore_mem>>
        %dma_start3A = arith.constant 0 : i32
        %dma_start3A_120 = tpu.memref_slice %arg11[%mul3A_14, %dma_start3A] : memref<5128x128xf32, #tpu.memory_space<vmem_shared>> -> memref<320x128xf32, #tpu.memory_space<vmem_shared>>
        %dma_start3A_121 = arith.constant 0 : i32
        %dma_start3A_122 = arith.constant 0 : i32
        %dma_start3A_123 = tpu.memref_slice %arg2[%run_scoped3A_15, %dma_start3A_121, %dma_start3A_122] : memref<4x10240x128xf32, #tpu.memory_space<hbm>> -> memref<1x10240x128xf32, #tpu.memory_space<hbm>>
        %dma_start3A_124 = tpu.memref_squeeze %dma_start3A_123 : memref<1x10240x128xf32, #tpu.memory_space<hbm>> -> memref<10240x128xf32, #tpu.memory_space<hbm>>
        %dma_start3A_125 = arith.constant 0 : i32
        %dma_start3A_126 = tpu.memref_slice %dma_start3A_124[%add3A_12, %dma_start3A_125] : memref<10240x128xf32, #tpu.memory_space<hbm>> -> memref<320x128xf32, #tpu.memory_space<hbm>>
        tpu.enqueue_dma source(%dma_start3A_126 : memref<320x128xf32, #tpu.memory_space<hbm>>) target(%dma_start3A_120 : memref<320x128xf32, #tpu.memory_space<vmem_shared>>) target_semaphore(%run_scoped3A_119 : memref<!tpu.dma_semaphore, #tpu.memory_space<semaphore_mem>>)
        %dma_wait3A = arith.constant 0 : i32
        %dma_wait3A_127 = tpu.memref_slice %arg11[%mul3A_14, %dma_wait3A] : memref<5128x128xf32, #tpu.memory_space<vmem_shared>> -> memref<320x128xf32, #tpu.memory_space<vmem_shared>>
        %dma_wait3A_128 = arith.constant 0 : i32
        %dma_wait3A_129 = arith.constant 0 : i32
        %dma_wait3A_130 = tpu.memref_slice %arg2[%run_scoped3A_15, %dma_wait3A_128, %dma_wait3A_129] : memref<4x10240x128xf32, #tpu.memory_space<hbm>> -> memref<1x10240x128xf32, #tpu.memory_space<hbm>>
        %dma_wait3A_131 = tpu.memref_squeeze %dma_wait3A_130 : memref<1x10240x128xf32, #tpu.memory_space<hbm>> -> memref<10240x128xf32, #tpu.memory_space<hbm>>
        %dma_wait3A_132 = arith.constant 0 : i32
        %dma_wait3A_133 = tpu.memref_slice %dma_wait3A_131[%add3A_12, %dma_wait3A_132] : memref<10240x128xf32, #tpu.memory_space<hbm>> -> memref<320x128xf32, #tpu.memory_space<hbm>>
        tpu.wait_dma2 semaphore(%run_scoped3A_119 : memref<!tpu.dma_semaphore, #tpu.memory_space<semaphore_mem>>) src(%dma_wait3A_133 : memref<320x128xf32, #tpu.memory_space<hbm>>) dst(%dma_wait3A_127 : memref<320x128xf32, #tpu.memory_space<vmem_shared>>)
        tpu.yield
      }) : () -> ()
      %barrier3A = arith.constant 0 : index
      tpu.barrier barrier_id(%barrier3A)
      %while3A = arith.constant 0 : i32
      %while3A_16 = arith.constant 0 : i32
      %while3A_17 = arith.constant 0 : i32
      %while3A_18 = arith.subi %squeeze3A, %while3A_17 : i32
      %while3A_19 = arith.addi %while3A_17, %while3A_18 : i32
      %while3A_20 = arith.constant 1 : i32
      %while3A_21 = arith.divsi %while3A_18, %while3A_20 : i32
      %while3A_22 = arith.muli %while3A_21, %while3A_20 : i32
      %while3A_23 = arith.addi %while3A_17, %while3A_22 : i32
      %while3A_24 = arith.constant 1 : i32
      scf.for %while3A_119 = %while3A_17 to %while3A_23 step %while3A_24  : i32 {
        %dma_start3A = arith.constant 0 : i32
        %dma_start3A_120 = tpu.memref_slice %arg8[%while3A_119, %dma_start3A] : memref<157x128xi32, #tpu.memory_space<vmem>> -> memref<1x128xi32, #tpu.memory_space<vmem>>
        %dma_start3A_121 = tpu.memref_squeeze %dma_start3A_120 : memref<1x128xi32, #tpu.memory_space<vmem>> -> memref<128xi32, #tpu.memory_space<vmem>>
        %dma_start3A_122 = arith.constant 0 : i32
        %dma_start3A_123 = arith.constant 0 : i32
        %dma_start3A_124 = tpu.memref_slice %arg2[%while3A_16, %dma_start3A_122, %dma_start3A_123] : memref<4x10240x128xf32, #tpu.memory_space<hbm>> -> memref<1x10240x128xf32, #tpu.memory_space<hbm>>
        %dma_start3A_125 = tpu.memref_squeeze %dma_start3A_124 : memref<1x10240x128xf32, #tpu.memory_space<hbm>> -> memref<10240x128xf32, #tpu.memory_space<hbm>>
        %dma_start3A_126 = arith.constant 0 : i32
        %dma_start3A_127 = arith.constant 0 : i32
        %dma_start3A_128 = tpu.memref_slice %dma_start3A_125[%dma_start3A_126, %dma_start3A_127] : memref<10240x128xf32, #tpu.memory_space<hbm>> -> memref<10240x128xf32, #tpu.memory_space<hbm>>
        tpu.enqueue_indirect_dma source(%dma_start3A_128 : memref<10240x128xf32, #tpu.memory_space<hbm>>) target(%arg7 : memref<128x128xf32, #tpu.memory_space<vmem>>) offsets(%dma_start3A_121 : memref<128xi32, #tpu.memory_space<vmem>>) semaphore(%arg12 : memref<!tpu.dma_semaphore, #tpu.memory_space<semaphore_mem>>)
        %dma_wait3A = arith.constant 0 : i32
        %dma_wait3A_129 = tpu.memref_slice %arg8[%while3A_119, %dma_wait3A] : memref<157x128xi32, #tpu.memory_space<vmem>> -> memref<1x128xi32, #tpu.memory_space<vmem>>
        %dma_wait3A_130 = tpu.memref_squeeze %dma_wait3A_129 : memref<1x128xi32, #tpu.memory_space<vmem>> -> memref<128xi32, #tpu.memory_space<vmem>>
        %dma_wait3A_131 = arith.constant 0 : i32
        %dma_wait3A_132 = arith.constant 0 : i32
        %dma_wait3A_133 = tpu.memref_slice %arg2[%while3A_16, %dma_wait3A_131, %dma_wait3A_132] : memref<4x10240x128xf32, #tpu.memory_space<hbm>> -> memref<1x10240x128xf32, #tpu.memory_space<hbm>>
        %dma_wait3A_134 = tpu.memref_squeeze %dma_wait3A_133 : memref<1x10240x128xf32, #tpu.memory_space<hbm>> -> memref<10240x128xf32, #tpu.memory_space<hbm>>
        %dma_wait3A_135 = arith.constant 0 : i32
        %dma_wait3A_136 = arith.constant 0 : i32
        %dma_wait3A_137 = tpu.memref_slice %dma_wait3A_134[%dma_wait3A_135, %dma_wait3A_136] : memref<10240x128xf32, #tpu.memory_space<hbm>> -> memref<10240x128xf32, #tpu.memory_space<hbm>>
        tpu.wait_indirect_dma semaphore(%arg12 : memref<!tpu.dma_semaphore, #tpu.memory_space<semaphore_mem>>) src(%dma_wait3A_137 : memref<10240x128xf32, #tpu.memory_space<hbm>>) dst(%arg7 : memref<128x128xf32, #tpu.memory_space<vmem>>)
        "tpu.region"() ({
          %run_scoped3A_138 = tpu.sem_alloc : memref<!tpu.dma_semaphore, #tpu.memory_space<semaphore_mem>>
          %dma_start3A_139 = arith.constant 0 : i32
          %dma_start3A_140 = tpu.memref_slice %arg9[%while3A_119, %dma_start3A_139] : memref<157x128xi32, #tpu.memory_space<vmem>> -> memref<1x128xi32, #tpu.memory_space<vmem>>
          %dma_start3A_141 = tpu.memref_squeeze %dma_start3A_140 : memref<1x128xi32, #tpu.memory_space<vmem>> -> memref<128xi32, #tpu.memory_space<vmem>>
          %dma_start3A_142 = arith.constant 0 : i32
          %dma_start3A_143 = arith.constant 0 : i32
          %dma_start3A_144 = tpu.memref_slice %arg11[%dma_start3A_142, %dma_start3A_143] : memref<5128x128xf32, #tpu.memory_space<vmem_shared>> -> memref<5128x128xf32, #tpu.memory_space<vmem_shared>>
          tpu.enqueue_indirect_dma source(%arg7 : memref<128x128xf32, #tpu.memory_space<vmem>>) target(%dma_start3A_144 : memref<5128x128xf32, #tpu.memory_space<vmem_shared>>) offsets(%dma_start3A_141 : memref<128xi32, #tpu.memory_space<vmem>>) semaphore(%run_scoped3A_138 : memref<!tpu.dma_semaphore, #tpu.memory_space<semaphore_mem>>) {add = true}
          %dma_wait3A_145 = arith.constant 0 : i32
          %dma_wait3A_146 = tpu.memref_slice %arg9[%while3A_119, %dma_wait3A_145] : memref<157x128xi32, #tpu.memory_space<vmem>> -> memref<1x128xi32, #tpu.memory_space<vmem>>
          %dma_wait3A_147 = tpu.memref_squeeze %dma_wait3A_146 : memref<1x128xi32, #tpu.memory_space<vmem>> -> memref<128xi32, #tpu.memory_space<vmem>>
          %dma_wait3A_148 = arith.constant 0 : i32
          %dma_wait3A_149 = arith.constant 0 : i32
          %dma_wait3A_150 = tpu.memref_slice %arg11[%dma_wait3A_148, %dma_wait3A_149] : memref<5128x128xf32, #tpu.memory_space<vmem_shared>> -> memref<5128x128xf32, #tpu.memory_space<vmem_shared>>
          tpu.wait_indirect_dma semaphore(%run_scoped3A_138 : memref<!tpu.dma_semaphore, #tpu.memory_space<semaphore_mem>>) src(%arg7 : memref<128x128xf32, #tpu.memory_space<vmem>>) dst(%dma_wait3A_150 : memref<5128x128xf32, #tpu.memory_space<vmem_shared>>)
          tpu.yield
        }) : () -> ()
      }
      %while3A_25 = arith.constant 1 : i32
      scf.for %while3A_119 = %while3A_23 to %while3A_19 step %while3A_25  : i32 {
        %dma_start3A = arith.constant 0 : i32
        %dma_start3A_120 = tpu.memref_slice %arg8[%while3A_119, %dma_start3A] : memref<157x128xi32, #tpu.memory_space<vmem>> -> memref<1x128xi32, #tpu.memory_space<vmem>>
        %dma_start3A_121 = tpu.memref_squeeze %dma_start3A_120 : memref<1x128xi32, #tpu.memory_space<vmem>> -> memref<128xi32, #tpu.memory_space<vmem>>
        %dma_start3A_122 = arith.constant 0 : i32
        %dma_start3A_123 = arith.constant 0 : i32
        %dma_start3A_124 = tpu.memref_slice %arg2[%while3A_16, %dma_start3A_122, %dma_start3A_123] : memref<4x10240x128xf32, #tpu.memory_space<hbm>> -> memref<1x10240x128xf32, #tpu.memory_space<hbm>>
        %dma_start3A_125 = tpu.memref_squeeze %dma_start3A_124 : memref<1x10240x128xf32, #tpu.memory_space<hbm>> -> memref<10240x128xf32, #tpu.memory_space<hbm>>
        %dma_start3A_126 = arith.constant 0 : i32
        %dma_start3A_127 = arith.constant 0 : i32
        %dma_start3A_128 = tpu.memref_slice %dma_start3A_125[%dma_start3A_126, %dma_start3A_127] : memref<10240x128xf32, #tpu.memory_space<hbm>> -> memref<10240x128xf32, #tpu.memory_space<hbm>>
        tpu.enqueue_indirect_dma source(%dma_start3A_128 : memref<10240x128xf32, #tpu.memory_space<hbm>>) target(%arg7 : memref<128x128xf32, #tpu.memory_space<vmem>>) offsets(%dma_start3A_121 : memref<128xi32, #tpu.memory_space<vmem>>) semaphore(%arg12 : memref<!tpu.dma_semaphore, #tpu.memory_space<semaphore_mem>>)
        %dma_wait3A = arith.constant 0 : i32
        %dma_wait3A_129 = tpu.memref_slice %arg8[%while3A_119, %dma_wait3A] : memref<157x128xi32, #tpu.memory_space<vmem>> -> memref<1x128xi32, #tpu.memory_space<vmem>>
        %dma_wait3A_130 = tpu.memref_squeeze %dma_wait3A_129 : memref<1x128xi32, #tpu.memory_space<vmem>> -> memref<128xi32, #tpu.memory_space<vmem>>
        %dma_wait3A_131 = arith.constant 0 : i32
        %dma_wait3A_132 = arith.constant 0 : i32
        %dma_wait3A_133 = tpu.memref_slice %arg2[%while3A_16, %dma_wait3A_131, %dma_wait3A_132] : memref<4x10240x128xf32, #tpu.memory_space<hbm>> -> memref<1x10240x128xf32, #tpu.memory_space<hbm>>
        %dma_wait3A_134 = tpu.memref_squeeze %dma_wait3A_133 : memref<1x10240x128xf32, #tpu.memory_space<hbm>> -> memref<10240x128xf32, #tpu.memory_space<hbm>>
        %dma_wait3A_135 = arith.constant 0 : i32
        %dma_wait3A_136 = arith.constant 0 : i32
        %dma_wait3A_137 = tpu.memref_slice %dma_wait3A_134[%dma_wait3A_135, %dma_wait3A_136] : memref<10240x128xf32, #tpu.memory_space<hbm>> -> memref<10240x128xf32, #tpu.memory_space<hbm>>
        tpu.wait_indirect_dma semaphore(%arg12 : memref<!tpu.dma_semaphore, #tpu.memory_space<semaphore_mem>>) src(%dma_wait3A_137 : memref<10240x128xf32, #tpu.memory_space<hbm>>) dst(%arg7 : memref<128x128xf32, #tpu.memory_space<vmem>>)
        "tpu.region"() ({
          %run_scoped3A_138 = tpu.sem_alloc : memref<!tpu.dma_semaphore, #tpu.memory_space<semaphore_mem>>
          %dma_start3A_139 = arith.constant 0 : i32
          %dma_start3A_140 = tpu.memref_slice %arg9[%while3A_119, %dma_start3A_139] : memref<157x128xi32, #tpu.memory_space<vmem>> -> memref<1x128xi32, #tpu.memory_space<vmem>>
          %dma_start3A_141 = tpu.memref_squeeze %dma_start3A_140 : memref<1x128xi32, #tpu.memory_space<vmem>> -> memref<128xi32, #tpu.memory_space<vmem>>
          %dma_start3A_142 = arith.constant 0 : i32
          %dma_start3A_143 = arith.constant 0 : i32
          %dma_start3A_144 = tpu.memref_slice %arg11[%dma_start3A_142, %dma_start3A_143] : memref<5128x128xf32, #tpu.memory_space<vmem_shared>> -> memref<5128x128xf32, #tpu.memory_space<vmem_shared>>
          tpu.enqueue_indirect_dma source(%arg7 : memref<128x128xf32, #tpu.memory_space<vmem>>) target(%dma_start3A_144 : memref<5128x128xf32, #tpu.memory_space<vmem_shared>>) offsets(%dma_start3A_141 : memref<128xi32, #tpu.memory_space<vmem>>) semaphore(%run_scoped3A_138 : memref<!tpu.dma_semaphore, #tpu.memory_space<semaphore_mem>>) {add = true}
          %dma_wait3A_145 = arith.constant 0 : i32
          %dma_wait3A_146 = tpu.memref_slice %arg9[%while3A_119, %dma_wait3A_145] : memref<157x128xi32, #tpu.memory_space<vmem>> -> memref<1x128xi32, #tpu.memory_space<vmem>>
          %dma_wait3A_147 = tpu.memref_squeeze %dma_wait3A_146 : memref<1x128xi32, #tpu.memory_space<vmem>> -> memref<128xi32, #tpu.memory_space<vmem>>
          %dma_wait3A_148 = arith.constant 0 : i32
          %dma_wait3A_149 = arith.constant 0 : i32
          %dma_wait3A_150 = tpu.memref_slice %arg11[%dma_wait3A_148, %dma_wait3A_149] : memref<5128x128xf32, #tpu.memory_space<vmem_shared>> -> memref<5128x128xf32, #tpu.memory_space<vmem_shared>>
          tpu.wait_indirect_dma semaphore(%run_scoped3A_138 : memref<!tpu.dma_semaphore, #tpu.memory_space<semaphore_mem>>) src(%arg7 : memref<128x128xf32, #tpu.memory_space<vmem>>) dst(%dma_wait3A_150 : memref<5128x128xf32, #tpu.memory_space<vmem_shared>>)
          tpu.yield
        }) : () -> ()
      }
      %barrier3A_26 = arith.constant 0 : index
      tpu.barrier barrier_id(%barrier3A_26)
      %mul3A_27 = arith.constant 320 : i32
      %mul3A_28 = arith.muli %arg1, %mul3A_27 : i32
      %mul3A_29 = arith.constant 320 : i32
      %mul3A_30 = arith.muli %arg1, %mul3A_29 : i32
      %add3A_31 = arith.constant 5120 : i32
      %add3A_32 = arith.addi %add3A_31, %mul3A_30 : i32
      %run_scoped3A_33 = arith.constant 0 : i32
      "tpu.region"() ({
        %run_scoped3A_119 = tpu.sem_alloc : memref<!tpu.dma_semaphore, #tpu.memory_space<semaphore_mem>>
        %dma_start3A = arith.constant 0 : i32
        %dma_start3A_120 = arith.constant 0 : i32
        %dma_start3A_121 = tpu.memref_slice %arg6[%run_scoped3A_33, %dma_start3A, %dma_start3A_120] : memref<4x10240x128xf32, #tpu.memory_space<hbm>> -> memref<1x10240x128xf32, #tpu.memory_space<hbm>>
        %dma_start3A_122 = tpu.memref_squeeze %dma_start3A_121 : memref<1x10240x128xf32, #tpu.memory_space<hbm>> -> memref<10240x128xf32, #tpu.memory_space<hbm>>
        %dma_start3A_123 = arith.constant 0 : i32
        %dma_start3A_124 = tpu.memref_slice %dma_start3A_122[%add3A_32, %dma_start3A_123] : memref<10240x128xf32, #tpu.memory_space<hbm>> -> memref<320x128xf32, #tpu.memory_space<hbm>>
        %dma_start3A_125 = arith.constant 0 : i32
        %dma_start3A_126 = tpu.memref_slice %arg11[%mul3A_28, %dma_start3A_125] : memref<5128x128xf32, #tpu.memory_space<vmem_shared>> -> memref<320x128xf32, #tpu.memory_space<vmem_shared>>
        tpu.enqueue_dma source(%dma_start3A_126 : memref<320x128xf32, #tpu.memory_space<vmem_shared>>) target(%dma_start3A_124 : memref<320x128xf32, #tpu.memory_space<hbm>>) target_semaphore(%run_scoped3A_119 : memref<!tpu.dma_semaphore, #tpu.memory_space<semaphore_mem>>)
        %dma_wait3A = arith.constant 0 : i32
        %dma_wait3A_127 = arith.constant 0 : i32
        %dma_wait3A_128 = tpu.memref_slice %arg6[%run_scoped3A_33, %dma_wait3A, %dma_wait3A_127] : memref<4x10240x128xf32, #tpu.memory_space<hbm>> -> memref<1x10240x128xf32, #tpu.memory_space<hbm>>
        %dma_wait3A_129 = tpu.memref_squeeze %dma_wait3A_128 : memref<1x10240x128xf32, #tpu.memory_space<hbm>> -> memref<10240x128xf32, #tpu.memory_space<hbm>>
        %dma_wait3A_130 = arith.constant 0 : i32
        %dma_wait3A_131 = tpu.memref_slice %dma_wait3A_129[%add3A_32, %dma_wait3A_130] : memref<10240x128xf32, #tpu.memory_space<hbm>> -> memref<320x128xf32, #tpu.memory_space<hbm>>
        %dma_wait3A_132 = arith.constant 0 : i32
        %dma_wait3A_133 = tpu.memref_slice %arg11[%mul3A_28, %dma_wait3A_132] : memref<5128x128xf32, #tpu.memory_space<vmem_shared>> -> memref<320x128xf32, #tpu.memory_space<vmem_shared>>
        tpu.wait_dma2 semaphore(%run_scoped3A_119 : memref<!tpu.dma_semaphore, #tpu.memory_space<semaphore_mem>>) src(%dma_wait3A_133 : memref<320x128xf32, #tpu.memory_space<vmem_shared>>) dst(%dma_wait3A_131 : memref<320x128xf32, #tpu.memory_space<hbm>>)
        tpu.yield
      }) : () -> ()
      %barrier3A_34 = arith.constant 0 : index
      tpu.barrier barrier_id(%barrier3A_34)
      %mul3A_35 = arith.constant 320 : i32
      %mul3A_36 = arith.muli %arg1, %mul3A_35 : i32
      %add3A_37 = arith.constant 5120 : i32
      %add3A_38 = arith.addi %add3A_37, %mul3A_36 : i32
      %mul3A_39 = arith.constant 320 : i32
      %mul3A_40 = arith.muli %arg1, %mul3A_39 : i32
      %run_scoped3A_41 = arith.constant 1 : i32
      "tpu.region"() ({
        %run_scoped3A_119 = tpu.sem_alloc : memref<!tpu.dma_semaphore, #tpu.memory_space<semaphore_mem>>
        %dma_start3A = arith.constant 0 : i32
        %dma_start3A_120 = tpu.memref_slice %arg11[%mul3A_40, %dma_start3A] : memref<5128x128xf32, #tpu.memory_space<vmem_shared>> -> memref<320x128xf32, #tpu.memory_space<vmem_shared>>
        %dma_start3A_121 = arith.constant 0 : i32
        %dma_start3A_122 = arith.constant 0 : i32
        %dma_start3A_123 = tpu.memref_slice %arg2[%run_scoped3A_41, %dma_start3A_121, %dma_start3A_122] : memref<4x10240x128xf32, #tpu.memory_space<hbm>> -> memref<1x10240x128xf32, #tpu.memory_space<hbm>>
        %dma_start3A_124 = tpu.memref_squeeze %dma_start3A_123 : memref<1x10240x128xf32, #tpu.memory_space<hbm>> -> memref<10240x128xf32, #tpu.memory_space<hbm>>
        %dma_start3A_125 = arith.constant 0 : i32
        %dma_start3A_126 = tpu.memref_slice %dma_start3A_124[%add3A_38, %dma_start3A_125] : memref<10240x128xf32, #tpu.memory_space<hbm>> -> memref<320x128xf32, #tpu.memory_space<hbm>>
        tpu.enqueue_dma source(%dma_start3A_126 : memref<320x128xf32, #tpu.memory_space<hbm>>) target(%dma_start3A_120 : memref<320x128xf32, #tpu.memory_space<vmem_shared>>) target_semaphore(%run_scoped3A_119 : memref<!tpu.dma_semaphore, #tpu.memory_space<semaphore_mem>>)
        %dma_wait3A = arith.constant 0 : i32
        %dma_wait3A_127 = tpu.memref_slice %arg11[%mul3A_40, %dma_wait3A] : memref<5128x128xf32, #tpu.memory_space<vmem_shared>> -> memref<320x128xf32, #tpu.memory_space<vmem_shared>>
        %dma_wait3A_128 = arith.constant 0 : i32
        %dma_wait3A_129 = arith.constant 0 : i32
        %dma_wait3A_130 = tpu.memref_slice %arg2[%run_scoped3A_41, %dma_wait3A_128, %dma_wait3A_129] : memref<4x10240x128xf32, #tpu.memory_space<hbm>> -> memref<1x10240x128xf32, #tpu.memory_space<hbm>>
        %dma_wait3A_131 = tpu.memref_squeeze %dma_wait3A_130 : memref<1x10240x128xf32, #tpu.memory_space<hbm>> -> memref<10240x128xf32, #tpu.memory_space<hbm>>
        %dma_wait3A_132 = arith.constant 0 : i32
        %dma_wait3A_133 = tpu.memref_slice %dma_wait3A_131[%add3A_38, %dma_wait3A_132] : memref<10240x128xf32, #tpu.memory_space<hbm>> -> memref<320x128xf32, #tpu.memory_space<hbm>>
        tpu.wait_dma2 semaphore(%run_scoped3A_119 : memref<!tpu.dma_semaphore, #tpu.memory_space<semaphore_mem>>) src(%dma_wait3A_133 : memref<320x128xf32, #tpu.memory_space<hbm>>) dst(%dma_wait3A_127 : memref<320x128xf32, #tpu.memory_space<vmem_shared>>)
        tpu.yield
      }) : () -> ()
      %barrier3A_42 = arith.constant 0 : index
      tpu.barrier barrier_id(%barrier3A_42)
      %while3A_43 = arith.constant 0 : i32
      %while3A_44 = arith.constant 1 : i32
      %while3A_45 = arith.constant 0 : i32
      %while3A_46 = arith.subi %squeeze3A, %while3A_45 : i32
      %while3A_47 = arith.addi %while3A_45, %while3A_46 : i32
      %while3A_48 = arith.constant 1 : i32
      %while3A_49 = arith.divsi %while3A_46, %while3A_48 : i32
      %while3A_50 = arith.muli %while3A_49, %while3A_48 : i32
      %while3A_51 = arith.addi %while3A_45, %while3A_50 : i32
      %while3A_52 = arith.constant 1 : i32
      scf.for %while3A_119 = %while3A_45 to %while3A_51 step %while3A_52  : i32 {
        %dma_start3A = arith.constant 0 : i32
        %dma_start3A_120 = tpu.memref_slice %arg8[%while3A_119, %dma_start3A] : memref<157x128xi32, #tpu.memory_space<vmem>> -> memref<1x128xi32, #tpu.memory_space<vmem>>
        %dma_start3A_121 = tpu.memref_squeeze %dma_start3A_120 : memref<1x128xi32, #tpu.memory_space<vmem>> -> memref<128xi32, #tpu.memory_space<vmem>>
        %dma_start3A_122 = arith.constant 0 : i32
        %dma_start3A_123 = arith.constant 0 : i32
        %dma_start3A_124 = tpu.memref_slice %arg2[%while3A_44, %dma_start3A_122, %dma_start3A_123] : memref<4x10240x128xf32, #tpu.memory_space<hbm>> -> memref<1x10240x128xf32, #tpu.memory_space<hbm>>
        %dma_start3A_125 = tpu.memref_squeeze %dma_start3A_124 : memref<1x10240x128xf32, #tpu.memory_space<hbm>> -> memref<10240x128xf32, #tpu.memory_space<hbm>>
        %dma_start3A_126 = arith.constant 0 : i32
        %dma_start3A_127 = arith.constant 0 : i32
        %dma_start3A_128 = tpu.memref_slice %dma_start3A_125[%dma_start3A_126, %dma_start3A_127] : memref<10240x128xf32, #tpu.memory_space<hbm>> -> memref<10240x128xf32, #tpu.memory_space<hbm>>
        tpu.enqueue_indirect_dma source(%dma_start3A_128 : memref<10240x128xf32, #tpu.memory_space<hbm>>) target(%arg7 : memref<128x128xf32, #tpu.memory_space<vmem>>) offsets(%dma_start3A_121 : memref<128xi32, #tpu.memory_space<vmem>>) semaphore(%arg12 : memref<!tpu.dma_semaphore, #tpu.memory_space<semaphore_mem>>)
        %dma_wait3A = arith.constant 0 : i32
        %dma_wait3A_129 = tpu.memref_slice %arg8[%while3A_119, %dma_wait3A] : memref<157x128xi32, #tpu.memory_space<vmem>> -> memref<1x128xi32, #tpu.memory_space<vmem>>
        %dma_wait3A_130 = tpu.memref_squeeze %dma_wait3A_129 : memref<1x128xi32, #tpu.memory_space<vmem>> -> memref<128xi32, #tpu.memory_space<vmem>>
        %dma_wait3A_131 = arith.constant 0 : i32
        %dma_wait3A_132 = arith.constant 0 : i32
        %dma_wait3A_133 = tpu.memref_slice %arg2[%while3A_44, %dma_wait3A_131, %dma_wait3A_132] : memref<4x10240x128xf32, #tpu.memory_space<hbm>> -> memref<1x10240x128xf32, #tpu.memory_space<hbm>>
        %dma_wait3A_134 = tpu.memref_squeeze %dma_wait3A_133 : memref<1x10240x128xf32, #tpu.memory_space<hbm>> -> memref<10240x128xf32, #tpu.memory_space<hbm>>
        %dma_wait3A_135 = arith.constant 0 : i32
        %dma_wait3A_136 = arith.constant 0 : i32
        %dma_wait3A_137 = tpu.memref_slice %dma_wait3A_134[%dma_wait3A_135, %dma_wait3A_136] : memref<10240x128xf32, #tpu.memory_space<hbm>> -> memref<10240x128xf32, #tpu.memory_space<hbm>>
        tpu.wait_indirect_dma semaphore(%arg12 : memref<!tpu.dma_semaphore, #tpu.memory_space<semaphore_mem>>) src(%dma_wait3A_137 : memref<10240x128xf32, #tpu.memory_space<hbm>>) dst(%arg7 : memref<128x128xf32, #tpu.memory_space<vmem>>)
        "tpu.region"() ({
          %run_scoped3A_138 = tpu.sem_alloc : memref<!tpu.dma_semaphore, #tpu.memory_space<semaphore_mem>>
          %dma_start3A_139 = arith.constant 0 : i32
          %dma_start3A_140 = tpu.memref_slice %arg9[%while3A_119, %dma_start3A_139] : memref<157x128xi32, #tpu.memory_space<vmem>> -> memref<1x128xi32, #tpu.memory_space<vmem>>
          %dma_start3A_141 = tpu.memref_squeeze %dma_start3A_140 : memref<1x128xi32, #tpu.memory_space<vmem>> -> memref<128xi32, #tpu.memory_space<vmem>>
          %dma_start3A_142 = arith.constant 0 : i32
          %dma_start3A_143 = arith.constant 0 : i32
          %dma_start3A_144 = tpu.memref_slice %arg11[%dma_start3A_142, %dma_start3A_143] : memref<5128x128xf32, #tpu.memory_space<vmem_shared>> -> memref<5128x128xf32, #tpu.memory_space<vmem_shared>>
          tpu.enqueue_indirect_dma source(%arg7 : memref<128x128xf32, #tpu.memory_space<vmem>>) target(%dma_start3A_144 : memref<5128x128xf32, #tpu.memory_space<vmem_shared>>) offsets(%dma_start3A_141 : memref<128xi32, #tpu.memory_space<vmem>>) semaphore(%run_scoped3A_138 : memref<!tpu.dma_semaphore, #tpu.memory_space<semaphore_mem>>) {add = true}
          %dma_wait3A_145 = arith.constant 0 : i32
          %dma_wait3A_146 = tpu.memref_slice %arg9[%while3A_119, %dma_wait3A_145] : memref<157x128xi32, #tpu.memory_space<vmem>> -> memref<1x128xi32, #tpu.memory_space<vmem>>
          %dma_wait3A_147 = tpu.memref_squeeze %dma_wait3A_146 : memref<1x128xi32, #tpu.memory_space<vmem>> -> memref<128xi32, #tpu.memory_space<vmem>>
          %dma_wait3A_148 = arith.constant 0 : i32
          %dma_wait3A_149 = arith.constant 0 : i32
          %dma_wait3A_150 = tpu.memref_slice %arg11[%dma_wait3A_148, %dma_wait3A_149] : memref<5128x128xf32, #tpu.memory_space<vmem_shared>> -> memref<5128x128xf32, #tpu.memory_space<vmem_shared>>
          tpu.wait_indirect_dma semaphore(%run_scoped3A_138 : memref<!tpu.dma_semaphore, #tpu.memory_space<semaphore_mem>>) src(%arg7 : memref<128x128xf32, #tpu.memory_space<vmem>>) dst(%dma_wait3A_150 : memref<5128x128xf32, #tpu.memory_space<vmem_shared>>)
          tpu.yield
        }) : () -> ()
      }
      %while3A_53 = arith.constant 1 : i32
      scf.for %while3A_119 = %while3A_51 to %while3A_47 step %while3A_53  : i32 {
        %dma_start3A = arith.constant 0 : i32
        %dma_start3A_120 = tpu.memref_slice %arg8[%while3A_119, %dma_start3A] : memref<157x128xi32, #tpu.memory_space<vmem>> -> memref<1x128xi32, #tpu.memory_space<vmem>>
        %dma_start3A_121 = tpu.memref_squeeze %dma_start3A_120 : memref<1x128xi32, #tpu.memory_space<vmem>> -> memref<128xi32, #tpu.memory_space<vmem>>
        %dma_start3A_122 = arith.constant 0 : i32
        %dma_start3A_123 = arith.constant 0 : i32
        %dma_start3A_124 = tpu.memref_slice %arg2[%while3A_44, %dma_start3A_122, %dma_start3A_123] : memref<4x10240x128xf32, #tpu.memory_space<hbm>> -> memref<1x10240x128xf32, #tpu.memory_space<hbm>>
        %dma_start3A_125 = tpu.memref_squeeze %dma_start3A_124 : memref<1x10240x128xf32, #tpu.memory_space<hbm>> -> memref<10240x128xf32, #tpu.memory_space<hbm>>
        %dma_start3A_126 = arith.constant 0 : i32
        %dma_start3A_127 = arith.constant 0 : i32
        %dma_start3A_128 = tpu.memref_slice %dma_start3A_125[%dma_start3A_126, %dma_start3A_127] : memref<10240x128xf32, #tpu.memory_space<hbm>> -> memref<10240x128xf32, #tpu.memory_space<hbm>>
        tpu.enqueue_indirect_dma source(%dma_start3A_128 : memref<10240x128xf32, #tpu.memory_space<hbm>>) target(%arg7 : memref<128x128xf32, #tpu.memory_space<vmem>>) offsets(%dma_start3A_121 : memref<128xi32, #tpu.memory_space<vmem>>) semaphore(%arg12 : memref<!tpu.dma_semaphore, #tpu.memory_space<semaphore_mem>>)
        %dma_wait3A = arith.constant 0 : i32
        %dma_wait3A_129 = tpu.memref_slice %arg8[%while3A_119, %dma_wait3A] : memref<157x128xi32, #tpu.memory_space<vmem>> -> memref<1x128xi32, #tpu.memory_space<vmem>>
        %dma_wait3A_130 = tpu.memref_squeeze %dma_wait3A_129 : memref<1x128xi32, #tpu.memory_space<vmem>> -> memref<128xi32, #tpu.memory_space<vmem>>
        %dma_wait3A_131 = arith.constant 0 : i32
        %dma_wait3A_132 = arith.constant 0 : i32
        %dma_wait3A_133 = tpu.memref_slice %arg2[%while3A_44, %dma_wait3A_131, %dma_wait3A_132] : memref<4x10240x128xf32, #tpu.memory_space<hbm>> -> memref<1x10240x128xf32, #tpu.memory_space<hbm>>
        %dma_wait3A_134 = tpu.memref_squeeze %dma_wait3A_133 : memref<1x10240x128xf32, #tpu.memory_space<hbm>> -> memref<10240x128xf32, #tpu.memory_space<hbm>>
        %dma_wait3A_135 = arith.constant 0 : i32
        %dma_wait3A_136 = arith.constant 0 : i32
        %dma_wait3A_137 = tpu.memref_slice %dma_wait3A_134[%dma_wait3A_135, %dma_wait3A_136] : memref<10240x128xf32, #tpu.memory_space<hbm>> -> memref<10240x128xf32, #tpu.memory_space<hbm>>
        tpu.wait_indirect_dma semaphore(%arg12 : memref<!tpu.dma_semaphore, #tpu.memory_space<semaphore_mem>>) src(%dma_wait3A_137 : memref<10240x128xf32, #tpu.memory_space<hbm>>) dst(%arg7 : memref<128x128xf32, #tpu.memory_space<vmem>>)
        "tpu.region"() ({
          %run_scoped3A_138 = tpu.sem_alloc : memref<!tpu.dma_semaphore, #tpu.memory_space<semaphore_mem>>
          %dma_start3A_139 = arith.constant 0 : i32
          %dma_start3A_140 = tpu.memref_slice %arg9[%while3A_119, %dma_start3A_139] : memref<157x128xi32, #tpu.memory_space<vmem>> -> memref<1x128xi32, #tpu.memory_space<vmem>>
          %dma_start3A_141 = tpu.memref_squeeze %dma_start3A_140 : memref<1x128xi32, #tpu.memory_space<vmem>> -> memref<128xi32, #tpu.memory_space<vmem>>
          %dma_start3A_142 = arith.constant 0 : i32
          %dma_start3A_143 = arith.constant 0 : i32
          %dma_start3A_144 = tpu.memref_slice %arg11[%dma_start3A_142, %dma_start3A_143] : memref<5128x128xf32, #tpu.memory_space<vmem_shared>> -> memref<5128x128xf32, #tpu.memory_space<vmem_shared>>
          tpu.enqueue_indirect_dma source(%arg7 : memref<128x128xf32, #tpu.memory_space<vmem>>) target(%dma_start3A_144 : memref<5128x128xf32, #tpu.memory_space<vmem_shared>>) offsets(%dma_start3A_141 : memref<128xi32, #tpu.memory_space<vmem>>) semaphore(%run_scoped3A_138 : memref<!tpu.dma_semaphore, #tpu.memory_space<semaphore_mem>>) {add = true}
          %dma_wait3A_145 = arith.constant 0 : i32
          %dma_wait3A_146 = tpu.memref_slice %arg9[%while3A_119, %dma_wait3A_145] : memref<157x128xi32, #tpu.memory_space<vmem>> -> memref<1x128xi32, #tpu.memory_space<vmem>>
          %dma_wait3A_147 = tpu.memref_squeeze %dma_wait3A_146 : memref<1x128xi32, #tpu.memory_space<vmem>> -> memref<128xi32, #tpu.memory_space<vmem>>
          %dma_wait3A_148 = arith.constant 0 : i32
          %dma_wait3A_149 = arith.constant 0 : i32
          %dma_wait3A_150 = tpu.memref_slice %arg11[%dma_wait3A_148, %dma_wait3A_149] : memref<5128x128xf32, #tpu.memory_space<vmem_shared>> -> memref<5128x128xf32, #tpu.memory_space<vmem_shared>>
          tpu.wait_indirect_dma semaphore(%run_scoped3A_138 : memref<!tpu.dma_semaphore, #tpu.memory_space<semaphore_mem>>) src(%arg7 : memref<128x128xf32, #tpu.memory_space<vmem>>) dst(%dma_wait3A_150 : memref<5128x128xf32, #tpu.memory_space<vmem_shared>>)
          tpu.yield
        }) : () -> ()
      }
      %barrier3A_54 = arith.constant 0 : index
      tpu.barrier barrier_id(%barrier3A_54)
      %mul3A_55 = arith.constant 320 : i32
      %mul3A_56 = arith.muli %arg1, %mul3A_55 : i32
      %mul3A_57 = arith.constant 320 : i32
      %mul3A_58 = arith.muli %arg1, %mul3A_57 : i32
      %add3A_59 = arith.constant 5120 : i32
      %add3A_60 = arith.addi %add3A_59, %mul3A_58 : i32
      %run_scoped3A_61 = arith.constant 1 : i32
      "tpu.region"() ({
        %run_scoped3A_119 = tpu.sem_alloc : memref<!tpu.dma_semaphore, #tpu.memory_space<semaphore_mem>>
        %dma_start3A = arith.constant 0 : i32
        %dma_start3A_120 = arith.constant 0 : i32
        %dma_start3A_121 = tpu.memref_slice %arg6[%run_scoped3A_61, %dma_start3A, %dma_start3A_120] : memref<4x10240x128xf32, #tpu.memory_space<hbm>> -> memref<1x10240x128xf32, #tpu.memory_space<hbm>>
        %dma_start3A_122 = tpu.memref_squeeze %dma_start3A_121 : memref<1x10240x128xf32, #tpu.memory_space<hbm>> -> memref<10240x128xf32, #tpu.memory_space<hbm>>
        %dma_start3A_123 = arith.constant 0 : i32
        %dma_start3A_124 = tpu.memref_slice %dma_start3A_122[%add3A_60, %dma_start3A_123] : memref<10240x128xf32, #tpu.memory_space<hbm>> -> memref<320x128xf32, #tpu.memory_space<hbm>>
        %dma_start3A_125 = arith.constant 0 : i32
        %dma_start3A_126 = tpu.memref_slice %arg11[%mul3A_56, %dma_start3A_125] : memref<5128x128xf32, #tpu.memory_space<vmem_shared>> -> memref<320x128xf32, #tpu.memory_space<vmem_shared>>
        tpu.enqueue_dma source(%dma_start3A_126 : memref<320x128xf32, #tpu.memory_space<vmem_shared>>) target(%dma_start3A_124 : memref<320x128xf32, #tpu.memory_space<hbm>>) target_semaphore(%run_scoped3A_119 : memref<!tpu.dma_semaphore, #tpu.memory_space<semaphore_mem>>)
        %dma_wait3A = arith.constant 0 : i32
        %dma_wait3A_127 = arith.constant 0 : i32
        %dma_wait3A_128 = tpu.memref_slice %arg6[%run_scoped3A_61, %dma_wait3A, %dma_wait3A_127] : memref<4x10240x128xf32, #tpu.memory_space<hbm>> -> memref<1x10240x128xf32, #tpu.memory_space<hbm>>
        %dma_wait3A_129 = tpu.memref_squeeze %dma_wait3A_128 : memref<1x10240x128xf32, #tpu.memory_space<hbm>> -> memref<10240x128xf32, #tpu.memory_space<hbm>>
        %dma_wait3A_130 = arith.constant 0 : i32
        %dma_wait3A_131 = tpu.memref_slice %dma_wait3A_129[%add3A_60, %dma_wait3A_130] : memref<10240x128xf32, #tpu.memory_space<hbm>> -> memref<320x128xf32, #tpu.memory_space<hbm>>
        %dma_wait3A_132 = arith.constant 0 : i32
        %dma_wait3A_133 = tpu.memref_slice %arg11[%mul3A_56, %dma_wait3A_132] : memref<5128x128xf32, #tpu.memory_space<vmem_shared>> -> memref<320x128xf32, #tpu.memory_space<vmem_shared>>
        tpu.wait_dma2 semaphore(%run_scoped3A_119 : memref<!tpu.dma_semaphore, #tpu.memory_space<semaphore_mem>>) src(%dma_wait3A_133 : memref<320x128xf32, #tpu.memory_space<vmem_shared>>) dst(%dma_wait3A_131 : memref<320x128xf32, #tpu.memory_space<hbm>>)
        tpu.yield
      }) : () -> ()
      %barrier3A_62 = arith.constant 0 : index
      tpu.barrier barrier_id(%barrier3A_62)
      %mul3A_63 = arith.constant 320 : i32
      %mul3A_64 = arith.muli %arg1, %mul3A_63 : i32
      %add3A_65 = arith.constant 5120 : i32
      %add3A_66 = arith.addi %add3A_65, %mul3A_64 : i32
      %mul3A_67 = arith.constant 320 : i32
      %mul3A_68 = arith.muli %arg1, %mul3A_67 : i32
      %run_scoped3A_69 = arith.constant 2 : i32
      "tpu.region"() ({
        %run_scoped3A_119 = tpu.sem_alloc : memref<!tpu.dma_semaphore, #tpu.memory_space<semaphore_mem>>
        %dma_start3A = arith.constant 0 : i32
        %dma_start3A_120 = tpu.memref_slice %arg11[%mul3A_68, %dma_start3A] : memref<5128x128xf32, #tpu.memory_space<vmem_shared>> -> memref<320x128xf32, #tpu.memory_space<vmem_shared>>
        %dma_start3A_121 = arith.constant 0 : i32
        %dma_start3A_122 = arith.constant 0 : i32
        %dma_start3A_123 = tpu.memref_slice %arg2[%run_scoped3A_69, %dma_start3A_121, %dma_start3A_122] : memref<4x10240x128xf32, #tpu.memory_space<hbm>> -> memref<1x10240x128xf32, #tpu.memory_space<hbm>>
        %dma_start3A_124 = tpu.memref_squeeze %dma_start3A_123 : memref<1x10240x128xf32, #tpu.memory_space<hbm>> -> memref<10240x128xf32, #tpu.memory_space<hbm>>
        %dma_start3A_125 = arith.constant 0 : i32
        %dma_start3A_126 = tpu.memref_slice %dma_start3A_124[%add3A_66, %dma_start3A_125] : memref<10240x128xf32, #tpu.memory_space<hbm>> -> memref<320x128xf32, #tpu.memory_space<hbm>>
        tpu.enqueue_dma source(%dma_start3A_126 : memref<320x128xf32, #tpu.memory_space<hbm>>) target(%dma_start3A_120 : memref<320x128xf32, #tpu.memory_space<vmem_shared>>) target_semaphore(%run_scoped3A_119 : memref<!tpu.dma_semaphore, #tpu.memory_space<semaphore_mem>>)
        %dma_wait3A = arith.constant 0 : i32
        %dma_wait3A_127 = tpu.memref_slice %arg11[%mul3A_68, %dma_wait3A] : memref<5128x128xf32, #tpu.memory_space<vmem_shared>> -> memref<320x128xf32, #tpu.memory_space<vmem_shared>>
        %dma_wait3A_128 = arith.constant 0 : i32
        %dma_wait3A_129 = arith.constant 0 : i32
        %dma_wait3A_130 = tpu.memref_slice %arg2[%run_scoped3A_69, %dma_wait3A_128, %dma_wait3A_129] : memref<4x10240x128xf32, #tpu.memory_space<hbm>> -> memref<1x10240x128xf32, #tpu.memory_space<hbm>>
        %dma_wait3A_131 = tpu.memref_squeeze %dma_wait3A_130 : memref<1x10240x128xf32, #tpu.memory_space<hbm>> -> memref<10240x128xf32, #tpu.memory_space<hbm>>
        %dma_wait3A_132 = arith.constant 0 : i32
        %dma_wait3A_133 = tpu.memref_slice %dma_wait3A_131[%add3A_66, %dma_wait3A_132] : memref<10240x128xf32, #tpu.memory_space<hbm>> -> memref<320x128xf32, #tpu.memory_space<hbm>>
        tpu.wait_dma2 semaphore(%run_scoped3A_119 : memref<!tpu.dma_semaphore, #tpu.memory_space<semaphore_mem>>) src(%dma_wait3A_133 : memref<320x128xf32, #tpu.memory_space<hbm>>) dst(%dma_wait3A_127 : memref<320x128xf32, #tpu.memory_space<vmem_shared>>)
        tpu.yield
      }) : () -> ()
      %barrier3A_70 = arith.constant 0 : index
      tpu.barrier barrier_id(%barrier3A_70)
      %while3A_71 = arith.constant 0 : i32
      %while3A_72 = arith.constant 2 : i32
      %while3A_73 = arith.constant 0 : i32
      %while3A_74 = arith.subi %squeeze3A, %while3A_73 : i32
      %while3A_75 = arith.addi %while3A_73, %while3A_74 : i32
      %while3A_76 = arith.constant 1 : i32
      %while3A_77 = arith.divsi %while3A_74, %while3A_76 : i32
      %while3A_78 = arith.muli %while3A_77, %while3A_76 : i32
      %while3A_79 = arith.addi %while3A_73, %while3A_78 : i32
      %while3A_80 = arith.constant 1 : i32
      scf.for %while3A_119 = %while3A_73 to %while3A_79 step %while3A_80  : i32 {
        %dma_start3A = arith.constant 0 : i32
        %dma_start3A_120 = tpu.memref_slice %arg8[%while3A_119, %dma_start3A] : memref<157x128xi32, #tpu.memory_space<vmem>> -> memref<1x128xi32, #tpu.memory_space<vmem>>
        %dma_start3A_121 = tpu.memref_squeeze %dma_start3A_120 : memref<1x128xi32, #tpu.memory_space<vmem>> -> memref<128xi32, #tpu.memory_space<vmem>>
        %dma_start3A_122 = arith.constant 0 : i32
        %dma_start3A_123 = arith.constant 0 : i32
        %dma_start3A_124 = tpu.memref_slice %arg2[%while3A_72, %dma_start3A_122, %dma_start3A_123] : memref<4x10240x128xf32, #tpu.memory_space<hbm>> -> memref<1x10240x128xf32, #tpu.memory_space<hbm>>
        %dma_start3A_125 = tpu.memref_squeeze %dma_start3A_124 : memref<1x10240x128xf32, #tpu.memory_space<hbm>> -> memref<10240x128xf32, #tpu.memory_space<hbm>>
        %dma_start3A_126 = arith.constant 0 : i32
        %dma_start3A_127 = arith.constant 0 : i32
        %dma_start3A_128 = tpu.memref_slice %dma_start3A_125[%dma_start3A_126, %dma_start3A_127] : memref<10240x128xf32, #tpu.memory_space<hbm>> -> memref<10240x128xf32, #tpu.memory_space<hbm>>
        tpu.enqueue_indirect_dma source(%dma_start3A_128 : memref<10240x128xf32, #tpu.memory_space<hbm>>) target(%arg7 : memref<128x128xf32, #tpu.memory_space<vmem>>) offsets(%dma_start3A_121 : memref<128xi32, #tpu.memory_space<vmem>>) semaphore(%arg12 : memref<!tpu.dma_semaphore, #tpu.memory_space<semaphore_mem>>)
        %dma_wait3A = arith.constant 0 : i32
        %dma_wait3A_129 = tpu.memref_slice %arg8[%while3A_119, %dma_wait3A] : memref<157x128xi32, #tpu.memory_space<vmem>> -> memref<1x128xi32, #tpu.memory_space<vmem>>
        %dma_wait3A_130 = tpu.memref_squeeze %dma_wait3A_129 : memref<1x128xi32, #tpu.memory_space<vmem>> -> memref<128xi32, #tpu.memory_space<vmem>>
        %dma_wait3A_131 = arith.constant 0 : i32
        %dma_wait3A_132 = arith.constant 0 : i32
        %dma_wait3A_133 = tpu.memref_slice %arg2[%while3A_72, %dma_wait3A_131, %dma_wait3A_132] : memref<4x10240x128xf32, #tpu.memory_space<hbm>> -> memref<1x10240x128xf32, #tpu.memory_space<hbm>>
        %dma_wait3A_134 = tpu.memref_squeeze %dma_wait3A_133 : memref<1x10240x128xf32, #tpu.memory_space<hbm>> -> memref<10240x128xf32, #tpu.memory_space<hbm>>
        %dma_wait3A_135 = arith.constant 0 : i32
        %dma_wait3A_136 = arith.constant 0 : i32
        %dma_wait3A_137 = tpu.memref_slice %dma_wait3A_134[%dma_wait3A_135, %dma_wait3A_136] : memref<10240x128xf32, #tpu.memory_space<hbm>> -> memref<10240x128xf32, #tpu.memory_space<hbm>>
        tpu.wait_indirect_dma semaphore(%arg12 : memref<!tpu.dma_semaphore, #tpu.memory_space<semaphore_mem>>) src(%dma_wait3A_137 : memref<10240x128xf32, #tpu.memory_space<hbm>>) dst(%arg7 : memref<128x128xf32, #tpu.memory_space<vmem>>)
        "tpu.region"() ({
          %run_scoped3A_138 = tpu.sem_alloc : memref<!tpu.dma_semaphore, #tpu.memory_space<semaphore_mem>>
          %dma_start3A_139 = arith.constant 0 : i32
          %dma_start3A_140 = tpu.memref_slice %arg9[%while3A_119, %dma_start3A_139] : memref<157x128xi32, #tpu.memory_space<vmem>> -> memref<1x128xi32, #tpu.memory_space<vmem>>
          %dma_start3A_141 = tpu.memref_squeeze %dma_start3A_140 : memref<1x128xi32, #tpu.memory_space<vmem>> -> memref<128xi32, #tpu.memory_space<vmem>>
          %dma_start3A_142 = arith.constant 0 : i32
          %dma_start3A_143 = arith.constant 0 : i32
          %dma_start3A_144 = tpu.memref_slice %arg11[%dma_start3A_142, %dma_start3A_143] : memref<5128x128xf32, #tpu.memory_space<vmem_shared>> -> memref<5128x128xf32, #tpu.memory_space<vmem_shared>>
          tpu.enqueue_indirect_dma source(%arg7 : memref<128x128xf32, #tpu.memory_space<vmem>>) target(%dma_start3A_144 : memref<5128x128xf32, #tpu.memory_space<vmem_shared>>) offsets(%dma_start3A_141 : memref<128xi32, #tpu.memory_space<vmem>>) semaphore(%run_scoped3A_138 : memref<!tpu.dma_semaphore, #tpu.memory_space<semaphore_mem>>) {add = true}
          %dma_wait3A_145 = arith.constant 0 : i32
          %dma_wait3A_146 = tpu.memref_slice %arg9[%while3A_119, %dma_wait3A_145] : memref<157x128xi32, #tpu.memory_space<vmem>> -> memref<1x128xi32, #tpu.memory_space<vmem>>
          %dma_wait3A_147 = tpu.memref_squeeze %dma_wait3A_146 : memref<1x128xi32, #tpu.memory_space<vmem>> -> memref<128xi32, #tpu.memory_space<vmem>>
          %dma_wait3A_148 = arith.constant 0 : i32
          %dma_wait3A_149 = arith.constant 0 : i32
          %dma_wait3A_150 = tpu.memref_slice %arg11[%dma_wait3A_148, %dma_wait3A_149] : memref<5128x128xf32, #tpu.memory_space<vmem_shared>> -> memref<5128x128xf32, #tpu.memory_space<vmem_shared>>
          tpu.wait_indirect_dma semaphore(%run_scoped3A_138 : memref<!tpu.dma_semaphore, #tpu.memory_space<semaphore_mem>>) src(%arg7 : memref<128x128xf32, #tpu.memory_space<vmem>>) dst(%dma_wait3A_150 : memref<5128x128xf32, #tpu.memory_space<vmem_shared>>)
          tpu.yield
        }) : () -> ()
      }
      %while3A_81 = arith.constant 1 : i32
      scf.for %while3A_119 = %while3A_79 to %while3A_75 step %while3A_81  : i32 {
        %dma_start3A = arith.constant 0 : i32
        %dma_start3A_120 = tpu.memref_slice %arg8[%while3A_119, %dma_start3A] : memref<157x128xi32, #tpu.memory_space<vmem>> -> memref<1x128xi32, #tpu.memory_space<vmem>>
        %dma_start3A_121 = tpu.memref_squeeze %dma_start3A_120 : memref<1x128xi32, #tpu.memory_space<vmem>> -> memref<128xi32, #tpu.memory_space<vmem>>
        %dma_start3A_122 = arith.constant 0 : i32
        %dma_start3A_123 = arith.constant 0 : i32
        %dma_start3A_124 = tpu.memref_slice %arg2[%while3A_72, %dma_start3A_122, %dma_start3A_123] : memref<4x10240x128xf32, #tpu.memory_space<hbm>> -> memref<1x10240x128xf32, #tpu.memory_space<hbm>>
        %dma_start3A_125 = tpu.memref_squeeze %dma_start3A_124 : memref<1x10240x128xf32, #tpu.memory_space<hbm>> -> memref<10240x128xf32, #tpu.memory_space<hbm>>
        %dma_start3A_126 = arith.constant 0 : i32
        %dma_start3A_127 = arith.constant 0 : i32
        %dma_start3A_128 = tpu.memref_slice %dma_start3A_125[%dma_start3A_126, %dma_start3A_127] : memref<10240x128xf32, #tpu.memory_space<hbm>> -> memref<10240x128xf32, #tpu.memory_space<hbm>>
        tpu.enqueue_indirect_dma source(%dma_start3A_128 : memref<10240x128xf32, #tpu.memory_space<hbm>>) target(%arg7 : memref<128x128xf32, #tpu.memory_space<vmem>>) offsets(%dma_start3A_121 : memref<128xi32, #tpu.memory_space<vmem>>) semaphore(%arg12 : memref<!tpu.dma_semaphore, #tpu.memory_space<semaphore_mem>>)
        %dma_wait3A = arith.constant 0 : i32
        %dma_wait3A_129 = tpu.memref_slice %arg8[%while3A_119, %dma_wait3A] : memref<157x128xi32, #tpu.memory_space<vmem>> -> memref<1x128xi32, #tpu.memory_space<vmem>>
        %dma_wait3A_130 = tpu.memref_squeeze %dma_wait3A_129 : memref<1x128xi32, #tpu.memory_space<vmem>> -> memref<128xi32, #tpu.memory_space<vmem>>
        %dma_wait3A_131 = arith.constant 0 : i32
        %dma_wait3A_132 = arith.constant 0 : i32
        %dma_wait3A_133 = tpu.memref_slice %arg2[%while3A_72, %dma_wait3A_131, %dma_wait3A_132] : memref<4x10240x128xf32, #tpu.memory_space<hbm>> -> memref<1x10240x128xf32, #tpu.memory_space<hbm>>
        %dma_wait3A_134 = tpu.memref_squeeze %dma_wait3A_133 : memref<1x10240x128xf32, #tpu.memory_space<hbm>> -> memref<10240x128xf32, #tpu.memory_space<hbm>>
        %dma_wait3A_135 = arith.constant 0 : i32
        %dma_wait3A_136 = arith.constant 0 : i32
        %dma_wait3A_137 = tpu.memref_slice %dma_wait3A_134[%dma_wait3A_135, %dma_wait3A_136] : memref<10240x128xf32, #tpu.memory_space<hbm>> -> memref<10240x128xf32, #tpu.memory_space<hbm>>
        tpu.wait_indirect_dma semaphore(%arg12 : memref<!tpu.dma_semaphore, #tpu.memory_space<semaphore_mem>>) src(%dma_wait3A_137 : memref<10240x128xf32, #tpu.memory_space<hbm>>) dst(%arg7 : memref<128x128xf32, #tpu.memory_space<vmem>>)
        "tpu.region"() ({
          %run_scoped3A_138 = tpu.sem_alloc : memref<!tpu.dma_semaphore, #tpu.memory_space<semaphore_mem>>
          %dma_start3A_139 = arith.constant 0 : i32
          %dma_start3A_140 = tpu.memref_slice %arg9[%while3A_119, %dma_start3A_139] : memref<157x128xi32, #tpu.memory_space<vmem>> -> memref<1x128xi32, #tpu.memory_space<vmem>>
          %dma_start3A_141 = tpu.memref_squeeze %dma_start3A_140 : memref<1x128xi32, #tpu.memory_space<vmem>> -> memref<128xi32, #tpu.memory_space<vmem>>
          %dma_start3A_142 = arith.constant 0 : i32
          %dma_start3A_143 = arith.constant 0 : i32
          %dma_start3A_144 = tpu.memref_slice %arg11[%dma_start3A_142, %dma_start3A_143] : memref<5128x128xf32, #tpu.memory_space<vmem_shared>> -> memref<5128x128xf32, #tpu.memory_space<vmem_shared>>
          tpu.enqueue_indirect_dma source(%arg7 : memref<128x128xf32, #tpu.memory_space<vmem>>) target(%dma_start3A_144 : memref<5128x128xf32, #tpu.memory_space<vmem_shared>>) offsets(%dma_start3A_141 : memref<128xi32, #tpu.memory_space<vmem>>) semaphore(%run_scoped3A_138 : memref<!tpu.dma_semaphore, #tpu.memory_space<semaphore_mem>>) {add = true}
          %dma_wait3A_145 = arith.constant 0 : i32
          %dma_wait3A_146 = tpu.memref_slice %arg9[%while3A_119, %dma_wait3A_145] : memref<157x128xi32, #tpu.memory_space<vmem>> -> memref<1x128xi32, #tpu.memory_space<vmem>>
          %dma_wait3A_147 = tpu.memref_squeeze %dma_wait3A_146 : memref<1x128xi32, #tpu.memory_space<vmem>> -> memref<128xi32, #tpu.memory_space<vmem>>
          %dma_wait3A_148 = arith.constant 0 : i32
          %dma_wait3A_149 = arith.constant 0 : i32
          %dma_wait3A_150 = tpu.memref_slice %arg11[%dma_wait3A_148, %dma_wait3A_149] : memref<5128x128xf32, #tpu.memory_space<vmem_shared>> -> memref<5128x128xf32, #tpu.memory_space<vmem_shared>>
          tpu.wait_indirect_dma semaphore(%run_scoped3A_138 : memref<!tpu.dma_semaphore, #tpu.memory_space<semaphore_mem>>) src(%arg7 : memref<128x128xf32, #tpu.memory_space<vmem>>) dst(%dma_wait3A_150 : memref<5128x128xf32, #tpu.memory_space<vmem_shared>>)
          tpu.yield
        }) : () -> ()
      }
      %barrier3A_82 = arith.constant 0 : index
      tpu.barrier barrier_id(%barrier3A_82)
      %mul3A_83 = arith.constant 320 : i32
      %mul3A_84 = arith.muli %arg1, %mul3A_83 : i32
      %mul3A_85 = arith.constant 320 : i32
      %mul3A_86 = arith.muli %arg1, %mul3A_85 : i32
      %add3A_87 = arith.constant 5120 : i32
      %add3A_88 = arith.addi %add3A_87, %mul3A_86 : i32
      %run_scoped3A_89 = arith.constant 2 : i32
      "tpu.region"() ({
        %run_scoped3A_119 = tpu.sem_alloc : memref<!tpu.dma_semaphore, #tpu.memory_space<semaphore_mem>>
        %dma_start3A = arith.constant 0 : i32
        %dma_start3A_120 = arith.constant 0 : i32
        %dma_start3A_121 = tpu.memref_slice %arg6[%run_scoped3A_89, %dma_start3A, %dma_start3A_120] : memref<4x10240x128xf32, #tpu.memory_space<hbm>> -> memref<1x10240x128xf32, #tpu.memory_space<hbm>>
        %dma_start3A_122 = tpu.memref_squeeze %dma_start3A_121 : memref<1x10240x128xf32, #tpu.memory_space<hbm>> -> memref<10240x128xf32, #tpu.memory_space<hbm>>
        %dma_start3A_123 = arith.constant 0 : i32
        %dma_start3A_124 = tpu.memref_slice %dma_start3A_122[%add3A_88, %dma_start3A_123] : memref<10240x128xf32, #tpu.memory_space<hbm>> -> memref<320x128xf32, #tpu.memory_space<hbm>>
        %dma_start3A_125 = arith.constant 0 : i32
        %dma_start3A_126 = tpu.memref_slice %arg11[%mul3A_84, %dma_start3A_125] : memref<5128x128xf32, #tpu.memory_space<vmem_shared>> -> memref<320x128xf32, #tpu.memory_space<vmem_shared>>
        tpu.enqueue_dma source(%dma_start3A_126 : memref<320x128xf32, #tpu.memory_space<vmem_shared>>) target(%dma_start3A_124 : memref<320x128xf32, #tpu.memory_space<hbm>>) target_semaphore(%run_scoped3A_119 : memref<!tpu.dma_semaphore, #tpu.memory_space<semaphore_mem>>)
        %dma_wait3A = arith.constant 0 : i32
        %dma_wait3A_127 = arith.constant 0 : i32
        %dma_wait3A_128 = tpu.memref_slice %arg6[%run_scoped3A_89, %dma_wait3A, %dma_wait3A_127] : memref<4x10240x128xf32, #tpu.memory_space<hbm>> -> memref<1x10240x128xf32, #tpu.memory_space<hbm>>
        %dma_wait3A_129 = tpu.memref_squeeze %dma_wait3A_128 : memref<1x10240x128xf32, #tpu.memory_space<hbm>> -> memref<10240x128xf32, #tpu.memory_space<hbm>>
        %dma_wait3A_130 = arith.constant 0 : i32
        %dma_wait3A_131 = tpu.memref_slice %dma_wait3A_129[%add3A_88, %dma_wait3A_130] : memref<10240x128xf32, #tpu.memory_space<hbm>> -> memref<320x128xf32, #tpu.memory_space<hbm>>
        %dma_wait3A_132 = arith.constant 0 : i32
        %dma_wait3A_133 = tpu.memref_slice %arg11[%mul3A_84, %dma_wait3A_132] : memref<5128x128xf32, #tpu.memory_space<vmem_shared>> -> memref<320x128xf32, #tpu.memory_space<vmem_shared>>
        tpu.wait_dma2 semaphore(%run_scoped3A_119 : memref<!tpu.dma_semaphore, #tpu.memory_space<semaphore_mem>>) src(%dma_wait3A_133 : memref<320x128xf32, #tpu.memory_space<vmem_shared>>) dst(%dma_wait3A_131 : memref<320x128xf32, #tpu.memory_space<hbm>>)
        tpu.yield
      }) : () -> ()
      %barrier3A_90 = arith.constant 0 : index
      tpu.barrier barrier_id(%barrier3A_90)
      %mul3A_91 = arith.constant 320 : i32
      %mul3A_92 = arith.muli %arg1, %mul3A_91 : i32
      %add3A_93 = arith.constant 5120 : i32
      %add3A_94 = arith.addi %add3A_93, %mul3A_92 : i32
      %mul3A_95 = arith.constant 320 : i32
      %mul3A_96 = arith.muli %arg1, %mul3A_95 : i32
      %run_scoped3A_97 = arith.constant 3 : i32
      "tpu.region"() ({
        %run_scoped3A_119 = tpu.sem_alloc : memref<!tpu.dma_semaphore, #tpu.memory_space<semaphore_mem>>
        %dma_start3A = arith.constant 0 : i32
        %dma_start3A_120 = tpu.memref_slice %arg11[%mul3A_96, %dma_start3A] : memref<5128x128xf32, #tpu.memory_space<vmem_shared>> -> memref<320x128xf32, #tpu.memory_space<vmem_shared>>
        %dma_start3A_121 = arith.constant 0 : i32
        %dma_start3A_122 = arith.constant 0 : i32
        %dma_start3A_123 = tpu.memref_slice %arg2[%run_scoped3A_97, %dma_start3A_121, %dma_start3A_122] : memref<4x10240x128xf32, #tpu.memory_space<hbm>> -> memref<1x10240x128xf32, #tpu.memory_space<hbm>>
        %dma_start3A_124 = tpu.memref_squeeze %dma_start3A_123 : memref<1x10240x128xf32, #tpu.memory_space<hbm>> -> memref<10240x128xf32, #tpu.memory_space<hbm>>
        %dma_start3A_125 = arith.constant 0 : i32
        %dma_start3A_126 = tpu.memref_slice %dma_start3A_124[%add3A_94, %dma_start3A_125] : memref<10240x128xf32, #tpu.memory_space<hbm>> -> memref<320x128xf32, #tpu.memory_space<hbm>>
        tpu.enqueue_dma source(%dma_start3A_126 : memref<320x128xf32, #tpu.memory_space<hbm>>) target(%dma_start3A_120 : memref<320x128xf32, #tpu.memory_space<vmem_shared>>) target_semaphore(%run_scoped3A_119 : memref<!tpu.dma_semaphore, #tpu.memory_space<semaphore_mem>>)
        %dma_wait3A = arith.constant 0 : i32
        %dma_wait3A_127 = tpu.memref_slice %arg11[%mul3A_96, %dma_wait3A] : memref<5128x128xf32, #tpu.memory_space<vmem_shared>> -> memref<320x128xf32, #tpu.memory_space<vmem_shared>>
        %dma_wait3A_128 = arith.constant 0 : i32
        %dma_wait3A_129 = arith.constant 0 : i32
        %dma_wait3A_130 = tpu.memref_slice %arg2[%run_scoped3A_97, %dma_wait3A_128, %dma_wait3A_129] : memref<4x10240x128xf32, #tpu.memory_space<hbm>> -> memref<1x10240x128xf32, #tpu.memory_space<hbm>>
        %dma_wait3A_131 = tpu.memref_squeeze %dma_wait3A_130 : memref<1x10240x128xf32, #tpu.memory_space<hbm>> -> memref<10240x128xf32, #tpu.memory_space<hbm>>
        %dma_wait3A_132 = arith.constant 0 : i32
        %dma_wait3A_133 = tpu.memref_slice %dma_wait3A_131[%add3A_94, %dma_wait3A_132] : memref<10240x128xf32, #tpu.memory_space<hbm>> -> memref<320x128xf32, #tpu.memory_space<hbm>>
        tpu.wait_dma2 semaphore(%run_scoped3A_119 : memref<!tpu.dma_semaphore, #tpu.memory_space<semaphore_mem>>) src(%dma_wait3A_133 : memref<320x128xf32, #tpu.memory_space<hbm>>) dst(%dma_wait3A_127 : memref<320x128xf32, #tpu.memory_space<vmem_shared>>)
        tpu.yield
      }) : () -> ()
      %barrier3A_98 = arith.constant 0 : index
      tpu.barrier barrier_id(%barrier3A_98)
      %while3A_99 = arith.constant 0 : i32
      %while3A_100 = arith.constant 3 : i32
      %while3A_101 = arith.constant 0 : i32
      %while3A_102 = arith.subi %squeeze3A, %while3A_101 : i32
      %while3A_103 = arith.addi %while3A_101, %while3A_102 : i32
      %while3A_104 = arith.constant 1 : i32
      %while3A_105 = arith.divsi %while3A_102, %while3A_104 : i32
      %while3A_106 = arith.muli %while3A_105, %while3A_104 : i32
      %while3A_107 = arith.addi %while3A_101, %while3A_106 : i32
      %while3A_108 = arith.constant 1 : i32
      scf.for %while3A_119 = %while3A_101 to %while3A_107 step %while3A_108  : i32 {
        %dma_start3A = arith.constant 0 : i32
        %dma_start3A_120 = tpu.memref_slice %arg8[%while3A_119, %dma_start3A] : memref<157x128xi32, #tpu.memory_space<vmem>> -> memref<1x128xi32, #tpu.memory_space<vmem>>
        %dma_start3A_121 = tpu.memref_squeeze %dma_start3A_120 : memref<1x128xi32, #tpu.memory_space<vmem>> -> memref<128xi32, #tpu.memory_space<vmem>>
        %dma_start3A_122 = arith.constant 0 : i32
        %dma_start3A_123 = arith.constant 0 : i32
        %dma_start3A_124 = tpu.memref_slice %arg2[%while3A_100, %dma_start3A_122, %dma_start3A_123] : memref<4x10240x128xf32, #tpu.memory_space<hbm>> -> memref<1x10240x128xf32, #tpu.memory_space<hbm>>
        %dma_start3A_125 = tpu.memref_squeeze %dma_start3A_124 : memref<1x10240x128xf32, #tpu.memory_space<hbm>> -> memref<10240x128xf32, #tpu.memory_space<hbm>>
        %dma_start3A_126 = arith.constant 0 : i32
        %dma_start3A_127 = arith.constant 0 : i32
        %dma_start3A_128 = tpu.memref_slice %dma_start3A_125[%dma_start3A_126, %dma_start3A_127] : memref<10240x128xf32, #tpu.memory_space<hbm>> -> memref<10240x128xf32, #tpu.memory_space<hbm>>
        tpu.enqueue_indirect_dma source(%dma_start3A_128 : memref<10240x128xf32, #tpu.memory_space<hbm>>) target(%arg7 : memref<128x128xf32, #tpu.memory_space<vmem>>) offsets(%dma_start3A_121 : memref<128xi32, #tpu.memory_space<vmem>>) semaphore(%arg12 : memref<!tpu.dma_semaphore, #tpu.memory_space<semaphore_mem>>)
        %dma_wait3A = arith.constant 0 : i32
        %dma_wait3A_129 = tpu.memref_slice %arg8[%while3A_119, %dma_wait3A] : memref<157x128xi32, #tpu.memory_space<vmem>> -> memref<1x128xi32, #tpu.memory_space<vmem>>
        %dma_wait3A_130 = tpu.memref_squeeze %dma_wait3A_129 : memref<1x128xi32, #tpu.memory_space<vmem>> -> memref<128xi32, #tpu.memory_space<vmem>>
        %dma_wait3A_131 = arith.constant 0 : i32
        %dma_wait3A_132 = arith.constant 0 : i32
        %dma_wait3A_133 = tpu.memref_slice %arg2[%while3A_100, %dma_wait3A_131, %dma_wait3A_132] : memref<4x10240x128xf32, #tpu.memory_space<hbm>> -> memref<1x10240x128xf32, #tpu.memory_space<hbm>>
        %dma_wait3A_134 = tpu.memref_squeeze %dma_wait3A_133 : memref<1x10240x128xf32, #tpu.memory_space<hbm>> -> memref<10240x128xf32, #tpu.memory_space<hbm>>
        %dma_wait3A_135 = arith.constant 0 : i32
        %dma_wait3A_136 = arith.constant 0 : i32
        %dma_wait3A_137 = tpu.memref_slice %dma_wait3A_134[%dma_wait3A_135, %dma_wait3A_136] : memref<10240x128xf32, #tpu.memory_space<hbm>> -> memref<10240x128xf32, #tpu.memory_space<hbm>>
        tpu.wait_indirect_dma semaphore(%arg12 : memref<!tpu.dma_semaphore, #tpu.memory_space<semaphore_mem>>) src(%dma_wait3A_137 : memref<10240x128xf32, #tpu.memory_space<hbm>>) dst(%arg7 : memref<128x128xf32, #tpu.memory_space<vmem>>)
        "tpu.region"() ({
          %run_scoped3A_138 = tpu.sem_alloc : memref<!tpu.dma_semaphore, #tpu.memory_space<semaphore_mem>>
          %dma_start3A_139 = arith.constant 0 : i32
          %dma_start3A_140 = tpu.memref_slice %arg9[%while3A_119, %dma_start3A_139] : memref<157x128xi32, #tpu.memory_space<vmem>> -> memref<1x128xi32, #tpu.memory_space<vmem>>
          %dma_start3A_141 = tpu.memref_squeeze %dma_start3A_140 : memref<1x128xi32, #tpu.memory_space<vmem>> -> memref<128xi32, #tpu.memory_space<vmem>>
          %dma_start3A_142 = arith.constant 0 : i32
          %dma_start3A_143 = arith.constant 0 : i32
          %dma_start3A_144 = tpu.memref_slice %arg11[%dma_start3A_142, %dma_start3A_143] : memref<5128x128xf32, #tpu.memory_space<vmem_shared>> -> memref<5128x128xf32, #tpu.memory_space<vmem_shared>>
          tpu.enqueue_indirect_dma source(%arg7 : memref<128x128xf32, #tpu.memory_space<vmem>>) target(%dma_start3A_144 : memref<5128x128xf32, #tpu.memory_space<vmem_shared>>) offsets(%dma_start3A_141 : memref<128xi32, #tpu.memory_space<vmem>>) semaphore(%run_scoped3A_138 : memref<!tpu.dma_semaphore, #tpu.memory_space<semaphore_mem>>) {add = true}
          %dma_wait3A_145 = arith.constant 0 : i32
          %dma_wait3A_146 = tpu.memref_slice %arg9[%while3A_119, %dma_wait3A_145] : memref<157x128xi32, #tpu.memory_space<vmem>> -> memref<1x128xi32, #tpu.memory_space<vmem>>
          %dma_wait3A_147 = tpu.memref_squeeze %dma_wait3A_146 : memref<1x128xi32, #tpu.memory_space<vmem>> -> memref<128xi32, #tpu.memory_space<vmem>>
          %dma_wait3A_148 = arith.constant 0 : i32
          %dma_wait3A_149 = arith.constant 0 : i32
          %dma_wait3A_150 = tpu.memref_slice %arg11[%dma_wait3A_148, %dma_wait3A_149] : memref<5128x128xf32, #tpu.memory_space<vmem_shared>> -> memref<5128x128xf32, #tpu.memory_space<vmem_shared>>
          tpu.wait_indirect_dma semaphore(%run_scoped3A_138 : memref<!tpu.dma_semaphore, #tpu.memory_space<semaphore_mem>>) src(%arg7 : memref<128x128xf32, #tpu.memory_space<vmem>>) dst(%dma_wait3A_150 : memref<5128x128xf32, #tpu.memory_space<vmem_shared>>)
          tpu.yield
        }) : () -> ()
      }
      %while3A_109 = arith.constant 1 : i32
      scf.for %while3A_119 = %while3A_107 to %while3A_103 step %while3A_109  : i32 {
        %dma_start3A = arith.constant 0 : i32
        %dma_start3A_120 = tpu.memref_slice %arg8[%while3A_119, %dma_start3A] : memref<157x128xi32, #tpu.memory_space<vmem>> -> memref<1x128xi32, #tpu.memory_space<vmem>>
        %dma_start3A_121 = tpu.memref_squeeze %dma_start3A_120 : memref<1x128xi32, #tpu.memory_space<vmem>> -> memref<128xi32, #tpu.memory_space<vmem>>
        %dma_start3A_122 = arith.constant 0 : i32
        %dma_start3A_123 = arith.constant 0 : i32
        %dma_start3A_124 = tpu.memref_slice %arg2[%while3A_100, %dma_start3A_122, %dma_start3A_123] : memref<4x10240x128xf32, #tpu.memory_space<hbm>> -> memref<1x10240x128xf32, #tpu.memory_space<hbm>>
        %dma_start3A_125 = tpu.memref_squeeze %dma_start3A_124 : memref<1x10240x128xf32, #tpu.memory_space<hbm>> -> memref<10240x128xf32, #tpu.memory_space<hbm>>
        %dma_start3A_126 = arith.constant 0 : i32
        %dma_start3A_127 = arith.constant 0 : i32
        %dma_start3A_128 = tpu.memref_slice %dma_start3A_125[%dma_start3A_126, %dma_start3A_127] : memref<10240x128xf32, #tpu.memory_space<hbm>> -> memref<10240x128xf32, #tpu.memory_space<hbm>>
        tpu.enqueue_indirect_dma source(%dma_start3A_128 : memref<10240x128xf32, #tpu.memory_space<hbm>>) target(%arg7 : memref<128x128xf32, #tpu.memory_space<vmem>>) offsets(%dma_start3A_121 : memref<128xi32, #tpu.memory_space<vmem>>) semaphore(%arg12 : memref<!tpu.dma_semaphore, #tpu.memory_space<semaphore_mem>>)
        %dma_wait3A = arith.constant 0 : i32
        %dma_wait3A_129 = tpu.memref_slice %arg8[%while3A_119, %dma_wait3A] : memref<157x128xi32, #tpu.memory_space<vmem>> -> memref<1x128xi32, #tpu.memory_space<vmem>>
        %dma_wait3A_130 = tpu.memref_squeeze %dma_wait3A_129 : memref<1x128xi32, #tpu.memory_space<vmem>> -> memref<128xi32, #tpu.memory_space<vmem>>
        %dma_wait3A_131 = arith.constant 0 : i32
        %dma_wait3A_132 = arith.constant 0 : i32
        %dma_wait3A_133 = tpu.memref_slice %arg2[%while3A_100, %dma_wait3A_131, %dma_wait3A_132] : memref<4x10240x128xf32, #tpu.memory_space<hbm>> -> memref<1x10240x128xf32, #tpu.memory_space<hbm>>
        %dma_wait3A_134 = tpu.memref_squeeze %dma_wait3A_133 : memref<1x10240x128xf32, #tpu.memory_space<hbm>> -> memref<10240x128xf32, #tpu.memory_space<hbm>>
        %dma_wait3A_135 = arith.constant 0 : i32
        %dma_wait3A_136 = arith.constant 0 : i32
        %dma_wait3A_137 = tpu.memref_slice %dma_wait3A_134[%dma_wait3A_135, %dma_wait3A_136] : memref<10240x128xf32, #tpu.memory_space<hbm>> -> memref<10240x128xf32, #tpu.memory_space<hbm>>
        tpu.wait_indirect_dma semaphore(%arg12 : memref<!tpu.dma_semaphore, #tpu.memory_space<semaphore_mem>>) src(%dma_wait3A_137 : memref<10240x128xf32, #tpu.memory_space<hbm>>) dst(%arg7 : memref<128x128xf32, #tpu.memory_space<vmem>>)
        "tpu.region"() ({
          %run_scoped3A_138 = tpu.sem_alloc : memref<!tpu.dma_semaphore, #tpu.memory_space<semaphore_mem>>
          %dma_start3A_139 = arith.constant 0 : i32
          %dma_start3A_140 = tpu.memref_slice %arg9[%while3A_119, %dma_start3A_139] : memref<157x128xi32, #tpu.memory_space<vmem>> -> memref<1x128xi32, #tpu.memory_space<vmem>>
          %dma_start3A_141 = tpu.memref_squeeze %dma_start3A_140 : memref<1x128xi32, #tpu.memory_space<vmem>> -> memref<128xi32, #tpu.memory_space<vmem>>
          %dma_start3A_142 = arith.constant 0 : i32
          %dma_start3A_143 = arith.constant 0 : i32
          %dma_start3A_144 = tpu.memref_slice %arg11[%dma_start3A_142, %dma_start3A_143] : memref<5128x128xf32, #tpu.memory_space<vmem_shared>> -> memref<5128x128xf32, #tpu.memory_space<vmem_shared>>
          tpu.enqueue_indirect_dma source(%arg7 : memref<128x128xf32, #tpu.memory_space<vmem>>) target(%dma_start3A_144 : memref<5128x128xf32, #tpu.memory_space<vmem_shared>>) offsets(%dma_start3A_141 : memref<128xi32, #tpu.memory_space<vmem>>) semaphore(%run_scoped3A_138 : memref<!tpu.dma_semaphore, #tpu.memory_space<semaphore_mem>>) {add = true}
          %dma_wait3A_145 = arith.constant 0 : i32
          %dma_wait3A_146 = tpu.memref_slice %arg9[%while3A_119, %dma_wait3A_145] : memref<157x128xi32, #tpu.memory_space<vmem>> -> memref<1x128xi32, #tpu.memory_space<vmem>>
          %dma_wait3A_147 = tpu.memref_squeeze %dma_wait3A_146 : memref<1x128xi32, #tpu.memory_space<vmem>> -> memref<128xi32, #tpu.memory_space<vmem>>
          %dma_wait3A_148 = arith.constant 0 : i32
          %dma_wait3A_149 = arith.constant 0 : i32
          %dma_wait3A_150 = tpu.memref_slice %arg11[%dma_wait3A_148, %dma_wait3A_149] : memref<5128x128xf32, #tpu.memory_space<vmem_shared>> -> memref<5128x128xf32, #tpu.memory_space<vmem_shared>>
          tpu.wait_indirect_dma semaphore(%run_scoped3A_138 : memref<!tpu.dma_semaphore, #tpu.memory_space<semaphore_mem>>) src(%arg7 : memref<128x128xf32, #tpu.memory_space<vmem>>) dst(%dma_wait3A_150 : memref<5128x128xf32, #tpu.memory_space<vmem_shared>>)
          tpu.yield
        }) : () -> ()
      }
      %barrier3A_110 = arith.constant 0 : index
      tpu.barrier barrier_id(%barrier3A_110)
      %mul3A_111 = arith.constant 320 : i32
      %mul3A_112 = arith.muli %arg1, %mul3A_111 : i32
      %mul3A_113 = arith.constant 320 : i32
      %mul3A_114 = arith.muli %arg1, %mul3A_113 : i32
      %add3A_115 = arith.constant 5120 : i32
      %add3A_116 = arith.addi %add3A_115, %mul3A_114 : i32
      %run_scoped3A_117 = arith.constant 3 : i32
      "tpu.region"() ({
        %run_scoped3A_119 = tpu.sem_alloc : memref<!tpu.dma_semaphore, #tpu.memory_space<semaphore_mem>>
        %dma_start3A = arith.constant 0 : i32
        %dma_start3A_120 = arith.constant 0 : i32
        %dma_start3A_121 = tpu.memref_slice %arg6[%run_scoped3A_117, %dma_start3A, %dma_start3A_120] : memref<4x10240x128xf32, #tpu.memory_space<hbm>> -> memref<1x10240x128xf32, #tpu.memory_space<hbm>>
        %dma_start3A_122 = tpu.memref_squeeze %dma_start3A_121 : memref<1x10240x128xf32, #tpu.memory_space<hbm>> -> memref<10240x128xf32, #tpu.memory_space<hbm>>
        %dma_start3A_123 = arith.constant 0 : i32
        %dma_start3A_124 = tpu.memref_slice %dma_start3A_122[%add3A_116, %dma_start3A_123] : memref<10240x128xf32, #tpu.memory_space<hbm>> -> memref<320x128xf32, #tpu.memory_space<hbm>>
        %dma_start3A_125 = arith.constant 0 : i32
        %dma_start3A_126 = tpu.memref_slice %arg11[%mul3A_112, %dma_start3A_125] : memref<5128x128xf32, #tpu.memory_space<vmem_shared>> -> memref<320x128xf32, #tpu.memory_space<vmem_shared>>
        tpu.enqueue_dma source(%dma_start3A_126 : memref<320x128xf32, #tpu.memory_space<vmem_shared>>) target(%dma_start3A_124 : memref<320x128xf32, #tpu.memory_space<hbm>>) target_semaphore(%run_scoped3A_119 : memref<!tpu.dma_semaphore, #tpu.memory_space<semaphore_mem>>)
        %dma_wait3A = arith.constant 0 : i32
        %dma_wait3A_127 = arith.constant 0 : i32
        %dma_wait3A_128 = tpu.memref_slice %arg6[%run_scoped3A_117, %dma_wait3A, %dma_wait3A_127] : memref<4x10240x128xf32, #tpu.memory_space<hbm>> -> memref<1x10240x128xf32, #tpu.memory_space<hbm>>
        %dma_wait3A_129 = tpu.memref_squeeze %dma_wait3A_128 : memref<1x10240x128xf32, #tpu.memory_space<hbm>> -> memref<10240x128xf32, #tpu.memory_space<hbm>>
        %dma_wait3A_130 = arith.constant 0 : i32
        %dma_wait3A_131 = tpu.memref_slice %dma_wait3A_129[%add3A_116, %dma_wait3A_130] : memref<10240x128xf32, #tpu.memory_space<hbm>> -> memref<320x128xf32, #tpu.memory_space<hbm>>
        %dma_wait3A_132 = arith.constant 0 : i32
        %dma_wait3A_133 = tpu.memref_slice %arg11[%mul3A_112, %dma_wait3A_132] : memref<5128x128xf32, #tpu.memory_space<vmem_shared>> -> memref<320x128xf32, #tpu.memory_space<vmem_shared>>
        tpu.wait_dma2 semaphore(%run_scoped3A_119 : memref<!tpu.dma_semaphore, #tpu.memory_space<semaphore_mem>>) src(%dma_wait3A_133 : memref<320x128xf32, #tpu.memory_space<vmem_shared>>) dst(%dma_wait3A_131 : memref<320x128xf32, #tpu.memory_space<hbm>>)
        tpu.yield
      }) : () -> ()
      %barrier3A_118 = arith.constant 0 : index
      tpu.barrier barrier_id(%barrier3A_118)
    } else {
    }
    return
  }
}

module attributes {stable_mosaic.version = 14 : i64} {
  func.func @_mm1_body(%arg0: i32, %arg1: memref<2000x128xf32, #tpu.memory_space<vmem>>, %arg2: memref<4x2000x128xf32, #tpu.memory_space<vmem>>, %arg3: memref<128x128xf32, #tpu.memory_space<vmem>>, %arg4: memref<4x2000x128xf32, #tpu.memory_space<vmem>>) attributes {dimension_semantics = [#tpu.dimension_semantics<arbitrary>], iteration_bounds = array<i64: 5>, scalar_prefetch = 0 : i64, scratch_operands = 0 : i64, tpu.core_type = #tpu.core_type<tc>, window_params = [{transform_indices = @transform_0, window_bounds = array<i64: 2000, 128>}, {transform_indices = @transform_1, window_bounds = array<i64: 4, 2000, 128>}, {pipeline_mode = #tpu.pipeline_mode<synchronous>, transform_indices = @transform_2, window_bounds = array<i64: 128, 128>}, {transform_indices = @transform_3, window_bounds = array<i64: 4, 2000, 128>}]} {
    %get3A = arith.constant 0 : index
    %get3A_0 = arith.constant 0 : index
    %get3A_1 = vector.load %arg1[%get3A, %get3A_0] : memref<2000x128xf32, #tpu.memory_space<vmem>>, vector<2000x1xf32>
    %add3A = arith.constant 1.000000e+00 : f32
    %add3A_2 = vector.broadcast %add3A : f32 to vector<2000x1xf32>
    %add3A_3 = arith.addf %get3A_1, %add3A_2 : vector<2000x1xf32>
    %rsqrt3A = math.rsqrt %add3A_3 : vector<2000x1xf32>
    %get3A_4 = arith.constant 0 : index
    %get3A_5 = arith.constant 0 : index
    %get3A_6 = vector.load %arg3[%get3A_4, %get3A_5] : memref<128x128xf32, #tpu.memory_space<vmem>>, vector<128x128xf32>
    %get3A_7 = arith.constant 0 : index
    %get3A_8 = arith.constant 0 : index
    %get3A_9 = arith.constant 0 : index
    %get3A_10 = vector.load %arg2[%get3A_7, %get3A_8, %get3A_9] : memref<4x2000x128xf32, #tpu.memory_space<vmem>>, vector<1x2000x128xf32>
    %get3A_11 = vector.shape_cast %get3A_10 : vector<1x2000x128xf32> to vector<2000x128xf32>
    %dot_general3A = arith.constant dense<0.000000e+00> : vector<2000x128xf32>
    %dot_general3A_12 = tpu.matmul %get3A_11, %get3A_6, %dot_general3A {dimension_numbers = #tpu.dot_dimension_numbers<[1], [1], [0], [0], [0, 0, 1, 0], [], []>, precision = #tpu.contract_precision<fp32>, transpose_lhs_hint = false} : vector<2000x128xf32>, vector<128x128xf32>, vector<2000x128xf32> -> vector<2000x128xf32>
    %mul3A = vector.broadcast %rsqrt3A : vector<2000x1xf32> to vector<2000x128xf32>
    %mul3A_13 = arith.mulf %dot_general3A_12, %mul3A : vector<2000x128xf32>
    %swap3A = arith.constant 0 : index
    %swap3A_14 = arith.constant 0 : index
    %swap3A_15 = arith.constant 0 : index
    %swap3A_16 = vector.load %arg4[%swap3A, %swap3A_14, %swap3A_15] : memref<4x2000x128xf32, #tpu.memory_space<vmem>>, vector<1x2000x128xf32>
    %swap3A_17 = vector.shape_cast %swap3A_16 : vector<1x2000x128xf32> to vector<2000x128xf32>
    %swap3A_18 = vector.shape_cast %mul3A_13 : vector<2000x128xf32> to vector<1x2000x128xf32>
    tpu.vector_store %arg4[%swap3A, %swap3A_14, %swap3A_15], %swap3A_18 {strides = array<i32>} : memref<4x2000x128xf32, #tpu.memory_space<vmem>>, vector<1x2000x128xf32>,
    %get3A_19 = arith.constant 1 : index
    %get3A_20 = arith.constant 0 : index
    %get3A_21 = arith.constant 0 : index
    %get3A_22 = vector.load %arg2[%get3A_19, %get3A_20, %get3A_21] : memref<4x2000x128xf32, #tpu.memory_space<vmem>>, vector<1x2000x128xf32>
    %get3A_23 = vector.shape_cast %get3A_22 : vector<1x2000x128xf32> to vector<2000x128xf32>
    %dot_general3A_24 = arith.constant dense<0.000000e+00> : vector<2000x128xf32>
    %dot_general3A_25 = tpu.matmul %get3A_23, %get3A_6, %dot_general3A_24 {dimension_numbers = #tpu.dot_dimension_numbers<[1], [1], [0], [0], [0, 0, 1, 0], [], []>, precision = #tpu.contract_precision<fp32>, transpose_lhs_hint = false} : vector<2000x128xf32>, vector<128x128xf32>, vector<2000x128xf32> -> vector<2000x128xf32>
    %mul3A_26 = vector.broadcast %rsqrt3A : vector<2000x1xf32> to vector<2000x128xf32>
    %mul3A_27 = arith.mulf %dot_general3A_25, %mul3A_26 : vector<2000x128xf32>
    %swap3A_28 = arith.constant 1 : index
    %swap3A_29 = arith.constant 0 : index
    %swap3A_30 = arith.constant 0 : index
    %swap3A_31 = vector.load %arg4[%swap3A_28, %swap3A_29, %swap3A_30] : memref<4x2000x128xf32, #tpu.memory_space<vmem>>, vector<1x2000x128xf32>
    %swap3A_32 = vector.shape_cast %swap3A_31 : vector<1x2000x128xf32> to vector<2000x128xf32>
    %swap3A_33 = vector.shape_cast %mul3A_27 : vector<2000x128xf32> to vector<1x2000x128xf32>
    tpu.vector_store %arg4[%swap3A_28, %swap3A_29, %swap3A_30], %swap3A_33 {strides = array<i32>} : memref<4x2000x128xf32, #tpu.memory_space<vmem>>, vector<1x2000x128xf32>,
    %get3A_34 = arith.constant 2 : index
    %get3A_35 = arith.constant 0 : index
    %get3A_36 = arith.constant 0 : index
    %get3A_37 = vector.load %arg2[%get3A_34, %get3A_35, %get3A_36] : memref<4x2000x128xf32, #tpu.memory_space<vmem>>, vector<1x2000x128xf32>
    %get3A_38 = vector.shape_cast %get3A_37 : vector<1x2000x128xf32> to vector<2000x128xf32>
    %dot_general3A_39 = arith.constant dense<0.000000e+00> : vector<2000x128xf32>
    %dot_general3A_40 = tpu.matmul %get3A_38, %get3A_6, %dot_general3A_39 {dimension_numbers = #tpu.dot_dimension_numbers<[1], [1], [0], [0], [0, 0, 1, 0], [], []>, precision = #tpu.contract_precision<fp32>, transpose_lhs_hint = false} : vector<2000x128xf32>, vector<128x128xf32>, vector<2000x128xf32> -> vector<2000x128xf32>
    %mul3A_41 = vector.broadcast %rsqrt3A : vector<2000x1xf32> to vector<2000x128xf32>
    %mul3A_42 = arith.mulf %dot_general3A_40, %mul3A_41 : vector<2000x128xf32>
    %swap3A_43 = arith.constant 2 : index
    %swap3A_44 = arith.constant 0 : index
    %swap3A_45 = arith.constant 0 : index
    %swap3A_46 = vector.load %arg4[%swap3A_43, %swap3A_44, %swap3A_45] : memref<4x2000x128xf32, #tpu.memory_space<vmem>>, vector<1x2000x128xf32>
    %swap3A_47 = vector.shape_cast %swap3A_46 : vector<1x2000x128xf32> to vector<2000x128xf32>
    %swap3A_48 = vector.shape_cast %mul3A_42 : vector<2000x128xf32> to vector<1x2000x128xf32>
    tpu.vector_store %arg4[%swap3A_43, %swap3A_44, %swap3A_45], %swap3A_48 {strides = array<i32>} : memref<4x2000x128xf32, #tpu.memory_space<vmem>>, vector<1x2000x128xf32>,
    %get3A_49 = arith.constant 3 : index
    %get3A_50 = arith.constant 0 : index
    %get3A_51 = arith.constant 0 : index
    %get3A_52 = vector.load %arg2[%get3A_49, %get3A_50, %get3A_51] : memref<4x2000x128xf32, #tpu.memory_space<vmem>>, vector<1x2000x128xf32>
    %get3A_53 = vector.shape_cast %get3A_52 : vector<1x2000x128xf32> to vector<2000x128xf32>
    %dot_general3A_54 = arith.constant dense<0.000000e+00> : vector<2000x128xf32>
    %dot_general3A_55 = tpu.matmul %get3A_53, %get3A_6, %dot_general3A_54 {dimension_numbers = #tpu.dot_dimension_numbers<[1], [1], [0], [0], [0, 0, 1, 0], [], []>, precision = #tpu.contract_precision<fp32>, transpose_lhs_hint = false} : vector<2000x128xf32>, vector<128x128xf32>, vector<2000x128xf32> -> vector<2000x128xf32>
    %mul3A_56 = vector.broadcast %rsqrt3A : vector<2000x1xf32> to vector<2000x128xf32>
    %mul3A_57 = arith.mulf %dot_general3A_55, %mul3A_56 : vector<2000x128xf32>
    %swap3A_58 = arith.constant 3 : index
    %swap3A_59 = arith.constant 0 : index
    %swap3A_60 = arith.constant 0 : index
    %swap3A_61 = vector.load %arg4[%swap3A_58, %swap3A_59, %swap3A_60] : memref<4x2000x128xf32, #tpu.memory_space<vmem>>, vector<1x2000x128xf32>
    %swap3A_62 = vector.shape_cast %swap3A_61 : vector<1x2000x128xf32> to vector<2000x128xf32>
    %swap3A_63 = vector.shape_cast %mul3A_57 : vector<2000x128xf32> to vector<1x2000x128xf32>
    tpu.vector_store %arg4[%swap3A_58, %swap3A_59, %swap3A_60], %swap3A_63 {strides = array<i32>} : memref<4x2000x128xf32, #tpu.memory_space<vmem>>, vector<1x2000x128xf32>,
    return
  }
  func.func @transform_0(%arg0: i32) -> (i32, i32) {
    %c0_i32 = arith.constant 0 : i32
    %c0_i32_0 = arith.constant 0 : i32
    return %arg0, %c0_i32 : i32, i32
  }
  func.func @transform_1(%arg0: i32) -> (i32, i32, i32) {
    %c0_i32 = arith.constant 0 : i32
    %c0_i32_0 = arith.constant 0 : i32
    %c0_i32_1 = arith.constant 0 : i32
    return %c0_i32, %arg0, %c0_i32_0 : i32, i32, i32
  }
  func.func @transform_2(%arg0: i32) -> (i32, i32) {
    %c0_i32 = arith.constant 0 : i32
    %c0_i32_0 = arith.constant 0 : i32
    %c0_i32_1 = arith.constant 0 : i32
    return %c0_i32, %c0_i32_0 : i32, i32
  }
  func.func @transform_3(%arg0: i32) -> (i32, i32, i32) {
    %c0_i32 = arith.constant 0 : i32
    %c0_i32_0 = arith.constant 0 : i32
    %c0_i32_1 = arith.constant 0 : i32
    return %c0_i32, %arg0, %c0_i32_0 : i32, i32, i32
  }
}

module attributes {stable_mosaic.version = 14 : i64} {
  func.func @_mm2_body(%arg0: i32, %arg1: memref<2000x128xf32, #tpu.memory_space<vmem>>, %arg2: memref<4x2000x128xf32, #tpu.memory_space<vmem>>, %arg3: memref<1x128xf32, #tpu.memory_space<vmem>>, %arg4: memref<128x128xf32, #tpu.memory_space<vmem>>, %arg5: memref<4x2000x128xf32, #tpu.memory_space<vmem>>) attributes {dimension_semantics = [#tpu.dimension_semantics<arbitrary>], iteration_bounds = array<i64: 5>, scalar_prefetch = 0 : i64, scratch_operands = 0 : i64, tpu.core_type = #tpu.core_type<tc>, window_params = [{transform_indices = @transform_0, window_bounds = array<i64: 2000, 128>}, {transform_indices = @transform_1, window_bounds = array<i64: 4, 2000, 128>}, {pipeline_mode = #tpu.pipeline_mode<synchronous>, transform_indices = @transform_2, window_bounds = array<i64: 1, 128>}, {pipeline_mode = #tpu.pipeline_mode<synchronous>, transform_indices = @transform_3, window_bounds = array<i64: 128, 128>}, {transform_indices = @transform_4, window_bounds = array<i64: 4, 2000, 128>}]} {
    %get3A = arith.constant 0 : index
    %get3A_0 = arith.constant 0 : index
    %get3A_1 = vector.load %arg1[%get3A, %get3A_0] : memref<2000x128xf32, #tpu.memory_space<vmem>>, vector<2000x1xf32>
    %add3A = arith.constant 1.000000e+00 : f32
    %add3A_2 = vector.broadcast %add3A : f32 to vector<2000x1xf32>
    %add3A_3 = arith.addf %get3A_1, %add3A_2 : vector<2000x1xf32>
    %rsqrt3A = math.rsqrt %add3A_3 : vector<2000x1xf32>
    %get3A_4 = arith.constant 0 : index
    %get3A_5 = arith.constant 0 : index
    %get3A_6 = vector.load %arg3[%get3A_4, %get3A_5] : memref<1x128xf32, #tpu.memory_space<vmem>>, vector<1x128xf32>
    %get3A_7 = arith.constant 0 : index
    %get3A_8 = arith.constant 0 : index
    %get3A_9 = vector.load %arg4[%get3A_7, %get3A_8] : memref<128x128xf32, #tpu.memory_space<vmem>>, vector<128x128xf32>
    %get3A_10 = arith.constant 0 : index
    %get3A_11 = arith.constant 0 : index
    %get3A_12 = arith.constant 0 : index
    %get3A_13 = vector.load %arg2[%get3A_10, %get3A_11, %get3A_12] : memref<4x2000x128xf32, #tpu.memory_space<vmem>>, vector<1x2000x128xf32>
    %get3A_14 = vector.shape_cast %get3A_13 : vector<1x2000x128xf32> to vector<2000x128xf32>
    %mul3A = vector.broadcast %rsqrt3A : vector<2000x1xf32> to vector<2000x128xf32>
    %mul3A_15 = arith.mulf %get3A_14, %mul3A : vector<2000x128xf32>
    %add3A_16 = vector.broadcast %get3A_6 : vector<1x128xf32> to vector<2000x128xf32>
    %add3A_17 = arith.addf %mul3A_15, %add3A_16 : vector<2000x128xf32>
    %max3A = arith.constant 0.000000e+00 : f32
    %max3A_18 = vector.broadcast %max3A : f32 to vector<2000x128xf32>
    %max3A_19 = arith.maximumf %add3A_17, %max3A_18 : vector<2000x128xf32>
    %dot_general3A = arith.constant dense<0.000000e+00> : vector<2000x128xf32>
    %dot_general3A_20 = tpu.matmul %max3A_19, %get3A_9, %dot_general3A {dimension_numbers = #tpu.dot_dimension_numbers<[1], [1], [0], [0], [0, 0, 1, 0], [], []>, precision = #tpu.contract_precision<fp32>, transpose_lhs_hint = false} : vector<2000x128xf32>, vector<128x128xf32>, vector<2000x128xf32> -> vector<2000x128xf32>
    %mul3A_21 = vector.broadcast %rsqrt3A : vector<2000x1xf32> to vector<2000x128xf32>
    %mul3A_22 = arith.mulf %dot_general3A_20, %mul3A_21 : vector<2000x128xf32>
    %swap3A = arith.constant 0 : index
    %swap3A_23 = arith.constant 0 : index
    %swap3A_24 = arith.constant 0 : index
    %swap3A_25 = vector.load %arg5[%swap3A, %swap3A_23, %swap3A_24] : memref<4x2000x128xf32, #tpu.memory_space<vmem>>, vector<1x2000x128xf32>
    %swap3A_26 = vector.shape_cast %swap3A_25 : vector<1x2000x128xf32> to vector<2000x128xf32>
    %swap3A_27 = vector.shape_cast %mul3A_22 : vector<2000x128xf32> to vector<1x2000x128xf32>
    tpu.vector_store %arg5[%swap3A, %swap3A_23, %swap3A_24], %swap3A_27 {strides = array<i32>} : memref<4x2000x128xf32, #tpu.memory_space<vmem>>, vector<1x2000x128xf32>,
    %get3A_28 = arith.constant 1 : index
    %get3A_29 = arith.constant 0 : index
    %get3A_30 = arith.constant 0 : index
    %get3A_31 = vector.load %arg2[%get3A_28, %get3A_29, %get3A_30] : memref<4x2000x128xf32, #tpu.memory_space<vmem>>, vector<1x2000x128xf32>
    %get3A_32 = vector.shape_cast %get3A_31 : vector<1x2000x128xf32> to vector<2000x128xf32>
    %mul3A_33 = vector.broadcast %rsqrt3A : vector<2000x1xf32> to vector<2000x128xf32>
    %mul3A_34 = arith.mulf %get3A_32, %mul3A_33 : vector<2000x128xf32>
    %add3A_35 = vector.broadcast %get3A_6 : vector<1x128xf32> to vector<2000x128xf32>
    %add3A_36 = arith.addf %mul3A_34, %add3A_35 : vector<2000x128xf32>
    %max3A_37 = arith.constant 0.000000e+00 : f32
    %max3A_38 = vector.broadcast %max3A_37 : f32 to vector<2000x128xf32>
    %max3A_39 = arith.maximumf %add3A_36, %max3A_38 : vector<2000x128xf32>
    %dot_general3A_40 = arith.constant dense<0.000000e+00> : vector<2000x128xf32>
    %dot_general3A_41 = tpu.matmul %max3A_39, %get3A_9, %dot_general3A_40 {dimension_numbers = #tpu.dot_dimension_numbers<[1], [1], [0], [0], [0, 0, 1, 0], [], []>, precision = #tpu.contract_precision<fp32>, transpose_lhs_hint = false} : vector<2000x128xf32>, vector<128x128xf32>, vector<2000x128xf32> -> vector<2000x128xf32>
    %mul3A_42 = vector.broadcast %rsqrt3A : vector<2000x1xf32> to vector<2000x128xf32>
    %mul3A_43 = arith.mulf %dot_general3A_41, %mul3A_42 : vector<2000x128xf32>
    %swap3A_44 = arith.constant 1 : index
    %swap3A_45 = arith.constant 0 : index
    %swap3A_46 = arith.constant 0 : index
    %swap3A_47 = vector.load %arg5[%swap3A_44, %swap3A_45, %swap3A_46] : memref<4x2000x128xf32, #tpu.memory_space<vmem>>, vector<1x2000x128xf32>
    %swap3A_48 = vector.shape_cast %swap3A_47 : vector<1x2000x128xf32> to vector<2000x128xf32>
    %swap3A_49 = vector.shape_cast %mul3A_43 : vector<2000x128xf32> to vector<1x2000x128xf32>
    tpu.vector_store %arg5[%swap3A_44, %swap3A_45, %swap3A_46], %swap3A_49 {strides = array<i32>} : memref<4x2000x128xf32, #tpu.memory_space<vmem>>, vector<1x2000x128xf32>,
    %get3A_50 = arith.constant 2 : index
    %get3A_51 = arith.constant 0 : index
    %get3A_52 = arith.constant 0 : index
    %get3A_53 = vector.load %arg2[%get3A_50, %get3A_51, %get3A_52] : memref<4x2000x128xf32, #tpu.memory_space<vmem>>, vector<1x2000x128xf32>
    %get3A_54 = vector.shape_cast %get3A_53 : vector<1x2000x128xf32> to vector<2000x128xf32>
    %mul3A_55 = vector.broadcast %rsqrt3A : vector<2000x1xf32> to vector<2000x128xf32>
    %mul3A_56 = arith.mulf %get3A_54, %mul3A_55 : vector<2000x128xf32>
    %add3A_57 = vector.broadcast %get3A_6 : vector<1x128xf32> to vector<2000x128xf32>
    %add3A_58 = arith.addf %mul3A_56, %add3A_57 : vector<2000x128xf32>
    %max3A_59 = arith.constant 0.000000e+00 : f32
    %max3A_60 = vector.broadcast %max3A_59 : f32 to vector<2000x128xf32>
    %max3A_61 = arith.maximumf %add3A_58, %max3A_60 : vector<2000x128xf32>
    %dot_general3A_62 = arith.constant dense<0.000000e+00> : vector<2000x128xf32>
    %dot_general3A_63 = tpu.matmul %max3A_61, %get3A_9, %dot_general3A_62 {dimension_numbers = #tpu.dot_dimension_numbers<[1], [1], [0], [0], [0, 0, 1, 0], [], []>, precision = #tpu.contract_precision<fp32>, transpose_lhs_hint = false} : vector<2000x128xf32>, vector<128x128xf32>, vector<2000x128xf32> -> vector<2000x128xf32>
    %mul3A_64 = vector.broadcast %rsqrt3A : vector<2000x1xf32> to vector<2000x128xf32>
    %mul3A_65 = arith.mulf %dot_general3A_63, %mul3A_64 : vector<2000x128xf32>
    %swap3A_66 = arith.constant 2 : index
    %swap3A_67 = arith.constant 0 : index
    %swap3A_68 = arith.constant 0 : index
    %swap3A_69 = vector.load %arg5[%swap3A_66, %swap3A_67, %swap3A_68] : memref<4x2000x128xf32, #tpu.memory_space<vmem>>, vector<1x2000x128xf32>
    %swap3A_70 = vector.shape_cast %swap3A_69 : vector<1x2000x128xf32> to vector<2000x128xf32>
    %swap3A_71 = vector.shape_cast %mul3A_65 : vector<2000x128xf32> to vector<1x2000x128xf32>
    tpu.vector_store %arg5[%swap3A_66, %swap3A_67, %swap3A_68], %swap3A_71 {strides = array<i32>} : memref<4x2000x128xf32, #tpu.memory_space<vmem>>, vector<1x2000x128xf32>,
    %get3A_72 = arith.constant 3 : index
    %get3A_73 = arith.constant 0 : index
    %get3A_74 = arith.constant 0 : index
    %get3A_75 = vector.load %arg2[%get3A_72, %get3A_73, %get3A_74] : memref<4x2000x128xf32, #tpu.memory_space<vmem>>, vector<1x2000x128xf32>
    %get3A_76 = vector.shape_cast %get3A_75 : vector<1x2000x128xf32> to vector<2000x128xf32>
    %mul3A_77 = vector.broadcast %rsqrt3A : vector<2000x1xf32> to vector<2000x128xf32>
    %mul3A_78 = arith.mulf %get3A_76, %mul3A_77 : vector<2000x128xf32>
    %add3A_79 = vector.broadcast %get3A_6 : vector<1x128xf32> to vector<2000x128xf32>
    %add3A_80 = arith.addf %mul3A_78, %add3A_79 : vector<2000x128xf32>
    %max3A_81 = arith.constant 0.000000e+00 : f32
    %max3A_82 = vector.broadcast %max3A_81 : f32 to vector<2000x128xf32>
    %max3A_83 = arith.maximumf %add3A_80, %max3A_82 : vector<2000x128xf32>
    %dot_general3A_84 = arith.constant dense<0.000000e+00> : vector<2000x128xf32>
    %dot_general3A_85 = tpu.matmul %max3A_83, %get3A_9, %dot_general3A_84 {dimension_numbers = #tpu.dot_dimension_numbers<[1], [1], [0], [0], [0, 0, 1, 0], [], []>, precision = #tpu.contract_precision<fp32>, transpose_lhs_hint = false} : vector<2000x128xf32>, vector<128x128xf32>, vector<2000x128xf32> -> vector<2000x128xf32>
    %mul3A_86 = vector.broadcast %rsqrt3A : vector<2000x1xf32> to vector<2000x128xf32>
    %mul3A_87 = arith.mulf %dot_general3A_85, %mul3A_86 : vector<2000x128xf32>
    %swap3A_88 = arith.constant 3 : index
    %swap3A_89 = arith.constant 0 : index
    %swap3A_90 = arith.constant 0 : index
    %swap3A_91 = vector.load %arg5[%swap3A_88, %swap3A_89, %swap3A_90] : memref<4x2000x128xf32, #tpu.memory_space<vmem>>, vector<1x2000x128xf32>
    %swap3A_92 = vector.shape_cast %swap3A_91 : vector<1x2000x128xf32> to vector<2000x128xf32>
    %swap3A_93 = vector.shape_cast %mul3A_87 : vector<2000x128xf32> to vector<1x2000x128xf32>
    tpu.vector_store %arg5[%swap3A_88, %swap3A_89, %swap3A_90], %swap3A_93 {strides = array<i32>} : memref<4x2000x128xf32, #tpu.memory_space<vmem>>, vector<1x2000x128xf32>,
    return
  }
  func.func @transform_0(%arg0: i32) -> (i32, i32) {
    %c0_i32 = arith.constant 0 : i32
    %c0_i32_0 = arith.constant 0 : i32
    return %arg0, %c0_i32 : i32, i32
  }
  func.func @transform_1(%arg0: i32) -> (i32, i32, i32) {
    %c0_i32 = arith.constant 0 : i32
    %c0_i32_0 = arith.constant 0 : i32
    %c0_i32_1 = arith.constant 0 : i32
    return %c0_i32, %arg0, %c0_i32_0 : i32, i32, i32
  }
  func.func @transform_2(%arg0: i32) -> (i32, i32) {
    %c0_i32 = arith.constant 0 : i32
    %c0_i32_0 = arith.constant 0 : i32
    %c0_i32_1 = arith.constant 0 : i32
    return %c0_i32, %c0_i32_0 : i32, i32
  }
  func.func @transform_3(%arg0: i32) -> (i32, i32) {
    %c0_i32 = arith.constant 0 : i32
    %c0_i32_0 = arith.constant 0 : i32
    %c0_i32_1 = arith.constant 0 : i32
    return %c0_i32, %c0_i32_0 : i32, i32
  }
  func.func @transform_4(%arg0: i32) -> (i32, i32, i32) {
    %c0_i32 = arith.constant 0 : i32
    %c0_i32_0 = arith.constant 0 : i32
    %c0_i32_1 = arith.constant 0 : i32
    return %c0_i32, %arg0, %c0_i32_0 : i32, i32, i32
  }
}

module attributes {stable_mosaic.version = 14 : i64} {
  func.func @_head_body(%arg0: i32, %arg1: memref<2000x128xf32, #tpu.memory_space<vmem>>, %arg2: memref<4x2000x128xf32, #tpu.memory_space<vmem>>, %arg3: memref<1x128xf32, #tpu.memory_space<vmem>>, %arg4: memref<4x1xf32, #tpu.memory_space<vmem>>, %arg5: memref<8x129xf32, #tpu.memory_space<vmem>>, %arg6: memref<1x8xf32, #tpu.memory_space<vmem>>, %arg7: memref<8x1xf32, #tpu.memory_space<vmem>>, %arg8: memref<4x8xf32, #tpu.memory_space<vmem>>, %arg9: memref<4x8xf32, #tpu.memory_space<vmem>>, %arg10: memref<8x128xf32, #tpu.memory_space<vmem>>) attributes {dimension_semantics = [#tpu.dimension_semantics<arbitrary>], iteration_bounds = array<i64: 5>, scalar_prefetch = 0 : i64, scratch_operands = 1 : i64, tpu.core_type = #tpu.core_type<tc>, window_params = [{transform_indices = @transform_0, window_bounds = array<i64: 2000, 128>}, {transform_indices = @transform_1, window_bounds = array<i64: 4, 2000, 128>}, {pipeline_mode = #tpu.pipeline_mode<synchronous>, transform_indices = @transform_2, window_bounds = array<i64: 1, 128>}, {pipeline_mode = #tpu.pipeline_mode<synchronous>, transform_indices = @transform_3, window_bounds = array<i64: 4, 1>}, {pipeline_mode = #tpu.pipeline_mode<synchronous>, transform_indices = @transform_4, window_bounds = array<i64: 8, 129>}, {pipeline_mode = #tpu.pipeline_mode<synchronous>, transform_indices = @transform_5, window_bounds = array<i64: 1, 8>}, {pipeline_mode = #tpu.pipeline_mode<synchronous>, transform_indices = @transform_6, window_bounds = array<i64: 8, 1>}, {pipeline_mode = #tpu.pipeline_mode<synchronous>, transform_indices = @transform_7, window_bounds = array<i64: 4, 8>}, {pipeline_mode = #tpu.pipeline_mode<synchronous>, transform_indices = @transform_8, window_bounds = array<i64: 4, 8>}]} {
    %get3A = arith.constant 0 : index
    %get3A_0 = arith.constant 0 : index
    %get3A_1 = vector.load %arg1[%get3A, %get3A_0] : memref<2000x128xf32, #tpu.memory_space<vmem>>, vector<2000x1xf32>
    %add3A = arith.constant 1.000000e+00 : f32
    %add3A_2 = vector.broadcast %add3A : f32 to vector<2000x1xf32>
    %add3A_3 = arith.addf %get3A_1, %add3A_2 : vector<2000x1xf32>
    %rsqrt3A = math.rsqrt %add3A_3 : vector<2000x1xf32>
    %get3A_4 = arith.constant 0 : index
    %get3A_5 = arith.constant 0 : index
    %get3A_6 = vector.load %arg3[%get3A_4, %get3A_5] : memref<1x128xf32, #tpu.memory_space<vmem>>, vector<1x128xf32>
    %eq3A = arith.constant 0 : i32
    %eq3A_7 = arith.cmpi eq, %arg0, %eq3A : i32
    %convert_element_type3A = arith.extui %eq3A_7 : i1 to i32
    %cond3A = arith.constant 0 : i32
    %cond3A_8 = arith.cmpi ne, %convert_element_type3A, %cond3A : i32
    scf.if %cond3A_8 {
      %broadcast_in_dim3A = arith.constant 0.000000e+00 : f32
      %broadcast_in_dim3A_106 = vector.broadcast %broadcast_in_dim3A : f32 to vector<8x128xf32>
      %swap3A_107 = arith.constant 0 : index
      %swap3A_108 = arith.constant 0 : index
      %swap3A_109 = vector.load %arg10[%swap3A_107, %swap3A_108] : memref<8x128xf32, #tpu.memory_space<vmem>>, vector<8x128xf32>
      tpu.vector_store %arg10[%swap3A_107, %swap3A_108], %broadcast_in_dim3A_106 {strides = array<i32>} : memref<8x128xf32, #tpu.memory_space<vmem>>, vector<8x128xf32>,
    } else {
    }
    %get3A_9 = arith.constant 0 : index
    %get3A_10 = arith.constant 0 : index
    %get3A_11 = arith.constant 0 : index
    %get3A_12 = vector.load %arg2[%get3A_9, %get3A_10, %get3A_11] : memref<4x2000x128xf32, #tpu.memory_space<vmem>>, vector<1x2000x128xf32>
    %get3A_13 = vector.shape_cast %get3A_12 : vector<1x2000x128xf32> to vector<2000x128xf32>
    %mul3A = vector.broadcast %rsqrt3A : vector<2000x1xf32> to vector<2000x128xf32>
    %mul3A_14 = arith.mulf %get3A_13, %mul3A : vector<2000x128xf32>
    %add3A_15 = vector.broadcast %get3A_6 : vector<1x128xf32> to vector<2000x128xf32>
    %add3A_16 = arith.addf %mul3A_14, %add3A_15 : vector<2000x128xf32>
    %max3A = arith.constant 0.000000e+00 : f32
    %max3A_17 = vector.broadcast %max3A : f32 to vector<2000x128xf32>
    %max3A_18 = arith.maximumf %add3A_16, %max3A_17 : vector<2000x128xf32>
    %get3A_19 = arith.constant 0 : index
    %get3A_20 = arith.constant 0 : index
    %get3A_21 = vector.load %arg10[%get3A_19, %get3A_20] : memref<8x128xf32, #tpu.memory_space<vmem>>, vector<1x128xf32>
    %get3A_22 = vector.shape_cast %get3A_21 : vector<1x128xf32> to vector<128xf32>
    %reduce_sum3A = arith.constant dense<0.000000e+00> : vector<128xf32>
    %reduce_sum3A_23 = vector.multi_reduction <add>, %max3A_18, %reduce_sum3A [0] : vector<2000x128xf32> to vector<128xf32>
    %add3A_24 = arith.addf %get3A_22, %reduce_sum3A_23 : vector<128xf32>
    %swap3A = arith.constant 0 : index
    %swap3A_25 = arith.constant 0 : index
    %swap3A_26 = vector.load %arg10[%swap3A, %swap3A_25] : memref<8x128xf32, #tpu.memory_space<vmem>>, vector<1x128xf32>
    %swap3A_27 = vector.shape_cast %swap3A_26 : vector<1x128xf32> to vector<128xf32>
    %swap3A_28 = vector.shape_cast %add3A_24 : vector<128xf32> to vector<1x128xf32>
    tpu.vector_store %arg10[%swap3A, %swap3A_25], %swap3A_28 {strides = array<i32>} : memref<8x128xf32, #tpu.memory_space<vmem>>, vector<1x128xf32>,
    %get3A_29 = arith.constant 1 : index
    %get3A_30 = arith.constant 0 : index
    %get3A_31 = arith.constant 0 : index
    %get3A_32 = vector.load %arg2[%get3A_29, %get3A_30, %get3A_31] : memref<4x2000x128xf32, #tpu.memory_space<vmem>>, vector<1x2000x128xf32>
    %get3A_33 = vector.shape_cast %get3A_32 : vector<1x2000x128xf32> to vector<2000x128xf32>
    %mul3A_34 = vector.broadcast %rsqrt3A : vector<2000x1xf32> to vector<2000x128xf32>
    %mul3A_35 = arith.mulf %get3A_33, %mul3A_34 : vector<2000x128xf32>
    %add3A_36 = vector.broadcast %get3A_6 : vector<1x128xf32> to vector<2000x128xf32>
    %add3A_37 = arith.addf %mul3A_35, %add3A_36 : vector<2000x128xf32>
    %max3A_38 = arith.constant 0.000000e+00 : f32
    %max3A_39 = vector.broadcast %max3A_38 : f32 to vector<2000x128xf32>
    %max3A_40 = arith.maximumf %add3A_37, %max3A_39 : vector<2000x128xf32>
    %get3A_41 = arith.constant 1 : index
    %get3A_42 = arith.constant 0 : index
    %get3A_43 = vector.load %arg10[%get3A_41, %get3A_42] : memref<8x128xf32, #tpu.memory_space<vmem>>, vector<1x128xf32>
    %get3A_44 = vector.shape_cast %get3A_43 : vector<1x128xf32> to vector<128xf32>
    %reduce_sum3A_45 = arith.constant dense<0.000000e+00> : vector<128xf32>
    %reduce_sum3A_46 = vector.multi_reduction <add>, %max3A_40, %reduce_sum3A_45 [0] : vector<2000x128xf32> to vector<128xf32>
    %add3A_47 = arith.addf %get3A_44, %reduce_sum3A_46 : vector<128xf32>
    %swap3A_48 = arith.constant 1 : index
    %swap3A_49 = arith.constant 0 : index
    %swap3A_50 = vector.load %arg10[%swap3A_48, %swap3A_49] : memref<8x128xf32, #tpu.memory_space<vmem>>, vector<1x128xf32>
    %swap3A_51 = vector.shape_cast %swap3A_50 : vector<1x128xf32> to vector<128xf32>
    %swap3A_52 = vector.shape_cast %add3A_47 : vector<128xf32> to vector<1x128xf32>
    tpu.vector_store %arg10[%swap3A_48, %swap3A_49], %swap3A_52 {strides = array<i32>} : memref<8x128xf32, #tpu.memory_space<vmem>>, vector<1x128xf32>,
    %get3A_53 = arith.constant 2 : index
    %get3A_54 = arith.constant 0 : index
    %get3A_55 = arith.constant 0 : index
    %get3A_56 = vector.load %arg2[%get3A_53, %get3A_54, %get3A_55] : memref<4x2000x128xf32, #tpu.memory_space<vmem>>, vector<1x2000x128xf32>
    %get3A_57 = vector.shape_cast %get3A_56 : vector<1x2000x128xf32> to vector<2000x128xf32>
    %mul3A_58 = vector.broadcast %rsqrt3A : vector<2000x1xf32> to vector<2000x128xf32>
    %mul3A_59 = arith.mulf %get3A_57, %mul3A_58 : vector<2000x128xf32>
    %add3A_60 = vector.broadcast %get3A_6 : vector<1x128xf32> to vector<2000x128xf32>
    %add3A_61 = arith.addf %mul3A_59, %add3A_60 : vector<2000x128xf32>
    %max3A_62 = arith.constant 0.000000e+00 : f32
    %max3A_63 = vector.broadcast %max3A_62 : f32 to vector<2000x128xf32>
    %max3A_64 = arith.maximumf %add3A_61, %max3A_63 : vector<2000x128xf32>
    %get3A_65 = arith.constant 2 : index
    %get3A_66 = arith.constant 0 : index
    %get3A_67 = vector.load %arg10[%get3A_65, %get3A_66] : memref<8x128xf32, #tpu.memory_space<vmem>>, vector<1x128xf32>
    %get3A_68 = vector.shape_cast %get3A_67 : vector<1x128xf32> to vector<128xf32>
    %reduce_sum3A_69 = arith.constant dense<0.000000e+00> : vector<128xf32>
    %reduce_sum3A_70 = vector.multi_reduction <add>, %max3A_64, %reduce_sum3A_69 [0] : vector<2000x128xf32> to vector<128xf32>
    %add3A_71 = arith.addf %get3A_68, %reduce_sum3A_70 : vector<128xf32>
    %swap3A_72 = arith.constant 2 : index
    %swap3A_73 = arith.constant 0 : index
    %swap3A_74 = vector.load %arg10[%swap3A_72, %swap3A_73] : memref<8x128xf32, #tpu.memory_space<vmem>>, vector<1x128xf32>
    %swap3A_75 = vector.shape_cast %swap3A_74 : vector<1x128xf32> to vector<128xf32>
    %swap3A_76 = vector.shape_cast %add3A_71 : vector<128xf32> to vector<1x128xf32>
    tpu.vector_store %arg10[%swap3A_72, %swap3A_73], %swap3A_76 {strides = array<i32>} : memref<8x128xf32, #tpu.memory_space<vmem>>, vector<1x128xf32>,
    %get3A_77 = arith.constant 3 : index
    %get3A_78 = arith.constant 0 : index
    %get3A_79 = arith.constant 0 : index
    %get3A_80 = vector.load %arg2[%get3A_77, %get3A_78, %get3A_79] : memref<4x2000x128xf32, #tpu.memory_space<vmem>>, vector<1x2000x128xf32>
    %get3A_81 = vector.shape_cast %get3A_80 : vector<1x2000x128xf32> to vector<2000x128xf32>
    %mul3A_82 = vector.broadcast %rsqrt3A : vector<2000x1xf32> to vector<2000x128xf32>
    %mul3A_83 = arith.mulf %get3A_81, %mul3A_82 : vector<2000x128xf32>
    %add3A_84 = vector.broadcast %get3A_6 : vector<1x128xf32> to vector<2000x128xf32>
    %add3A_85 = arith.addf %mul3A_83, %add3A_84 : vector<2000x128xf32>
    %max3A_86 = arith.constant 0.000000e+00 : f32
    %max3A_87 = vector.broadcast %max3A_86 : f32 to vector<2000x128xf32>
    %max3A_88 = arith.maximumf %add3A_85, %max3A_87 : vector<2000x128xf32>
    %get3A_89 = arith.constant 3 : index
    %get3A_90 = arith.constant 0 : index
    %get3A_91 = vector.load %arg10[%get3A_89, %get3A_90] : memref<8x128xf32, #tpu.memory_space<vmem>>, vector<1x128xf32>
    %get3A_92 = vector.shape_cast %get3A_91 : vector<1x128xf32> to vector<128xf32>
    %reduce_sum3A_93 = arith.constant dense<0.000000e+00> : vector<128xf32>
    %reduce_sum3A_94 = vector.multi_reduction <add>, %max3A_88, %reduce_sum3A_93 [0] : vector<2000x128xf32> to vector<128xf32>
    %add3A_95 = arith.addf %get3A_92, %reduce_sum3A_94 : vector<128xf32>
    %swap3A_96 = arith.constant 3 : index
    %swap3A_97 = arith.constant 0 : index
    %swap3A_98 = vector.load %arg10[%swap3A_96, %swap3A_97] : memref<8x128xf32, #tpu.memory_space<vmem>>, vector<1x128xf32>
    %swap3A_99 = vector.shape_cast %swap3A_98 : vector<1x128xf32> to vector<128xf32>
    %swap3A_100 = vector.shape_cast %add3A_95 : vector<128xf32> to vector<1x128xf32>
    tpu.vector_store %arg10[%swap3A_96, %swap3A_97], %swap3A_100 {strides = array<i32>} : memref<8x128xf32, #tpu.memory_space<vmem>>, vector<1x128xf32>,
    %eq3A_101 = arith.constant 4 : i32
    %eq3A_102 = arith.cmpi eq, %arg0, %eq3A_101 : i32
    %convert_element_type3A_103 = arith.extui %eq3A_102 : i1 to i32
    %cond3A_104 = arith.constant 0 : i32
    %cond3A_105 = arith.cmpi ne, %convert_element_type3A_103, %cond3A_104 : i32
    scf.if %cond3A_105 {
      %get3A_106 = arith.constant 0 : index
      %get3A_107 = arith.constant 0 : index
      %get3A_108 = vector.load %arg10[%get3A_106, %get3A_107] : memref<8x128xf32, #tpu.memory_space<vmem>>, vector<4x128xf32>
      %mul3A_109 = arith.constant 9.99999974E-5 : f32
      %mul3A_110 = vector.broadcast %mul3A_109 : f32 to vector<4x128xf32>
      %mul3A_111 = arith.mulf %get3A_108, %mul3A_110 : vector<4x128xf32>
      %get3A_112 = arith.constant 0 : index
      %get3A_113 = arith.constant 0 : index
      %get3A_114 = vector.load %arg5[%get3A_112, %get3A_113] : memref<8x129xf32, #tpu.memory_space<vmem>>, vector<8x129xf32>
      %slice3A = vector.extract_strided_slice %get3A_114 {offsets = [0, 0], sizes = [8, 128], strides = [1, 1]} : vector<8x129xf32> to vector<8x128xf32>
      %dot_general3A = arith.constant dense<0.000000e+00> : vector<4x8xf32>
      %dot_general3A_115 = tpu.matmul %mul3A_111, %slice3A, %dot_general3A {dimension_numbers = #tpu.dot_dimension_numbers<[1], [1], [0], [0], [0, 0, 1, 0], [], []>, precision = #tpu.contract_precision<fp32>, transpose_lhs_hint = false} : vector<4x128xf32>, vector<8x128xf32>, vector<4x8xf32> -> vector<4x8xf32>
      %get3A_116 = arith.constant 0 : index
      %get3A_117 = arith.constant 0 : index
      %get3A_118 = vector.load %arg4[%get3A_116, %get3A_117] : memref<4x1xf32, #tpu.memory_space<vmem>>, vector<4x1xf32>
      %slice3A_119 = vector.extract_strided_slice %get3A_114 {offsets = [0, 128], sizes = [8, 1], strides = [1, 1]} : vector<8x129xf32> to vector<8x1xf32>
      %squeeze3A = vector.shape_cast %slice3A_119 : vector<8x1xf32> to vector<8xf32>
      %broadcast_in_dim3A = vector.shape_cast %squeeze3A : vector<8xf32> to vector<1x8xf32>
      %mul3A_120 = vector.broadcast %get3A_118 : vector<4x1xf32> to vector<4x8xf32>
      %mul3A_121 = vector.broadcast %broadcast_in_dim3A : vector<1x8xf32> to vector<4x8xf32>
      %mul3A_122 = arith.mulf %mul3A_120, %mul3A_121 : vector<4x8xf32>
      %add3A_123 = arith.addf %dot_general3A_115, %mul3A_122 : vector<4x8xf32>
      %get3A_124 = arith.constant 0 : index
      %get3A_125 = arith.constant 0 : index
      %get3A_126 = vector.load %arg6[%get3A_124, %get3A_125] : memref<1x8xf32, #tpu.memory_space<vmem>>, vector<1x8xf32>
      %add3A_127 = vector.broadcast %get3A_126 : vector<1x8xf32> to vector<4x8xf32>
      %add3A_128 = arith.addf %add3A_123, %add3A_127 : vector<4x8xf32>
      %swap3A_129 = arith.constant 0 : index
      %swap3A_130 = arith.constant 0 : index
      %swap3A_131 = vector.load %arg8[%swap3A_129, %swap3A_130] : memref<4x8xf32, #tpu.memory_space<vmem>>, vector<4x8xf32>
      tpu.vector_store %arg8[%swap3A_129, %swap3A_130], %add3A_128 {strides = array<i32>} : memref<4x8xf32, #tpu.memory_space<vmem>>, vector<4x8xf32>,
      %get3A_132 = arith.constant 0 : index
      %get3A_133 = arith.constant 0 : index
      %get3A_134 = vector.load %arg7[%get3A_132, %get3A_133] : memref<8x1xf32, #tpu.memory_space<vmem>>, vector<8x1xf32>
      %exp3A = math.exp %get3A_134 : vector<8x1xf32>
      %squeeze3A_135 = vector.shape_cast %exp3A : vector<8x1xf32> to vector<8xf32>
      %broadcast_in_dim3A_136 = vector.shape_cast %squeeze3A_135 : vector<8xf32> to vector<1x8xf32>
      %broadcast_in_dim3A_137 = vector.shape_cast %broadcast_in_dim3A_136 : vector<1x8xf32> to vector<1x8xf32>
      %broadcast_in_dim3A_138 = vector.broadcast %broadcast_in_dim3A_137 : vector<1x8xf32> to vector<4x8xf32>
      %swap3A_139 = arith.constant 0 : index
      %swap3A_140 = arith.constant 0 : index
      %swap3A_141 = vector.load %arg9[%swap3A_139, %swap3A_140] : memref<4x8xf32, #tpu.memory_space<vmem>>, vector<4x8xf32>
      tpu.vector_store %arg9[%swap3A_139, %swap3A_140], %broadcast_in_dim3A_138 {strides = array<i32>} : memref<4x8xf32, #tpu.memory_space<vmem>>, vector<4x8xf32>,
    } else {
    }
    return
  }
  func.func @transform_0(%arg0: i32) -> (i32, i32) {
    %c0_i32 = arith.constant 0 : i32
    %c0_i32_0 = arith.constant 0 : i32
    return %arg0, %c0_i32 : i32, i32
  }
  func.func @transform_1(%arg0: i32) -> (i32, i32, i32) {
    %c0_i32 = arith.constant 0 : i32
    %c0_i32_0 = arith.constant 0 : i32
    %c0_i32_1 = arith.constant 0 : i32
    return %c0_i32, %arg0, %c0_i32_0 : i32, i32, i32
  }
  func.func @transform_2(%arg0: i32) -> (i32, i32) {
    %c0_i32 = arith.constant 0 : i32
    %c0_i32_0 = arith.constant 0 : i32
    %c0_i32_1 = arith.constant 0 : i32
    return %c0_i32, %c0_i32_0 : i32, i32
  }
  func.func @transform_3(%arg0: i32) -> (i32, i32) {
    %c0_i32 = arith.constant 0 : i32
    %c0_i32_0 = arith.constant 0 : i32
    %c0_i32_1 = arith.constant 0 : i32
    return %c0_i32, %c0_i32_0 : i32, i32
  }
  func.func @transform_4(%arg0: i32) -> (i32, i32) {
    %c0_i32 = arith.constant 0 : i32
    %c0_i32_0 = arith.constant 0 : i32
    %c0_i32_1 = arith.constant 0 : i32
    return %c0_i32, %c0_i32_0 : i32, i32
  }
  func.func @transform_5(%arg0: i32) -> (i32, i32) {
    %c0_i32 = arith.constant 0 : i32
    %c0_i32_0 = arith.constant 0 : i32
    %c0_i32_1 = arith.constant 0 : i32
    return %c0_i32, %c0_i32_0 : i32, i32
  }
  func.func @transform_6(%arg0: i32) -> (i32, i32) {
    %c0_i32 = arith.constant 0 : i32
    %c0_i32_0 = arith.constant 0 : i32
    %c0_i32_1 = arith.constant 0 : i32
    return %c0_i32, %c0_i32_0 : i32, i32
  }
  func.func @transform_7(%arg0: i32) -> (i32, i32) {
    %c0_i32 = arith.constant 0 : i32
    %c0_i32_0 = arith.constant 0 : i32
    %c0_i32_1 = arith.constant 0 : i32
    return %c0_i32, %c0_i32_0 : i32, i32
  }
  func.func @transform_8(%arg0: i32) -> (i32, i32) {
    %c0_i32 = arith.constant 0 : i32
    %c0_i32_0 = arith.constant 0 : i32
    %c0_i32_1 = arith.constant 0 : i32
    return %c0_i32, %c0_i32_0 : i32, i32
  }
}

</mosaic_0001>

<sc_bundles>
// kernel: kernel.11.cloned.1.call-start
scs
__scs_entry_jumppad:
0x0: {  	(pc) =	sbr.rel $0x88, $3  }
0x1: {  	(tag) =	ssettag $0x0;
	lr =	simm.s32 $0x1  }
0x2: {  	[smem:$0x3F97] =	sst lr;
	_ =	strace $0xD0000000  }
0x3: {  	_ = 	snop  }
0x4: {  	_ = 	snop  }
0x5: {  	_ = 	snop  }
0x6: {  	_ = 	snop  }
0x7: {  	_ = 	snop  }
__scs_overlays_trampoline_lowered:
0x8: {  	[smem:$0x3FA6] =	sst s0  }
0x9: {  	[smem:$0x3FA7] =	sst s1  }
0xa: {  	[smem:$0x3FA8] =	sst s2  }
0xb: {  	[smem:$0x3FA9] =	sst s3  }
0xc: {  	[smem:$0x3FAA] =	sst s4  }
0xd: {  	[smem:$0x3FAB] =	sst s5  }
0xe: {  	[smem:$0x3FAC] =	sst s6  }
0xf: {  	[smem:$0x3FAD] =	sst s7  }
0x10: {  	[smem:$0x3FAE] =	sst s8  }
0x11: {  	[smem:$0x3FAF] =	sst s9;
	s0 =	simm.s32 @!p0 $0x0  }
0x12: {  	s1 =	sld [smem:$0x3F95];
	s0 =	simm.s32 @p0 $0x1  }
0x13: {  	[smem:$0x3FB0] =	sst s0;
	s0 =	simm.s32 @!p1 $0x0  }
0x14: {  	s2 =	sld [smem:$0x3F94];
	s0 =	simm.s32 @p1 $0x1  }
0x15: {  	[smem:$0x3FB1] =	sst s0;
	s0 =	simm.s32 @!p2 $0x0  }
0x16: {  	s3 =	sld [smem:$0x3FDB];
	s0 =	simm.s32 @p2 $0x1  }
0x17: {  	s4 =	simm.s32 $0x1BF5;
	[smem:$0x3FB3] =	sst s0  }
0x18: {  	s0 =	sld [smem:$0x3F96];
	_ =	swait.ge [sflag:s4], $0x0  }
0x19: {  	s7 =	sld [smem:$0x3F97]  }
0x1a: {  	s8 =	sadd.s32 $0xFFFFE003, lr  }
0x1b: {  	s9 =	sadd.s32 $0xFFFFFEF7, lr;
	s5 =	simm.s32 $0xFFFFFFFF;
	p2 =	slt.u32 s8, $0xFFFFF086  }
0x1c: {  	p1 =	slt.u32 s9, $0xF7A;
	s5 =	simm.s32 @!p2 $0x0  }
0x1d: {  	s5 =	simm.s32 @p1 $0x1;
	p0 =	seq.s32 s7, s2  }
0x1e: {  	s7 =	smul.u32 @!p0 $0xF7A, s2;
	p2 =	seq.s32 @!p0 s5, $0x0  }
0x1f: {  	s9 =	smul.u32 $0xF7A, s1;
	s8 =	simm.s32 @!p0 $0x1BF5;
	p2 =	por !p2, p0  }
0x20: {  	[sflag:s8] =	ssyncset.s32 @!p0 $0xFFFFF086;
	s6 =	sadd.s32 @!p0 s3, s7;
	s7 =	simm.s32 @!p0 $0x108  }
0x21: {  	s3 =	sadd.s32 s3, s9;
	s6 =	sadd.s32 @!p0 $0x88, s6;
	s7 =	simm.s32 @p2 $0x1082  }
0x22: {  	[simem:s7], [sflag:s8] =	dma.local @!p0 [hbm:s6], $0xF7A  }
0x23: {  	s9 =	sor.u32 $0xD0000000, s2;
	s6 =	simm.s32 $0x108;
	_ =	swait.ge @!p0 [sflag:s8], $0x0  }
0x24: {  	s3 =	sadd.s32 $0x88, s3;
	s6 =	simm.s32 @!p1 $0x1082;
	[sflag:s4] =	ssyncset.s32 $0xFFFFF086  }
0x25: {  	[simem:s6], [sflag:s4] =	dma.local [hbm:s3], $0xF7A  }
0x26: {  	[smem:$0x3F97] =	sst s1;
	(tag) =	ssettag s2;
	_ =	strace s9  }
0x27: {  	s1 =	sld [smem:$0x3FA7]  }
0x28: {  	s2 =	sld [smem:$0x3FA8]  }
0x29: {  	s4 =	sld [smem:$0x3FAA]  }
0x2a: {  	p0 =	seq.s32 s5, $0x0;
	s5 =	sld [smem:$0x3FAB]  }
0x2b: {  	s6 =	sld [smem:$0x3FAC]  }
0x2c: {  	s7 =	sld [smem:$0x3FAD]  }
0x2d: {  	s3 =	simm.s32 $0x108;
	s8 =	sld [smem:$0x3FAE]  }
0x2e: {  	s3 =	simm.s32 @!p0 $0x1082;
	s9 =	sld [smem:$0x3FAF]  }
0x2f: {  	lr =	sadd.s32 s0, s3;
	s0 =	sld [smem:$0x3FA6]  }
0x30: {  	s3 =	sld [smem:$0x3FA9]  }
0x31: {  	[smem:$0x3FB2] =	sst s10  }
0x32: {  	s10 =	sld [smem:$0x3FB0];
	_ =	sdelay $0x3  }
0x33: {  	p0 =	seq.s32 s10, $0x1;
	s10 =	sld [smem:$0x3FB2];
	_ =	sdelay $0x3  }
0x34: {  	[smem:$0x3FB2] =	sst s10  }
0x35: {  	s10 =	sld [smem:$0x3FB1];
	_ =	sdelay $0x3  }
0x36: {  	p1 =	seq.s32 s10, $0x1;
	s10 =	sld [smem:$0x3FB2];
	_ =	sdelay $0x3  }
0x37: {  	[smem:$0x3FB2] =	sst s10  }
0x38: {  	s10 =	sld [smem:$0x3FB3]  }
0x39: {  	_ = 	snop;
	(pc) =	sbr.ind lr, $3  }
0x3a: {  	_ = 	snop  }
0x3b: {  	_ = 	snop  }
0x3c: {  	p2 =	seq.s32 s10, $0x1;
	s10 =	sld [smem:$0x3FB2]  }
0x3d: {  	_ =	shalt  }
0x3e: {  	_ =	shalt  }
0x3f: {  	_ =	shalt  }
0x40: {  	_ =	shalt  }
0x41: {  	_ =	shalt  }
0x42: {  	_ =	shalt  }
0x43: {  	_ =	shalt  }
0x44: {  	_ =	shalt  }
0x45: {  	_ =	shalt  }
0x46: {  	_ =	shalt  }
0x47: {  	_ =	shalt  }
0x48: {  	_ =	shalt  }
0x49: {  	_ =	shalt  }
0x4a: {  	_ =	shalt  }
0x4b: {  	_ =	shalt  }
0x4c: {  	_ =	shalt  }
0x4d: {  	_ =	shalt  }
0x4e: {  	_ =	shalt  }
0x4f: {  	_ =	shalt  }
0x50: {  	_ =	shalt  }
0x51: {  	_ =	shalt  }
0x52: {  	_ =	shalt  }
0x53: {  	_ =	shalt  }
0x54: {  	_ =	shalt  }
0x55: {  	_ =	shalt  }
0x56: {  	_ =	shalt  }
0x57: {  	_ =	shalt  }
0x58: {  	_ =	shalt  }
0x59: {  	_ =	shalt  }
0x5a: {  	_ =	shalt  }
0x5b: {  	_ =	shalt  }
0x5c: {  	_ =	shalt  }
0x5d: {  	_ =	shalt  }
0x5e: {  	_ =	shalt  }
0x5f: {  	_ =	shalt  }
0x60: {  	_ =	shalt  }
0x61: {  	_ =	shalt  }
0x62: {  	_ =	shalt  }
0x63: {  	_ =	shalt  }
0x64: {  	_ =	shalt  }
0x65: {  	_ =	shalt  }
0x66: {  	_ =	shalt  }
0x67: {  	_ =	shalt  }
0x68: {  	_ =	shalt  }
0x69: {  	_ =	shalt  }
0x6a: {  	_ =	shalt  }
0x6b: {  	_ =	shalt  }
0x6c: {  	_ =	shalt  }
0x6d: {  	_ =	shalt  }
0x6e: {  	_ =	shalt  }
0x6f: {  	_ =	shalt  }
0x70: {  	_ =	shalt  }
0x71: {  	_ =	shalt  }
0x72: {  	_ =	shalt  }
0x73: {  	_ =	shalt  }
0x74: {  	_ =	shalt  }
0x75: {  	_ =	shalt  }
0x76: {  	_ =	shalt  }
0x77: {  	_ =	shalt  }
0x78: {  	_ =	shalt  }
0x79: {  	_ =	shalt  }
0x7a: {  	_ =	shalt  }
0x7b: {  	_ =	shalt  }
0x7c: {  	_ =	shalt  }
0x7d: {  	_ =	shalt  }
0x7e: {  	_ =	shalt  }
0x7f: {  	_ =	shalt  }
0x80: {  	_ =	shalt  }
0x81: {  	_ =	shalt  }
0x82: {  	_ =	shalt  }
0x83: {  	_ =	shalt  }
0x84: {  	_ =	shalt  }
0x85: {  	_ =	shalt  }
0x86: {  	_ =	shalt  }
0x87: {  	_ =	shalt  }
.Lfunc_end0:
.L_simem_size_0:
called_computation.1_lowered:
.L_overlay_start_0:
0x88: {  	s2 =	sld [smem:$0x3FD9]  }
0x89: {  	s3 =	sld [smem:$0x3FFE];
	_ =	sdelay $0x1  }
0x8a: {  	s1 =	srdreg.scid  }
0x8b: {  	s0 =	sand.u32 $0x1, s1  }
0x8c: {  	s16 =	sshll.u32 s0, $0xA;
	s2 =	sadd.s32 s3, s2  }
0x8d: {  	s2 =	sadd.s32 s2, s16  }
0x8e: {  	[smem:$0x3FBE] =	sst s2  }
0x8f: {  	_ = 	snop  }
0x90: {  	(tm) =	ssettm $0x1  }
0x91: {  	s17 =	sld [smem:$0x3FFB];
	_ =	sdelay $0x3  }
0x92: {  	_ =	strace s17  }
0x93: {  	s2 =	sld [smem:$0x3FFC];
	_ =	sdelay $0x3  }
0x94: {  	_ =	strace s2  }
0x95: {  	s2 =	sld [smem:$0x3FFD];
	_ =	sdelay $0x3  }
0x96: {  	_ =	strace s2  }
0x97: {  	_ =	strace $0x8FFFFFFF  }
0x98: {  	s18 =	sld [smem:$0x3FDB];
	_ =	sdelay $0x1  }
0x99: {  	s19 =	simm.s32 $_scs_section_size  }
0x9a: {  	s4 =	simm.s32 $_size__tile_overlayer_lowered;
	s5 =	simm.s32 $_tile_overlayer_lowered  }
0x9b: {  	s22 =	simm.s32 $0x1BFF;
	s21 =	sshll.u32 s5, $0x1;
	s2 =	sadd.s32 s19, s18  }
0x9c: {  	s6 =	simm.s32 $0x0;
	s20 =	sshll.u32 s4, $0x1;
	s4 =	sadd.s32 s21, s2  }
0x9d: {  	[timem:s6], [sflag:s22] =	dma.local [hbm:s4], s20  }
0x9e: {  	_ =	swait.ge [sflag:s22], s20  }
0x9f: {  	s3 =	ssub.s32 $0x0, s20;
	[sflag:s22] =	ssyncset.done $0x0  }
0xa0: {  	[sflag:s22] =	ssyncadd.s32 s3;
	_ =	sdelay $0x1  }
0xa1: {  	s23 =	simm.s32 $0x1B8B  }
0xa2: {  	_ =	swait.ge [sflag:s23], $0x1  }
0xa3: {  	[sflag:s23] =	ssyncset.done $0x0  }
0xa4: {  	s25 =	simm.s32 $0x1B8E;
	s24 =	sld [smem:$0x3FFE];
	[sflag:s23] =	ssyncadd.s32 $0xFFFFFFFF  }
0xa5: {  	s26 =	simm.s32 $execute0_lowered;
	[smem:$0x3FD2] =	sst s25  }
0xa6: {  	s4 =	sshll.u32 s26, $0x1;
	_ =	strace $0x80000049;
	[dreg:$0x1] =	wrdreg $0xFFFFFFFF  }
0xa7: {  	s28 =	simm.s32 $_size_execute0_lowered;
	s2 =	sadd.s32 s2, s4;
	[dreg:$0x0] =	wrdreg $0x0  }
0xa8: {  	s4 =	sshll.u32 s28, $0x1;
	[dreg:$0x2] =	wrdreg s2  }
0xa9: {  	[dreg:$0x3] =	wrdreg s4  }
0xaa: {  	[dreg:$0x4] =	wrdreg $0xC0  }
0xab: {  	_ =	task [dreg:s6], $0x5FFFF  }
0xac: {  	[dreg:$0x1] =	wrdreg $0xFFFFFFFF  }
0xad: {  	[dreg:$0x0] =	wrdreg $0x60  }
0xae: {  	[dreg:$0x2] =	wrdreg s24  }
0xaf: {  	[dreg:$0x3] =	wrdreg $0xE0800  }
0xb0: {  	[dreg:$0x4] =	wrdreg $0x9  }
0xb1: {  	_ =	task.clear_ibuf [dreg:s6], $0x5FFFF;
	_ =	strace $0x90000049  }
0xb2: {  	s29 =	simm.s32 $0x9;
	_ =	strace $0x8000004B  }
0xb3: {  	_ =	swait.ge [sflag:s29], $0x1  }
0xb4: {  	[sflag:s29] =	ssyncadd.s32 $0xFFFFFFFF  }
0xb5: {  	_ =	strace $0x9000004B  }
0xb6: {  	_ =	sfence  }
0xb7: {  	s30 =	sld [smem:$0x0];
	_ =	sdelay $0x2  }
0xb8: {  	s31 =	sshll.u32 s1, $0xD;
	s1 =	sshrl.u32 s1, $0x2  }
0xb9: {  	s3 =	sand.u32 $0x4000, s31;
	s1 =	sadd.s32 s1, s30  }
0xba: {  	s0 =	sor.u32 s3, s0;
	s1 =	sshll.u32 s1, $0x11  }
0xbb: {  	s0 =	sor.u32 s1, s0  }
0xbc: {  	s0 =	sadd.s32 $0x8F2B, s0  }
0xbd: {  	[sflag:s0] =	ssyncadd.remote.s32 $0x1  }
0xbe: {  	_ =	sfence.sel $0xFFFF  }
0xbf: {  	[dreg:$0x0] =	wrdreg $0xFFFFFFFF;
	(pc) =	sbr.abs _section_cstart, $3  }
0xc0: {  	[dreg:$0x1] =	wrdreg $0xFFFFFFFF  }
0xc1: {  	_ =	task.clear_ibuf [dreg:s6], $0x2FFFF;
	_ =	strace $0x9FFFFFFF  }
0xc2: {  	(tm) =	ssettm $0x7FFFFFFF  }
0xc3: {  	_ =	shalt  }
tec
execute0_lowered:
.L_overlay_start_1:
0x0: {  	(tag) =	ssettag $0x1  }
0x1: {  	s0 =	rddreg [dreg:$0x0]  }
0x2: {  	s1 =	rddreg [dreg:$0x1];
	s2 =	simm.s32 $0x0;
	s3 =	srdreg.scid  }
0x3: {  	s28 =	simm.s32 $0x80;
	s29 =	simm.s32 $0x1;
	s30 =	simm.s32 $0x0  }
0x4: {  	[smem:$0x7FF] =	sst s2;
	s4 =	sadd.s32 $0x64C00, s0;
	s5 =	sand.u32 $0x1, s3  }
0x5: {  	s7 =	sadd.s32 $0x50C00, s0;
	s8 =	sadd.s32 $0x400, s0;
	s11 =	sadd.s32 $0x104C00, s0  }
0x6: {  	s3 =	stileid.u32;
	s13 =	sadd.s32 $0x12CC00, s0;
	s15 =	sadd.s32 $0x154C00, s0  }
0x7: {  	s14 =	sadd.s32 $0xB4C00, s0;
	s17 =	sadd.s32 $0x17CC00, s0;
	s10 =	smul.u32 $0xA00, s3  }
0x8: {  	s16 =	sadd.s32 $0xDCC00, s0;
	_ =	strace $0x8000004A;
	s20 =	smul.u32 $0x28000, s3  }
0x9: {  	s6 =	ssub.s32 $0x2, s5;
	p0 =	seq.s32 s5, $0x1;
	s5 =	smul.u32 $0x1400, s3  }
0xa: {  	s21 =	sshll.u32 s3, $0x4;
	s25 =	smul.u32 $0x5000, s3;
	s9 =	sshrl.u32 s6, $0x1  }
0xb: {  	s18 =	smul.u32 $0xA000, s3;
	s24 =	ssub.s32 s6, s9;
	s12 =	sadd.s32 s7, s10  }
0xc: {  	s6 =	sadd.s32 s0, s21;
	s10 =	sadd.s32 s8, s10;
	[dreg:$0x3] =	wrdreg s12  }
0xd: {  	s9 =	sshrl.u32 s20, $0x2;
	s22 =	sadd.s32 s4, s5;
	[dreg:$0x4] =	wrdreg s10  }
0xe: {  	s23 =	sadd.s32 s11, s5;
	s31 =	sshrl.u32 s18, $0x3;
	[dreg:$0x5] =	wrdreg s22  }
.Ltmp0:
0xf: {  	s9 =	sadd.s32 s9, s1;
	[dreg:$0x6] =	wrdreg s23;
	(pc) =	sbr.rel .LBB2_1-.Ltmp0, $4  }
0x10: {  	s12 =	sadd.s32 $0x8CC00, s0;
	s10 =	sshrl.u32 s25, $0x3;
	s18 =	sadd.s32 $0x100, s6  }
0x11: {  	s20 =	sadd.s32 $0x14000, s31;
	s24 =	smax.u32 s24, $0x1;
	s25 =	simm.s32 $0xE000  }
0x12: {  	s26 =	sadd.s32 $0xA000, s10;
	s22 =	sadd.s32 s4, s20;
	s23 =	sadd.s32 s11, s20  }
0x13: {  	s19 =	sadd.s32 s7, s26;
	s21 =	sadd.s32 s8, s26;
	s26 =	simm.s32 $0x2  }
.LBB2_15:
0x14: {  	s0 =	smov.u32 s5  }
.LBB2_36:
0x15: {  	[bflag:$0x0] =	sbarrier.arrive $0xFFFF  }
0x16: {  	s0 =	sadd.s32 s0, s17;
	s7 =	sshrl.u32 s9, $0x3;
	s30 =	sadd.s32 $0x1, s30  }
0x17: {  	[hbm:s0], [sflag:s31] =	dma.local [spmem:s7], $0x1400  }
0x18: {  	p1 =	sne.s32 s30, s24  }
.Ltmp1:
0x19: {  	_ =	swait.ge [sflag:s26], $0x1400;
	(pc) =	sbr.rel @!p1 .LBB2_37-.Ltmp1, $3  }
0x1a: {  	[sflag:s26] =	ssyncset.done $0x0  }
0x1b: {  	[sflag:s26] =	ssyncadd.s32 $0xFFFFEC00  }
0x1c: {  	[bflag:$0x0] =	sbarrier.arrive $0xFFFF;
	_ =	sdelay $0x1  }
.LBB2_1:
.Ltmp2:
0x1d: {  	(pc) =	sbr.rel @!p0 .LBB2_2-.Ltmp2, $1  }
0x1e: {  	_ =	sdelay $0x3  }
0x1f: {  	[tilespmem:s25], [sflag:$0x2] =	stream.linear.gather [hbm4b:s18+s2], $0x80, $0x38;
	[tilespmem:$0x180C0] =	vst v63  }
0x20: {  	_ =	swait.ge [sflag:s26], $0x80  }
0x21: {  	[sflag:s26] =	ssyncset.done $0x0  }
0x22: {  	s8 =	simm.s32 $0x4000;
	[sflag:s26] =	ssyncadd.s32 $0xFFFFFF80  }
0x23: {  	[tilespmem:s8], [sflag:$0x2] =	stream.linear.gather [hbm4b:s19+s2], $0x4E80, $0x38;
	[tilespmem:$0x180C0] =	vst v63  }
0x24: {  	_ =	swait.ge [sflag:s26], $0x4E80  }
0x25: {  	[sflag:s26] =	ssyncset.done $0x0  }
0x26: {  	s10 =	simm.s32 $0x9000;
	[sflag:s26] =	ssyncadd.s32 $0xFFFFB180  }
0x27: {  	[tilespmem:s10], [sflag:$0x2] =	stream.linear.gather [hbm4b:s21+s2], $0x4E80, $0x38;
	[tilespmem:$0x180C0] =	vst v63  }
0x28: {  	_ =	swait.ge [sflag:s26], $0x4E80  }
0x29: {  	[sflag:s26] =	ssyncset.done $0x0  }
0x2a: {  	[sflag:s26] =	ssyncadd.s32 $0xFFFFB180  }
0x2b: {  	v0 =	vld [tilespmem:$0xE000];
	_ =	sdelay $0x4  }
0x2c: {  	(v2sf) =	vpush v0, $0x0;
	_ =	sdelay $0xd  }
0x2d: {  	s7 =	sshll.u32 s3, $0x6  }
0x2e: {  	s31 =	sor.u32 $0x1C02, s7;
	s7 =	sshrl.u32 s9, $0x3;
	s0 =	spop (v2sf)  }
0x2f: {  	[spmem:s7], [sflag:s31] =	dma.local [hbm:s22], $0x1400  }
0x30: {  	p1 =	slt.s32 s0, $0x1  }
.Ltmp3:
0x31: {  	_ =	swait.ge [sflag:s26], $0x1400;
	(pc) =	sbr.rel @p1 .LBB2_23-.Ltmp3, $3  }
0x32: {  	[sflag:s26] =	ssyncset.done $0x0  }
0x33: {  	[sflag:s26] =	ssyncadd.s32 $0xFFFFEC00  }
0x34: {  	[bflag:$0x0] =	sbarrier.arrive $0xFFFF;
	_ =	sdelay $0x1  }
0x35: {  	[tilespmem:s2], [sflag:$0x1] =	stream.indirect.gather [hbm4b:s4+s28], $0x80, s8, s28, $0xb8;
	[tilespmem:$0x180C0] =	vst v63  }
0x36: {  	p2 =	sne.s32 s0, $0x1;
	_ =	swait.ge [sflag:s29], $0x4000  }
.Ltmp4:
0x37: {  	[sflag:s29] =	ssyncset.done $0x0;
	(pc) =	sbr.rel @!p2 .LBB2_22-.Ltmp4, $4  }
0x38: {  	[sflag:s29] =	ssyncadd.s32 $0xFFFFC000  }
0x39: {  	[spmem:s1] =	stream.indirect.scatter.add.f32 [tilespmem:s2], [sflag:$0x2], $0x80, s10, s28, $0xb8;
	[tilespmem:$0x180C0] =	vst v63  }
0x3a: {  	_ =	swait.ge [sflag:s26], $0x4000  }
0x3b: {  	s11 =	sadd.s32 $0xFFFFFFFF, s0;
	[sflag:s26] =	ssyncset.done $0x0  }
.LBB2_21:
0x3c: {  	[sflag:s26] =	ssyncadd.s32 $0xFFFFC000;
	s8 =	sadd.s32 $0x80, s8;
	s10 =	sadd.s32 $0x80, s10  }
0x3d: {  	[tilespmem:s2], [sflag:$0x1] =	stream.indirect.gather [hbm4b:s4+s28], $0x80, s8, s28, $0xb8;
	[tilespmem:$0x180C0] =	vst v63  }
0x3e: {  	p2 =	sne.s32 s11, $0x1;
	s11 =	sadd.s32 $0xFFFFFFFF, s11;
	_ =	swait.ge [sflag:s29], $0x4000  }
.Ltmp5:
0x3f: {  	[sflag:s29] =	ssyncset.done $0x0;
	(pc) =	sbr.rel @p2 .LBB2_21-.Ltmp5, $4  }
0x40: {  	[sflag:s29] =	ssyncadd.s32 $0xFFFFC000  }
0x41: {  	[spmem:s1] =	stream.indirect.scatter.add.f32 [tilespmem:s2], [sflag:$0x2], $0x80, s10, s28, $0xb8;
	[tilespmem:$0x180C0] =	vst v63  }
0x42: {  	_ =	swait.ge [sflag:s26], $0x4000  }
0x43: {  	[sflag:s26] =	ssyncset.done $0x0  }
.LBB2_22:
0x44: {  	[sflag:s26] =	ssyncadd.s32 $0xFFFFC000  }
.LBB2_23:
0x45: {  	[bflag:$0x0] =	sbarrier.arrive $0xFFFF  }
0x46: {  	[hbm:s23], [sflag:s31] =	dma.local [spmem:s7], $0x1400  }
0x47: {  	_ =	swait.ge [sflag:s26], $0x1400  }
0x48: {  	[sflag:s26] =	ssyncset.done $0x0  }
0x49: {  	[sflag:s26] =	ssyncadd.s32 $0xFFFFEC00  }
0x4a: {  	s8 =	sadd.s32 s20, s12;
	[bflag:$0x0] =	sbarrier.arrive $0xFFFF  }
0x4b: {  	[spmem:s7], [sflag:s31] =	dma.local [hbm:s8], $0x1400  }
.Ltmp6:
0x4c: {  	_ =	swait.ge [sflag:s26], $0x1400;
	(pc) =	sbr.rel @p1 .LBB2_27-.Ltmp6, $3  }
0x4d: {  	[sflag:s26] =	ssyncset.done $0x0  }
0x4e: {  	[sflag:s26] =	ssyncadd.s32 $0xFFFFEC00  }
0x4f: {  	[bflag:$0x0] =	sbarrier.arrive $0xFFFF;
	_ =	sdelay $0x1  }
0x50: {  	s8 =	simm.s32 $0x4000  }
0x51: {  	[tilespmem:s2], [sflag:$0x1] =	stream.indirect.gather [hbm4b:s12+s28], $0x80, s8, s28, $0xb8;
	[tilespmem:$0x180C0] =	vst v63  }
0x52: {  	p2 =	sne.s32 s0, $0x1;
	_ =	swait.ge [sflag:s29], $0x4000  }
.Ltmp7:
0x53: {  	[sflag:s29] =	ssyncset.done $0x0;
	(pc) =	sbr.rel @!p2 .LBB2_26-.Ltmp7, $4  }
0x54: {  	s10 =	simm.s32 $0x9000;
	[sflag:s29] =	ssyncadd.s32 $0xFFFFC000  }
0x55: {  	[spmem:s1] =	stream.indirect.scatter.add.f32 [tilespmem:s2], [sflag:$0x2], $0x80, s10, s28, $0xb8;
	[tilespmem:$0x180C0] =	vst v63  }
0x56: {  	_ =	swait.ge [sflag:s26], $0x4000  }
0x57: {  	s11 =	sadd.s32 $0xFFFFFFFF, s0;
	[sflag:s26] =	ssyncset.done $0x0  }
.LBB2_25:
0x58: {  	[sflag:s26] =	ssyncadd.s32 $0xFFFFC000;
	s8 =	sadd.s32 $0x80, s8;
	s10 =	sadd.s32 $0x80, s10  }
0x59: {  	[tilespmem:s2], [sflag:$0x1] =	stream.indirect.gather [hbm4b:s12+s28], $0x80, s8, s28, $0xb8;
	[tilespmem:$0x180C0] =	vst v63  }
0x5a: {  	p2 =	sne.s32 s11, $0x1;
	s11 =	sadd.s32 $0xFFFFFFFF, s11;
	_ =	swait.ge [sflag:s29], $0x4000  }
.Ltmp8:
0x5b: {  	[sflag:s29] =	ssyncset.done $0x0;
	(pc) =	sbr.rel @p2 .LBB2_25-.Ltmp8, $4  }
0x5c: {  	[sflag:s29] =	ssyncadd.s32 $0xFFFFC000  }
0x5d: {  	[spmem:s1] =	stream.indirect.scatter.add.f32 [tilespmem:s2], [sflag:$0x2], $0x80, s10, s28, $0xb8;
	[tilespmem:$0x180C0] =	vst v63  }
0x5e: {  	_ =	swait.ge [sflag:s26], $0x4000  }
0x5f: {  	[sflag:s26] =	ssyncset.done $0x0  }
.LBB2_26:
0x60: {  	[sflag:s26] =	ssyncadd.s32 $0xFFFFC000  }
.LBB2_27:
0x61: {  	[bflag:$0x0] =	sbarrier.arrive $0xFFFF;
	s8 =	sadd.s32 s20, s13  }
0x62: {  	[hbm:s8], [sflag:s31] =	dma.local [spmem:s7], $0x1400  }
0x63: {  	_ =	swait.ge [sflag:s26], $0x1400  }
0x64: {  	[sflag:s26] =	ssyncset.done $0x0  }
0x65: {  	[sflag:s26] =	ssyncadd.s32 $0xFFFFEC00  }
0x66: {  	s11 =	sadd.s32 s20, s14;
	[bflag:$0x0] =	sbarrier.arrive $0xFFFF  }
0x67: {  	[spmem:s7], [sflag:s31] =	dma.local [hbm:s11], $0x1400  }
.Ltmp9:
0x68: {  	_ =	swait.ge [sflag:s26], $0x1400;
	(pc) =	sbr.rel @p1 .LBB2_31-.Ltmp9, $3  }
0x69: {  	[sflag:s26] =	ssyncset.done $0x0  }
0x6a: {  	[sflag:s26] =	ssyncadd.s32 $0xFFFFEC00  }
0x6b: {  	[bflag:$0x0] =	sbarrier.arrive $0xFFFF;
	_ =	sdelay $0x1  }
0x6c: {  	s8 =	simm.s32 $0x4000  }
0x6d: {  	[tilespmem:s2], [sflag:$0x1] =	stream.indirect.gather [hbm4b:s14+s28], $0x80, s8, s28, $0xb8;
	[tilespmem:$0x180C0] =	vst v63  }
0x6e: {  	p2 =	sne.s32 s0, $0x1;
	_ =	swait.ge [sflag:s29], $0x4000  }
.Ltmp10:
0x6f: {  	[sflag:s29] =	ssyncset.done $0x0;
	(pc) =	sbr.rel @!p2 .LBB2_30-.Ltmp10, $4  }
0x70: {  	s10 =	simm.s32 $0x9000;
	[sflag:s29] =	ssyncadd.s32 $0xFFFFC000  }
0x71: {  	[spmem:s1] =	stream.indirect.scatter.add.f32 [tilespmem:s2], [sflag:$0x2], $0x80, s10, s28, $0xb8;
	[tilespmem:$0x180C0] =	vst v63  }
0x72: {  	_ =	swait.ge [sflag:s26], $0x4000  }
0x73: {  	s11 =	sadd.s32 $0xFFFFFFFF, s0;
	[sflag:s26] =	ssyncset.done $0x0  }
.LBB2_29:
0x74: {  	[sflag:s26] =	ssyncadd.s32 $0xFFFFC000;
	s8 =	sadd.s32 $0x80, s8;
	s10 =	sadd.s32 $0x80, s10  }
0x75: {  	[tilespmem:s2], [sflag:$0x1] =	stream.indirect.gather [hbm4b:s14+s28], $0x80, s8, s28, $0xb8;
	[tilespmem:$0x180C0] =	vst v63  }
0x76: {  	p2 =	sne.s32 s11, $0x1;
	s11 =	sadd.s32 $0xFFFFFFFF, s11;
	_ =	swait.ge [sflag:s29], $0x4000  }
.Ltmp11:
0x77: {  	[sflag:s29] =	ssyncset.done $0x0;
	(pc) =	sbr.rel @p2 .LBB2_29-.Ltmp11, $4  }
0x78: {  	[sflag:s29] =	ssyncadd.s32 $0xFFFFC000  }
0x79: {  	[spmem:s1] =	stream.indirect.scatter.add.f32 [tilespmem:s2], [sflag:$0x2], $0x80, s10, s28, $0xb8;
	[tilespmem:$0x180C0] =	vst v63  }
0x7a: {  	_ =	swait.ge [sflag:s26], $0x4000  }
0x7b: {  	[sflag:s26] =	ssyncset.done $0x0  }
.LBB2_30:
0x7c: {  	[sflag:s26] =	ssyncadd.s32 $0xFFFFC000  }
.LBB2_31:
0x7d: {  	[bflag:$0x0] =	sbarrier.arrive $0xFFFF;
	s8 =	sadd.s32 s20, s15  }
0x7e: {  	[hbm:s8], [sflag:s31] =	dma.local [spmem:s7], $0x1400  }
0x7f: {  	_ =	swait.ge [sflag:s26], $0x1400  }
0x80: {  	[sflag:s26] =	ssyncset.done $0x0  }
0x81: {  	[sflag:s26] =	ssyncadd.s32 $0xFFFFEC00  }
0x82: {  	s11 =	sadd.s32 s20, s16;
	[bflag:$0x0] =	sbarrier.arrive $0xFFFF  }
0x83: {  	[spmem:s7], [sflag:s31] =	dma.local [hbm:s11], $0x1400  }
.Ltmp12:
0x84: {  	_ =	swait.ge [sflag:s26], $0x1400;
	(pc) =	sbr.rel @p1 .LBB2_32-.Ltmp12, $3  }
0x85: {  	[sflag:s26] =	ssyncset.done $0x0  }
0x86: {  	[sflag:s26] =	ssyncadd.s32 $0xFFFFEC00  }
0x87: {  	[bflag:$0x0] =	sbarrier.arrive $0xFFFF;
	_ =	sdelay $0x1  }
0x88: {  	s7 =	simm.s32 $0x4000  }
0x89: {  	[tilespmem:s2], [sflag:$0x1] =	stream.indirect.gather [hbm4b:s16+s28], $0x80, s7, s28, $0xb8;
	[tilespmem:$0x180C0] =	vst v63  }
0x8a: {  	p1 =	sne.s32 s0, $0x1;
	_ =	swait.ge [sflag:s29], $0x4000  }
.Ltmp13:
0x8b: {  	[sflag:s29] =	ssyncset.done $0x0;
	(pc) =	sbr.rel @!p1 .LBB2_35-.Ltmp13, $4  }
0x8c: {  	s8 =	simm.s32 $0x9000;
	[sflag:s29] =	ssyncadd.s32 $0xFFFFC000  }
0x8d: {  	[spmem:s1] =	stream.indirect.scatter.add.f32 [tilespmem:s2], [sflag:$0x2], $0x80, s8, s28, $0xb8;
	[tilespmem:$0x180C0] =	vst v63  }
0x8e: {  	_ =	swait.ge [sflag:s26], $0x4000  }
0x8f: {  	s0 =	sadd.s32 $0xFFFFFFFF, s0;
	[sflag:s26] =	ssyncset.done $0x0  }
.LBB2_34:
0x90: {  	[sflag:s26] =	ssyncadd.s32 $0xFFFFC000;
	s7 =	sadd.s32 $0x80, s7;
	s8 =	sadd.s32 $0x80, s8  }
0x91: {  	[tilespmem:s2], [sflag:$0x1] =	stream.indirect.gather [hbm4b:s16+s28], $0x80, s7, s28, $0xb8;
	[tilespmem:$0x180C0] =	vst v63  }
0x92: {  	p1 =	sne.s32 s0, $0x1;
	s0 =	sadd.s32 $0xFFFFFFFF, s0;
	_ =	swait.ge [sflag:s29], $0x4000  }
.Ltmp14:
0x93: {  	[sflag:s29] =	ssyncset.done $0x0;
	(pc) =	sbr.rel @p1 .LBB2_34-.Ltmp14, $4  }
0x94: {  	[sflag:s29] =	ssyncadd.s32 $0xFFFFC000  }
0x95: {  	[spmem:s1] =	stream.indirect.scatter.add.f32 [tilespmem:s2], [sflag:$0x2], $0x80, s8, s28, $0xb8;
	[tilespmem:$0x180C0] =	vst v63  }
0x96: {  	_ =	swait.ge [sflag:s26], $0x4000  }
0x97: {  	[sflag:s26] =	ssyncset.done $0x0  }
.LBB2_35:
.Ltmp15:
0x98: {  	(pc) =	sbr.rel .LBB2_36-.Ltmp15, $2  }
0x99: {  	_ =	sdelay $0x2  }
0x9a: {  	[sflag:s26] =	ssyncadd.s32 $0xFFFFC000;
	s0 =	smov.u32 s20  }
.LBB2_2:
0x9b: {  	[tilespmem:s25], [sflag:$0x2] =	stream.linear.gather [hbm4b:s6+s2], $0x80, $0x38;
	[tilespmem:$0x180C0] =	vst v63  }
0x9c: {  	_ =	swait.ge [sflag:s26], $0x80  }
0x9d: {  	[sflag:s26] =	ssyncset.done $0x0  }
0x9e: {  	s8 =	simm.s32 $0x4000;
	s0 =	rddreg [dreg:$0x3];
	[sflag:s26] =	ssyncadd.s32 $0xFFFFFF80  }
0x9f: {  	[tilespmem:s8], [sflag:$0x2] =	stream.linear.gather [hbm4b:s0+s2], $0x4E80, $0x38;
	[tilespmem:$0x180C0] =	vst v63  }
0xa0: {  	_ =	swait.ge [sflag:s26], $0x4E80  }
0xa1: {  	[sflag:s26] =	ssyncset.done $0x0  }
0xa2: {  	s10 =	simm.s32 $0x9000;
	s11 =	rddreg [dreg:$0x4];
	[sflag:s26] =	ssyncadd.s32 $0xFFFFB180  }
0xa3: {  	[tilespmem:s10], [sflag:$0x2] =	stream.linear.gather [hbm4b:s11+s2], $0x4E80, $0x38;
	[tilespmem:$0x180C0] =	vst v63  }
0xa4: {  	_ =	swait.ge [sflag:s26], $0x4E80  }
0xa5: {  	[sflag:s26] =	ssyncset.done $0x0  }
0xa6: {  	[sflag:s26] =	ssyncadd.s32 $0xFFFFB180  }
0xa7: {  	v0 =	vld [tilespmem:$0xE000];
	_ =	sdelay $0x4  }
0xa8: {  	(v2sf) =	vpush v0, $0x0;
	_ =	sdelay $0xc  }
0xa9: {  	s7 =	sshll.u32 s3, $0x6  }
0xaa: {  	s31 =	sor.u32 $0x1C02, s7  }
0xab: {  	s7 =	sshrl.u32 s9, $0x3;
	s11 =	rddreg [dreg:$0x5];
	s0 =	spop (v2sf)  }
0xac: {  	[spmem:s7], [sflag:s31] =	dma.local [hbm:s11], $0x1400  }
0xad: {  	p1 =	slt.s32 s0, $0x1  }
.Ltmp16:
0xae: {  	_ =	swait.ge [sflag:s26], $0x1400;
	(pc) =	sbr.rel @p1 .LBB2_6-.Ltmp16, $3  }
0xaf: {  	[sflag:s26] =	ssyncset.done $0x0  }
0xb0: {  	[sflag:s26] =	ssyncadd.s32 $0xFFFFEC00  }
0xb1: {  	[bflag:$0x0] =	sbarrier.arrive $0xFFFF;
	_ =	sdelay $0x1  }
0xb2: {  	[tilespmem:s2], [sflag:$0x1] =	stream.indirect.gather [hbm4b:s4+s28], $0x80, s8, s28, $0xb8;
	[tilespmem:$0x180C0] =	vst v63  }
0xb3: {  	p2 =	sne.s32 s0, $0x1;
	_ =	swait.ge [sflag:s29], $0x4000  }
.Ltmp17:
0xb4: {  	[sflag:s29] =	ssyncset.done $0x0;
	(pc) =	sbr.rel @!p2 .LBB2_5-.Ltmp17, $4  }
0xb5: {  	[sflag:s29] =	ssyncadd.s32 $0xFFFFC000  }
0xb6: {  	[spmem:s1] =	stream.indirect.scatter.add.f32 [tilespmem:s2], [sflag:$0x2], $0x80, s10, s28, $0xb8;
	[tilespmem:$0x180C0] =	vst v63  }
0xb7: {  	_ =	swait.ge [sflag:s26], $0x4000  }
0xb8: {  	s11 =	sadd.s32 $0xFFFFFFFF, s0;
	[sflag:s26] =	ssyncset.done $0x0  }
.LBB2_4:
0xb9: {  	[sflag:s26] =	ssyncadd.s32 $0xFFFFC000;
	s8 =	sadd.s32 $0x80, s8;
	s10 =	sadd.s32 $0x80, s10  }
0xba: {  	[tilespmem:s2], [sflag:$0x1] =	stream.indirect.gather [hbm4b:s4+s28], $0x80, s8, s28, $0xb8;
	[tilespmem:$0x180C0] =	vst v63  }
0xbb: {  	p2 =	sne.s32 s11, $0x1;
	s11 =	sadd.s32 $0xFFFFFFFF, s11;
	_ =	swait.ge [sflag:s29], $0x4000  }
.Ltmp18:
0xbc: {  	[sflag:s29] =	ssyncset.done $0x0;
	(pc) =	sbr.rel @p2 .LBB2_4-.Ltmp18, $4  }
0xbd: {  	[sflag:s29] =	ssyncadd.s32 $0xFFFFC000  }
0xbe: {  	[spmem:s1] =	stream.indirect.scatter.add.f32 [tilespmem:s2], [sflag:$0x2], $0x80, s10, s28, $0xb8;
	[tilespmem:$0x180C0] =	vst v63  }
0xbf: {  	_ =	swait.ge [sflag:s26], $0x4000  }
0xc0: {  	[sflag:s26] =	ssyncset.done $0x0  }
.LBB2_5:
0xc1: {  	[sflag:s26] =	ssyncadd.s32 $0xFFFFC000  }
.LBB2_6:
0xc2: {  	[bflag:$0x0] =	sbarrier.arrive $0xFFFF  }
0xc3: {  	s8 =	rddreg [dreg:$0x6]  }
0xc4: {  	[hbm:s8], [sflag:s31] =	dma.local [spmem:s7], $0x1400  }
0xc5: {  	_ =	swait.ge [sflag:s26], $0x1400  }
0xc6: {  	[sflag:s26] =	ssyncset.done $0x0  }
0xc7: {  	[sflag:s26] =	ssyncadd.s32 $0xFFFFEC00  }
0xc8: {  	s11 =	sadd.s32 s5, s12;
	[bflag:$0x0] =	sbarrier.arrive $0xFFFF  }
0xc9: {  	[spmem:s7], [sflag:s31] =	dma.local [hbm:s11], $0x1400  }
.Ltmp19:
0xca: {  	_ =	swait.ge [sflag:s26], $0x1400;
	(pc) =	sbr.rel @p1 .LBB2_10-.Ltmp19, $3  }
0xcb: {  	[sflag:s26] =	ssyncset.done $0x0  }
0xcc: {  	[sflag:s26] =	ssyncadd.s32 $0xFFFFEC00  }
0xcd: {  	[bflag:$0x0] =	sbarrier.arrive $0xFFFF;
	_ =	sdelay $0x1  }
0xce: {  	s8 =	simm.s32 $0x4000  }
0xcf: {  	[tilespmem:s2], [sflag:$0x1] =	stream.indirect.gather [hbm4b:s12+s28], $0x80, s8, s28, $0xb8;
	[tilespmem:$0x180C0] =	vst v63  }
0xd0: {  	p2 =	sne.s32 s0, $0x1;
	_ =	swait.ge [sflag:s29], $0x4000  }
.Ltmp20:
0xd1: {  	[sflag:s29] =	ssyncset.done $0x0;
	(pc) =	sbr.rel @!p2 .LBB2_9-.Ltmp20, $4  }
0xd2: {  	s10 =	simm.s32 $0x9000;
	[sflag:s29] =	ssyncadd.s32 $0xFFFFC000  }
0xd3: {  	[spmem:s1] =	stream.indirect.scatter.add.f32 [tilespmem:s2], [sflag:$0x2], $0x80, s10, s28, $0xb8;
	[tilespmem:$0x180C0] =	vst v63  }
0xd4: {  	_ =	swait.ge [sflag:s26], $0x4000  }
0xd5: {  	s11 =	sadd.s32 $0xFFFFFFFF, s0;
	[sflag:s26] =	ssyncset.done $0x0  }
.LBB2_8:
0xd6: {  	[sflag:s26] =	ssyncadd.s32 $0xFFFFC000;
	s8 =	sadd.s32 $0x80, s8;
	s10 =	sadd.s32 $0x80, s10  }
0xd7: {  	[tilespmem:s2], [sflag:$0x1] =	stream.indirect.gather [hbm4b:s12+s28], $0x80, s8, s28, $0xb8;
	[tilespmem:$0x180C0] =	vst v63  }
0xd8: {  	p2 =	sne.s32 s11, $0x1;
	s11 =	sadd.s32 $0xFFFFFFFF, s11;
	_ =	swait.ge [sflag:s29], $0x4000  }
.Ltmp21:
0xd9: {  	[sflag:s29] =	ssyncset.done $0x0;
	(pc) =	sbr.rel @p2 .LBB2_8-.Ltmp21, $4  }
0xda: {  	[sflag:s29] =	ssyncadd.s32 $0xFFFFC000  }
0xdb: {  	[spmem:s1] =	stream.indirect.scatter.add.f32 [tilespmem:s2], [sflag:$0x2], $0x80, s10, s28, $0xb8;
	[tilespmem:$0x180C0] =	vst v63  }
0xdc: {  	_ =	swait.ge [sflag:s26], $0x4000  }
0xdd: {  	[sflag:s26] =	ssyncset.done $0x0  }
.LBB2_9:
0xde: {  	[sflag:s26] =	ssyncadd.s32 $0xFFFFC000  }
.LBB2_10:
0xdf: {  	[bflag:$0x0] =	sbarrier.arrive $0xFFFF;
	s8 =	sadd.s32 s5, s13  }
0xe0: {  	[hbm:s8], [sflag:s31] =	dma.local [spmem:s7], $0x1400  }
0xe1: {  	_ =	swait.ge [sflag:s26], $0x1400  }
0xe2: {  	[sflag:s26] =	ssyncset.done $0x0  }
0xe3: {  	[sflag:s26] =	ssyncadd.s32 $0xFFFFEC00  }
0xe4: {  	s11 =	sadd.s32 s5, s14;
	[bflag:$0x0] =	sbarrier.arrive $0xFFFF  }
0xe5: {  	[spmem:s7], [sflag:s31] =	dma.local [hbm:s11], $0x1400  }
.Ltmp22:
0xe6: {  	_ =	swait.ge [sflag:s26], $0x1400;
	(pc) =	sbr.rel @p1 .LBB2_14-.Ltmp22, $3  }
0xe7: {  	[sflag:s26] =	ssyncset.done $0x0  }
0xe8: {  	[sflag:s26] =	ssyncadd.s32 $0xFFFFEC00  }
0xe9: {  	[bflag:$0x0] =	sbarrier.arrive $0xFFFF;
	_ =	sdelay $0x1  }
0xea: {  	s8 =	simm.s32 $0x4000  }
0xeb: {  	[tilespmem:s2], [sflag:$0x1] =	stream.indirect.gather [hbm4b:s14+s28], $0x80, s8, s28, $0xb8;
	[tilespmem:$0x180C0] =	vst v63  }
0xec: {  	p2 =	sne.s32 s0, $0x1;
	_ =	swait.ge [sflag:s29], $0x4000  }
.Ltmp23:
0xed: {  	[sflag:s29] =	ssyncset.done $0x0;
	(pc) =	sbr.rel @!p2 .LBB2_13-.Ltmp23, $4  }
0xee: {  	s10 =	simm.s32 $0x9000;
	[sflag:s29] =	ssyncadd.s32 $0xFFFFC000  }
0xef: {  	[spmem:s1] =	stream.indirect.scatter.add.f32 [tilespmem:s2], [sflag:$0x2], $0x80, s10, s28, $0xb8;
	[tilespmem:$0x180C0] =	vst v63  }
0xf0: {  	_ =	swait.ge [sflag:s26], $0x4000  }
0xf1: {  	s11 =	sadd.s32 $0xFFFFFFFF, s0;
	[sflag:s26] =	ssyncset.done $0x0  }
.LBB2_12:
0xf2: {  	[sflag:s26] =	ssyncadd.s32 $0xFFFFC000;
	s8 =	sadd.s32 $0x80, s8;
	s10 =	sadd.s32 $0x80, s10  }
0xf3: {  	[tilespmem:s2], [sflag:$0x1] =	stream.indirect.gather [hbm4b:s14+s28], $0x80, s8, s28, $0xb8;
	[tilespmem:$0x180C0] =	vst v63  }
0xf4: {  	p2 =	sne.s32 s11, $0x1;
	s11 =	sadd.s32 $0xFFFFFFFF, s11;
	_ =	swait.ge [sflag:s29], $0x4000  }
.Ltmp24:
0xf5: {  	[sflag:s29] =	ssyncset.done $0x0;
	(pc) =	sbr.rel @p2 .LBB2_12-.Ltmp24, $4  }
0xf6: {  	[sflag:s29] =	ssyncadd.s32 $0xFFFFC000  }
0xf7: {  	[spmem:s1] =	stream.indirect.scatter.add.f32 [tilespmem:s2], [sflag:$0x2], $0x80, s10, s28, $0xb8;
	[tilespmem:$0x180C0] =	vst v63  }
0xf8: {  	_ =	swait.ge [sflag:s26], $0x4000  }
0xf9: {  	[sflag:s26] =	ssyncset.done $0x0  }
.LBB2_13:
0xfa: {  	[sflag:s26] =	ssyncadd.s32 $0xFFFFC000  }
.LBB2_14:
0xfb: {  	[bflag:$0x0] =	sbarrier.arrive $0xFFFF;
	s8 =	sadd.s32 s5, s15  }
0xfc: {  	[hbm:s8], [sflag:s31] =	dma.local [spmem:s7], $0x1400  }
0xfd: {  	_ =	swait.ge [sflag:s26], $0x1400  }
0xfe: {  	[sflag:s26] =	ssyncset.done $0x0  }
0xff: {  	[sflag:s26] =	ssyncadd.s32 $0xFFFFEC00  }
0x100: {  	s11 =	sadd.s32 s5, s16;
	[bflag:$0x0] =	sbarrier.arrive $0xFFFF  }
0x101: {  	[spmem:s7], [sflag:s31] =	dma.local [hbm:s11], $0x1400  }
.Ltmp25:
0x102: {  	_ =	swait.ge [sflag:s26], $0x1400;
	(pc) =	sbr.rel @p1 .LBB2_15-.Ltmp25, $3  }
0x103: {  	[sflag:s26] =	ssyncset.done $0x0  }
0x104: {  	[sflag:s26] =	ssyncadd.s32 $0xFFFFEC00  }
0x105: {  	[bflag:$0x0] =	sbarrier.arrive $0xFFFF;
	_ =	sdelay $0x1  }
0x106: {  	s7 =	simm.s32 $0x4000  }
0x107: {  	[tilespmem:s2], [sflag:$0x1] =	stream.indirect.gather [hbm4b:s16+s28], $0x80, s7, s28, $0xb8;
	[tilespmem:$0x180C0] =	vst v63  }
0x108: {  	p1 =	seq.s32 s0, $0x1;
	_ =	swait.ge [sflag:s29], $0x4000  }
.Ltmp26:
0x109: {  	[sflag:s29] =	ssyncset.done $0x0;
	(pc) =	sbr.rel @p1 .LBB2_18-.Ltmp26, $4  }
0x10a: {  	s8 =	simm.s32 $0x9000;
	[sflag:s29] =	ssyncadd.s32 $0xFFFFC000  }
0x10b: {  	[spmem:s1] =	stream.indirect.scatter.add.f32 [tilespmem:s2], [sflag:$0x2], $0x80, s8, s28, $0xb8;
	[tilespmem:$0x180C0] =	vst v63  }
0x10c: {  	_ =	swait.ge [sflag:s26], $0x4000  }
0x10d: {  	s0 =	sadd.s32 $0xFFFFFFFF, s0;
	[sflag:s26] =	ssyncset.done $0x0  }
.LBB2_17:
0x10e: {  	[sflag:s26] =	ssyncadd.s32 $0xFFFFC000;
	s7 =	sadd.s32 $0x80, s7;
	s8 =	sadd.s32 $0x80, s8  }
0x10f: {  	[tilespmem:s2], [sflag:$0x1] =	stream.indirect.gather [hbm4b:s16+s28], $0x80, s7, s28, $0xb8;
	[tilespmem:$0x180C0] =	vst v63  }
0x110: {  	p1 =	seq.s32 s0, $0x1;
	s0 =	sadd.s32 $0xFFFFFFFF, s0;
	_ =	swait.ge [sflag:s29], $0x4000  }
.Ltmp27:
0x111: {  	[sflag:s29] =	ssyncset.done $0x0;
	(pc) =	sbr.rel @!p1 .LBB2_17-.Ltmp27, $4  }
0x112: {  	[sflag:s29] =	ssyncadd.s32 $0xFFFFC000  }
0x113: {  	[spmem:s1] =	stream.indirect.scatter.add.f32 [tilespmem:s2], [sflag:$0x2], $0x80, s8, s28, $0xb8;
	[tilespmem:$0x180C0] =	vst v63  }
0x114: {  	_ =	swait.ge [sflag:s26], $0x4000  }
0x115: {  	[sflag:s26] =	ssyncset.done $0x0  }
.LBB2_18:
.Ltmp28:
0x116: {  	(pc) =	sbr.rel .LBB2_36-.Ltmp28, $2  }
0x117: {  	_ =	sdelay $0x2  }
0x118: {  	[sflag:s26] =	ssyncadd.s32 $0xFFFFC000;
	s0 =	smov.u32 s5  }
.LBB2_32:
.Ltmp29:
0x119: {  	(pc) =	sbr.rel .LBB2_36-.Ltmp29, $2  }
0x11a: {  	_ =	sdelay $0x2  }
0x11b: {  	s0 =	smov.u32 s20  }
.LBB2_37:
0x11c: {  	_ =	sfence.sel $0x180000  }
0x11d: {  	[bflag:$0x0] =	sbarrier.arrive $0xFFFF  }
0x11e: {  	_ =	strace $0x9000004A  }
0x11f: {  	[bflag:$0x2] =	sbarrier.arrive $0xFFFF  }
0x120: {  	p0 =	sne.s32 s3, $0x0;
	s0 =	rddreg [dreg:$0x2]  }
0x121: {  	s0 =	sadd.s32 @!p0 $0x100000, s0  }
0x122: {  	[sflag:s0] =	ssyncadd.tile.s32 @!p0 $0x1;
	_ =	shalt  }
.Lfunc_end2:
_tile_overlayer_lowered:
.L_overlay_start_2:
0x123: {  	(tag) =	ssettag $0x2  }
0x124: {  	s0 =	rddreg [dreg:$0x0];
	s2 =	stileid.u32  }
0x125: {  	s1 =	rddreg [dreg:$0x1];
	p0 =	sne.s32 s2, $0x0  }
0x126: {  	s3 =	rddreg [dreg:$0x2];
	[bflag:$0x3] =	sbarrier.arrive $0xFFFF;
	s2 =	simm.s32 @!p0 $0x1C02  }
0x127: {  	[timem:s3], [sflag:s2] =	dma.local @!p0 [hbm:s0], s1  }
0x128: {  	s0 =	simm.s32 @!p0 $0x2  }
0x129: {  	_ =	swait.ge @!p0 [sflag:s0], s1  }
0x12a: {  	s1 =	ssub.s32 @!p0 $0x0, s1;
	[sflag:s0] =	ssyncset.done @!p0 $0x0  }
0x12b: {  	[sflag:s0] =	ssyncadd.s32 @!p0 s1  }
0x12c: {  	[bflag:$0x3] =	sbarrier.arrive $0xFFFF  }
0x12d: {  	_ =	shalt  }

// kernel: kernel.14.cloned.1.call-start
scs
__scs_entry_jumppad:
0x0: {  	(pc) =	sbr.rel $0x88, $3  }
0x1: {  	(tag) =	ssettag $0x0;
	lr =	simm.s32 $0x1  }
0x2: {  	[smem:$0x3F97] =	sst lr;
	_ =	strace $0xD0000000  }
0x3: {  	_ = 	snop  }
0x4: {  	_ = 	snop  }
0x5: {  	_ = 	snop  }
0x6: {  	_ = 	snop  }
0x7: {  	_ = 	snop  }
__scs_overlays_trampoline_lowered:
0x8: {  	[smem:$0x3FA6] =	sst s0  }
0x9: {  	[smem:$0x3FA7] =	sst s1  }
0xa: {  	[smem:$0x3FA8] =	sst s2  }
0xb: {  	[smem:$0x3FA9] =	sst s3  }
0xc: {  	[smem:$0x3FAA] =	sst s4  }
0xd: {  	[smem:$0x3FAB] =	sst s5  }
0xe: {  	[smem:$0x3FAC] =	sst s6  }
0xf: {  	[smem:$0x3FAD] =	sst s7  }
0x10: {  	[smem:$0x3FAE] =	sst s8  }
0x11: {  	[smem:$0x3FAF] =	sst s9;
	s0 =	simm.s32 @!p0 $0x0  }
0x12: {  	s1 =	sld [smem:$0x3F95];
	s0 =	simm.s32 @p0 $0x1  }
0x13: {  	[smem:$0x3FB0] =	sst s0;
	s0 =	simm.s32 @!p1 $0x0  }
0x14: {  	s2 =	sld [smem:$0x3F94];
	s0 =	simm.s32 @p1 $0x1  }
0x15: {  	[smem:$0x3FB1] =	sst s0;
	s0 =	simm.s32 @!p2 $0x0  }
0x16: {  	s3 =	sld [smem:$0x3FDB];
	s0 =	simm.s32 @p2 $0x1  }
0x17: {  	s4 =	simm.s32 $0x1BF5;
	[smem:$0x3FB3] =	sst s0  }
0x18: {  	s0 =	sld [smem:$0x3F96];
	_ =	swait.ge [sflag:s4], $0x0  }
0x19: {  	s7 =	sld [smem:$0x3F97]  }
0x1a: {  	s8 =	sadd.s32 $0xFFFFE003, lr  }
0x1b: {  	s9 =	sadd.s32 $0xFFFFFEF7, lr;
	s5 =	simm.s32 $0xFFFFFFFF;
	p2 =	slt.u32 s8, $0xFFFFF086  }
0x1c: {  	p1 =	slt.u32 s9, $0xF7A;
	s5 =	simm.s32 @!p2 $0x0  }
0x1d: {  	s5 =	simm.s32 @p1 $0x1;
	p0 =	seq.s32 s7, s2  }
0x1e: {  	s7 =	smul.u32 @!p0 $0xF7A, s2;
	p2 =	seq.s32 @!p0 s5, $0x0  }
0x1f: {  	s9 =	smul.u32 $0xF7A, s1;
	s8 =	simm.s32 @!p0 $0x1BF5;
	p2 =	por !p2, p0  }
0x20: {  	[sflag:s8] =	ssyncset.s32 @!p0 $0xFFFFF086;
	s6 =	sadd.s32 @!p0 s3, s7;
	s7 =	simm.s32 @!p0 $0x108  }
0x21: {  	s3 =	sadd.s32 s3, s9;
	s6 =	sadd.s32 @!p0 $0x88, s6;
	s7 =	simm.s32 @p2 $0x1082  }
0x22: {  	[simem:s7], [sflag:s8] =	dma.local @!p0 [hbm:s6], $0xF7A  }
0x23: {  	s9 =	sor.u32 $0xD0000000, s2;
	s6 =	simm.s32 $0x108;
	_ =	swait.ge @!p0 [sflag:s8], $0x0  }
0x24: {  	s3 =	sadd.s32 $0x88, s3;
	s6 =	simm.s32 @!p1 $0x1082;
	[sflag:s4] =	ssyncset.s32 $0xFFFFF086  }
0x25: {  	[simem:s6], [sflag:s4] =	dma.local [hbm:s3], $0xF7A  }
0x26: {  	[smem:$0x3F97] =	sst s1;
	(tag) =	ssettag s2;
	_ =	strace s9  }
0x27: {  	s1 =	sld [smem:$0x3FA7]  }
0x28: {  	s2 =	sld [smem:$0x3FA8]  }
0x29: {  	s4 =	sld [smem:$0x3FAA]  }
0x2a: {  	p0 =	seq.s32 s5, $0x0;
	s5 =	sld [smem:$0x3FAB]  }
0x2b: {  	s6 =	sld [smem:$0x3FAC]  }
0x2c: {  	s7 =	sld [smem:$0x3FAD]  }
0x2d: {  	s3 =	simm.s32 $0x108;
	s8 =	sld [smem:$0x3FAE]  }
0x2e: {  	s3 =	simm.s32 @!p0 $0x1082;
	s9 =	sld [smem:$0x3FAF]  }
0x2f: {  	lr =	sadd.s32 s0, s3;
	s0 =	sld [smem:$0x3FA6]  }
0x30: {  	s3 =	sld [smem:$0x3FA9]  }
0x31: {  	[smem:$0x3FB2] =	sst s10  }
0x32: {  	s10 =	sld [smem:$0x3FB0];
	_ =	sdelay $0x3  }
0x33: {  	p0 =	seq.s32 s10, $0x1;
	s10 =	sld [smem:$0x3FB2];
	_ =	sdelay $0x3  }
0x34: {  	[smem:$0x3FB2] =	sst s10  }
0x35: {  	s10 =	sld [smem:$0x3FB1];
	_ =	sdelay $0x3  }
0x36: {  	p1 =	seq.s32 s10, $0x1;
	s10 =	sld [smem:$0x3FB2];
	_ =	sdelay $0x3  }
0x37: {  	[smem:$0x3FB2] =	sst s10  }
0x38: {  	s10 =	sld [smem:$0x3FB3]  }
0x39: {  	_ = 	snop;
	(pc) =	sbr.ind lr, $3  }
0x3a: {  	_ = 	snop  }
0x3b: {  	_ = 	snop  }
0x3c: {  	p2 =	seq.s32 s10, $0x1;
	s10 =	sld [smem:$0x3FB2]  }
0x3d: {  	_ =	shalt  }
0x3e: {  	_ =	shalt  }
0x3f: {  	_ =	shalt  }
0x40: {  	_ =	shalt  }
0x41: {  	_ =	shalt  }
0x42: {  	_ =	shalt  }
0x43: {  	_ =	shalt  }
0x44: {  	_ =	shalt  }
0x45: {  	_ =	shalt  }
0x46: {  	_ =	shalt  }
0x47: {  	_ =	shalt  }
0x48: {  	_ =	shalt  }
0x49: {  	_ =	shalt  }
0x4a: {  	_ =	shalt  }
0x4b: {  	_ =	shalt  }
0x4c: {  	_ =	shalt  }
0x4d: {  	_ =	shalt  }
0x4e: {  	_ =	shalt  }
0x4f: {  	_ =	shalt  }
0x50: {  	_ =	shalt  }
0x51: {  	_ =	shalt  }
0x52: {  	_ =	shalt  }
0x53: {  	_ =	shalt  }
0x54: {  	_ =	shalt  }
0x55: {  	_ =	shalt  }
0x56: {  	_ =	shalt  }
0x57: {  	_ =	shalt  }
0x58: {  	_ =	shalt  }
0x59: {  	_ =	shalt  }
0x5a: {  	_ =	shalt  }
0x5b: {  	_ =	shalt  }
0x5c: {  	_ =	shalt  }
0x5d: {  	_ =	shalt  }
0x5e: {  	_ =	shalt  }
0x5f: {  	_ =	shalt  }
0x60: {  	_ =	shalt  }
0x61: {  	_ =	shalt  }
0x62: {  	_ =	shalt  }
0x63: {  	_ =	shalt  }
0x64: {  	_ =	shalt  }
0x65: {  	_ =	shalt  }
0x66: {  	_ =	shalt  }
0x67: {  	_ =	shalt  }
0x68: {  	_ =	shalt  }
0x69: {  	_ =	shalt  }
0x6a: {  	_ =	shalt  }
0x6b: {  	_ =	shalt  }
0x6c: {  	_ =	shalt  }
0x6d: {  	_ =	shalt  }
0x6e: {  	_ =	shalt  }
0x6f: {  	_ =	shalt  }
0x70: {  	_ =	shalt  }
0x71: {  	_ =	shalt  }
0x72: {  	_ =	shalt  }
0x73: {  	_ =	shalt  }
0x74: {  	_ =	shalt  }
0x75: {  	_ =	shalt  }
0x76: {  	_ =	shalt  }
0x77: {  	_ =	shalt  }
0x78: {  	_ =	shalt  }
0x79: {  	_ =	shalt  }
0x7a: {  	_ =	shalt  }
0x7b: {  	_ =	shalt  }
0x7c: {  	_ =	shalt  }
0x7d: {  	_ =	shalt  }
0x7e: {  	_ =	shalt  }
0x7f: {  	_ =	shalt  }
0x80: {  	_ =	shalt  }
0x81: {  	_ =	shalt  }
0x82: {  	_ =	shalt  }
0x83: {  	_ =	shalt  }
0x84: {  	_ =	shalt  }
0x85: {  	_ =	shalt  }
0x86: {  	_ =	shalt  }
0x87: {  	_ =	shalt  }
.Lfunc_end0:
.L_simem_size_0:
called_computation.2_lowered:
.L_overlay_start_0:
0x88: {  	s2 =	sld [smem:$0x3FD9]  }
0x89: {  	s3 =	sld [smem:$0x3FFE];
	_ =	sdelay $0x1  }
0x8a: {  	s1 =	srdreg.scid  }
0x8b: {  	s0 =	sand.u32 $0x1, s1  }
0x8c: {  	s16 =	sshll.u32 s0, $0xA;
	s2 =	sadd.s32 s3, s2  }
0x8d: {  	s2 =	sadd.s32 s2, s16  }
0x8e: {  	[smem:$0x3FBE] =	sst s2  }
0x8f: {  	_ = 	snop  }
0x90: {  	(tm) =	ssettm $0x1  }
0x91: {  	s17 =	sld [smem:$0x3FFB];
	_ =	sdelay $0x3  }
0x92: {  	_ =	strace s17  }
0x93: {  	s2 =	sld [smem:$0x3FFC];
	_ =	sdelay $0x3  }
0x94: {  	_ =	strace s2  }
0x95: {  	s2 =	sld [smem:$0x3FFD];
	_ =	sdelay $0x3  }
0x96: {  	_ =	strace s2  }
0x97: {  	_ =	strace $0x8FFFFFFF  }
0x98: {  	s18 =	sld [smem:$0x3FDB];
	_ =	sdelay $0x1  }
0x99: {  	s19 =	simm.s32 $_scs_section_size  }
0x9a: {  	s4 =	simm.s32 $_size__tile_overlayer_lowered;
	s5 =	simm.s32 $_tile_overlayer_lowered  }
0x9b: {  	s22 =	simm.s32 $0x1BFF;
	s21 =	sshll.u32 s5, $0x1;
	s2 =	sadd.s32 s19, s18  }
0x9c: {  	s6 =	simm.s32 $0x0;
	s20 =	sshll.u32 s4, $0x1;
	s4 =	sadd.s32 s21, s2  }
0x9d: {  	[timem:s6], [sflag:s22] =	dma.local [hbm:s4], s20  }
0x9e: {  	_ =	swait.ge [sflag:s22], s20  }
0x9f: {  	s3 =	ssub.s32 $0x0, s20;
	[sflag:s22] =	ssyncset.done $0x0  }
0xa0: {  	[sflag:s22] =	ssyncadd.s32 s3;
	_ =	sdelay $0x1  }
0xa1: {  	s23 =	simm.s32 $0x1B8B  }
0xa2: {  	_ =	swait.ge [sflag:s23], $0x1  }
0xa3: {  	[sflag:s23] =	ssyncset.done $0x0  }
0xa4: {  	s25 =	simm.s32 $0x1B8E;
	s24 =	sld [smem:$0x3FFE];
	[sflag:s23] =	ssyncadd.s32 $0xFFFFFFFF  }
0xa5: {  	s26 =	simm.s32 $execute0_lowered;
	[smem:$0x3FD2] =	sst s25  }
0xa6: {  	s4 =	sshll.u32 s26, $0x1;
	_ =	strace $0x8000004C;
	[dreg:$0x1] =	wrdreg $0xFFFFFFFF  }
0xa7: {  	s28 =	simm.s32 $_size_execute0_lowered;
	s2 =	sadd.s32 s2, s4;
	[dreg:$0x0] =	wrdreg $0x0  }
0xa8: {  	s4 =	sshll.u32 s28, $0x1;
	[dreg:$0x2] =	wrdreg s2  }
0xa9: {  	[dreg:$0x3] =	wrdreg s4  }
0xaa: {  	[dreg:$0x4] =	wrdreg $0xC0  }
0xab: {  	_ =	task [dreg:s6], $0x5FFFF  }
0xac: {  	[dreg:$0x1] =	wrdreg $0xFFFFFFFF  }
0xad: {  	[dreg:$0x0] =	wrdreg $0x60  }
0xae: {  	[dreg:$0x2] =	wrdreg s24  }
0xaf: {  	[dreg:$0x3] =	wrdreg $0xE0800  }
0xb0: {  	[dreg:$0x4] =	wrdreg $0x9  }
0xb1: {  	_ =	task.clear_ibuf [dreg:s6], $0x5FFFF;
	_ =	strace $0x9000004C  }
0xb2: {  	s29 =	simm.s32 $0x9;
	_ =	strace $0x8000004E  }
0xb3: {  	_ =	swait.ge [sflag:s29], $0x1  }
0xb4: {  	[sflag:s29] =	ssyncadd.s32 $0xFFFFFFFF  }
0xb5: {  	_ =	strace $0x9000004E  }
0xb6: {  	_ =	sfence  }
0xb7: {  	s30 =	sld [smem:$0x0];
	_ =	sdelay $0x2  }
0xb8: {  	s31 =	sshll.u32 s1, $0xD;
	s1 =	sshrl.u32 s1, $0x2  }
0xb9: {  	s3 =	sand.u32 $0x4000, s31;
	s1 =	sadd.s32 s1, s30  }
0xba: {  	s0 =	sor.u32 s3, s0;
	s1 =	sshll.u32 s1, $0x11  }
0xbb: {  	s0 =	sor.u32 s1, s0  }
0xbc: {  	s0 =	sadd.s32 $0x8F2B, s0  }
0xbd: {  	[sflag:s0] =	ssyncadd.remote.s32 $0x1  }
0xbe: {  	_ =	sfence.sel $0xFFFF  }
0xbf: {  	[dreg:$0x0] =	wrdreg $0xFFFFFFFF;
	(pc) =	sbr.abs _section_cstart, $3  }
0xc0: {  	[dreg:$0x1] =	wrdreg $0xFFFFFFFF  }
0xc1: {  	_ =	task.clear_ibuf [dreg:s6], $0x2FFFF;
	_ =	strace $0x9FFFFFFF  }
0xc2: {  	(tm) =	ssettm $0x7FFFFFFF  }
0xc3: {  	_ =	shalt  }
tec
execute0_lowered:
.L_overlay_start_1:
0x0: {  	(tag) =	ssettag $0x1  }
0x1: {  	s0 =	rddreg [dreg:$0x0]  }
0x2: {  	s1 =	rddreg [dreg:$0x1];
	s2 =	simm.s32 $0x0;
	s3 =	srdreg.scid  }
0x3: {  	s28 =	simm.s32 $0x80;
	s29 =	simm.s32 $0x1;
	s30 =	simm.s32 $0x0  }
0x4: {  	[smem:$0x7FF] =	sst s2;
	s4 =	sadd.s32 $0x64C00, s0;
	s5 =	sand.u32 $0x1, s3  }
0x5: {  	s7 =	sadd.s32 $0x50C00, s0;
	s8 =	sadd.s32 $0x400, s0;
	s11 =	sadd.s32 $0x104C00, s0  }
0x6: {  	s3 =	stileid.u32;
	s13 =	sadd.s32 $0x12CC00, s0;
	s15 =	sadd.s32 $0x154C00, s0  }
0x7: {  	s14 =	sadd.s32 $0xB4C00, s0;
	s17 =	sadd.s32 $0x17CC00, s0;
	s10 =	smul.u32 $0xA00, s3  }
0x8: {  	s16 =	sadd.s32 $0xDCC00, s0;
	_ =	strace $0x8000004D;
	s20 =	smul.u32 $0x28000, s3  }
0x9: {  	s6 =	ssub.s32 $0x2, s5;
	p0 =	seq.s32 s5, $0x1;
	s5 =	smul.u32 $0x1400, s3  }
0xa: {  	s21 =	sshll.u32 s3, $0x4;
	s25 =	smul.u32 $0x5000, s3;
	s9 =	sshrl.u32 s6, $0x1  }
0xb: {  	s18 =	smul.u32 $0xA000, s3;
	s24 =	ssub.s32 s6, s9;
	s12 =	sadd.s32 s7, s10  }
0xc: {  	s6 =	sadd.s32 s0, s21;
	s10 =	sadd.s32 s8, s10;
	[dreg:$0x3] =	wrdreg s12  }
0xd: {  	s9 =	sshrl.u32 s20, $0x2;
	s22 =	sadd.s32 s4, s5;
	[dreg:$0x4] =	wrdreg s10  }
0xe: {  	s23 =	sadd.s32 s11, s5;
	s31 =	sshrl.u32 s18, $0x3;
	[dreg:$0x5] =	wrdreg s22  }
.Ltmp0:
0xf: {  	s9 =	sadd.s32 s9, s1;
	[dreg:$0x6] =	wrdreg s23;
	(pc) =	sbr.rel .LBB2_1-.Ltmp0, $4  }
0x10: {  	s12 =	sadd.s32 $0x8CC00, s0;
	s10 =	sshrl.u32 s25, $0x3;
	s18 =	sadd.s32 $0x100, s6  }
0x11: {  	s20 =	sadd.s32 $0x14000, s31;
	s24 =	smax.u32 s24, $0x1;
	s25 =	simm.s32 $0xE000  }
0x12: {  	s26 =	sadd.s32 $0xA000, s10;
	s22 =	sadd.s32 s4, s20;
	s23 =	sadd.s32 s11, s20  }
0x13: {  	s19 =	sadd.s32 s7, s26;
	s21 =	sadd.s32 s8, s26;
	s26 =	simm.s32 $0x2  }
.LBB2_15:
0x14: {  	s0 =	smov.u32 s5  }
.LBB2_36:
0x15: {  	[bflag:$0x0] =	sbarrier.arrive $0xFFFF  }
0x16: {  	s0 =	sadd.s32 s0, s17;
	s7 =	sshrl.u32 s9, $0x3;
	s30 =	sadd.s32 $0x1, s30  }
0x17: {  	[hbm:s0], [sflag:s31] =	dma.local [spmem:s7], $0x1400  }
0x18: {  	p1 =	sne.s32 s30, s24  }
.Ltmp1:
0x19: {  	_ =	swait.ge [sflag:s26], $0x1400;
	(pc) =	sbr.rel @!p1 .LBB2_37-.Ltmp1, $3  }
0x1a: {  	[sflag:s26] =	ssyncset.done $0x0  }
0x1b: {  	[sflag:s26] =	ssyncadd.s32 $0xFFFFEC00  }
0x1c: {  	[bflag:$0x0] =	sbarrier.arrive $0xFFFF;
	_ =	sdelay $0x1  }
.LBB2_1:
.Ltmp2:
0x1d: {  	(pc) =	sbr.rel @!p0 .LBB2_2-.Ltmp2, $1  }
0x1e: {  	_ =	sdelay $0x3  }
0x1f: {  	[tilespmem:s25], [sflag:$0x2] =	stream.linear.gather [hbm4b:s18+s2], $0x80, $0x38;
	[tilespmem:$0x180C0] =	vst v63  }
0x20: {  	_ =	swait.ge [sflag:s26], $0x80  }
0x21: {  	[sflag:s26] =	ssyncset.done $0x0  }
0x22: {  	s8 =	simm.s32 $0x4000;
	[sflag:s26] =	ssyncadd.s32 $0xFFFFFF80  }
0x23: {  	[tilespmem:s8], [sflag:$0x2] =	stream.linear.gather [hbm4b:s19+s2], $0x4E80, $0x38;
	[tilespmem:$0x180C0] =	vst v63  }
0x24: {  	_ =	swait.ge [sflag:s26], $0x4E80  }
0x25: {  	[sflag:s26] =	ssyncset.done $0x0  }
0x26: {  	s10 =	simm.s32 $0x9000;
	[sflag:s26] =	ssyncadd.s32 $0xFFFFB180  }
0x27: {  	[tilespmem:s10], [sflag:$0x2] =	stream.linear.gather [hbm4b:s21+s2], $0x4E80, $0x38;
	[tilespmem:$0x180C0] =	vst v63  }
0x28: {  	_ =	swait.ge [sflag:s26], $0x4E80  }
0x29: {  	[sflag:s26] =	ssyncset.done $0x0  }
0x2a: {  	[sflag:s26] =	ssyncadd.s32 $0xFFFFB180  }
0x2b: {  	v0 =	vld [tilespmem:$0xE000];
	_ =	sdelay $0x4  }
0x2c: {  	(v2sf) =	vpush v0, $0x0;
	_ =	sdelay $0xd  }
0x2d: {  	s7 =	sshll.u32 s3, $0x6  }
0x2e: {  	s31 =	sor.u32 $0x1C02, s7;
	s7 =	sshrl.u32 s9, $0x3;
	s0 =	spop (v2sf)  }
0x2f: {  	[spmem:s7], [sflag:s31] =	dma.local [hbm:s22], $0x1400  }
0x30: {  	p1 =	slt.s32 s0, $0x1  }
.Ltmp3:
0x31: {  	_ =	swait.ge [sflag:s26], $0x1400;
	(pc) =	sbr.rel @p1 .LBB2_23-.Ltmp3, $3  }
0x32: {  	[sflag:s26] =	ssyncset.done $0x0  }
0x33: {  	[sflag:s26] =	ssyncadd.s32 $0xFFFFEC00  }
0x34: {  	[bflag:$0x0] =	sbarrier.arrive $0xFFFF;
	_ =	sdelay $0x1  }
0x35: {  	[tilespmem:s2], [sflag:$0x1] =	stream.indirect.gather [hbm4b:s4+s28], $0x80, s8, s28, $0xb8;
	[tilespmem:$0x180C0] =	vst v63  }
0x36: {  	p2 =	sne.s32 s0, $0x1;
	_ =	swait.ge [sflag:s29], $0x4000  }
.Ltmp4:
0x37: {  	[sflag:s29] =	ssyncset.done $0x0;
	(pc) =	sbr.rel @!p2 .LBB2_22-.Ltmp4, $4  }
0x38: {  	[sflag:s29] =	ssyncadd.s32 $0xFFFFC000  }
0x39: {  	[spmem:s1] =	stream.indirect.scatter.add.f32 [tilespmem:s2], [sflag:$0x2], $0x80, s10, s28, $0xb8;
	[tilespmem:$0x180C0] =	vst v63  }
0x3a: {  	_ =	swait.ge [sflag:s26], $0x4000  }
0x3b: {  	s11 =	sadd.s32 $0xFFFFFFFF, s0;
	[sflag:s26] =	ssyncset.done $0x0  }
.LBB2_21:
0x3c: {  	[sflag:s26] =	ssyncadd.s32 $0xFFFFC000;
	s8 =	sadd.s32 $0x80, s8;
	s10 =	sadd.s32 $0x80, s10  }
0x3d: {  	[tilespmem:s2], [sflag:$0x1] =	stream.indirect.gather [hbm4b:s4+s28], $0x80, s8, s28, $0xb8;
	[tilespmem:$0x180C0] =	vst v63  }
0x3e: {  	p2 =	sne.s32 s11, $0x1;
	s11 =	sadd.s32 $0xFFFFFFFF, s11;
	_ =	swait.ge [sflag:s29], $0x4000  }
.Ltmp5:
0x3f: {  	[sflag:s29] =	ssyncset.done $0x0;
	(pc) =	sbr.rel @p2 .LBB2_21-.Ltmp5, $4  }
0x40: {  	[sflag:s29] =	ssyncadd.s32 $0xFFFFC000  }
0x41: {  	[spmem:s1] =	stream.indirect.scatter.add.f32 [tilespmem:s2], [sflag:$0x2], $0x80, s10, s28, $0xb8;
	[tilespmem:$0x180C0] =	vst v63  }
0x42: {  	_ =	swait.ge [sflag:s26], $0x4000  }
0x43: {  	[sflag:s26] =	ssyncset.done $0x0  }
.LBB2_22:
0x44: {  	[sflag:s26] =	ssyncadd.s32 $0xFFFFC000  }
.LBB2_23:
0x45: {  	[bflag:$0x0] =	sbarrier.arrive $0xFFFF  }
0x46: {  	[hbm:s23], [sflag:s31] =	dma.local [spmem:s7], $0x1400  }
0x47: {  	_ =	swait.ge [sflag:s26], $0x1400  }
0x48: {  	[sflag:s26] =	ssyncset.done $0x0  }
0x49: {  	[sflag:s26] =	ssyncadd.s32 $0xFFFFEC00  }
0x4a: {  	s8 =	sadd.s32 s20, s12;
	[bflag:$0x0] =	sbarrier.arrive $0xFFFF  }
0x4b: {  	[spmem:s7], [sflag:s31] =	dma.local [hbm:s8], $0x1400  }
.Ltmp6:
0x4c: {  	_ =	swait.ge [sflag:s26], $0x1400;
	(pc) =	sbr.rel @p1 .LBB2_27-.Ltmp6, $3  }
0x4d: {  	[sflag:s26] =	ssyncset.done $0x0  }
0x4e: {  	[sflag:s26] =	ssyncadd.s32 $0xFFFFEC00  }
0x4f: {  	[bflag:$0x0] =	sbarrier.arrive $0xFFFF;
	_ =	sdelay $0x1  }
0x50: {  	s8 =	simm.s32 $0x4000  }
0x51: {  	[tilespmem:s2], [sflag:$0x1] =	stream.indirect.gather [hbm4b:s12+s28], $0x80, s8, s28, $0xb8;
	[tilespmem:$0x180C0] =	vst v63  }
0x52: {  	p2 =	sne.s32 s0, $0x1;
	_ =	swait.ge [sflag:s29], $0x4000  }
.Ltmp7:
0x53: {  	[sflag:s29] =	ssyncset.done $0x0;
	(pc) =	sbr.rel @!p2 .LBB2_26-.Ltmp7, $4  }
0x54: {  	s10 =	simm.s32 $0x9000;
	[sflag:s29] =	ssyncadd.s32 $0xFFFFC000  }
0x55: {  	[spmem:s1] =	stream.indirect.scatter.add.f32 [tilespmem:s2], [sflag:$0x2], $0x80, s10, s28, $0xb8;
	[tilespmem:$0x180C0] =	vst v63  }
0x56: {  	_ =	swait.ge [sflag:s26], $0x4000  }
0x57: {  	s11 =	sadd.s32 $0xFFFFFFFF, s0;
	[sflag:s26] =	ssyncset.done $0x0  }
.LBB2_25:
0x58: {  	[sflag:s26] =	ssyncadd.s32 $0xFFFFC000;
	s8 =	sadd.s32 $0x80, s8;
	s10 =	sadd.s32 $0x80, s10  }
0x59: {  	[tilespmem:s2], [sflag:$0x1] =	stream.indirect.gather [hbm4b:s12+s28], $0x80, s8, s28, $0xb8;
	[tilespmem:$0x180C0] =	vst v63  }
0x5a: {  	p2 =	sne.s32 s11, $0x1;
	s11 =	sadd.s32 $0xFFFFFFFF, s11;
	_ =	swait.ge [sflag:s29], $0x4000  }
.Ltmp8:
0x5b: {  	[sflag:s29] =	ssyncset.done $0x0;
	(pc) =	sbr.rel @p2 .LBB2_25-.Ltmp8, $4  }
0x5c: {  	[sflag:s29] =	ssyncadd.s32 $0xFFFFC000  }
0x5d: {  	[spmem:s1] =	stream.indirect.scatter.add.f32 [tilespmem:s2], [sflag:$0x2], $0x80, s10, s28, $0xb8;
	[tilespmem:$0x180C0] =	vst v63  }
0x5e: {  	_ =	swait.ge [sflag:s26], $0x4000  }
0x5f: {  	[sflag:s26] =	ssyncset.done $0x0  }
.LBB2_26:
0x60: {  	[sflag:s26] =	ssyncadd.s32 $0xFFFFC000  }
.LBB2_27:
0x61: {  	[bflag:$0x0] =	sbarrier.arrive $0xFFFF;
	s8 =	sadd.s32 s20, s13  }
0x62: {  	[hbm:s8], [sflag:s31] =	dma.local [spmem:s7], $0x1400  }
0x63: {  	_ =	swait.ge [sflag:s26], $0x1400  }
0x64: {  	[sflag:s26] =	ssyncset.done $0x0  }
0x65: {  	[sflag:s26] =	ssyncadd.s32 $0xFFFFEC00  }
0x66: {  	s11 =	sadd.s32 s20, s14;
	[bflag:$0x0] =	sbarrier.arrive $0xFFFF  }
0x67: {  	[spmem:s7], [sflag:s31] =	dma.local [hbm:s11], $0x1400  }
.Ltmp9:
0x68: {  	_ =	swait.ge [sflag:s26], $0x1400;
	(pc) =	sbr.rel @p1 .LBB2_31-.Ltmp9, $3  }
0x69: {  	[sflag:s26] =	ssyncset.done $0x0  }
0x6a: {  	[sflag:s26] =	ssyncadd.s32 $0xFFFFEC00  }
0x6b: {  	[bflag:$0x0] =	sbarrier.arrive $0xFFFF;
	_ =	sdelay $0x1  }
0x6c: {  	s8 =	simm.s32 $0x4000  }
0x6d: {  	[tilespmem:s2], [sflag:$0x1] =	stream.indirect.gather [hbm4b:s14+s28], $0x80, s8, s28, $0xb8;
	[tilespmem:$0x180C0] =	vst v63  }
0x6e: {  	p2 =	sne.s32 s0, $0x1;
	_ =	swait.ge [sflag:s29], $0x4000  }
.Ltmp10:
0x6f: {  	[sflag:s29] =	ssyncset.done $0x0;
	(pc) =	sbr.rel @!p2 .LBB2_30-.Ltmp10, $4  }
0x70: {  	s10 =	simm.s32 $0x9000;
	[sflag:s29] =	ssyncadd.s32 $0xFFFFC000  }
0x71: {  	[spmem:s1] =	stream.indirect.scatter.add.f32 [tilespmem:s2], [sflag:$0x2], $0x80, s10, s28, $0xb8;
	[tilespmem:$0x180C0] =	vst v63  }
0x72: {  	_ =	swait.ge [sflag:s26], $0x4000  }
0x73: {  	s11 =	sadd.s32 $0xFFFFFFFF, s0;
	[sflag:s26] =	ssyncset.done $0x0  }
.LBB2_29:
0x74: {  	[sflag:s26] =	ssyncadd.s32 $0xFFFFC000;
	s8 =	sadd.s32 $0x80, s8;
	s10 =	sadd.s32 $0x80, s10  }
0x75: {  	[tilespmem:s2], [sflag:$0x1] =	stream.indirect.gather [hbm4b:s14+s28], $0x80, s8, s28, $0xb8;
	[tilespmem:$0x180C0] =	vst v63  }
0x76: {  	p2 =	sne.s32 s11, $0x1;
	s11 =	sadd.s32 $0xFFFFFFFF, s11;
	_ =	swait.ge [sflag:s29], $0x4000  }
.Ltmp11:
0x77: {  	[sflag:s29] =	ssyncset.done $0x0;
	(pc) =	sbr.rel @p2 .LBB2_29-.Ltmp11, $4  }
0x78: {  	[sflag:s29] =	ssyncadd.s32 $0xFFFFC000  }
0x79: {  	[spmem:s1] =	stream.indirect.scatter.add.f32 [tilespmem:s2], [sflag:$0x2], $0x80, s10, s28, $0xb8;
	[tilespmem:$0x180C0] =	vst v63  }
0x7a: {  	_ =	swait.ge [sflag:s26], $0x4000  }
0x7b: {  	[sflag:s26] =	ssyncset.done $0x0  }
.LBB2_30:
0x7c: {  	[sflag:s26] =	ssyncadd.s32 $0xFFFFC000  }
.LBB2_31:
0x7d: {  	[bflag:$0x0] =	sbarrier.arrive $0xFFFF;
	s8 =	sadd.s32 s20, s15  }
0x7e: {  	[hbm:s8], [sflag:s31] =	dma.local [spmem:s7], $0x1400  }
0x7f: {  	_ =	swait.ge [sflag:s26], $0x1400  }
0x80: {  	[sflag:s26] =	ssyncset.done $0x0  }
0x81: {  	[sflag:s26] =	ssyncadd.s32 $0xFFFFEC00  }
0x82: {  	s11 =	sadd.s32 s20, s16;
	[bflag:$0x0] =	sbarrier.arrive $0xFFFF  }
0x83: {  	[spmem:s7], [sflag:s31] =	dma.local [hbm:s11], $0x1400  }
.Ltmp12:
0x84: {  	_ =	swait.ge [sflag:s26], $0x1400;
	(pc) =	sbr.rel @p1 .LBB2_32-.Ltmp12, $3  }
0x85: {  	[sflag:s26] =	ssyncset.done $0x0  }
0x86: {  	[sflag:s26] =	ssyncadd.s32 $0xFFFFEC00  }
0x87: {  	[bflag:$0x0] =	sbarrier.arrive $0xFFFF;
	_ =	sdelay $0x1  }
0x88: {  	s7 =	simm.s32 $0x4000  }
0x89: {  	[tilespmem:s2], [sflag:$0x1] =	stream.indirect.gather [hbm4b:s16+s28], $0x80, s7, s28, $0xb8;
	[tilespmem:$0x180C0] =	vst v63  }
0x8a: {  	p1 =	sne.s32 s0, $0x1;
	_ =	swait.ge [sflag:s29], $0x4000  }
.Ltmp13:
0x8b: {  	[sflag:s29] =	ssyncset.done $0x0;
	(pc) =	sbr.rel @!p1 .LBB2_35-.Ltmp13, $4  }
0x8c: {  	s8 =	simm.s32 $0x9000;
	[sflag:s29] =	ssyncadd.s32 $0xFFFFC000  }
0x8d: {  	[spmem:s1] =	stream.indirect.scatter.add.f32 [tilespmem:s2], [sflag:$0x2], $0x80, s8, s28, $0xb8;
	[tilespmem:$0x180C0] =	vst v63  }
0x8e: {  	_ =	swait.ge [sflag:s26], $0x4000  }
0x8f: {  	s0 =	sadd.s32 $0xFFFFFFFF, s0;
	[sflag:s26] =	ssyncset.done $0x0  }
.LBB2_34:
0x90: {  	[sflag:s26] =	ssyncadd.s32 $0xFFFFC000;
	s7 =	sadd.s32 $0x80, s7;
	s8 =	sadd.s32 $0x80, s8  }
0x91: {  	[tilespmem:s2], [sflag:$0x1] =	stream.indirect.gather [hbm4b:s16+s28], $0x80, s7, s28, $0xb8;
	[tilespmem:$0x180C0] =	vst v63  }
0x92: {  	p1 =	sne.s32 s0, $0x1;
	s0 =	sadd.s32 $0xFFFFFFFF, s0;
	_ =	swait.ge [sflag:s29], $0x4000  }
.Ltmp14:
0x93: {  	[sflag:s29] =	ssyncset.done $0x0;
	(pc) =	sbr.rel @p1 .LBB2_34-.Ltmp14, $4  }
0x94: {  	[sflag:s29] =	ssyncadd.s32 $0xFFFFC000  }
0x95: {  	[spmem:s1] =	stream.indirect.scatter.add.f32 [tilespmem:s2], [sflag:$0x2], $0x80, s8, s28, $0xb8;
	[tilespmem:$0x180C0] =	vst v63  }
0x96: {  	_ =	swait.ge [sflag:s26], $0x4000  }
0x97: {  	[sflag:s26] =	ssyncset.done $0x0  }
.LBB2_35:
.Ltmp15:
0x98: {  	(pc) =	sbr.rel .LBB2_36-.Ltmp15, $2  }
0x99: {  	_ =	sdelay $0x2  }
0x9a: {  	[sflag:s26] =	ssyncadd.s32 $0xFFFFC000;
	s0 =	smov.u32 s20  }
.LBB2_2:
0x9b: {  	[tilespmem:s25], [sflag:$0x2] =	stream.linear.gather [hbm4b:s6+s2], $0x80, $0x38;
	[tilespmem:$0x180C0] =	vst v63  }
0x9c: {  	_ =	swait.ge [sflag:s26], $0x80  }
0x9d: {  	[sflag:s26] =	ssyncset.done $0x0  }
0x9e: {  	s8 =	simm.s32 $0x4000;
	s0 =	rddreg [dreg:$0x3];
	[sflag:s26] =	ssyncadd.s32 $0xFFFFFF80  }
0x9f: {  	[tilespmem:s8], [sflag:$0x2] =	stream.linear.gather [hbm4b:s0+s2], $0x4E80, $0x38;
	[tilespmem:$0x180C0] =	vst v63  }
0xa0: {  	_ =	swait.ge [sflag:s26], $0x4E80  }
0xa1: {  	[sflag:s26] =	ssyncset.done $0x0  }
0xa2: {  	s10 =	simm.s32 $0x9000;
	s11 =	rddreg [dreg:$0x4];
	[sflag:s26] =	ssyncadd.s32 $0xFFFFB180  }
0xa3: {  	[tilespmem:s10], [sflag:$0x2] =	stream.linear.gather [hbm4b:s11+s2], $0x4E80, $0x38;
	[tilespmem:$0x180C0] =	vst v63  }
0xa4: {  	_ =	swait.ge [sflag:s26], $0x4E80  }
0xa5: {  	[sflag:s26] =	ssyncset.done $0x0  }
0xa6: {  	[sflag:s26] =	ssyncadd.s32 $0xFFFFB180  }
0xa7: {  	v0 =	vld [tilespmem:$0xE000];
	_ =	sdelay $0x4  }
0xa8: {  	(v2sf) =	vpush v0, $0x0;
	_ =	sdelay $0xc  }
0xa9: {  	s7 =	sshll.u32 s3, $0x6  }
0xaa: {  	s31 =	sor.u32 $0x1C02, s7  }
0xab: {  	s7 =	sshrl.u32 s9, $0x3;
	s11 =	rddreg [dreg:$0x5];
	s0 =	spop (v2sf)  }
0xac: {  	[spmem:s7], [sflag:s31] =	dma.local [hbm:s11], $0x1400  }
0xad: {  	p1 =	slt.s32 s0, $0x1  }
.Ltmp16:
0xae: {  	_ =	swait.ge [sflag:s26], $0x1400;
	(pc) =	sbr.rel @p1 .LBB2_6-.Ltmp16, $3  }
0xaf: {  	[sflag:s26] =	ssyncset.done $0x0  }
0xb0: {  	[sflag:s26] =	ssyncadd.s32 $0xFFFFEC00  }
0xb1: {  	[bflag:$0x0] =	sbarrier.arrive $0xFFFF;
	_ =	sdelay $0x1  }
0xb2: {  	[tilespmem:s2], [sflag:$0x1] =	stream.indirect.gather [hbm4b:s4+s28], $0x80, s8, s28, $0xb8;
	[tilespmem:$0x180C0] =	vst v63  }
0xb3: {  	p2 =	sne.s32 s0, $0x1;
	_ =	swait.ge [sflag:s29], $0x4000  }
.Ltmp17:
0xb4: {  	[sflag:s29] =	ssyncset.done $0x0;
	(pc) =	sbr.rel @!p2 .LBB2_5-.Ltmp17, $4  }
0xb5: {  	[sflag:s29] =	ssyncadd.s32 $0xFFFFC000  }
0xb6: {  	[spmem:s1] =	stream.indirect.scatter.add.f32 [tilespmem:s2], [sflag:$0x2], $0x80, s10, s28, $0xb8;
	[tilespmem:$0x180C0] =	vst v63  }
0xb7: {  	_ =	swait.ge [sflag:s26], $0x4000  }
0xb8: {  	s11 =	sadd.s32 $0xFFFFFFFF, s0;
	[sflag:s26] =	ssyncset.done $0x0  }
.LBB2_4:
0xb9: {  	[sflag:s26] =	ssyncadd.s32 $0xFFFFC000;
	s8 =	sadd.s32 $0x80, s8;
	s10 =	sadd.s32 $0x80, s10  }
0xba: {  	[tilespmem:s2], [sflag:$0x1] =	stream.indirect.gather [hbm4b:s4+s28], $0x80, s8, s28, $0xb8;
	[tilespmem:$0x180C0] =	vst v63  }
0xbb: {  	p2 =	sne.s32 s11, $0x1;
	s11 =	sadd.s32 $0xFFFFFFFF, s11;
	_ =	swait.ge [sflag:s29], $0x4000  }
.Ltmp18:
0xbc: {  	[sflag:s29] =	ssyncset.done $0x0;
	(pc) =	sbr.rel @p2 .LBB2_4-.Ltmp18, $4  }
0xbd: {  	[sflag:s29] =	ssyncadd.s32 $0xFFFFC000  }
0xbe: {  	[spmem:s1] =	stream.indirect.scatter.add.f32 [tilespmem:s2], [sflag:$0x2], $0x80, s10, s28, $0xb8;
	[tilespmem:$0x180C0] =	vst v63  }
0xbf: {  	_ =	swait.ge [sflag:s26], $0x4000  }
0xc0: {  	[sflag:s26] =	ssyncset.done $0x0  }
.LBB2_5:
0xc1: {  	[sflag:s26] =	ssyncadd.s32 $0xFFFFC000  }
.LBB2_6:
0xc2: {  	[bflag:$0x0] =	sbarrier.arrive $0xFFFF  }
0xc3: {  	s8 =	rddreg [dreg:$0x6]  }
0xc4: {  	[hbm:s8], [sflag:s31] =	dma.local [spmem:s7], $0x1400  }
0xc5: {  	_ =	swait.ge [sflag:s26], $0x1400  }
0xc6: {  	[sflag:s26] =	ssyncset.done $0x0  }
0xc7: {  	[sflag:s26] =	ssyncadd.s32 $0xFFFFEC00  }
0xc8: {  	s11 =	sadd.s32 s5, s12;
	[bflag:$0x0] =	sbarrier.arrive $0xFFFF  }
0xc9: {  	[spmem:s7], [sflag:s31] =	dma.local [hbm:s11], $0x1400  }
.Ltmp19:
0xca: {  	_ =	swait.ge [sflag:s26], $0x1400;
	(pc) =	sbr.rel @p1 .LBB2_10-.Ltmp19, $3  }
0xcb: {  	[sflag:s26] =	ssyncset.done $0x0  }
0xcc: {  	[sflag:s26] =	ssyncadd.s32 $0xFFFFEC00  }
0xcd: {  	[bflag:$0x0] =	sbarrier.arrive $0xFFFF;
	_ =	sdelay $0x1  }
0xce: {  	s8 =	simm.s32 $0x4000  }
0xcf: {  	[tilespmem:s2], [sflag:$0x1] =	stream.indirect.gather [hbm4b:s12+s28], $0x80, s8, s28, $0xb8;
	[tilespmem:$0x180C0] =	vst v63  }
0xd0: {  	p2 =	sne.s32 s0, $0x1;
	_ =	swait.ge [sflag:s29], $0x4000  }
.Ltmp20:
0xd1: {  	[sflag:s29] =	ssyncset.done $0x0;
	(pc) =	sbr.rel @!p2 .LBB2_9-.Ltmp20, $4  }
0xd2: {  	s10 =	simm.s32 $0x9000;
	[sflag:s29] =	ssyncadd.s32 $0xFFFFC000  }
0xd3: {  	[spmem:s1] =	stream.indirect.scatter.add.f32 [tilespmem:s2], [sflag:$0x2], $0x80, s10, s28, $0xb8;
	[tilespmem:$0x180C0] =	vst v63  }
0xd4: {  	_ =	swait.ge [sflag:s26], $0x4000  }
0xd5: {  	s11 =	sadd.s32 $0xFFFFFFFF, s0;
	[sflag:s26] =	ssyncset.done $0x0  }
.LBB2_8:
0xd6: {  	[sflag:s26] =	ssyncadd.s32 $0xFFFFC000;
	s8 =	sadd.s32 $0x80, s8;
	s10 =	sadd.s32 $0x80, s10  }
0xd7: {  	[tilespmem:s2], [sflag:$0x1] =	stream.indirect.gather [hbm4b:s12+s28], $0x80, s8, s28, $0xb8;
	[tilespmem:$0x180C0] =	vst v63  }
0xd8: {  	p2 =	sne.s32 s11, $0x1;
	s11 =	sadd.s32 $0xFFFFFFFF, s11;
	_ =	swait.ge [sflag:s29], $0x4000  }
.Ltmp21:
0xd9: {  	[sflag:s29] =	ssyncset.done $0x0;
	(pc) =	sbr.rel @p2 .LBB2_8-.Ltmp21, $4  }
0xda: {  	[sflag:s29] =	ssyncadd.s32 $0xFFFFC000  }
0xdb: {  	[spmem:s1] =	stream.indirect.scatter.add.f32 [tilespmem:s2], [sflag:$0x2], $0x80, s10, s28, $0xb8;
	[tilespmem:$0x180C0] =	vst v63  }
0xdc: {  	_ =	swait.ge [sflag:s26], $0x4000  }
0xdd: {  	[sflag:s26] =	ssyncset.done $0x0  }
.LBB2_9:
0xde: {  	[sflag:s26] =	ssyncadd.s32 $0xFFFFC000  }
.LBB2_10:
0xdf: {  	[bflag:$0x0] =	sbarrier.arrive $0xFFFF;
	s8 =	sadd.s32 s5, s13  }
0xe0: {  	[hbm:s8], [sflag:s31] =	dma.local [spmem:s7], $0x1400  }
0xe1: {  	_ =	swait.ge [sflag:s26], $0x1400  }
0xe2: {  	[sflag:s26] =	ssyncset.done $0x0  }
0xe3: {  	[sflag:s26] =	ssyncadd.s32 $0xFFFFEC00  }
0xe4: {  	s11 =	sadd.s32 s5, s14;
	[bflag:$0x0] =	sbarrier.arrive $0xFFFF  }
0xe5: {  	[spmem:s7], [sflag:s31] =	dma.local [hbm:s11], $0x1400  }
.Ltmp22:
0xe6: {  	_ =	swait.ge [sflag:s26], $0x1400;
	(pc) =	sbr.rel @p1 .LBB2_14-.Ltmp22, $3  }
0xe7: {  	[sflag:s26] =	ssyncset.done $0x0  }
0xe8: {  	[sflag:s26] =	ssyncadd.s32 $0xFFFFEC00  }
0xe9: {  	[bflag:$0x0] =	sbarrier.arrive $0xFFFF;
	_ =	sdelay $0x1  }
0xea: {  	s8 =	simm.s32 $0x4000  }
0xeb: {  	[tilespmem:s2], [sflag:$0x1] =	stream.indirect.gather [hbm4b:s14+s28], $0x80, s8, s28, $0xb8;
	[tilespmem:$0x180C0] =	vst v63  }
0xec: {  	p2 =	sne.s32 s0, $0x1;
	_ =	swait.ge [sflag:s29], $0x4000  }
.Ltmp23:
0xed: {  	[sflag:s29] =	ssyncset.done $0x0;
	(pc) =	sbr.rel @!p2 .LBB2_13-.Ltmp23, $4  }
0xee: {  	s10 =	simm.s32 $0x9000;
	[sflag:s29] =	ssyncadd.s32 $0xFFFFC000  }
0xef: {  	[spmem:s1] =	stream.indirect.scatter.add.f32 [tilespmem:s2], [sflag:$0x2], $0x80, s10, s28, $0xb8;
	[tilespmem:$0x180C0] =	vst v63  }
0xf0: {  	_ =	swait.ge [sflag:s26], $0x4000  }
0xf1: {  	s11 =	sadd.s32 $0xFFFFFFFF, s0;
	[sflag:s26] =	ssyncset.done $0x0  }
.LBB2_12:
0xf2: {  	[sflag:s26] =	ssyncadd.s32 $0xFFFFC000;
	s8 =	sadd.s32 $0x80, s8;
	s10 =	sadd.s32 $0x80, s10  }
0xf3: {  	[tilespmem:s2], [sflag:$0x1] =	stream.indirect.gather [hbm4b:s14+s28], $0x80, s8, s28, $0xb8;
	[tilespmem:$0x180C0] =	vst v63  }
0xf4: {  	p2 =	sne.s32 s11, $0x1;
	s11 =	sadd.s32 $0xFFFFFFFF, s11;
	_ =	swait.ge [sflag:s29], $0x4000  }
.Ltmp24:
0xf5: {  	[sflag:s29] =	ssyncset.done $0x0;
	(pc) =	sbr.rel @p2 .LBB2_12-.Ltmp24, $4  }
0xf6: {  	[sflag:s29] =	ssyncadd.s32 $0xFFFFC000  }
0xf7: {  	[spmem:s1] =	stream.indirect.scatter.add.f32 [tilespmem:s2], [sflag:$0x2], $0x80, s10, s28, $0xb8;
	[tilespmem:$0x180C0] =	vst v63  }
0xf8: {  	_ =	swait.ge [sflag:s26], $0x4000  }
0xf9: {  	[sflag:s26] =	ssyncset.done $0x0  }
.LBB2_13:
0xfa: {  	[sflag:s26] =	ssyncadd.s32 $0xFFFFC000  }
.LBB2_14:
0xfb: {  	[bflag:$0x0] =	sbarrier.arrive $0xFFFF;
	s8 =	sadd.s32 s5, s15  }
0xfc: {  	[hbm:s8], [sflag:s31] =	dma.local [spmem:s7], $0x1400  }
0xfd: {  	_ =	swait.ge [sflag:s26], $0x1400  }
0xfe: {  	[sflag:s26] =	ssyncset.done $0x0  }
0xff: {  	[sflag:s26] =	ssyncadd.s32 $0xFFFFEC00  }
0x100: {  	s11 =	sadd.s32 s5, s16;
	[bflag:$0x0] =	sbarrier.arrive $0xFFFF  }
0x101: {  	[spmem:s7], [sflag:s31] =	dma.local [hbm:s11], $0x1400  }
.Ltmp25:
0x102: {  	_ =	swait.ge [sflag:s26], $0x1400;
	(pc) =	sbr.rel @p1 .LBB2_15-.Ltmp25, $3  }
0x103: {  	[sflag:s26] =	ssyncset.done $0x0  }
0x104: {  	[sflag:s26] =	ssyncadd.s32 $0xFFFFEC00  }
0x105: {  	[bflag:$0x0] =	sbarrier.arrive $0xFFFF;
	_ =	sdelay $0x1  }
0x106: {  	s7 =	simm.s32 $0x4000  }
0x107: {  	[tilespmem:s2], [sflag:$0x1] =	stream.indirect.gather [hbm4b:s16+s28], $0x80, s7, s28, $0xb8;
	[tilespmem:$0x180C0] =	vst v63  }
0x108: {  	p1 =	seq.s32 s0, $0x1;
	_ =	swait.ge [sflag:s29], $0x4000  }
.Ltmp26:
0x109: {  	[sflag:s29] =	ssyncset.done $0x0;
	(pc) =	sbr.rel @p1 .LBB2_18-.Ltmp26, $4  }
0x10a: {  	s8 =	simm.s32 $0x9000;
	[sflag:s29] =	ssyncadd.s32 $0xFFFFC000  }
0x10b: {  	[spmem:s1] =	stream.indirect.scatter.add.f32 [tilespmem:s2], [sflag:$0x2], $0x80, s8, s28, $0xb8;
	[tilespmem:$0x180C0] =	vst v63  }
0x10c: {  	_ =	swait.ge [sflag:s26], $0x4000  }
0x10d: {  	s0 =	sadd.s32 $0xFFFFFFFF, s0;
	[sflag:s26] =	ssyncset.done $0x0  }
.LBB2_17:
0x10e: {  	[sflag:s26] =	ssyncadd.s32 $0xFFFFC000;
	s7 =	sadd.s32 $0x80, s7;
	s8 =	sadd.s32 $0x80, s8  }
0x10f: {  	[tilespmem:s2], [sflag:$0x1] =	stream.indirect.gather [hbm4b:s16+s28], $0x80, s7, s28, $0xb8;
	[tilespmem:$0x180C0] =	vst v63  }
0x110: {  	p1 =	seq.s32 s0, $0x1;
	s0 =	sadd.s32 $0xFFFFFFFF, s0;
	_ =	swait.ge [sflag:s29], $0x4000  }
.Ltmp27:
0x111: {  	[sflag:s29] =	ssyncset.done $0x0;
	(pc) =	sbr.rel @!p1 .LBB2_17-.Ltmp27, $4  }
0x112: {  	[sflag:s29] =	ssyncadd.s32 $0xFFFFC000  }
0x113: {  	[spmem:s1] =	stream.indirect.scatter.add.f32 [tilespmem:s2], [sflag:$0x2], $0x80, s8, s28, $0xb8;
	[tilespmem:$0x180C0] =	vst v63  }
0x114: {  	_ =	swait.ge [sflag:s26], $0x4000  }
0x115: {  	[sflag:s26] =	ssyncset.done $0x0  }
.LBB2_18:
.Ltmp28:
0x116: {  	(pc) =	sbr.rel .LBB2_36-.Ltmp28, $2  }
0x117: {  	_ =	sdelay $0x2  }
0x118: {  	[sflag:s26] =	ssyncadd.s32 $0xFFFFC000;
	s0 =	smov.u32 s5  }
.LBB2_32:
.Ltmp29:
0x119: {  	(pc) =	sbr.rel .LBB2_36-.Ltmp29, $2  }
0x11a: {  	_ =	sdelay $0x2  }
0x11b: {  	s0 =	smov.u32 s20  }
.LBB2_37:
0x11c: {  	_ =	sfence.sel $0x180000  }
0x11d: {  	[bflag:$0x0] =	sbarrier.arrive $0xFFFF  }
0x11e: {  	_ =	strace $0x9000004D  }
0x11f: {  	[bflag:$0x2] =	sbarrier.arrive $0xFFFF  }
0x120: {  	p0 =	sne.s32 s3, $0x0;
	s0 =	rddreg [dreg:$0x2]  }
0x121: {  	s0 =	sadd.s32 @!p0 $0x100000, s0  }
0x122: {  	[sflag:s0] =	ssyncadd.tile.s32 @!p0 $0x1;
	_ =	shalt  }
.Lfunc_end2:
_tile_overlayer_lowered:
.L_overlay_start_2:
0x123: {  	(tag) =	ssettag $0x2  }
0x124: {  	s0 =	rddreg [dreg:$0x0];
	s2 =	stileid.u32  }
0x125: {  	s1 =	rddreg [dreg:$0x1];
	p0 =	sne.s32 s2, $0x0  }
0x126: {  	s3 =	rddreg [dreg:$0x2];
	[bflag:$0x3] =	sbarrier.arrive $0xFFFF;
	s2 =	simm.s32 @!p0 $0x1C02  }
0x127: {  	[timem:s3], [sflag:s2] =	dma.local @!p0 [hbm:s0], s1  }
0x128: {  	s0 =	simm.s32 @!p0 $0x2  }
0x129: {  	_ =	swait.ge @!p0 [sflag:s0], s1  }
0x12a: {  	s1 =	ssub.s32 @!p0 $0x0, s1;
	[sflag:s0] =	ssyncset.done @!p0 $0x0  }
0x12b: {  	[sflag:s0] =	ssyncadd.s32 @!p0 s1  }
0x12c: {  	[bflag:$0x3] =	sbarrier.arrive $0xFFFF  }
0x12d: {  	_ =	shalt  }

// kernel: kernel.8.cloned.1.call-start
scs
__scs_entry_jumppad:
0x0: {  	(pc) =	sbr.rel $0x88, $3  }
0x1: {  	(tag) =	ssettag $0x0;
	lr =	simm.s32 $0x1  }
0x2: {  	[smem:$0x3F97] =	sst lr;
	_ =	strace $0xD0000000  }
0x3: {  	_ = 	snop  }
0x4: {  	_ = 	snop  }
0x5: {  	_ = 	snop  }
0x6: {  	_ = 	snop  }
0x7: {  	_ = 	snop  }
__scs_overlays_trampoline_lowered:
0x8: {  	[smem:$0x3FA6] =	sst s0  }
0x9: {  	[smem:$0x3FA7] =	sst s1  }
0xa: {  	[smem:$0x3FA8] =	sst s2  }
0xb: {  	[smem:$0x3FA9] =	sst s3  }
0xc: {  	[smem:$0x3FAA] =	sst s4  }
0xd: {  	[smem:$0x3FAB] =	sst s5  }
0xe: {  	[smem:$0x3FAC] =	sst s6  }
0xf: {  	[smem:$0x3FAD] =	sst s7  }
0x10: {  	[smem:$0x3FAE] =	sst s8  }
0x11: {  	[smem:$0x3FAF] =	sst s9;
	s0 =	simm.s32 @!p0 $0x0  }
0x12: {  	s1 =	sld [smem:$0x3F95];
	s0 =	simm.s32 @p0 $0x1  }
0x13: {  	[smem:$0x3FB0] =	sst s0;
	s0 =	simm.s32 @!p1 $0x0  }
0x14: {  	s2 =	sld [smem:$0x3F94];
	s0 =	simm.s32 @p1 $0x1  }
0x15: {  	[smem:$0x3FB1] =	sst s0;
	s0 =	simm.s32 @!p2 $0x0  }
0x16: {  	s3 =	sld [smem:$0x3FDB];
	s0 =	simm.s32 @p2 $0x1  }
0x17: {  	s4 =	simm.s32 $0x1BF5;
	[smem:$0x3FB3] =	sst s0  }
0x18: {  	s0 =	sld [smem:$0x3F96];
	_ =	swait.ge [sflag:s4], $0x0  }
0x19: {  	s7 =	sld [smem:$0x3F97]  }
0x1a: {  	s8 =	sadd.s32 $0xFFFFE003, lr  }
0x1b: {  	s9 =	sadd.s32 $0xFFFFFEF7, lr;
	s5 =	simm.s32 $0xFFFFFFFF;
	p2 =	slt.u32 s8, $0xFFFFF086  }
0x1c: {  	p1 =	slt.u32 s9, $0xF7A;
	s5 =	simm.s32 @!p2 $0x0  }
0x1d: {  	s5 =	simm.s32 @p1 $0x1;
	p0 =	seq.s32 s7, s2  }
0x1e: {  	s7 =	smul.u32 @!p0 $0xF7A, s2;
	p2 =	seq.s32 @!p0 s5, $0x0  }
0x1f: {  	s9 =	smul.u32 $0xF7A, s1;
	s8 =	simm.s32 @!p0 $0x1BF5;
	p2 =	por !p2, p0  }
0x20: {  	[sflag:s8] =	ssyncset.s32 @!p0 $0xFFFFF086;
	s6 =	sadd.s32 @!p0 s3, s7;
	s7 =	simm.s32 @!p0 $0x108  }
0x21: {  	s3 =	sadd.s32 s3, s9;
	s6 =	sadd.s32 @!p0 $0x88, s6;
	s7 =	simm.s32 @p2 $0x1082  }
0x22: {  	[simem:s7], [sflag:s8] =	dma.local @!p0 [hbm:s6], $0xF7A  }
0x23: {  	s9 =	sor.u32 $0xD0000000, s2;
	s6 =	simm.s32 $0x108;
	_ =	swait.ge @!p0 [sflag:s8], $0x0  }
0x24: {  	s3 =	sadd.s32 $0x88, s3;
	s6 =	simm.s32 @!p1 $0x1082;
	[sflag:s4] =	ssyncset.s32 $0xFFFFF086  }
0x25: {  	[simem:s6], [sflag:s4] =	dma.local [hbm:s3], $0xF7A  }
0x26: {  	[smem:$0x3F97] =	sst s1;
	(tag) =	ssettag s2;
	_ =	strace s9  }
0x27: {  	s1 =	sld [smem:$0x3FA7]  }
0x28: {  	s2 =	sld [smem:$0x3FA8]  }
0x29: {  	s4 =	sld [smem:$0x3FAA]  }
0x2a: {  	p0 =	seq.s32 s5, $0x0;
	s5 =	sld [smem:$0x3FAB]  }
0x2b: {  	s6 =	sld [smem:$0x3FAC]  }
0x2c: {  	s7 =	sld [smem:$0x3FAD]  }
0x2d: {  	s3 =	simm.s32 $0x108;
	s8 =	sld [smem:$0x3FAE]  }
0x2e: {  	s3 =	simm.s32 @!p0 $0x1082;
	s9 =	sld [smem:$0x3FAF]  }
0x2f: {  	lr =	sadd.s32 s0, s3;
	s0 =	sld [smem:$0x3FA6]  }
0x30: {  	s3 =	sld [smem:$0x3FA9]  }
0x31: {  	[smem:$0x3FB2] =	sst s10  }
0x32: {  	s10 =	sld [smem:$0x3FB0];
	_ =	sdelay $0x3  }
0x33: {  	p0 =	seq.s32 s10, $0x1;
	s10 =	sld [smem:$0x3FB2];
	_ =	sdelay $0x3  }
0x34: {  	[smem:$0x3FB2] =	sst s10  }
0x35: {  	s10 =	sld [smem:$0x3FB1];
	_ =	sdelay $0x3  }
0x36: {  	p1 =	seq.s32 s10, $0x1;
	s10 =	sld [smem:$0x3FB2];
	_ =	sdelay $0x3  }
0x37: {  	[smem:$0x3FB2] =	sst s10  }
0x38: {  	s10 =	sld [smem:$0x3FB3]  }
0x39: {  	_ = 	snop;
	(pc) =	sbr.ind lr, $3  }
0x3a: {  	_ = 	snop  }
0x3b: {  	_ = 	snop  }
0x3c: {  	p2 =	seq.s32 s10, $0x1;
	s10 =	sld [smem:$0x3FB2]  }
0x3d: {  	_ =	shalt  }
0x3e: {  	_ =	shalt  }
0x3f: {  	_ =	shalt  }
0x40: {  	_ =	shalt  }
0x41: {  	_ =	shalt  }
0x42: {  	_ =	shalt  }
0x43: {  	_ =	shalt  }
0x44: {  	_ =	shalt  }
0x45: {  	_ =	shalt  }
0x46: {  	_ =	shalt  }
0x47: {  	_ =	shalt  }
0x48: {  	_ =	shalt  }
0x49: {  	_ =	shalt  }
0x4a: {  	_ =	shalt  }
0x4b: {  	_ =	shalt  }
0x4c: {  	_ =	shalt  }
0x4d: {  	_ =	shalt  }
0x4e: {  	_ =	shalt  }
0x4f: {  	_ =	shalt  }
0x50: {  	_ =	shalt  }
0x51: {  	_ =	shalt  }
0x52: {  	_ =	shalt  }
0x53: {  	_ =	shalt  }
0x54: {  	_ =	shalt  }
0x55: {  	_ =	shalt  }
0x56: {  	_ =	shalt  }
0x57: {  	_ =	shalt  }
0x58: {  	_ =	shalt  }
0x59: {  	_ =	shalt  }
0x5a: {  	_ =	shalt  }
0x5b: {  	_ =	shalt  }
0x5c: {  	_ =	shalt  }
0x5d: {  	_ =	shalt  }
0x5e: {  	_ =	shalt  }
0x5f: {  	_ =	shalt  }
0x60: {  	_ =	shalt  }
0x61: {  	_ =	shalt  }
0x62: {  	_ =	shalt  }
0x63: {  	_ =	shalt  }
0x64: {  	_ =	shalt  }
0x65: {  	_ =	shalt  }
0x66: {  	_ =	shalt  }
0x67: {  	_ =	shalt  }
0x68: {  	_ =	shalt  }
0x69: {  	_ =	shalt  }
0x6a: {  	_ =	shalt  }
0x6b: {  	_ =	shalt  }
0x6c: {  	_ =	shalt  }
0x6d: {  	_ =	shalt  }
0x6e: {  	_ =	shalt  }
0x6f: {  	_ =	shalt  }
0x70: {  	_ =	shalt  }
0x71: {  	_ =	shalt  }
0x72: {  	_ =	shalt  }
0x73: {  	_ =	shalt  }
0x74: {  	_ =	shalt  }
0x75: {  	_ =	shalt  }
0x76: {  	_ =	shalt  }
0x77: {  	_ =	shalt  }
0x78: {  	_ =	shalt  }
0x79: {  	_ =	shalt  }
0x7a: {  	_ =	shalt  }
0x7b: {  	_ =	shalt  }
0x7c: {  	_ =	shalt  }
0x7d: {  	_ =	shalt  }
0x7e: {  	_ =	shalt  }
0x7f: {  	_ =	shalt  }
0x80: {  	_ =	shalt  }
0x81: {  	_ =	shalt  }
0x82: {  	_ =	shalt  }
0x83: {  	_ =	shalt  }
0x84: {  	_ =	shalt  }
0x85: {  	_ =	shalt  }
0x86: {  	_ =	shalt  }
0x87: {  	_ =	shalt  }
.Lfunc_end0:
.L_simem_size_0:
called_computation_lowered:
.L_overlay_start_0:
0x88: {  	s2 =	sld [smem:$0x3FD9]  }
0x89: {  	s3 =	sld [smem:$0x3FFE];
	_ =	sdelay $0x1  }
0x8a: {  	s1 =	srdreg.scid  }
0x8b: {  	s0 =	sand.u32 $0x1, s1  }
0x8c: {  	s16 =	sshll.u32 s0, $0xA;
	s2 =	sadd.s32 s3, s2  }
0x8d: {  	s2 =	sadd.s32 s2, s16  }
0x8e: {  	[smem:$0x3FBE] =	sst s2  }
0x8f: {  	_ = 	snop  }
0x90: {  	(tm) =	ssettm $0x1  }
0x91: {  	s17 =	sld [smem:$0x3FFB];
	_ =	sdelay $0x3  }
0x92: {  	_ =	strace s17  }
0x93: {  	s2 =	sld [smem:$0x3FFC];
	_ =	sdelay $0x3  }
0x94: {  	_ =	strace s2  }
0x95: {  	s2 =	sld [smem:$0x3FFD];
	_ =	sdelay $0x3  }
0x96: {  	_ =	strace s2  }
0x97: {  	_ =	strace $0x8FFFFFFF  }
0x98: {  	s18 =	sld [smem:$0x3FDB];
	_ =	sdelay $0x1  }
0x99: {  	s19 =	simm.s32 $_scs_section_size  }
0x9a: {  	s4 =	simm.s32 $_size__tile_overlayer_lowered;
	s5 =	simm.s32 $_tile_overlayer_lowered  }
0x9b: {  	s22 =	simm.s32 $0x1BFF;
	s21 =	sshll.u32 s5, $0x1;
	s2 =	sadd.s32 s19, s18  }
0x9c: {  	s6 =	simm.s32 $0x0;
	s20 =	sshll.u32 s4, $0x1;
	s4 =	sadd.s32 s21, s2  }
0x9d: {  	[timem:s6], [sflag:s22] =	dma.local [hbm:s4], s20  }
0x9e: {  	_ =	swait.ge [sflag:s22], s20  }
0x9f: {  	s3 =	ssub.s32 $0x0, s20;
	[sflag:s22] =	ssyncset.done $0x0  }
0xa0: {  	[sflag:s22] =	ssyncadd.s32 s3;
	_ =	sdelay $0x1  }
0xa1: {  	s23 =	simm.s32 $0x1B8B  }
0xa2: {  	_ =	swait.ge [sflag:s23], $0x1  }
0xa3: {  	[sflag:s23] =	ssyncset.done $0x0  }
0xa4: {  	s25 =	simm.s32 $0x1B8E;
	s24 =	sld [smem:$0x3FFE];
	[sflag:s23] =	ssyncadd.s32 $0xFFFFFFFF  }
0xa5: {  	s26 =	simm.s32 $execute0_lowered;
	[smem:$0x3FD2] =	sst s25  }
0xa6: {  	s4 =	sshll.u32 s26, $0x1;
	_ =	strace $0x80000046;
	[dreg:$0x1] =	wrdreg $0xFFFFFFFF  }
0xa7: {  	s28 =	simm.s32 $_size_execute0_lowered;
	s2 =	sadd.s32 s2, s4;
	[dreg:$0x0] =	wrdreg $0x0  }
0xa8: {  	s4 =	sshll.u32 s28, $0x1;
	[dreg:$0x2] =	wrdreg s2  }
0xa9: {  	[dreg:$0x3] =	wrdreg s4  }
0xaa: {  	[dreg:$0x4] =	wrdreg $0xC0  }
0xab: {  	_ =	task [dreg:s6], $0x5FFFF  }
0xac: {  	[dreg:$0x1] =	wrdreg $0xFFFFFFFF  }
0xad: {  	[dreg:$0x0] =	wrdreg $0x60  }
0xae: {  	[dreg:$0x2] =	wrdreg s24  }
0xaf: {  	[dreg:$0x3] =	wrdreg $0x90000  }
0xb0: {  	[dreg:$0x4] =	wrdreg $0x9  }
0xb1: {  	_ =	task.clear_ibuf [dreg:s6], $0x5FFFF;
	_ =	strace $0x90000046  }
0xb2: {  	s29 =	simm.s32 $0x9;
	_ =	strace $0x80000048  }
0xb3: {  	_ =	swait.ge [sflag:s29], $0x1  }
0xb4: {  	[sflag:s29] =	ssyncadd.s32 $0xFFFFFFFF  }
0xb5: {  	_ =	strace $0x90000048  }
0xb6: {  	_ =	sfence  }
0xb7: {  	s30 =	sld [smem:$0x0];
	_ =	sdelay $0x2  }
0xb8: {  	s31 =	sshll.u32 s1, $0xD;
	s1 =	sshrl.u32 s1, $0x2  }
0xb9: {  	s3 =	sand.u32 $0x4000, s31;
	s1 =	sadd.s32 s1, s30  }
0xba: {  	s0 =	sor.u32 s3, s0;
	s1 =	sshll.u32 s1, $0x11  }
0xbb: {  	s0 =	sor.u32 s1, s0  }
0xbc: {  	s0 =	sadd.s32 $0x8F2B, s0  }
0xbd: {  	[sflag:s0] =	ssyncadd.remote.s32 $0x1  }
0xbe: {  	_ =	sfence.sel $0xFFFF  }
0xbf: {  	[dreg:$0x0] =	wrdreg $0xFFFFFFFF;
	(pc) =	sbr.abs _section_cstart, $3  }
0xc0: {  	[dreg:$0x1] =	wrdreg $0xFFFFFFFF  }
0xc1: {  	_ =	task.clear_ibuf [dreg:s6], $0x2FFFF;
	_ =	strace $0x9FFFFFFF  }
0xc2: {  	(tm) =	ssettm $0x7FFFFFFF  }
0xc3: {  	_ =	shalt  }
tec
execute0_lowered:
.L_overlay_start_1:
0x0: {  	(tag) =	ssettag $0x1  }
0x1: {  	s9 =	rddreg [dreg:$0x0]  }
0x2: {  	s2 =	rddreg [dreg:$0x1]  }
0x3: {  	s0 =	rddreg [dreg:$0x2];
	s1 =	stileid.u32  }
0x4: {  	s3 =	simm.s32 $0x0;
	s4 =	srdreg.scid;
	s15 =	smul.u32 $0x1400, s1  }
0x5: {  	[smem:$0x7FF] =	sst s3;
	s6 =	smul.u32 $0xA00, s1  }
0x6: {  	s5 =	sand.u32 $0x1, s4;
	s4 =	sadd.s32 $0x14400, s9;
	s8 =	smul.u32 $0x28000, s1  }
0x7: {  	s10 =	sadd.s32 $0x400, s9;
	s12 =	smul.u32 $0x5000, s1;
	s16 =	sadd.s32 $0x3CC00, s9  }
0x8: {  	s31 =	sshll.u32 s1, $0x6;
	_ =	strace $0x80000047;
	s7 =	ssub.s32 $0x2, s5  }
0x9: {  	p0 =	seq.s32 s5, $0x1;
	s11 =	sshrl.u32 s7, $0x1;
	s13 =	sadd.s32 s15, s9  }
0xa: {  	s5 =	sadd.s32 s10, s6;
	s28 =	sshrl.u32 s8, $0x2;
	s29 =	sshrl.u32 s12, $0x3  }
.Ltmp0:
0xb: {  	s12 =	sor.u32 $0x1C01, s31;
	s15 =	sadd.s32 s15, s16;
	(pc) =	sbr.rel .LBB2_1-.Ltmp0, $4  }
0xc: {  	s16 =	simm.s32 $0x0;
	s11 =	ssub.s32 s7, s11;
	s14 =	sadd.s32 s28, s2  }
0xd: {  	s6 =	sadd.s32 $0x14C00, s13;
	s30 =	sadd.s32 s10, s29;
	s7 =	sadd.s32 $0x28C00, s13  }
0xe: {  	s10 =	simm.s32 $0x1;
	s8 =	sadd.s32 $0xA000, s30;
	s9 =	smax.u32 s11, $0x1  }
0xf: {  	s11 =	simm.s32 $0x4000;
	s13 =	sshrl.u32 s14, $0x3;
	s14 =	simm.s32 $0x80  }
.LBB2_7:
0x10: {  	[sflag:s10] =	ssyncset.done $0x0  }
0x11: {  	[sflag:s10] =	ssyncadd.s32 $0xFFFFC000  }
0x12: {  	s17 =	smov.u32 s15;
	[bflag:$0x0] =	sbarrier.arrive $0xFFFF  }
.LBB2_8:
0x13: {  	s16 =	sadd.s32 $0x1, s16  }
0x14: {  	p1 =	sne.s32 s16, s9  }
.Ltmp1:
0x15: {  	_ = 	snop;
	(pc) =	sbr.rel @!p1 .LBB2_9-.Ltmp1, $4  }
0x16: {  	[hbm:s17], [sflag:s12] =	dma.local [spmem:s13], $0x1400  }
0x17: {  	_ =	swait.ge [sflag:s10], $0x1400  }
0x18: {  	[sflag:s10] =	ssyncset.done $0x0  }
0x19: {  	[sflag:s10] =	ssyncadd.s32 $0xFFFFEC00  }
.LBB2_1:
.Ltmp2:
0x1a: {  	(pc) =	sbr.rel @!p0 .LBB2_2-.Ltmp2, $4  }
0x1b: {  	[tilespmem:s3], [sflag:$0x1] =	stream.linear.gather [hbm4b:s4+s3], $0x4000, $0x38;
	[tilespmem:$0x13040] =	vst v63  }
0x1c: {  	_ =	swait.ge [sflag:s10], $0x4000  }
0x1d: {  	[sflag:s10] =	ssyncset.done $0x0  }
0x1e: {  	s17 =	simm.s32 $0x0;
	[sflag:s10] =	ssyncadd.s32 $0xFFFFC000  }
0x1f: {  	[tilespmem:s11], [sflag:$0x1] =	stream.linear.gather [hbm4b:s8+s17], $0x4E80, $0x38;
	[tilespmem:$0x13040] =	vst v63  }
0x20: {  	_ =	swait.ge [sflag:s10], $0x4E80  }
0x21: {  	[sflag:s10] =	ssyncset.done $0x0  }
0x22: {  	[sflag:s10] =	ssyncadd.s32 $0xFFFFB180  }
0x23: {  	[spmem:s13], [sflag:s12] =	dma.local [hbm:s6], $0x1400  }
0x24: {  	_ =	swait.ge [sflag:s10], $0x1400  }
0x25: {  	[sflag:s10] =	ssyncset.done $0x0  }
0x26: {  	[sflag:s10] =	ssyncadd.s32 $0xFFFFEC00  }
0x27: {  	s31 =	simm.s32 $0x4000;
	[bflag:$0x0] =	sbarrier.arrive $0xFFFF  }
0x28: {  	[spmem:s2] =	stream.indirect.scatter.add.f32 [tilespmem:s3], [sflag:$0x1], $0x80, s31, s14, $0xb8;
	[tilespmem:$0x13040] =	vst v63  }
0x29: {  	s17 =	simm.s32 $0x200;
	_ =	swait.ge [sflag:s10], $0x4000  }
.LBB2_6:
0x2a: {  	s18 =	sshra.s32 s17, $0x2;
	[sflag:s10] =	ssyncset.done $0x0;
	p1 =	sne.s32 s17, $0x13800  }
.Ltmp3:
0x2b: {  	s18 =	sadd.s32 $0x4000, s18;
	[sflag:s10] =	ssyncadd.s32 $0xFFFFC000;
	(pc) =	sbr.rel @p1 .LBB2_6-.Ltmp3, $3  }
0x2c: {  	[spmem:s2] =	stream.indirect.scatter.add.f32 [tilespmem:s3], [sflag:$0x1], $0x80, s18, s14, $0xb8;
	[tilespmem:$0x13040] =	vst v63  }
0x2d: {  	s17 =	sadd.s32 $0x200, s17;
	_ =	sdelay $0x1  }
0x2e: {  	_ =	swait.ge [sflag:s10], $0x4000  }
.Ltmp4:
0x2f: {  	_ = 	snop;
	(pc) =	sbr.rel .LBB2_7-.Ltmp4, $1  }
0x30: {  	_ =	sdelay $0x3  }
.LBB2_2:
0x31: {  	[tilespmem:s11], [sflag:$0x1] =	stream.linear.gather [hbm4b:s5+s17], $0x4E80, $0x38;
	[tilespmem:$0x13040] =	vst v63  }
0x32: {  	_ =	swait.ge [sflag:s10], $0x4E80  }
0x33: {  	[sflag:s10] =	ssyncset.done $0x0  }
0x34: {  	[sflag:s10] =	ssyncadd.s32 $0xFFFFB180  }
0x35: {  	[spmem:s13], [sflag:s12] =	dma.local [hbm:s6], $0x1400  }
0x36: {  	_ =	swait.ge [sflag:s10], $0x1400  }
0x37: {  	[sflag:s10] =	ssyncset.done $0x0  }
0x38: {  	[sflag:s10] =	ssyncadd.s32 $0xFFFFEC00  }
0x39: {  	s31 =	simm.s32 $0x4000;
	[bflag:$0x0] =	sbarrier.arrive $0xFFFF  }
0x3a: {  	[spmem:s2] =	stream.indirect.scatter.add.f32 [tilespmem:s3], [sflag:$0x1], $0x80, s31, s14, $0xb8;
	[tilespmem:$0x13040] =	vst v63  }
0x3b: {  	s17 =	simm.s32 $0x200;
	_ =	swait.ge [sflag:s10], $0x4000  }
.LBB2_3:
0x3c: {  	s18 =	sshra.s32 s17, $0x2;
	[sflag:s10] =	ssyncset.done $0x0;
	p1 =	sne.s32 s17, $0x13800  }
.Ltmp5:
0x3d: {  	s18 =	sadd.s32 $0x4000, s18;
	[sflag:s10] =	ssyncadd.s32 $0xFFFFC000;
	(pc) =	sbr.rel @p1 .LBB2_3-.Ltmp5, $3  }
0x3e: {  	[spmem:s2] =	stream.indirect.scatter.add.f32 [tilespmem:s3], [sflag:$0x1], $0x80, s18, s14, $0xb8;
	[tilespmem:$0x13040] =	vst v63  }
0x3f: {  	s17 =	sadd.s32 $0x200, s17;
	_ =	sdelay $0x1  }
0x40: {  	_ =	swait.ge [sflag:s10], $0x4000  }
.Ltmp6:
0x41: {  	(pc) =	sbr.rel .LBB2_8-.Ltmp6, $4  }
0x42: {  	[sflag:s10] =	ssyncset.done $0x0  }
0x43: {  	[sflag:s10] =	ssyncadd.s32 $0xFFFFC000  }
0x44: {  	[bflag:$0x0] =	sbarrier.arrive $0xFFFF  }
0x45: {  	s17 =	smov.u32 s7  }
.LBB2_9:
0x46: {  	_ =	sfence.sel $0x180000  }
0x47: {  	[bflag:$0x0] =	sbarrier.arrive $0xFFFF  }
0x48: {  	p0 =	sne.s32 s1, $0x0;
	_ =	strace $0x90000047  }
0x49: {  	s0 =	sadd.s32 @!p0 $0x100000, s0;
	[bflag:$0x2] =	sbarrier.arrive $0xFFFF  }
0x4a: {  	[sflag:s0] =	ssyncadd.tile.s32 @!p0 $0x1;
	_ =	shalt  }
.Lfunc_end2:
_tile_overlayer_lowered:
.L_overlay_start_2:
0x4b: {  	(tag) =	ssettag $0x2  }
0x4c: {  	s0 =	rddreg [dreg:$0x0];
	s2 =	stileid.u32  }
0x4d: {  	s1 =	rddreg [dreg:$0x1];
	p0 =	sne.s32 s2, $0x0  }
0x4e: {  	s3 =	rddreg [dreg:$0x2];
	[bflag:$0x3] =	sbarrier.arrive $0xFFFF;
	s2 =	simm.s32 @!p0 $0x1C01  }
0x4f: {  	[timem:s3], [sflag:s2] =	dma.local @!p0 [hbm:s0], s1  }
0x50: {  	s0 =	simm.s32 @!p0 $0x1  }
0x51: {  	_ =	swait.ge @!p0 [sflag:s0], s1  }
0x52: {  	s1 =	ssub.s32 @!p0 $0x0, s1;
	[sflag:s0] =	ssyncset.done @!p0 $0x0  }
0x53: {  	[sflag:s0] =	ssyncadd.s32 @!p0 s1  }
0x54: {  	[bflag:$0x3] =	sbarrier.arrive $0xFFFF  }
0x55: {  	_ =	shalt  }

</sc_bundles>
